<compile_context>
chip_gen: v7x
topology: tpu7x:2x2x1
jax: 0.10.2.dev20260603
libtpu: 0.0.44.dev20260713+nightly
codegen_flags: <defaults>
</compile_context>

<pallas_src>
import functools
import jax
import jax.numpy as jnp
from jax import lax
from jax.experimental import pallas as pl
from jax.experimental.pallas import tpu as pltpu
from jax.experimental.pallas import tpu_sc as plsc

H = 8
NC = 2
NS = 16
CHUNK = 64
NHALF = 5120
ACC_ROWS = 5376
D_ROWS = 384
EB = 16


def _qkv_body(x_ref, w_ref, q_ref, kv_ref):
    qkv = jnp.dot(x_ref[...], w_ref[...], preferred_element_type=jnp.float32)
    q_ref[...] = qkv[:, :128]
    kv_ref[...] = qkv[:, 128:]


def _out_body(n_ref, d_ref, w_ref, o_ref):
    numer = n_ref[0]
    denf = d_ref[0]
    o_ref[...] = jnp.dot(numer / (denf + 1e-10), w_ref[...],
                         preferred_element_type=jnp.float32)


def _make_edge_kernel(per_w):
    n_iters = per_w // CHUNK
    rows_per_tile = ACC_ROWS // NS
    drows_per_tile = D_ROWS // NS
    dexp_per_tile = rows_per_tile * H // 128
    mesh = plsc.VectorSubcoreMesh(core_axis_name="c", subcore_axis_name="s")

    @functools.partial(
        pl.kernel,
        out_type=(
            jax.ShapeDtypeStruct((NC, ACC_ROWS, 128), jnp.float32),
            jax.ShapeDtypeStruct((NC, ACC_ROWS, 128), jnp.float32),
        ),
        mesh=mesh,
        scratch_types=[
            pltpu.VMEM((CHUNK,), jnp.int32),
            pltpu.VMEM((CHUNK,), jnp.int32),
            pltpu.VMEM((CHUNK,), jnp.int32),
            pltpu.VMEM((CHUNK, 128), jnp.float32),
            pltpu.VMEM((CHUNK, 256), jnp.float32),
            pltpu.VMEM((CHUNK, 128), jnp.float32),
            pltpu.VMEM((D_ROWS, 128), jnp.float32),
            pltpu.VMEM((128,), jnp.int32),
            pltpu.VMEM_SHARED((ACC_ROWS, 128), jnp.float32),
            pltpu.VMEM_SHARED((D_ROWS, 128), jnp.float32),
            pltpu.SemaphoreType.DMA,
            pltpu.SemaphoreType.DMA,
        ],
        compiler_params=pltpu.CompilerParams(needs_layout_passes=False),
    )
    def edge_kernel(q_hbm, kv_hbm, row_hbm, col_hbm, out_n, out_d,
                    row_v, col_v, rowloc_v, q_v, kv_v, contrib_v, denom_tile,
                    idx_buf, acc_n, acc_d, sem0, sem1):
        cid = lax.axis_index("c")
        sid = lax.axis_index("s")

        zero16 = jnp.zeros((16,), jnp.float32)
        zero16i = jnp.zeros((16,), jnp.int32)
        lane = lax.iota(jnp.int32, 16)

        def zero_dt(r, carry):
            for c in range(8):
                denom_tile[r, pl.ds(c * 16, 16)] = zero16
            return carry

        lax.fori_loop(0, D_ROWS, zero_dt, 0)

        pltpu.sync_copy(denom_tile.at[pl.ds(0, rows_per_tile)],
                        acc_n.at[pl.ds(sid * rows_per_tile, rows_per_tile)])
        pltpu.sync_copy(denom_tile.at[pl.ds(0, drows_per_tile)],
                        acc_d.at[pl.ds(sid * drows_per_tile, drows_per_tile)])
        plsc.subcore_barrier()

        base_w = sid * per_w

        onehots = [
            jnp.where(lane == jnp.full((16,), h, jnp.int32),
                      jnp.full((16,), 1.0, jnp.float32), zero16)
            for h in range(H)
        ]
        scale = jnp.full((16,), 0.25, jnp.float32)
        slope = jnp.full((16,), 0.2, jnp.float32)
        lo_v = jnp.full((16,), -20.0, jnp.float32)
        hi_v = jnp.full((16,), 20.0, jnp.float32)
        c127 = jnp.full((16,), 127, jnp.int32)
        s7 = jnp.full((16,), 7, jnp.int32)
        dmask = lane < jnp.full((16,), H, jnp.int32)
        half_v = jnp.full((16,), NHALF, jnp.int32)
        nbase = lax.broadcast_in_dim(cid * NHALF, (16,), ())

        def edge_body(e, carry):
            dvec = zero16
            for h in range(H):
                qh = q_v[e, pl.ds(h * 16, 16)]
                kh = kv_v[e, pl.ds(h * 16, 16)]
                s = jnp.sum(qh * kh)
                sv = lax.broadcast_in_dim(s, (16,), ())
                t = sv * scale
                t = jnp.where(t >= zero16, t, t * slope)
                t = jnp.minimum(jnp.maximum(t, lo_v), hi_v)
                ev = jnp.exp(t)
                vh = kv_v[e, pl.ds(128 + h * 16, 16)]
                contrib_v[e, pl.ds(h * 16, 16)] = ev * vh
                dvec = dvec + ev * onehots[h]
            esplat = lax.broadcast_in_dim(e, (16,), ())
            rsplat = plsc.load_gather(row_v, [esplat]) - nbase
            okd = jnp.logical_and(rsplat >= zero16i, rsplat < half_v)
            maskd = jnp.logical_and(dmask, okd)
            flat = rsplat * jnp.full((16,), H, jnp.int32) + lane
            flat = jnp.where(maskd, flat, zero16i)
            ri = lax.shift_right_logical(flat, s7)
            ci = lax.bitwise_and(flat, c127)
            plsc.addupdate_scatter(denom_tile, [ri, ci], dvec, mask=maskd)
            return carry

        def chunk_body(i, carry):
            base = base_w + i * CHUNK
            pltpu.sync_copy(row_hbm.at[pl.ds(base, CHUNK)], row_v)
            pltpu.sync_copy(col_hbm.at[pl.ds(base, CHUNK)], col_v)
            cq = pltpu.async_copy(q_hbm.at[row_v], q_v, sem0)
            ckv = pltpu.async_copy(kv_hbm.at[col_v], kv_v, sem1)
            for g in range(CHUNK // 16):
                rl = row_v[pl.ds(g * 16, 16)] - nbase
                ok = jnp.logical_and(rl >= zero16i, rl < half_v)
                rowloc_v[pl.ds(g * 16, 16)] = jnp.where(ok, rl, half_v)
            cq.wait()
            ckv.wait()
            lax.fori_loop(0, CHUNK, edge_body, 0)
            pltpu.sync_copy(contrib_v, acc_n.at[rowloc_v], add=True)
            return carry

        lax.fori_loop(0, n_iters, chunk_body, 0)
        plsc.subcore_barrier()

        for c in range(D_ROWS // 128):
            for g in range(8):
                idx_buf[pl.ds(g * 16, 16)] = lane + jnp.full(
                    (16,), c * 128 + g * 16, jnp.int32)
            pltpu.sync_copy(denom_tile.at[pl.ds(c * 128, 128)],
                            acc_d.at[idx_buf], add=True)
        plsc.subcore_barrier()

        pltpu.sync_copy(
            acc_n.at[pl.ds(sid * rows_per_tile, rows_per_tile)],
            out_n.at[cid, pl.ds(sid * rows_per_tile, rows_per_tile)])
        pltpu.sync_copy(
            acc_d.at[pl.ds(sid * dexp_per_tile, dexp_per_tile)],
            q_v.at[pl.ds(0, dexp_per_tile)])

        def expand_body(nn, carry):
            rloc = lax.shift_right_logical(nn, 4)
            cbase = lax.bitwise_and(nn, 15) * H
            rsp = lax.broadcast_in_dim(rloc, (16,), ())
            crow = lax.bitwise_and(nn, EB - 1)
            for h in range(H):
                csp = lax.broadcast_in_dim(cbase + h, (16,), ())
                dsp = plsc.load_gather(q_v, [rsp, csp])
                contrib_v[crow, pl.ds(h * 16, 16)] = dsp
            return carry

        for blk in range(rows_per_tile // EB):
            lax.fori_loop(blk * EB, (blk + 1) * EB, expand_body, 0)
            pltpu.sync_copy(
                contrib_v.at[pl.ds(0, EB)],
                out_d.at[cid, pl.ds(sid * rows_per_tile + blk * EB, EB)])

    return edge_kernel


def kernel(embeds, edge_index, W_qkv, W_out):
    n, dim = embeds.shape
    e_total = edge_index.shape[1]

    per_w = ((e_total + NS - 1) // NS + CHUNK - 1) // CHUNK * CHUNK
    e_pad = NS * per_w
    n_pad_rows = n + 16

    row_b = 1000
    grid_n = n // row_b

    q, kv = pl.pallas_call(
        _qkv_body,
        grid=(grid_n,),
        in_specs=[
            pl.BlockSpec((row_b, dim), lambda i: (i, 0)),
            pl.BlockSpec((dim, 3 * dim), lambda i: (0, 0)),
        ],
        out_specs=[
            pl.BlockSpec((row_b, dim), lambda i: (i, 0)),
            pl.BlockSpec((row_b, 2 * dim), lambda i: (i, 0)),
        ],
        out_shape=[
            jax.ShapeDtypeStruct((n, dim), jnp.float32),
            jax.ShapeDtypeStruct((n, 2 * dim), jnp.float32),
        ],
    )(embeds, W_qkv)

    q = jnp.pad(q, ((0, n_pad_rows - n), (0, 0)))
    kv = jnp.pad(kv, ((0, n_pad_rows - n), (0, 0)))

    pad = e_pad - e_total
    row_p = jnp.concatenate([edge_index[0], jnp.full((pad,), n, jnp.int32)])
    col_p = jnp.concatenate([edge_index[1], jnp.zeros((pad,), jnp.int32)])

    acc_n, acc_d = _make_edge_kernel(per_w)(q, kv, row_p, col_p)

    blk_n = 640
    grid_o = 16

    out = pl.pallas_call(
        _out_body,
        grid=(grid_o,),
        in_specs=[
            pl.BlockSpec((1, blk_n, dim), lambda i: (i // 8, i % 8, 0)),
            pl.BlockSpec((1, blk_n, dim), lambda i: (i // 8, i % 8, 0)),
            pl.BlockSpec((dim, dim), lambda i: (0, 0)),
        ],
        out_specs=pl.BlockSpec((blk_n, dim), lambda i: (i, 0)),
        out_shape=jax.ShapeDtypeStruct((n, dim), jnp.float32),
    )(acc_n, acc_d, W_out)

    return out

# --- scband reference (transcript-rebuilt; emitter-appended) ---
"""Pipeline reference for scband-local-graph-attention-44057774522827 (READ-ONLY COPY).

The authoritative reference and input builder live on the scoring server;
editing this copy changes nothing except your own understanding.
"""

import jax, jax.numpy as jnp
import numpy as np

N = 10000
D = 128
H = 8
E = 320000

def setup_inputs(seed: int = 0) -> dict:
    key = jax.random.key(seed)
    k1, k2, k3, k4 = jax.random.split(key, 4)
    embeds = jax.random.normal(k1, (N, D), dtype=jnp.float32)
    edge_index = jax.random.randint(k2, (2, E), 0, N, dtype=jnp.int32)
    W_qkv = jax.random.normal(k3, (D, 3 * D), dtype=jnp.float32) * 0.02
    W_out = jax.random.normal(k4, (D, D), dtype=jnp.float32) * 0.02
    return {"embeds": embeds, "edge_index": edge_index, "W_qkv": W_qkv, "W_out": W_out}


def reference(embeds, edge_index, W_qkv, W_out):
    n, dim = embeds.shape
    h = H
    d = dim // h
    row = edge_index[0]
    col = edge_index[1]
    qkv = embeds @ W_qkv
    Q, K, V = jnp.split(qkv, 3, axis=-1)
    Q = Q.reshape(n, h, d)
    K = K.reshape(n, h, d)
    V = V.reshape(n, h, d)
    q_src = Q[row]
    k_dst = K[col]
    v_dst = V[col]
    attn = (q_src * k_dst).sum(-1) / (d ** 0.5)
    attn = jnp.where(attn >= 0, attn, 0.2 * attn)  # LeakyReLU(0.2)
    attn = jnp.clip(attn, -20.0, 20.0)
    exp_s = jnp.exp(attn)  # (E, H)
    denom = jax.ops.segment_sum(exp_s, row, num_segments=n)  # (N, H)
    w = exp_s / (denom[row] + 1e-10)  # (E, H)
    wv = v_dst * w[:, :, None]  # (E, H, d)
    agg = jax.ops.segment_sum(wv, row, num_segments=n)  # (N, H, d)
    out = agg.reshape(n, h * d) @ W_out
    return out

if __name__ == "__main__":
    import jax
    _d = setup_inputs()
    print(jax.jit(kernel)(*tuple(_d.values())))

</pallas_src>

<mosaic_0001>
#map = affine_map<(d0, d1) -> (0, 0)>
#map1 = affine_map<(d0, d1) -> (0)>
#map2 = affine_map<(d0, d1) -> (0, 0, 0)>
module attributes {stable_mosaic.version = 14 : i64} {
  func.func @edge_kernel(%arg0: i32, %arg1: i32, %arg2: memref<10016x128xf32, #tpu.memory_space<hbm>>, %arg3: memref<10016x256xf32, #tpu.memory_space<hbm>>, %arg4: memref<320512xi32, #tpu.memory_space<hbm>>, %arg5: memref<320512xi32, #tpu.memory_space<hbm>>, %arg6: memref<2x5376x128xf32, #tpu.memory_space<hbm>>, %arg7: memref<2x5376x128xf32, #tpu.memory_space<hbm>>, %arg8: memref<64xi32, #tpu.memory_space<vmem>>, %arg9: memref<64xi32, #tpu.memory_space<vmem>>, %arg10: memref<64xi32, #tpu.memory_space<vmem>>, %arg11: memref<64x128xf32, #tpu.memory_space<vmem>>, %arg12: memref<64x256xf32, #tpu.memory_space<vmem>>, %arg13: memref<64x128xf32, #tpu.memory_space<vmem>>, %arg14: memref<384x128xf32, #tpu.memory_space<vmem>>, %arg15: memref<128xi32, #tpu.memory_space<vmem>>, %arg16: memref<5376x128xf32, #tpu.memory_space<vmem_shared>>, %arg17: memref<384x128xf32, #tpu.memory_space<vmem_shared>>, %arg18: memref<!tpu.dma_semaphore, #tpu.memory_space<semaphore_mem>>, %arg19: memref<!tpu.dma_semaphore, #tpu.memory_space<semaphore_mem>>) attributes {dimension_semantics = [#tpu.dimension_semantics<core_parallel>, #tpu.dimension_semantics<subcore_parallel>], iteration_bounds = array<i64: 2, 16>, scalar_prefetch = 0 : i64, scratch_operands = 12 : i64, tpu.core_type = #tpu.core_type<sc_vector_subcore>, window_params = [{transform_indices = #map}, {transform_indices = #map}, {transform_indices = #map1}, {transform_indices = #map1}, {transform_indices = #map2}, {transform_indices = #map2}]} {
    %broadcast_in_dim3A = arith.constant 0.000000e+00 : f32
    %broadcast_in_dim3A_0 = vector.broadcast %broadcast_in_dim3A : f32 to vector<16xf32>
    %broadcast_in_dim3A_1 = arith.constant 0 : i32
    %broadcast_in_dim3A_2 = vector.broadcast %broadcast_in_dim3A_1 : i32 to vector<16xi32>
    %iota3A = tpu.iota {dimensions = array<i32: 0>} : vector<16xi32>
    %scan3A = arith.constant 0 : i32
    %scan3A_3 = arith.constant 0 : i32
    %scan3A_4 = arith.constant 384 : i32
    %scan3A_5 = arith.addi %scan3A_3, %scan3A_4 : i32
    %scan3A_6 = arith.constant 1 : i32
    scf.for %scan3A_420 = %scan3A_3 to %scan3A_5 step %scan3A_6  : i32 {
      %swap3A_421 = arith.index_cast %scan3A_420 : i32 to index
      %swap3A_422 = arith.constant 0 : index
      %swap3A_423 = tpu.vector_load %arg14[%swap3A_421, %swap3A_422] {strides = array<i32>} : memref<384x128xf32, #tpu.memory_space<vmem>>, vector<16xf32>,
      tpu.vector_store %arg14[%swap3A_421, %swap3A_422], %broadcast_in_dim3A_0 {strides = array<i32>} : memref<384x128xf32, #tpu.memory_space<vmem>>, vector<16xf32>,
      %swap3A_424 = arith.index_cast %scan3A_420 : i32 to index
      %swap3A_425 = arith.constant 16 : index
      %swap3A_426 = tpu.vector_load %arg14[%swap3A_424, %swap3A_425] {strides = array<i32>} : memref<384x128xf32, #tpu.memory_space<vmem>>, vector<16xf32>,
      tpu.vector_store %arg14[%swap3A_424, %swap3A_425], %broadcast_in_dim3A_0 {strides = array<i32>} : memref<384x128xf32, #tpu.memory_space<vmem>>, vector<16xf32>,
      %swap3A_427 = arith.index_cast %scan3A_420 : i32 to index
      %swap3A_428 = arith.constant 32 : index
      %swap3A_429 = tpu.vector_load %arg14[%swap3A_427, %swap3A_428] {strides = array<i32>} : memref<384x128xf32, #tpu.memory_space<vmem>>, vector<16xf32>,
      tpu.vector_store %arg14[%swap3A_427, %swap3A_428], %broadcast_in_dim3A_0 {strides = array<i32>} : memref<384x128xf32, #tpu.memory_space<vmem>>, vector<16xf32>,
      %swap3A_430 = arith.index_cast %scan3A_420 : i32 to index
      %swap3A_431 = arith.constant 48 : index
      %swap3A_432 = tpu.vector_load %arg14[%swap3A_430, %swap3A_431] {strides = array<i32>} : memref<384x128xf32, #tpu.memory_space<vmem>>, vector<16xf32>,
      tpu.vector_store %arg14[%swap3A_430, %swap3A_431], %broadcast_in_dim3A_0 {strides = array<i32>} : memref<384x128xf32, #tpu.memory_space<vmem>>, vector<16xf32>,
      %swap3A_433 = arith.index_cast %scan3A_420 : i32 to index
      %swap3A_434 = arith.constant 64 : index
      %swap3A_435 = tpu.vector_load %arg14[%swap3A_433, %swap3A_434] {strides = array<i32>} : memref<384x128xf32, #tpu.memory_space<vmem>>, vector<16xf32>,
      tpu.vector_store %arg14[%swap3A_433, %swap3A_434], %broadcast_in_dim3A_0 {strides = array<i32>} : memref<384x128xf32, #tpu.memory_space<vmem>>, vector<16xf32>,
      %swap3A_436 = arith.index_cast %scan3A_420 : i32 to index
      %swap3A_437 = arith.constant 80 : index
      %swap3A_438 = tpu.vector_load %arg14[%swap3A_436, %swap3A_437] {strides = array<i32>} : memref<384x128xf32, #tpu.memory_space<vmem>>, vector<16xf32>,
      tpu.vector_store %arg14[%swap3A_436, %swap3A_437], %broadcast_in_dim3A_0 {strides = array<i32>} : memref<384x128xf32, #tpu.memory_space<vmem>>, vector<16xf32>,
      %swap3A_439 = arith.index_cast %scan3A_420 : i32 to index
      %swap3A_440 = arith.constant 96 : index
      %swap3A_441 = tpu.vector_load %arg14[%swap3A_439, %swap3A_440] {strides = array<i32>} : memref<384x128xf32, #tpu.memory_space<vmem>>, vector<16xf32>,
      tpu.vector_store %arg14[%swap3A_439, %swap3A_440], %broadcast_in_dim3A_0 {strides = array<i32>} : memref<384x128xf32, #tpu.memory_space<vmem>>, vector<16xf32>,
      %swap3A_442 = arith.index_cast %scan3A_420 : i32 to index
      %swap3A_443 = arith.constant 112 : index
      %swap3A_444 = tpu.vector_load %arg14[%swap3A_442, %swap3A_443] {strides = array<i32>} : memref<384x128xf32, #tpu.memory_space<vmem>>, vector<16xf32>,
      tpu.vector_store %arg14[%swap3A_442, %swap3A_443], %broadcast_in_dim3A_0 {strides = array<i32>} : memref<384x128xf32, #tpu.memory_space<vmem>>, vector<16xf32>,
    }
    %scan3A_7 = arith.constant 384 : i32
    %mul3A = arith.constant 336 : i32
    %mul3A_8 = arith.muli %arg1, %mul3A : i32
    "tpu.region"() ({
      %run_scoped3A = tpu.sem_alloc : memref<!tpu.dma_semaphore, #tpu.memory_space<semaphore_mem>>
      %dma_start3A = arith.constant 0 : i32
      %dma_start3A_420 = arith.constant 0 : i32
      %dma_start3A_421 = tpu.memref_slice %arg14[%dma_start3A, %dma_start3A_420] : memref<384x128xf32, #tpu.memory_space<vmem>> -> memref<336x128xf32, #tpu.memory_space<vmem>>
      %dma_start3A_422 = arith.constant 0 : i32
      %dma_start3A_423 = tpu.memref_slice %arg16[%mul3A_8, %dma_start3A_422] : memref<5376x128xf32, #tpu.memory_space<vmem_shared>> -> memref<336x128xf32, #tpu.memory_space<vmem_shared>>
      %dma_start3A_424 = arith.constant 0 : i32
      %dma_start3A_425 = tpu.memref_slice %arg16[%mul3A_8, %dma_start3A_424] : memref<5376x128xf32, #tpu.memory_space<vmem_shared>> -> memref<336x128xf32, #tpu.memory_space<vmem_shared>>
      %dma_start3A_426 = arith.constant 0 : i32
      %dma_start3A_427 = arith.constant 0 : i32
      %dma_start3A_428 = tpu.memref_slice %arg14[%dma_start3A_426, %dma_start3A_427] : memref<384x128xf32, #tpu.memory_space<vmem>> -> memref<336x128xf32, #tpu.memory_space<vmem>>
      tpu.enqueue_dma source(%dma_start3A_428 : memref<336x128xf32, #tpu.memory_space<vmem>>) target(%dma_start3A_425 : memref<336x128xf32, #tpu.memory_space<vmem_shared>>) target_semaphore(%run_scoped3A : memref<!tpu.dma_semaphore, #tpu.memory_space<semaphore_mem>>)
      %dma_wait3A = arith.constant 0 : i32
      %dma_wait3A_429 = arith.constant 0 : i32
      %dma_wait3A_430 = tpu.memref_slice %arg14[%dma_wait3A, %dma_wait3A_429] : memref<384x128xf32, #tpu.memory_space<vmem>> -> memref<336x128xf32, #tpu.memory_space<vmem>>
      %dma_wait3A_431 = arith.constant 0 : i32
      %dma_wait3A_432 = tpu.memref_slice %arg16[%mul3A_8, %dma_wait3A_431] : memref<5376x128xf32, #tpu.memory_space<vmem_shared>> -> memref<336x128xf32, #tpu.memory_space<vmem_shared>>
      %dma_wait3A_433 = arith.constant 0 : i32
      %dma_wait3A_434 = tpu.memref_slice %arg16[%mul3A_8, %dma_wait3A_433] : memref<5376x128xf32, #tpu.memory_space<vmem_shared>> -> memref<336x128xf32, #tpu.memory_space<vmem_shared>>
      %dma_wait3A_435 = arith.constant 0 : i32
      %dma_wait3A_436 = arith.constant 0 : i32
      %dma_wait3A_437 = tpu.memref_slice %arg14[%dma_wait3A_435, %dma_wait3A_436] : memref<384x128xf32, #tpu.memory_space<vmem>> -> memref<336x128xf32, #tpu.memory_space<vmem>>
      tpu.wait_dma2 semaphore(%run_scoped3A : memref<!tpu.dma_semaphore, #tpu.memory_space<semaphore_mem>>) src(%dma_wait3A_437 : memref<336x128xf32, #tpu.memory_space<vmem>>) dst(%dma_wait3A_434 : memref<336x128xf32, #tpu.memory_space<vmem_shared>>)
      tpu.yield
    }) : () -> ()
    %mul3A_9 = arith.constant 24 : i32
    %mul3A_10 = arith.muli %arg1, %mul3A_9 : i32
    "tpu.region"() ({
      %run_scoped3A = tpu.sem_alloc : memref<!tpu.dma_semaphore, #tpu.memory_space<semaphore_mem>>
      %dma_start3A = arith.constant 0 : i32
      %dma_start3A_420 = arith.constant 0 : i32
      %dma_start3A_421 = tpu.memref_slice %arg14[%dma_start3A, %dma_start3A_420] : memref<384x128xf32, #tpu.memory_space<vmem>> -> memref<24x128xf32, #tpu.memory_space<vmem>>
      %dma_start3A_422 = arith.constant 0 : i32
      %dma_start3A_423 = tpu.memref_slice %arg17[%mul3A_10, %dma_start3A_422] : memref<384x128xf32, #tpu.memory_space<vmem_shared>> -> memref<24x128xf32, #tpu.memory_space<vmem_shared>>
      %dma_start3A_424 = arith.constant 0 : i32
      %dma_start3A_425 = tpu.memref_slice %arg17[%mul3A_10, %dma_start3A_424] : memref<384x128xf32, #tpu.memory_space<vmem_shared>> -> memref<24x128xf32, #tpu.memory_space<vmem_shared>>
      %dma_start3A_426 = arith.constant 0 : i32
      %dma_start3A_427 = arith.constant 0 : i32
      %dma_start3A_428 = tpu.memref_slice %arg14[%dma_start3A_426, %dma_start3A_427] : memref<384x128xf32, #tpu.memory_space<vmem>> -> memref<24x128xf32, #tpu.memory_space<vmem>>
      tpu.enqueue_dma source(%dma_start3A_428 : memref<24x128xf32, #tpu.memory_space<vmem>>) target(%dma_start3A_425 : memref<24x128xf32, #tpu.memory_space<vmem_shared>>) target_semaphore(%run_scoped3A : memref<!tpu.dma_semaphore, #tpu.memory_space<semaphore_mem>>)
      %dma_wait3A = arith.constant 0 : i32
      %dma_wait3A_429 = arith.constant 0 : i32
      %dma_wait3A_430 = tpu.memref_slice %arg14[%dma_wait3A, %dma_wait3A_429] : memref<384x128xf32, #tpu.memory_space<vmem>> -> memref<24x128xf32, #tpu.memory_space<vmem>>
      %dma_wait3A_431 = arith.constant 0 : i32
      %dma_wait3A_432 = tpu.memref_slice %arg17[%mul3A_10, %dma_wait3A_431] : memref<384x128xf32, #tpu.memory_space<vmem_shared>> -> memref<24x128xf32, #tpu.memory_space<vmem_shared>>
      %dma_wait3A_433 = arith.constant 0 : i32
      %dma_wait3A_434 = tpu.memref_slice %arg17[%mul3A_10, %dma_wait3A_433] : memref<384x128xf32, #tpu.memory_space<vmem_shared>> -> memref<24x128xf32, #tpu.memory_space<vmem_shared>>
      %dma_wait3A_435 = arith.constant 0 : i32
      %dma_wait3A_436 = arith.constant 0 : i32
      %dma_wait3A_437 = tpu.memref_slice %arg14[%dma_wait3A_435, %dma_wait3A_436] : memref<384x128xf32, #tpu.memory_space<vmem>> -> memref<24x128xf32, #tpu.memory_space<vmem>>
      tpu.wait_dma2 semaphore(%run_scoped3A : memref<!tpu.dma_semaphore, #tpu.memory_space<semaphore_mem>>) src(%dma_wait3A_437 : memref<24x128xf32, #tpu.memory_space<vmem>>) dst(%dma_wait3A_434 : memref<24x128xf32, #tpu.memory_space<vmem_shared>>)
      tpu.yield
    }) : () -> ()
    %barrier3A = arith.constant 0 : index
    tpu.barrier barrier_id(%barrier3A)
    %mul3A_11 = arith.constant 20032 : i32
    %mul3A_12 = arith.muli %arg1, %mul3A_11 : i32
    %broadcast_in_dim3A_13 = arith.constant 0 : i32
    %broadcast_in_dim3A_14 = vector.broadcast %broadcast_in_dim3A_13 : i32 to vector<16xi32>
    %eq3A = arith.cmpi eq, %iota3A, %broadcast_in_dim3A_14 : vector<16xi32>
    %broadcast_in_dim3A_15 = arith.constant 1.000000e+00 : f32
    %broadcast_in_dim3A_16 = vector.broadcast %broadcast_in_dim3A_15 : f32 to vector<16xf32>
    %select_n3A = arith.select %eq3A, %broadcast_in_dim3A_16, %broadcast_in_dim3A_0 : vector<16xi1>, vector<16xf32>
    %broadcast_in_dim3A_17 = arith.constant 1 : i32
    %broadcast_in_dim3A_18 = vector.broadcast %broadcast_in_dim3A_17 : i32 to vector<16xi32>
    %eq3A_19 = arith.cmpi eq, %iota3A, %broadcast_in_dim3A_18 : vector<16xi32>
    %broadcast_in_dim3A_20 = arith.constant 1.000000e+00 : f32
    %broadcast_in_dim3A_21 = vector.broadcast %broadcast_in_dim3A_20 : f32 to vector<16xf32>
    %select_n3A_22 = arith.select %eq3A_19, %broadcast_in_dim3A_21, %broadcast_in_dim3A_0 : vector<16xi1>, vector<16xf32>
    %broadcast_in_dim3A_23 = arith.constant 2 : i32
    %broadcast_in_dim3A_24 = vector.broadcast %broadcast_in_dim3A_23 : i32 to vector<16xi32>
    %eq3A_25 = arith.cmpi eq, %iota3A, %broadcast_in_dim3A_24 : vector<16xi32>
    %broadcast_in_dim3A_26 = arith.constant 1.000000e+00 : f32
    %broadcast_in_dim3A_27 = vector.broadcast %broadcast_in_dim3A_26 : f32 to vector<16xf32>
    %select_n3A_28 = arith.select %eq3A_25, %broadcast_in_dim3A_27, %broadcast_in_dim3A_0 : vector<16xi1>, vector<16xf32>
    %broadcast_in_dim3A_29 = arith.constant 3 : i32
    %broadcast_in_dim3A_30 = vector.broadcast %broadcast_in_dim3A_29 : i32 to vector<16xi32>
    %eq3A_31 = arith.cmpi eq, %iota3A, %broadcast_in_dim3A_30 : vector<16xi32>
    %broadcast_in_dim3A_32 = arith.constant 1.000000e+00 : f32
    %broadcast_in_dim3A_33 = vector.broadcast %broadcast_in_dim3A_32 : f32 to vector<16xf32>
    %select_n3A_34 = arith.select %eq3A_31, %broadcast_in_dim3A_33, %broadcast_in_dim3A_0 : vector<16xi1>, vector<16xf32>
    %broadcast_in_dim3A_35 = arith.constant 4 : i32
    %broadcast_in_dim3A_36 = vector.broadcast %broadcast_in_dim3A_35 : i32 to vector<16xi32>
    %eq3A_37 = arith.cmpi eq, %iota3A, %broadcast_in_dim3A_36 : vector<16xi32>
    %broadcast_in_dim3A_38 = arith.constant 1.000000e+00 : f32
    %broadcast_in_dim3A_39 = vector.broadcast %broadcast_in_dim3A_38 : f32 to vector<16xf32>
    %select_n3A_40 = arith.select %eq3A_37, %broadcast_in_dim3A_39, %broadcast_in_dim3A_0 : vector<16xi1>, vector<16xf32>
    %broadcast_in_dim3A_41 = arith.constant 5 : i32
    %broadcast_in_dim3A_42 = vector.broadcast %broadcast_in_dim3A_41 : i32 to vector<16xi32>
    %eq3A_43 = arith.cmpi eq, %iota3A, %broadcast_in_dim3A_42 : vector<16xi32>
    %broadcast_in_dim3A_44 = arith.constant 1.000000e+00 : f32
    %broadcast_in_dim3A_45 = vector.broadcast %broadcast_in_dim3A_44 : f32 to vector<16xf32>
    %select_n3A_46 = arith.select %eq3A_43, %broadcast_in_dim3A_45, %broadcast_in_dim3A_0 : vector<16xi1>, vector<16xf32>
    %broadcast_in_dim3A_47 = arith.constant 6 : i32
    %broadcast_in_dim3A_48 = vector.broadcast %broadcast_in_dim3A_47 : i32 to vector<16xi32>
    %eq3A_49 = arith.cmpi eq, %iota3A, %broadcast_in_dim3A_48 : vector<16xi32>
    %broadcast_in_dim3A_50 = arith.constant 1.000000e+00 : f32
    %broadcast_in_dim3A_51 = vector.broadcast %broadcast_in_dim3A_50 : f32 to vector<16xf32>
    %select_n3A_52 = arith.select %eq3A_49, %broadcast_in_dim3A_51, %broadcast_in_dim3A_0 : vector<16xi1>, vector<16xf32>
    %broadcast_in_dim3A_53 = arith.constant 7 : i32
    %broadcast_in_dim3A_54 = vector.broadcast %broadcast_in_dim3A_53 : i32 to vector<16xi32>
    %eq3A_55 = arith.cmpi eq, %iota3A, %broadcast_in_dim3A_54 : vector<16xi32>
    %broadcast_in_dim3A_56 = arith.constant 1.000000e+00 : f32
    %broadcast_in_dim3A_57 = vector.broadcast %broadcast_in_dim3A_56 : f32 to vector<16xf32>
    %select_n3A_58 = arith.select %eq3A_55, %broadcast_in_dim3A_57, %broadcast_in_dim3A_0 : vector<16xi1>, vector<16xf32>
    %broadcast_in_dim3A_59 = arith.constant 2.500000e-01 : f32
    %broadcast_in_dim3A_60 = vector.broadcast %broadcast_in_dim3A_59 : f32 to vector<16xf32>
    %broadcast_in_dim3A_61 = arith.constant 2.000000e-01 : f32
    %broadcast_in_dim3A_62 = vector.broadcast %broadcast_in_dim3A_61 : f32 to vector<16xf32>
    %broadcast_in_dim3A_63 = arith.constant -2.000000e+01 : f32
    %broadcast_in_dim3A_64 = vector.broadcast %broadcast_in_dim3A_63 : f32 to vector<16xf32>
    %broadcast_in_dim3A_65 = arith.constant 2.000000e+01 : f32
    %broadcast_in_dim3A_66 = vector.broadcast %broadcast_in_dim3A_65 : f32 to vector<16xf32>
    %broadcast_in_dim3A_67 = arith.constant 127 : i32
    %broadcast_in_dim3A_68 = vector.broadcast %broadcast_in_dim3A_67 : i32 to vector<16xi32>
    %broadcast_in_dim3A_69 = arith.constant 7 : i32
    %broadcast_in_dim3A_70 = vector.broadcast %broadcast_in_dim3A_69 : i32 to vector<16xi32>
    %broadcast_in_dim3A_71 = arith.constant 8 : i32
    %broadcast_in_dim3A_72 = vector.broadcast %broadcast_in_dim3A_71 : i32 to vector<16xi32>
    %lt3A = arith.cmpi slt, %iota3A, %broadcast_in_dim3A_72 : vector<16xi32>
    %broadcast_in_dim3A_73 = arith.constant 5120 : i32
    %broadcast_in_dim3A_74 = vector.broadcast %broadcast_in_dim3A_73 : i32 to vector<16xi32>
    %mul3A_75 = arith.constant 5120 : i32
    %mul3A_76 = arith.muli %arg0, %mul3A_75 : i32
    %broadcast_in_dim3A_77 = vector.broadcast %mul3A_76 : i32 to vector<16xi32>
    %scan3A_78 = arith.constant 0 : i32
    %scan3A_79 = arith.constant 0 : i32
    %scan3A_80 = arith.constant 313 : i32
    %scan3A_81 = arith.addi %scan3A_79, %scan3A_80 : i32
    %scan3A_82 = arith.constant 1 : i32
    scf.for %scan3A_420 = %scan3A_79 to %scan3A_81 step %scan3A_82  : i32 {
      %mul3A_421 = arith.constant 64 : i32
      %mul3A_422 = arith.muli %scan3A_420, %mul3A_421 : i32
      %add3A_423 = arith.addi %mul3A_12, %mul3A_422 : i32
      "tpu.region"() ({
        %run_scoped3A = tpu.sem_alloc : memref<!tpu.dma_semaphore, #tpu.memory_space<semaphore_mem>>
        %dma_start3A_472 = tpu.memref_slice %arg4[%add3A_423] : memref<320512xi32, #tpu.memory_space<hbm>> -> memref<64xi32, #tpu.memory_space<hbm>>
        %dma_start3A_473 = tpu.memref_slice %arg4[%add3A_423] : memref<320512xi32, #tpu.memory_space<hbm>> -> memref<64xi32, #tpu.memory_space<hbm>>
        tpu.enqueue_dma source(%dma_start3A_473 : memref<64xi32, #tpu.memory_space<hbm>>) target(%arg8 : memref<64xi32, #tpu.memory_space<vmem>>) target_semaphore(%run_scoped3A : memref<!tpu.dma_semaphore, #tpu.memory_space<semaphore_mem>>)
        %dma_wait3A_474 = tpu.memref_slice %arg4[%add3A_423] : memref<320512xi32, #tpu.memory_space<hbm>> -> memref<64xi32, #tpu.memory_space<hbm>>
        %dma_wait3A_475 = tpu.memref_slice %arg4[%add3A_423] : memref<320512xi32, #tpu.memory_space<hbm>> -> memref<64xi32, #tpu.memory_space<hbm>>
        tpu.wait_dma2 semaphore(%run_scoped3A : memref<!tpu.dma_semaphore, #tpu.memory_space<semaphore_mem>>) src(%dma_wait3A_475 : memref<64xi32, #tpu.memory_space<hbm>>) dst(%arg8 : memref<64xi32, #tpu.memory_space<vmem>>)
        tpu.yield
      }) : () -> ()
      "tpu.region"() ({
        %run_scoped3A = tpu.sem_alloc : memref<!tpu.dma_semaphore, #tpu.memory_space<semaphore_mem>>
        %dma_start3A_472 = tpu.memref_slice %arg5[%add3A_423] : memref<320512xi32, #tpu.memory_space<hbm>> -> memref<64xi32, #tpu.memory_space<hbm>>
        %dma_start3A_473 = tpu.memref_slice %arg5[%add3A_423] : memref<320512xi32, #tpu.memory_space<hbm>> -> memref<64xi32, #tpu.memory_space<hbm>>
        tpu.enqueue_dma source(%dma_start3A_473 : memref<64xi32, #tpu.memory_space<hbm>>) target(%arg9 : memref<64xi32, #tpu.memory_space<vmem>>) target_semaphore(%run_scoped3A : memref<!tpu.dma_semaphore, #tpu.memory_space<semaphore_mem>>)
        %dma_wait3A_474 = tpu.memref_slice %arg5[%add3A_423] : memref<320512xi32, #tpu.memory_space<hbm>> -> memref<64xi32, #tpu.memory_space<hbm>>
        %dma_wait3A_475 = tpu.memref_slice %arg5[%add3A_423] : memref<320512xi32, #tpu.memory_space<hbm>> -> memref<64xi32, #tpu.memory_space<hbm>>
        tpu.wait_dma2 semaphore(%run_scoped3A : memref<!tpu.dma_semaphore, #tpu.memory_space<semaphore_mem>>) src(%dma_wait3A_475 : memref<64xi32, #tpu.memory_space<hbm>>) dst(%arg9 : memref<64xi32, #tpu.memory_space<vmem>>)
        tpu.yield
      }) : () -> ()
      %dma_start3A = arith.constant 0 : i32
      %dma_start3A_424 = arith.constant 0 : i32
      %dma_start3A_425 = tpu.memref_slice %arg2[%dma_start3A, %dma_start3A_424] : memref<10016x128xf32, #tpu.memory_space<hbm>> -> memref<10016x128xf32, #tpu.memory_space<hbm>>
      tpu.enqueue_indirect_dma source(%dma_start3A_425 : memref<10016x128xf32, #tpu.memory_space<hbm>>) target(%arg11 : memref<64x128xf32, #tpu.memory_space<vmem>>) offsets(%arg8 : memref<64xi32, #tpu.memory_space<vmem>>) semaphore(%arg18 : memref<!tpu.dma_semaphore, #tpu.memory_space<semaphore_mem>>)
      %dma_start3A_426 = arith.constant 0 : i32
      %dma_start3A_427 = arith.constant 0 : i32
      %dma_start3A_428 = tpu.memref_slice %arg3[%dma_start3A_426, %dma_start3A_427] : memref<10016x256xf32, #tpu.memory_space<hbm>> -> memref<10016x256xf32, #tpu.memory_space<hbm>>
      tpu.enqueue_indirect_dma source(%dma_start3A_428 : memref<10016x256xf32, #tpu.memory_space<hbm>>) target(%arg12 : memref<64x256xf32, #tpu.memory_space<vmem>>) offsets(%arg9 : memref<64xi32, #tpu.memory_space<vmem>>) semaphore(%arg19 : memref<!tpu.dma_semaphore, #tpu.memory_space<semaphore_mem>>)
      %get3A = arith.constant 0 : index
      %get3A_429 = tpu.vector_load %arg8[%get3A] {strides = array<i32>} : memref<64xi32, #tpu.memory_space<vmem>>, vector<16xi32>,
      %sub3A = arith.subi %get3A_429, %broadcast_in_dim3A_77 : vector<16xi32>
      %ge3A = arith.cmpi sge, %sub3A, %broadcast_in_dim3A_2 : vector<16xi32>
      %lt3A_430 = arith.cmpi slt, %sub3A, %broadcast_in_dim3A_74 : vector<16xi32>
      %and3A = arith.andi %ge3A, %lt3A_430 : vector<16xi1>
      %select_n3A_431 = arith.select %and3A, %sub3A, %broadcast_in_dim3A_74 : vector<16xi1>, vector<16xi32>
      %swap3A_432 = arith.constant 0 : index
      %swap3A_433 = tpu.vector_load %arg10[%swap3A_432] {strides = array<i32>} : memref<64xi32, #tpu.memory_space<vmem>>, vector<16xi32>,
      tpu.vector_store %arg10[%swap3A_432], %select_n3A_431 {strides = array<i32>} : memref<64xi32, #tpu.memory_space<vmem>>, vector<16xi32>,
      %get3A_434 = arith.constant 16 : index
      %get3A_435 = tpu.vector_load %arg8[%get3A_434] {strides = array<i32>} : memref<64xi32, #tpu.memory_space<vmem>>, vector<16xi32>,
      %sub3A_436 = arith.subi %get3A_435, %broadcast_in_dim3A_77 : vector<16xi32>
      %ge3A_437 = arith.cmpi sge, %sub3A_436, %broadcast_in_dim3A_2 : vector<16xi32>
      %lt3A_438 = arith.cmpi slt, %sub3A_436, %broadcast_in_dim3A_74 : vector<16xi32>
      %and3A_439 = arith.andi %ge3A_437, %lt3A_438 : vector<16xi1>
      %select_n3A_440 = arith.select %and3A_439, %sub3A_436, %broadcast_in_dim3A_74 : vector<16xi1>, vector<16xi32>
      %swap3A_441 = arith.constant 16 : index
      %swap3A_442 = tpu.vector_load %arg10[%swap3A_441] {strides = array<i32>} : memref<64xi32, #tpu.memory_space<vmem>>, vector<16xi32>,
      tpu.vector_store %arg10[%swap3A_441], %select_n3A_440 {strides = array<i32>} : memref<64xi32, #tpu.memory_space<vmem>>, vector<16xi32>,
      %get3A_443 = arith.constant 32 : index
      %get3A_444 = tpu.vector_load %arg8[%get3A_443] {strides = array<i32>} : memref<64xi32, #tpu.memory_space<vmem>>, vector<16xi32>,
      %sub3A_445 = arith.subi %get3A_444, %broadcast_in_dim3A_77 : vector<16xi32>
      %ge3A_446 = arith.cmpi sge, %sub3A_445, %broadcast_in_dim3A_2 : vector<16xi32>
      %lt3A_447 = arith.cmpi slt, %sub3A_445, %broadcast_in_dim3A_74 : vector<16xi32>
      %and3A_448 = arith.andi %ge3A_446, %lt3A_447 : vector<16xi1>
      %select_n3A_449 = arith.select %and3A_448, %sub3A_445, %broadcast_in_dim3A_74 : vector<16xi1>, vector<16xi32>
      %swap3A_450 = arith.constant 32 : index
      %swap3A_451 = tpu.vector_load %arg10[%swap3A_450] {strides = array<i32>} : memref<64xi32, #tpu.memory_space<vmem>>, vector<16xi32>,
      tpu.vector_store %arg10[%swap3A_450], %select_n3A_449 {strides = array<i32>} : memref<64xi32, #tpu.memory_space<vmem>>, vector<16xi32>,
      %get3A_452 = arith.constant 48 : index
      %get3A_453 = tpu.vector_load %arg8[%get3A_452] {strides = array<i32>} : memref<64xi32, #tpu.memory_space<vmem>>, vector<16xi32>,
      %sub3A_454 = arith.subi %get3A_453, %broadcast_in_dim3A_77 : vector<16xi32>
      %ge3A_455 = arith.cmpi sge, %sub3A_454, %broadcast_in_dim3A_2 : vector<16xi32>
      %lt3A_456 = arith.cmpi slt, %sub3A_454, %broadcast_in_dim3A_74 : vector<16xi32>
      %and3A_457 = arith.andi %ge3A_455, %lt3A_456 : vector<16xi1>
      %select_n3A_458 = arith.select %and3A_457, %sub3A_454, %broadcast_in_dim3A_74 : vector<16xi1>, vector<16xi32>
      %swap3A_459 = arith.constant 48 : index
      %swap3A_460 = tpu.vector_load %arg10[%swap3A_459] {strides = array<i32>} : memref<64xi32, #tpu.memory_space<vmem>>, vector<16xi32>,
      tpu.vector_store %arg10[%swap3A_459], %select_n3A_458 {strides = array<i32>} : memref<64xi32, #tpu.memory_space<vmem>>, vector<16xi32>,
      %dma_wait3A = arith.constant 0 : i32
      %dma_wait3A_461 = arith.constant 0 : i32
      %dma_wait3A_462 = tpu.memref_slice %arg2[%dma_wait3A, %dma_wait3A_461] : memref<10016x128xf32, #tpu.memory_space<hbm>> -> memref<10016x128xf32, #tpu.memory_space<hbm>>
      tpu.wait_indirect_dma semaphore(%arg18 : memref<!tpu.dma_semaphore, #tpu.memory_space<semaphore_mem>>) src(%dma_wait3A_462 : memref<10016x128xf32, #tpu.memory_space<hbm>>) dst(%arg11 : memref<64x128xf32, #tpu.memory_space<vmem>>)
      %dma_wait3A_463 = arith.constant 0 : i32
      %dma_wait3A_464 = arith.constant 0 : i32
      %dma_wait3A_465 = tpu.memref_slice %arg3[%dma_wait3A_463, %dma_wait3A_464] : memref<10016x256xf32, #tpu.memory_space<hbm>> -> memref<10016x256xf32, #tpu.memory_space<hbm>>
      tpu.wait_indirect_dma semaphore(%arg19 : memref<!tpu.dma_semaphore, #tpu.memory_space<semaphore_mem>>) src(%dma_wait3A_465 : memref<10016x256xf32, #tpu.memory_space<hbm>>) dst(%arg12 : memref<64x256xf32, #tpu.memory_space<vmem>>)
      %scan3A_466 = arith.constant 0 : i32
      %scan3A_467 = arith.constant 0 : i32
      %scan3A_468 = arith.constant 64 : i32
      %scan3A_469 = arith.addi %scan3A_467, %scan3A_468 : i32
      %scan3A_470 = arith.constant 1 : i32
      scf.for %scan3A_472 = %scan3A_467 to %scan3A_469 step %scan3A_470  : i32 {
        %get3A_473 = arith.index_cast %scan3A_472 : i32 to index
        %get3A_474 = arith.constant 0 : index
        %get3A_475 = tpu.vector_load %arg11[%get3A_473, %get3A_474] {strides = array<i32>} : memref<64x128xf32, #tpu.memory_space<vmem>>, vector<16xf32>,
        %get3A_476 = arith.index_cast %scan3A_472 : i32 to index
        %get3A_477 = arith.constant 0 : index
        %get3A_478 = tpu.vector_load %arg12[%get3A_476, %get3A_477] {strides = array<i32>} : memref<64x256xf32, #tpu.memory_space<vmem>>, vector<16xf32>,
        %mul3A_479 = arith.mulf %get3A_475, %get3A_478 : vector<16xf32>
        %reduce_sum3A = arith.constant true
        %reduce_sum3A_480 = vector.broadcast %reduce_sum3A : i1 to vector<16xi1>
        %reduce_sum3A_481 = tpu.scan <sum>, %mul3A_479 masked %reduce_sum3A_480 : vector<16xf32>, vector<16xi1> -> vector<16xf32>
        %reduce_sum3A_482 = vector.extract %reduce_sum3A_481[15] : f32 from vector<16xf32>
        %broadcast_in_dim3A_483 = vector.broadcast %reduce_sum3A_482 : f32 to vector<16xf32>
        %mul3A_484 = arith.mulf %broadcast_in_dim3A_483, %broadcast_in_dim3A_60 : vector<16xf32>
        %ge3A_485 = arith.cmpf oge, %mul3A_484, %broadcast_in_dim3A_0 : vector<16xf32>
        %mul3A_486 = arith.mulf %mul3A_484, %broadcast_in_dim3A_62 : vector<16xf32>
        %select_n3A_487 = arith.select %ge3A_485, %mul3A_484, %mul3A_486 : vector<16xi1>, vector<16xf32>
        %max3A = arith.maximumf %select_n3A_487, %broadcast_in_dim3A_64 : vector<16xf32>
        %min3A = arith.minimumf %max3A, %broadcast_in_dim3A_66 : vector<16xf32>
        %exp3A = math.exp %min3A : vector<16xf32>
        %get3A_488 = arith.index_cast %scan3A_472 : i32 to index
        %get3A_489 = arith.constant 128 : index
        %get3A_490 = tpu.vector_load %arg12[%get3A_488, %get3A_489] {strides = array<i32>} : memref<64x256xf32, #tpu.memory_space<vmem>>, vector<16xf32>,
        %mul3A_491 = arith.mulf %exp3A, %get3A_490 : vector<16xf32>
        %swap3A_492 = arith.index_cast %scan3A_472 : i32 to index
        %swap3A_493 = arith.constant 0 : index
        %swap3A_494 = tpu.vector_load %arg13[%swap3A_492, %swap3A_493] {strides = array<i32>} : memref<64x128xf32, #tpu.memory_space<vmem>>, vector<16xf32>,
        tpu.vector_store %arg13[%swap3A_492, %swap3A_493], %mul3A_491 {strides = array<i32>} : memref<64x128xf32, #tpu.memory_space<vmem>>, vector<16xf32>,
        %mul3A_495 = arith.mulf %exp3A, %select_n3A : vector<16xf32>
        %add3A_496 = arith.addf %broadcast_in_dim3A_0, %mul3A_495 : vector<16xf32>
        %get3A_497 = arith.index_cast %scan3A_472 : i32 to index
        %get3A_498 = arith.constant 16 : index
        %get3A_499 = tpu.vector_load %arg11[%get3A_497, %get3A_498] {strides = array<i32>} : memref<64x128xf32, #tpu.memory_space<vmem>>, vector<16xf32>,
        %get3A_500 = arith.index_cast %scan3A_472 : i32 to index
        %get3A_501 = arith.constant 16 : index
        %get3A_502 = tpu.vector_load %arg12[%get3A_500, %get3A_501] {strides = array<i32>} : memref<64x256xf32, #tpu.memory_space<vmem>>, vector<16xf32>,
        %mul3A_503 = arith.mulf %get3A_499, %get3A_502 : vector<16xf32>
        %reduce_sum3A_504 = arith.constant true
        %reduce_sum3A_505 = vector.broadcast %reduce_sum3A_504 : i1 to vector<16xi1>
        %reduce_sum3A_506 = tpu.scan <sum>, %mul3A_503 masked %reduce_sum3A_505 : vector<16xf32>, vector<16xi1> -> vector<16xf32>
        %reduce_sum3A_507 = vector.extract %reduce_sum3A_506[15] : f32 from vector<16xf32>
        %broadcast_in_dim3A_508 = vector.broadcast %reduce_sum3A_507 : f32 to vector<16xf32>
        %mul3A_509 = arith.mulf %broadcast_in_dim3A_508, %broadcast_in_dim3A_60 : vector<16xf32>
        %ge3A_510 = arith.cmpf oge, %mul3A_509, %broadcast_in_dim3A_0 : vector<16xf32>
        %mul3A_511 = arith.mulf %mul3A_509, %broadcast_in_dim3A_62 : vector<16xf32>
        %select_n3A_512 = arith.select %ge3A_510, %mul3A_509, %mul3A_511 : vector<16xi1>, vector<16xf32>
        %max3A_513 = arith.maximumf %select_n3A_512, %broadcast_in_dim3A_64 : vector<16xf32>
        %min3A_514 = arith.minimumf %max3A_513, %broadcast_in_dim3A_66 : vector<16xf32>
        %exp3A_515 = math.exp %min3A_514 : vector<16xf32>
        %get3A_516 = arith.index_cast %scan3A_472 : i32 to index
        %get3A_517 = arith.constant 144 : index
        %get3A_518 = tpu.vector_load %arg12[%get3A_516, %get3A_517] {strides = array<i32>} : memref<64x256xf32, #tpu.memory_space<vmem>>, vector<16xf32>,
        %mul3A_519 = arith.mulf %exp3A_515, %get3A_518 : vector<16xf32>
        %swap3A_520 = arith.index_cast %scan3A_472 : i32 to index
        %swap3A_521 = arith.constant 16 : index
        %swap3A_522 = tpu.vector_load %arg13[%swap3A_520, %swap3A_521] {strides = array<i32>} : memref<64x128xf32, #tpu.memory_space<vmem>>, vector<16xf32>,
        tpu.vector_store %arg13[%swap3A_520, %swap3A_521], %mul3A_519 {strides = array<i32>} : memref<64x128xf32, #tpu.memory_space<vmem>>, vector<16xf32>,
        %mul3A_523 = arith.mulf %exp3A_515, %select_n3A_22 : vector<16xf32>
        %add3A_524 = arith.addf %add3A_496, %mul3A_523 : vector<16xf32>
        %get3A_525 = arith.index_cast %scan3A_472 : i32 to index
        %get3A_526 = arith.constant 32 : index
        %get3A_527 = tpu.vector_load %arg11[%get3A_525, %get3A_526] {strides = array<i32>} : memref<64x128xf32, #tpu.memory_space<vmem>>, vector<16xf32>,
        %get3A_528 = arith.index_cast %scan3A_472 : i32 to index
        %get3A_529 = arith.constant 32 : index
        %get3A_530 = tpu.vector_load %arg12[%get3A_528, %get3A_529] {strides = array<i32>} : memref<64x256xf32, #tpu.memory_space<vmem>>, vector<16xf32>,
        %mul3A_531 = arith.mulf %get3A_527, %get3A_530 : vector<16xf32>
        %reduce_sum3A_532 = arith.constant true
        %reduce_sum3A_533 = vector.broadcast %reduce_sum3A_532 : i1 to vector<16xi1>
        %reduce_sum3A_534 = tpu.scan <sum>, %mul3A_531 masked %reduce_sum3A_533 : vector<16xf32>, vector<16xi1> -> vector<16xf32>
        %reduce_sum3A_535 = vector.extract %reduce_sum3A_534[15] : f32 from vector<16xf32>
        %broadcast_in_dim3A_536 = vector.broadcast %reduce_sum3A_535 : f32 to vector<16xf32>
        %mul3A_537 = arith.mulf %broadcast_in_dim3A_536, %broadcast_in_dim3A_60 : vector<16xf32>
        %ge3A_538 = arith.cmpf oge, %mul3A_537, %broadcast_in_dim3A_0 : vector<16xf32>
        %mul3A_539 = arith.mulf %mul3A_537, %broadcast_in_dim3A_62 : vector<16xf32>
        %select_n3A_540 = arith.select %ge3A_538, %mul3A_537, %mul3A_539 : vector<16xi1>, vector<16xf32>
        %max3A_541 = arith.maximumf %select_n3A_540, %broadcast_in_dim3A_64 : vector<16xf32>
        %min3A_542 = arith.minimumf %max3A_541, %broadcast_in_dim3A_66 : vector<16xf32>
        %exp3A_543 = math.exp %min3A_542 : vector<16xf32>
        %get3A_544 = arith.index_cast %scan3A_472 : i32 to index
        %get3A_545 = arith.constant 160 : index
        %get3A_546 = tpu.vector_load %arg12[%get3A_544, %get3A_545] {strides = array<i32>} : memref<64x256xf32, #tpu.memory_space<vmem>>, vector<16xf32>,
        %mul3A_547 = arith.mulf %exp3A_543, %get3A_546 : vector<16xf32>
        %swap3A_548 = arith.index_cast %scan3A_472 : i32 to index
        %swap3A_549 = arith.constant 32 : index
        %swap3A_550 = tpu.vector_load %arg13[%swap3A_548, %swap3A_549] {strides = array<i32>} : memref<64x128xf32, #tpu.memory_space<vmem>>, vector<16xf32>,
        tpu.vector_store %arg13[%swap3A_548, %swap3A_549], %mul3A_547 {strides = array<i32>} : memref<64x128xf32, #tpu.memory_space<vmem>>, vector<16xf32>,
        %mul3A_551 = arith.mulf %exp3A_543, %select_n3A_28 : vector<16xf32>
        %add3A_552 = arith.addf %add3A_524, %mul3A_551 : vector<16xf32>
        %get3A_553 = arith.index_cast %scan3A_472 : i32 to index
        %get3A_554 = arith.constant 48 : index
        %get3A_555 = tpu.vector_load %arg11[%get3A_553, %get3A_554] {strides = array<i32>} : memref<64x128xf32, #tpu.memory_space<vmem>>, vector<16xf32>,
        %get3A_556 = arith.index_cast %scan3A_472 : i32 to index
        %get3A_557 = arith.constant 48 : index
        %get3A_558 = tpu.vector_load %arg12[%get3A_556, %get3A_557] {strides = array<i32>} : memref<64x256xf32, #tpu.memory_space<vmem>>, vector<16xf32>,
        %mul3A_559 = arith.mulf %get3A_555, %get3A_558 : vector<16xf32>
        %reduce_sum3A_560 = arith.constant true
        %reduce_sum3A_561 = vector.broadcast %reduce_sum3A_560 : i1 to vector<16xi1>
        %reduce_sum3A_562 = tpu.scan <sum>, %mul3A_559 masked %reduce_sum3A_561 : vector<16xf32>, vector<16xi1> -> vector<16xf32>
        %reduce_sum3A_563 = vector.extract %reduce_sum3A_562[15] : f32 from vector<16xf32>
        %broadcast_in_dim3A_564 = vector.broadcast %reduce_sum3A_563 : f32 to vector<16xf32>
        %mul3A_565 = arith.mulf %broadcast_in_dim3A_564, %broadcast_in_dim3A_60 : vector<16xf32>
        %ge3A_566 = arith.cmpf oge, %mul3A_565, %broadcast_in_dim3A_0 : vector<16xf32>
        %mul3A_567 = arith.mulf %mul3A_565, %broadcast_in_dim3A_62 : vector<16xf32>
        %select_n3A_568 = arith.select %ge3A_566, %mul3A_565, %mul3A_567 : vector<16xi1>, vector<16xf32>
        %max3A_569 = arith.maximumf %select_n3A_568, %broadcast_in_dim3A_64 : vector<16xf32>
        %min3A_570 = arith.minimumf %max3A_569, %broadcast_in_dim3A_66 : vector<16xf32>
        %exp3A_571 = math.exp %min3A_570 : vector<16xf32>
        %get3A_572 = arith.index_cast %scan3A_472 : i32 to index
        %get3A_573 = arith.constant 176 : index
        %get3A_574 = tpu.vector_load %arg12[%get3A_572, %get3A_573] {strides = array<i32>} : memref<64x256xf32, #tpu.memory_space<vmem>>, vector<16xf32>,
        %mul3A_575 = arith.mulf %exp3A_571, %get3A_574 : vector<16xf32>
        %swap3A_576 = arith.index_cast %scan3A_472 : i32 to index
        %swap3A_577 = arith.constant 48 : index
        %swap3A_578 = tpu.vector_load %arg13[%swap3A_576, %swap3A_577] {strides = array<i32>} : memref<64x128xf32, #tpu.memory_space<vmem>>, vector<16xf32>,
        tpu.vector_store %arg13[%swap3A_576, %swap3A_577], %mul3A_575 {strides = array<i32>} : memref<64x128xf32, #tpu.memory_space<vmem>>, vector<16xf32>,
        %mul3A_579 = arith.mulf %exp3A_571, %select_n3A_34 : vector<16xf32>
        %add3A_580 = arith.addf %add3A_552, %mul3A_579 : vector<16xf32>
        %get3A_581 = arith.index_cast %scan3A_472 : i32 to index
        %get3A_582 = arith.constant 64 : index
        %get3A_583 = tpu.vector_load %arg11[%get3A_581, %get3A_582] {strides = array<i32>} : memref<64x128xf32, #tpu.memory_space<vmem>>, vector<16xf32>,
        %get3A_584 = arith.index_cast %scan3A_472 : i32 to index
        %get3A_585 = arith.constant 64 : index
        %get3A_586 = tpu.vector_load %arg12[%get3A_584, %get3A_585] {strides = array<i32>} : memref<64x256xf32, #tpu.memory_space<vmem>>, vector<16xf32>,
        %mul3A_587 = arith.mulf %get3A_583, %get3A_586 : vector<16xf32>
        %reduce_sum3A_588 = arith.constant true
        %reduce_sum3A_589 = vector.broadcast %reduce_sum3A_588 : i1 to vector<16xi1>
        %reduce_sum3A_590 = tpu.scan <sum>, %mul3A_587 masked %reduce_sum3A_589 : vector<16xf32>, vector<16xi1> -> vector<16xf32>
        %reduce_sum3A_591 = vector.extract %reduce_sum3A_590[15] : f32 from vector<16xf32>
        %broadcast_in_dim3A_592 = vector.broadcast %reduce_sum3A_591 : f32 to vector<16xf32>
        %mul3A_593 = arith.mulf %broadcast_in_dim3A_592, %broadcast_in_dim3A_60 : vector<16xf32>
        %ge3A_594 = arith.cmpf oge, %mul3A_593, %broadcast_in_dim3A_0 : vector<16xf32>
        %mul3A_595 = arith.mulf %mul3A_593, %broadcast_in_dim3A_62 : vector<16xf32>
        %select_n3A_596 = arith.select %ge3A_594, %mul3A_593, %mul3A_595 : vector<16xi1>, vector<16xf32>
        %max3A_597 = arith.maximumf %select_n3A_596, %broadcast_in_dim3A_64 : vector<16xf32>
        %min3A_598 = arith.minimumf %max3A_597, %broadcast_in_dim3A_66 : vector<16xf32>
        %exp3A_599 = math.exp %min3A_598 : vector<16xf32>
        %get3A_600 = arith.index_cast %scan3A_472 : i32 to index
        %get3A_601 = arith.constant 192 : index
        %get3A_602 = tpu.vector_load %arg12[%get3A_600, %get3A_601] {strides = array<i32>} : memref<64x256xf32, #tpu.memory_space<vmem>>, vector<16xf32>,
        %mul3A_603 = arith.mulf %exp3A_599, %get3A_602 : vector<16xf32>
        %swap3A_604 = arith.index_cast %scan3A_472 : i32 to index
        %swap3A_605 = arith.constant 64 : index
        %swap3A_606 = tpu.vector_load %arg13[%swap3A_604, %swap3A_605] {strides = array<i32>} : memref<64x128xf32, #tpu.memory_space<vmem>>, vector<16xf32>,
        tpu.vector_store %arg13[%swap3A_604, %swap3A_605], %mul3A_603 {strides = array<i32>} : memref<64x128xf32, #tpu.memory_space<vmem>>, vector<16xf32>,
        %mul3A_607 = arith.mulf %exp3A_599, %select_n3A_40 : vector<16xf32>
        %add3A_608 = arith.addf %add3A_580, %mul3A_607 : vector<16xf32>
        %get3A_609 = arith.index_cast %scan3A_472 : i32 to index
        %get3A_610 = arith.constant 80 : index
        %get3A_611 = tpu.vector_load %arg11[%get3A_609, %get3A_610] {strides = array<i32>} : memref<64x128xf32, #tpu.memory_space<vmem>>, vector<16xf32>,
        %get3A_612 = arith.index_cast %scan3A_472 : i32 to index
        %get3A_613 = arith.constant 80 : index
        %get3A_614 = tpu.vector_load %arg12[%get3A_612, %get3A_613] {strides = array<i32>} : memref<64x256xf32, #tpu.memory_space<vmem>>, vector<16xf32>,
        %mul3A_615 = arith.mulf %get3A_611, %get3A_614 : vector<16xf32>
        %reduce_sum3A_616 = arith.constant true
        %reduce_sum3A_617 = vector.broadcast %reduce_sum3A_616 : i1 to vector<16xi1>
        %reduce_sum3A_618 = tpu.scan <sum>, %mul3A_615 masked %reduce_sum3A_617 : vector<16xf32>, vector<16xi1> -> vector<16xf32>
        %reduce_sum3A_619 = vector.extract %reduce_sum3A_618[15] : f32 from vector<16xf32>
        %broadcast_in_dim3A_620 = vector.broadcast %reduce_sum3A_619 : f32 to vector<16xf32>
        %mul3A_621 = arith.mulf %broadcast_in_dim3A_620, %broadcast_in_dim3A_60 : vector<16xf32>
        %ge3A_622 = arith.cmpf oge, %mul3A_621, %broadcast_in_dim3A_0 : vector<16xf32>
        %mul3A_623 = arith.mulf %mul3A_621, %broadcast_in_dim3A_62 : vector<16xf32>
        %select_n3A_624 = arith.select %ge3A_622, %mul3A_621, %mul3A_623 : vector<16xi1>, vector<16xf32>
        %max3A_625 = arith.maximumf %select_n3A_624, %broadcast_in_dim3A_64 : vector<16xf32>
        %min3A_626 = arith.minimumf %max3A_625, %broadcast_in_dim3A_66 : vector<16xf32>
        %exp3A_627 = math.exp %min3A_626 : vector<16xf32>
        %get3A_628 = arith.index_cast %scan3A_472 : i32 to index
        %get3A_629 = arith.constant 208 : index
        %get3A_630 = tpu.vector_load %arg12[%get3A_628, %get3A_629] {strides = array<i32>} : memref<64x256xf32, #tpu.memory_space<vmem>>, vector<16xf32>,
        %mul3A_631 = arith.mulf %exp3A_627, %get3A_630 : vector<16xf32>
        %swap3A_632 = arith.index_cast %scan3A_472 : i32 to index
        %swap3A_633 = arith.constant 80 : index
        %swap3A_634 = tpu.vector_load %arg13[%swap3A_632, %swap3A_633] {strides = array<i32>} : memref<64x128xf32, #tpu.memory_space<vmem>>, vector<16xf32>,
        tpu.vector_store %arg13[%swap3A_632, %swap3A_633], %mul3A_631 {strides = array<i32>} : memref<64x128xf32, #tpu.memory_space<vmem>>, vector<16xf32>,
        %mul3A_635 = arith.mulf %exp3A_627, %select_n3A_46 : vector<16xf32>
        %add3A_636 = arith.addf %add3A_608, %mul3A_635 : vector<16xf32>
        %get3A_637 = arith.index_cast %scan3A_472 : i32 to index
        %get3A_638 = arith.constant 96 : index
        %get3A_639 = tpu.vector_load %arg11[%get3A_637, %get3A_638] {strides = array<i32>} : memref<64x128xf32, #tpu.memory_space<vmem>>, vector<16xf32>,
        %get3A_640 = arith.index_cast %scan3A_472 : i32 to index
        %get3A_641 = arith.constant 96 : index
        %get3A_642 = tpu.vector_load %arg12[%get3A_640, %get3A_641] {strides = array<i32>} : memref<64x256xf32, #tpu.memory_space<vmem>>, vector<16xf32>,
        %mul3A_643 = arith.mulf %get3A_639, %get3A_642 : vector<16xf32>
        %reduce_sum3A_644 = arith.constant true
        %reduce_sum3A_645 = vector.broadcast %reduce_sum3A_644 : i1 to vector<16xi1>
        %reduce_sum3A_646 = tpu.scan <sum>, %mul3A_643 masked %reduce_sum3A_645 : vector<16xf32>, vector<16xi1> -> vector<16xf32>
        %reduce_sum3A_647 = vector.extract %reduce_sum3A_646[15] : f32 from vector<16xf32>
        %broadcast_in_dim3A_648 = vector.broadcast %reduce_sum3A_647 : f32 to vector<16xf32>
        %mul3A_649 = arith.mulf %broadcast_in_dim3A_648, %broadcast_in_dim3A_60 : vector<16xf32>
        %ge3A_650 = arith.cmpf oge, %mul3A_649, %broadcast_in_dim3A_0 : vector<16xf32>
        %mul3A_651 = arith.mulf %mul3A_649, %broadcast_in_dim3A_62 : vector<16xf32>
        %select_n3A_652 = arith.select %ge3A_650, %mul3A_649, %mul3A_651 : vector<16xi1>, vector<16xf32>
        %max3A_653 = arith.maximumf %select_n3A_652, %broadcast_in_dim3A_64 : vector<16xf32>
        %min3A_654 = arith.minimumf %max3A_653, %broadcast_in_dim3A_66 : vector<16xf32>
        %exp3A_655 = math.exp %min3A_654 : vector<16xf32>
        %get3A_656 = arith.index_cast %scan3A_472 : i32 to index
        %get3A_657 = arith.constant 224 : index
        %get3A_658 = tpu.vector_load %arg12[%get3A_656, %get3A_657] {strides = array<i32>} : memref<64x256xf32, #tpu.memory_space<vmem>>, vector<16xf32>,
        %mul3A_659 = arith.mulf %exp3A_655, %get3A_658 : vector<16xf32>
        %swap3A_660 = arith.index_cast %scan3A_472 : i32 to index
        %swap3A_661 = arith.constant 96 : index
        %swap3A_662 = tpu.vector_load %arg13[%swap3A_660, %swap3A_661] {strides = array<i32>} : memref<64x128xf32, #tpu.memory_space<vmem>>, vector<16xf32>,
        tpu.vector_store %arg13[%swap3A_660, %swap3A_661], %mul3A_659 {strides = array<i32>} : memref<64x128xf32, #tpu.memory_space<vmem>>, vector<16xf32>,
        %mul3A_663 = arith.mulf %exp3A_655, %select_n3A_52 : vector<16xf32>
        %add3A_664 = arith.addf %add3A_636, %mul3A_663 : vector<16xf32>
        %get3A_665 = arith.index_cast %scan3A_472 : i32 to index
        %get3A_666 = arith.constant 112 : index
        %get3A_667 = tpu.vector_load %arg11[%get3A_665, %get3A_666] {strides = array<i32>} : memref<64x128xf32, #tpu.memory_space<vmem>>, vector<16xf32>,
        %get3A_668 = arith.index_cast %scan3A_472 : i32 to index
        %get3A_669 = arith.constant 112 : index
        %get3A_670 = tpu.vector_load %arg12[%get3A_668, %get3A_669] {strides = array<i32>} : memref<64x256xf32, #tpu.memory_space<vmem>>, vector<16xf32>,
        %mul3A_671 = arith.mulf %get3A_667, %get3A_670 : vector<16xf32>
        %reduce_sum3A_672 = arith.constant true
        %reduce_sum3A_673 = vector.broadcast %reduce_sum3A_672 : i1 to vector<16xi1>
        %reduce_sum3A_674 = tpu.scan <sum>, %mul3A_671 masked %reduce_sum3A_673 : vector<16xf32>, vector<16xi1> -> vector<16xf32>
        %reduce_sum3A_675 = vector.extract %reduce_sum3A_674[15] : f32 from vector<16xf32>
        %broadcast_in_dim3A_676 = vector.broadcast %reduce_sum3A_675 : f32 to vector<16xf32>
        %mul3A_677 = arith.mulf %broadcast_in_dim3A_676, %broadcast_in_dim3A_60 : vector<16xf32>
        %ge3A_678 = arith.cmpf oge, %mul3A_677, %broadcast_in_dim3A_0 : vector<16xf32>
        %mul3A_679 = arith.mulf %mul3A_677, %broadcast_in_dim3A_62 : vector<16xf32>
        %select_n3A_680 = arith.select %ge3A_678, %mul3A_677, %mul3A_679 : vector<16xi1>, vector<16xf32>
        %max3A_681 = arith.maximumf %select_n3A_680, %broadcast_in_dim3A_64 : vector<16xf32>
        %min3A_682 = arith.minimumf %max3A_681, %broadcast_in_dim3A_66 : vector<16xf32>
        %exp3A_683 = math.exp %min3A_682 : vector<16xf32>
        %get3A_684 = arith.index_cast %scan3A_472 : i32 to index
        %get3A_685 = arith.constant 240 : index
        %get3A_686 = tpu.vector_load %arg12[%get3A_684, %get3A_685] {strides = array<i32>} : memref<64x256xf32, #tpu.memory_space<vmem>>, vector<16xf32>,
        %mul3A_687 = arith.mulf %exp3A_683, %get3A_686 : vector<16xf32>
        %swap3A_688 = arith.index_cast %scan3A_472 : i32 to index
        %swap3A_689 = arith.constant 112 : index
        %swap3A_690 = tpu.vector_load %arg13[%swap3A_688, %swap3A_689] {strides = array<i32>} : memref<64x128xf32, #tpu.memory_space<vmem>>, vector<16xf32>,
        tpu.vector_store %arg13[%swap3A_688, %swap3A_689], %mul3A_687 {strides = array<i32>} : memref<64x128xf32, #tpu.memory_space<vmem>>, vector<16xf32>,
        %mul3A_691 = arith.mulf %exp3A_683, %select_n3A_58 : vector<16xf32>
        %add3A_692 = arith.addf %add3A_664, %mul3A_691 : vector<16xf32>
        %broadcast_in_dim3A_693 = vector.broadcast %scan3A_472 : i32 to vector<16xi32>
        %gather3A = tpu.vector_load_idx %arg8[%broadcast_in_dim3A_693] : memref<64xi32, #tpu.memory_space<vmem>>[vector<16xi32>], vector<16xi32>,
        %sub3A_694 = arith.subi %gather3A, %broadcast_in_dim3A_77 : vector<16xi32>
        %ge3A_695 = arith.cmpi sge, %sub3A_694, %broadcast_in_dim3A_2 : vector<16xi32>
        %lt3A_696 = arith.cmpi slt, %sub3A_694, %broadcast_in_dim3A_74 : vector<16xi32>
        %and3A_697 = arith.andi %ge3A_695, %lt3A_696 : vector<16xi1>
        %and3A_698 = arith.andi %lt3A, %and3A_697 : vector<16xi1>
        %broadcast_in_dim3A_699 = arith.constant 8 : i32
        %broadcast_in_dim3A_700 = vector.broadcast %broadcast_in_dim3A_699 : i32 to vector<16xi32>
        %mul3A_701 = arith.muli %sub3A_694, %broadcast_in_dim3A_700 : vector<16xi32>
        %add3A_702 = arith.addi %mul3A_701, %iota3A : vector<16xi32>
        %select_n3A_703 = arith.select %and3A_698, %add3A_702, %broadcast_in_dim3A_2 : vector<16xi1>, vector<16xi32>
        %shift_right_logical3A = arith.shrui %select_n3A_703, %broadcast_in_dim3A_70 : vector<16xi32>
        %and3A_704 = arith.andi %select_n3A_703, %broadcast_in_dim3A_68 : vector<16xi32>
        tpu.vector_store_idx %arg14[%shift_right_logical3A, %and3A_704], %add3A_692 masked %and3A_698 {add = true} : memref<384x128xf32, #tpu.memory_space<vmem>>[vector<16xi32>, vector<16xi32>], vector<16xf32>, vector<16xi1>
      }
      %scan3A_471 = arith.constant 64 : i32
      "tpu.region"() ({
        %run_scoped3A = tpu.sem_alloc : memref<!tpu.dma_semaphore, #tpu.memory_space<semaphore_mem>>
        %dma_start3A_472 = arith.constant 0 : i32
        %dma_start3A_473 = arith.constant 0 : i32
        %dma_start3A_474 = tpu.memref_slice %arg16[%dma_start3A_472, %dma_start3A_473] : memref<5376x128xf32, #tpu.memory_space<vmem_shared>> -> memref<5376x128xf32, #tpu.memory_space<vmem_shared>>
        tpu.enqueue_indirect_dma source(%arg13 : memref<64x128xf32, #tpu.memory_space<vmem>>) target(%dma_start3A_474 : memref<5376x128xf32, #tpu.memory_space<vmem_shared>>) offsets(%arg10 : memref<64xi32, #tpu.memory_space<vmem>>) semaphore(%run_scoped3A : memref<!tpu.dma_semaphore, #tpu.memory_space<semaphore_mem>>) {add = true}
        %dma_wait3A_475 = arith.constant 0 : i32
        %dma_wait3A_476 = arith.constant 0 : i32
        %dma_wait3A_477 = tpu.memref_slice %arg16[%dma_wait3A_475, %dma_wait3A_476] : memref<5376x128xf32, #tpu.memory_space<vmem_shared>> -> memref<5376x128xf32, #tpu.memory_space<vmem_shared>>
        tpu.wait_indirect_dma semaphore(%run_scoped3A : memref<!tpu.dma_semaphore, #tpu.memory_space<semaphore_mem>>) src(%arg13 : memref<64x128xf32, #tpu.memory_space<vmem>>) dst(%dma_wait3A_477 : memref<5376x128xf32, #tpu.memory_space<vmem_shared>>)
        tpu.yield
      }) : () -> ()
    }
    %scan3A_83 = arith.constant 313 : i32
    %barrier3A_84 = arith.constant 0 : index
    tpu.barrier barrier_id(%barrier3A_84)
    %broadcast_in_dim3A_85 = arith.constant 0 : i32
    %broadcast_in_dim3A_86 = vector.broadcast %broadcast_in_dim3A_85 : i32 to vector<16xi32>
    %add3A = arith.addi %iota3A, %broadcast_in_dim3A_86 : vector<16xi32>
    %swap3A = arith.constant 0 : index
    %swap3A_87 = tpu.vector_load %arg15[%swap3A] {strides = array<i32>} : memref<128xi32, #tpu.memory_space<vmem>>, vector<16xi32>,
    tpu.vector_store %arg15[%swap3A], %add3A {strides = array<i32>} : memref<128xi32, #tpu.memory_space<vmem>>, vector<16xi32>,
    %broadcast_in_dim3A_88 = arith.constant 16 : i32
    %broadcast_in_dim3A_89 = vector.broadcast %broadcast_in_dim3A_88 : i32 to vector<16xi32>
    %add3A_90 = arith.addi %iota3A, %broadcast_in_dim3A_89 : vector<16xi32>
    %swap3A_91 = arith.constant 16 : index
    %swap3A_92 = tpu.vector_load %arg15[%swap3A_91] {strides = array<i32>} : memref<128xi32, #tpu.memory_space<vmem>>, vector<16xi32>,
    tpu.vector_store %arg15[%swap3A_91], %add3A_90 {strides = array<i32>} : memref<128xi32, #tpu.memory_space<vmem>>, vector<16xi32>,
    %broadcast_in_dim3A_93 = arith.constant 32 : i32
    %broadcast_in_dim3A_94 = vector.broadcast %broadcast_in_dim3A_93 : i32 to vector<16xi32>
    %add3A_95 = arith.addi %iota3A, %broadcast_in_dim3A_94 : vector<16xi32>
    %swap3A_96 = arith.constant 32 : index
    %swap3A_97 = tpu.vector_load %arg15[%swap3A_96] {strides = array<i32>} : memref<128xi32, #tpu.memory_space<vmem>>, vector<16xi32>,
    tpu.vector_store %arg15[%swap3A_96], %add3A_95 {strides = array<i32>} : memref<128xi32, #tpu.memory_space<vmem>>, vector<16xi32>,
    %broadcast_in_dim3A_98 = arith.constant 48 : i32
    %broadcast_in_dim3A_99 = vector.broadcast %broadcast_in_dim3A_98 : i32 to vector<16xi32>
    %add3A_100 = arith.addi %iota3A, %broadcast_in_dim3A_99 : vector<16xi32>
    %swap3A_101 = arith.constant 48 : index
    %swap3A_102 = tpu.vector_load %arg15[%swap3A_101] {strides = array<i32>} : memref<128xi32, #tpu.memory_space<vmem>>, vector<16xi32>,
    tpu.vector_store %arg15[%swap3A_101], %add3A_100 {strides = array<i32>} : memref<128xi32, #tpu.memory_space<vmem>>, vector<16xi32>,
    %broadcast_in_dim3A_103 = arith.constant 64 : i32
    %broadcast_in_dim3A_104 = vector.broadcast %broadcast_in_dim3A_103 : i32 to vector<16xi32>
    %add3A_105 = arith.addi %iota3A, %broadcast_in_dim3A_104 : vector<16xi32>
    %swap3A_106 = arith.constant 64 : index
    %swap3A_107 = tpu.vector_load %arg15[%swap3A_106] {strides = array<i32>} : memref<128xi32, #tpu.memory_space<vmem>>, vector<16xi32>,
    tpu.vector_store %arg15[%swap3A_106], %add3A_105 {strides = array<i32>} : memref<128xi32, #tpu.memory_space<vmem>>, vector<16xi32>,
    %broadcast_in_dim3A_108 = arith.constant 80 : i32
    %broadcast_in_dim3A_109 = vector.broadcast %broadcast_in_dim3A_108 : i32 to vector<16xi32>
    %add3A_110 = arith.addi %iota3A, %broadcast_in_dim3A_109 : vector<16xi32>
    %swap3A_111 = arith.constant 80 : index
    %swap3A_112 = tpu.vector_load %arg15[%swap3A_111] {strides = array<i32>} : memref<128xi32, #tpu.memory_space<vmem>>, vector<16xi32>,
    tpu.vector_store %arg15[%swap3A_111], %add3A_110 {strides = array<i32>} : memref<128xi32, #tpu.memory_space<vmem>>, vector<16xi32>,
    %broadcast_in_dim3A_113 = arith.constant 96 : i32
    %broadcast_in_dim3A_114 = vector.broadcast %broadcast_in_dim3A_113 : i32 to vector<16xi32>
    %add3A_115 = arith.addi %iota3A, %broadcast_in_dim3A_114 : vector<16xi32>
    %swap3A_116 = arith.constant 96 : index
    %swap3A_117 = tpu.vector_load %arg15[%swap3A_116] {strides = array<i32>} : memref<128xi32, #tpu.memory_space<vmem>>, vector<16xi32>,
    tpu.vector_store %arg15[%swap3A_116], %add3A_115 {strides = array<i32>} : memref<128xi32, #tpu.memory_space<vmem>>, vector<16xi32>,
    %broadcast_in_dim3A_118 = arith.constant 112 : i32
    %broadcast_in_dim3A_119 = vector.broadcast %broadcast_in_dim3A_118 : i32 to vector<16xi32>
    %add3A_120 = arith.addi %iota3A, %broadcast_in_dim3A_119 : vector<16xi32>
    %swap3A_121 = arith.constant 112 : index
    %swap3A_122 = tpu.vector_load %arg15[%swap3A_121] {strides = array<i32>} : memref<128xi32, #tpu.memory_space<vmem>>, vector<16xi32>,
    tpu.vector_store %arg15[%swap3A_121], %add3A_120 {strides = array<i32>} : memref<128xi32, #tpu.memory_space<vmem>>, vector<16xi32>,
    "tpu.region"() ({
      %run_scoped3A = tpu.sem_alloc : memref<!tpu.dma_semaphore, #tpu.memory_space<semaphore_mem>>
      %dma_start3A = arith.constant 0 : i32
      %dma_start3A_420 = arith.constant 0 : i32
      %dma_start3A_421 = tpu.memref_slice %arg14[%dma_start3A, %dma_start3A_420] : memref<384x128xf32, #tpu.memory_space<vmem>> -> memref<128x128xf32, #tpu.memory_space<vmem>>
      %dma_start3A_422 = arith.constant 0 : i32
      %dma_start3A_423 = arith.constant 0 : i32
      %dma_start3A_424 = tpu.memref_slice %arg17[%dma_start3A_422, %dma_start3A_423] : memref<384x128xf32, #tpu.memory_space<vmem_shared>> -> memref<384x128xf32, #tpu.memory_space<vmem_shared>>
      tpu.enqueue_indirect_dma source(%dma_start3A_421 : memref<128x128xf32, #tpu.memory_space<vmem>>) target(%dma_start3A_424 : memref<384x128xf32, #tpu.memory_space<vmem_shared>>) offsets(%arg15 : memref<128xi32, #tpu.memory_space<vmem>>) semaphore(%run_scoped3A : memref<!tpu.dma_semaphore, #tpu.memory_space<semaphore_mem>>) {add = true}
      %dma_wait3A = arith.constant 0 : i32
      %dma_wait3A_425 = arith.constant 0 : i32
      %dma_wait3A_426 = tpu.memref_slice %arg14[%dma_wait3A, %dma_wait3A_425] : memref<384x128xf32, #tpu.memory_space<vmem>> -> memref<128x128xf32, #tpu.memory_space<vmem>>
      %dma_wait3A_427 = arith.constant 0 : i32
      %dma_wait3A_428 = arith.constant 0 : i32
      %dma_wait3A_429 = tpu.memref_slice %arg17[%dma_wait3A_427, %dma_wait3A_428] : memref<384x128xf32, #tpu.memory_space<vmem_shared>> -> memref<384x128xf32, #tpu.memory_space<vmem_shared>>
      tpu.wait_indirect_dma semaphore(%run_scoped3A : memref<!tpu.dma_semaphore, #tpu.memory_space<semaphore_mem>>) src(%dma_wait3A_426 : memref<128x128xf32, #tpu.memory_space<vmem>>) dst(%dma_wait3A_429 : memref<384x128xf32, #tpu.memory_space<vmem_shared>>)
      tpu.yield
    }) : () -> ()
    %broadcast_in_dim3A_123 = arith.constant 128 : i32
    %broadcast_in_dim3A_124 = vector.broadcast %broadcast_in_dim3A_123 : i32 to vector<16xi32>
    %add3A_125 = arith.addi %iota3A, %broadcast_in_dim3A_124 : vector<16xi32>
    %swap3A_126 = arith.constant 0 : index
    %swap3A_127 = tpu.vector_load %arg15[%swap3A_126] {strides = array<i32>} : memref<128xi32, #tpu.memory_space<vmem>>, vector<16xi32>,
    tpu.vector_store %arg15[%swap3A_126], %add3A_125 {strides = array<i32>} : memref<128xi32, #tpu.memory_space<vmem>>, vector<16xi32>,
    %broadcast_in_dim3A_128 = arith.constant 144 : i32
    %broadcast_in_dim3A_129 = vector.broadcast %broadcast_in_dim3A_128 : i32 to vector<16xi32>
    %add3A_130 = arith.addi %iota3A, %broadcast_in_dim3A_129 : vector<16xi32>
    %swap3A_131 = arith.constant 16 : index
    %swap3A_132 = tpu.vector_load %arg15[%swap3A_131] {strides = array<i32>} : memref<128xi32, #tpu.memory_space<vmem>>, vector<16xi32>,
    tpu.vector_store %arg15[%swap3A_131], %add3A_130 {strides = array<i32>} : memref<128xi32, #tpu.memory_space<vmem>>, vector<16xi32>,
    %broadcast_in_dim3A_133 = arith.constant 160 : i32
    %broadcast_in_dim3A_134 = vector.broadcast %broadcast_in_dim3A_133 : i32 to vector<16xi32>
    %add3A_135 = arith.addi %iota3A, %broadcast_in_dim3A_134 : vector<16xi32>
    %swap3A_136 = arith.constant 32 : index
    %swap3A_137 = tpu.vector_load %arg15[%swap3A_136] {strides = array<i32>} : memref<128xi32, #tpu.memory_space<vmem>>, vector<16xi32>,
    tpu.vector_store %arg15[%swap3A_136], %add3A_135 {strides = array<i32>} : memref<128xi32, #tpu.memory_space<vmem>>, vector<16xi32>,
    %broadcast_in_dim3A_138 = arith.constant 176 : i32
    %broadcast_in_dim3A_139 = vector.broadcast %broadcast_in_dim3A_138 : i32 to vector<16xi32>
    %add3A_140 = arith.addi %iota3A, %broadcast_in_dim3A_139 : vector<16xi32>
    %swap3A_141 = arith.constant 48 : index
    %swap3A_142 = tpu.vector_load %arg15[%swap3A_141] {strides = array<i32>} : memref<128xi32, #tpu.memory_space<vmem>>, vector<16xi32>,
    tpu.vector_store %arg15[%swap3A_141], %add3A_140 {strides = array<i32>} : memref<128xi32, #tpu.memory_space<vmem>>, vector<16xi32>,
    %broadcast_in_dim3A_143 = arith.constant 192 : i32
    %broadcast_in_dim3A_144 = vector.broadcast %broadcast_in_dim3A_143 : i32 to vector<16xi32>
    %add3A_145 = arith.addi %iota3A, %broadcast_in_dim3A_144 : vector<16xi32>
    %swap3A_146 = arith.constant 64 : index
    %swap3A_147 = tpu.vector_load %arg15[%swap3A_146] {strides = array<i32>} : memref<128xi32, #tpu.memory_space<vmem>>, vector<16xi32>,
    tpu.vector_store %arg15[%swap3A_146], %add3A_145 {strides = array<i32>} : memref<128xi32, #tpu.memory_space<vmem>>, vector<16xi32>,
    %broadcast_in_dim3A_148 = arith.constant 208 : i32
    %broadcast_in_dim3A_149 = vector.broadcast %broadcast_in_dim3A_148 : i32 to vector<16xi32>
    %add3A_150 = arith.addi %iota3A, %broadcast_in_dim3A_149 : vector<16xi32>
    %swap3A_151 = arith.constant 80 : index
    %swap3A_152 = tpu.vector_load %arg15[%swap3A_151] {strides = array<i32>} : memref<128xi32, #tpu.memory_space<vmem>>, vector<16xi32>,
    tpu.vector_store %arg15[%swap3A_151], %add3A_150 {strides = array<i32>} : memref<128xi32, #tpu.memory_space<vmem>>, vector<16xi32>,
    %broadcast_in_dim3A_153 = arith.constant 224 : i32
    %broadcast_in_dim3A_154 = vector.broadcast %broadcast_in_dim3A_153 : i32 to vector<16xi32>
    %add3A_155 = arith.addi %iota3A, %broadcast_in_dim3A_154 : vector<16xi32>
    %swap3A_156 = arith.constant 96 : index
    %swap3A_157 = tpu.vector_load %arg15[%swap3A_156] {strides = array<i32>} : memref<128xi32, #tpu.memory_space<vmem>>, vector<16xi32>,
    tpu.vector_store %arg15[%swap3A_156], %add3A_155 {strides = array<i32>} : memref<128xi32, #tpu.memory_space<vmem>>, vector<16xi32>,
    %broadcast_in_dim3A_158 = arith.constant 240 : i32
    %broadcast_in_dim3A_159 = vector.broadcast %broadcast_in_dim3A_158 : i32 to vector<16xi32>
    %add3A_160 = arith.addi %iota3A, %broadcast_in_dim3A_159 : vector<16xi32>
    %swap3A_161 = arith.constant 112 : index
    %swap3A_162 = tpu.vector_load %arg15[%swap3A_161] {strides = array<i32>} : memref<128xi32, #tpu.memory_space<vmem>>, vector<16xi32>,
    tpu.vector_store %arg15[%swap3A_161], %add3A_160 {strides = array<i32>} : memref<128xi32, #tpu.memory_space<vmem>>, vector<16xi32>,
    "tpu.region"() ({
      %run_scoped3A = tpu.sem_alloc : memref<!tpu.dma_semaphore, #tpu.memory_space<semaphore_mem>>
      %dma_start3A = arith.constant 128 : i32
      %dma_start3A_420 = arith.constant 0 : i32
      %dma_start3A_421 = tpu.memref_slice %arg14[%dma_start3A, %dma_start3A_420] : memref<384x128xf32, #tpu.memory_space<vmem>> -> memref<128x128xf32, #tpu.memory_space<vmem>>
      %dma_start3A_422 = arith.constant 0 : i32
      %dma_start3A_423 = arith.constant 0 : i32
      %dma_start3A_424 = tpu.memref_slice %arg17[%dma_start3A_422, %dma_start3A_423] : memref<384x128xf32, #tpu.memory_space<vmem_shared>> -> memref<384x128xf32, #tpu.memory_space<vmem_shared>>
      tpu.enqueue_indirect_dma source(%dma_start3A_421 : memref<128x128xf32, #tpu.memory_space<vmem>>) target(%dma_start3A_424 : memref<384x128xf32, #tpu.memory_space<vmem_shared>>) offsets(%arg15 : memref<128xi32, #tpu.memory_space<vmem>>) semaphore(%run_scoped3A : memref<!tpu.dma_semaphore, #tpu.memory_space<semaphore_mem>>) {add = true}
      %dma_wait3A = arith.constant 128 : i32
      %dma_wait3A_425 = arith.constant 0 : i32
      %dma_wait3A_426 = tpu.memref_slice %arg14[%dma_wait3A, %dma_wait3A_425] : memref<384x128xf32, #tpu.memory_space<vmem>> -> memref<128x128xf32, #tpu.memory_space<vmem>>
      %dma_wait3A_427 = arith.constant 0 : i32
      %dma_wait3A_428 = arith.constant 0 : i32
      %dma_wait3A_429 = tpu.memref_slice %arg17[%dma_wait3A_427, %dma_wait3A_428] : memref<384x128xf32, #tpu.memory_space<vmem_shared>> -> memref<384x128xf32, #tpu.memory_space<vmem_shared>>
      tpu.wait_indirect_dma semaphore(%run_scoped3A : memref<!tpu.dma_semaphore, #tpu.memory_space<semaphore_mem>>) src(%dma_wait3A_426 : memref<128x128xf32, #tpu.memory_space<vmem>>) dst(%dma_wait3A_429 : memref<384x128xf32, #tpu.memory_space<vmem_shared>>)
      tpu.yield
    }) : () -> ()
    %broadcast_in_dim3A_163 = arith.constant 256 : i32
    %broadcast_in_dim3A_164 = vector.broadcast %broadcast_in_dim3A_163 : i32 to vector<16xi32>
    %add3A_165 = arith.addi %iota3A, %broadcast_in_dim3A_164 : vector<16xi32>
    %swap3A_166 = arith.constant 0 : index
    %swap3A_167 = tpu.vector_load %arg15[%swap3A_166] {strides = array<i32>} : memref<128xi32, #tpu.memory_space<vmem>>, vector<16xi32>,
    tpu.vector_store %arg15[%swap3A_166], %add3A_165 {strides = array<i32>} : memref<128xi32, #tpu.memory_space<vmem>>, vector<16xi32>,
    %broadcast_in_dim3A_168 = arith.constant 272 : i32
    %broadcast_in_dim3A_169 = vector.broadcast %broadcast_in_dim3A_168 : i32 to vector<16xi32>
    %add3A_170 = arith.addi %iota3A, %broadcast_in_dim3A_169 : vector<16xi32>
    %swap3A_171 = arith.constant 16 : index
    %swap3A_172 = tpu.vector_load %arg15[%swap3A_171] {strides = array<i32>} : memref<128xi32, #tpu.memory_space<vmem>>, vector<16xi32>,
    tpu.vector_store %arg15[%swap3A_171], %add3A_170 {strides = array<i32>} : memref<128xi32, #tpu.memory_space<vmem>>, vector<16xi32>,
    %broadcast_in_dim3A_173 = arith.constant 288 : i32
    %broadcast_in_dim3A_174 = vector.broadcast %broadcast_in_dim3A_173 : i32 to vector<16xi32>
    %add3A_175 = arith.addi %iota3A, %broadcast_in_dim3A_174 : vector<16xi32>
    %swap3A_176 = arith.constant 32 : index
    %swap3A_177 = tpu.vector_load %arg15[%swap3A_176] {strides = array<i32>} : memref<128xi32, #tpu.memory_space<vmem>>, vector<16xi32>,
    tpu.vector_store %arg15[%swap3A_176], %add3A_175 {strides = array<i32>} : memref<128xi32, #tpu.memory_space<vmem>>, vector<16xi32>,
    %broadcast_in_dim3A_178 = arith.constant 304 : i32
    %broadcast_in_dim3A_179 = vector.broadcast %broadcast_in_dim3A_178 : i32 to vector<16xi32>
    %add3A_180 = arith.addi %iota3A, %broadcast_in_dim3A_179 : vector<16xi32>
    %swap3A_181 = arith.constant 48 : index
    %swap3A_182 = tpu.vector_load %arg15[%swap3A_181] {strides = array<i32>} : memref<128xi32, #tpu.memory_space<vmem>>, vector<16xi32>,
    tpu.vector_store %arg15[%swap3A_181], %add3A_180 {strides = array<i32>} : memref<128xi32, #tpu.memory_space<vmem>>, vector<16xi32>,
    %broadcast_in_dim3A_183 = arith.constant 320 : i32
    %broadcast_in_dim3A_184 = vector.broadcast %broadcast_in_dim3A_183 : i32 to vector<16xi32>
    %add3A_185 = arith.addi %iota3A, %broadcast_in_dim3A_184 : vector<16xi32>
    %swap3A_186 = arith.constant 64 : index
    %swap3A_187 = tpu.vector_load %arg15[%swap3A_186] {strides = array<i32>} : memref<128xi32, #tpu.memory_space<vmem>>, vector<16xi32>,
    tpu.vector_store %arg15[%swap3A_186], %add3A_185 {strides = array<i32>} : memref<128xi32, #tpu.memory_space<vmem>>, vector<16xi32>,
    %broadcast_in_dim3A_188 = arith.constant 336 : i32
    %broadcast_in_dim3A_189 = vector.broadcast %broadcast_in_dim3A_188 : i32 to vector<16xi32>
    %add3A_190 = arith.addi %iota3A, %broadcast_in_dim3A_189 : vector<16xi32>
    %swap3A_191 = arith.constant 80 : index
    %swap3A_192 = tpu.vector_load %arg15[%swap3A_191] {strides = array<i32>} : memref<128xi32, #tpu.memory_space<vmem>>, vector<16xi32>,
    tpu.vector_store %arg15[%swap3A_191], %add3A_190 {strides = array<i32>} : memref<128xi32, #tpu.memory_space<vmem>>, vector<16xi32>,
    %broadcast_in_dim3A_193 = arith.constant 352 : i32
    %broadcast_in_dim3A_194 = vector.broadcast %broadcast_in_dim3A_193 : i32 to vector<16xi32>
    %add3A_195 = arith.addi %iota3A, %broadcast_in_dim3A_194 : vector<16xi32>
    %swap3A_196 = arith.constant 96 : index
    %swap3A_197 = tpu.vector_load %arg15[%swap3A_196] {strides = array<i32>} : memref<128xi32, #tpu.memory_space<vmem>>, vector<16xi32>,
    tpu.vector_store %arg15[%swap3A_196], %add3A_195 {strides = array<i32>} : memref<128xi32, #tpu.memory_space<vmem>>, vector<16xi32>,
    %broadcast_in_dim3A_198 = arith.constant 368 : i32
    %broadcast_in_dim3A_199 = vector.broadcast %broadcast_in_dim3A_198 : i32 to vector<16xi32>
    %add3A_200 = arith.addi %iota3A, %broadcast_in_dim3A_199 : vector<16xi32>
    %swap3A_201 = arith.constant 112 : index
    %swap3A_202 = tpu.vector_load %arg15[%swap3A_201] {strides = array<i32>} : memref<128xi32, #tpu.memory_space<vmem>>, vector<16xi32>,
    tpu.vector_store %arg15[%swap3A_201], %add3A_200 {strides = array<i32>} : memref<128xi32, #tpu.memory_space<vmem>>, vector<16xi32>,
    "tpu.region"() ({
      %run_scoped3A = tpu.sem_alloc : memref<!tpu.dma_semaphore, #tpu.memory_space<semaphore_mem>>
      %dma_start3A = arith.constant 256 : i32
      %dma_start3A_420 = arith.constant 0 : i32
      %dma_start3A_421 = tpu.memref_slice %arg14[%dma_start3A, %dma_start3A_420] : memref<384x128xf32, #tpu.memory_space<vmem>> -> memref<128x128xf32, #tpu.memory_space<vmem>>
      %dma_start3A_422 = arith.constant 0 : i32
      %dma_start3A_423 = arith.constant 0 : i32
      %dma_start3A_424 = tpu.memref_slice %arg17[%dma_start3A_422, %dma_start3A_423] : memref<384x128xf32, #tpu.memory_space<vmem_shared>> -> memref<384x128xf32, #tpu.memory_space<vmem_shared>>
      tpu.enqueue_indirect_dma source(%dma_start3A_421 : memref<128x128xf32, #tpu.memory_space<vmem>>) target(%dma_start3A_424 : memref<384x128xf32, #tpu.memory_space<vmem_shared>>) offsets(%arg15 : memref<128xi32, #tpu.memory_space<vmem>>) semaphore(%run_scoped3A : memref<!tpu.dma_semaphore, #tpu.memory_space<semaphore_mem>>) {add = true}
      %dma_wait3A = arith.constant 256 : i32
      %dma_wait3A_425 = arith.constant 0 : i32
      %dma_wait3A_426 = tpu.memref_slice %arg14[%dma_wait3A, %dma_wait3A_425] : memref<384x128xf32, #tpu.memory_space<vmem>> -> memref<128x128xf32, #tpu.memory_space<vmem>>
      %dma_wait3A_427 = arith.constant 0 : i32
      %dma_wait3A_428 = arith.constant 0 : i32
      %dma_wait3A_429 = tpu.memref_slice %arg17[%dma_wait3A_427, %dma_wait3A_428] : memref<384x128xf32, #tpu.memory_space<vmem_shared>> -> memref<384x128xf32, #tpu.memory_space<vmem_shared>>
      tpu.wait_indirect_dma semaphore(%run_scoped3A : memref<!tpu.dma_semaphore, #tpu.memory_space<semaphore_mem>>) src(%dma_wait3A_426 : memref<128x128xf32, #tpu.memory_space<vmem>>) dst(%dma_wait3A_429 : memref<384x128xf32, #tpu.memory_space<vmem_shared>>)
      tpu.yield
    }) : () -> ()
    %barrier3A_203 = arith.constant 0 : index
    tpu.barrier barrier_id(%barrier3A_203)
    %mul3A_204 = arith.constant 336 : i32
    %mul3A_205 = arith.muli %arg1, %mul3A_204 : i32
    %mul3A_206 = arith.constant 336 : i32
    %mul3A_207 = arith.muli %arg1, %mul3A_206 : i32
    "tpu.region"() ({
      %run_scoped3A = tpu.sem_alloc : memref<!tpu.dma_semaphore, #tpu.memory_space<semaphore_mem>>
      %dma_start3A = arith.constant 0 : i32
      %dma_start3A_420 = tpu.memref_slice %arg6[%arg0, %mul3A_207, %dma_start3A] : memref<2x5376x128xf32, #tpu.memory_space<hbm>> -> memref<1x336x128xf32, #tpu.memory_space<hbm>>
      %dma_start3A_421 = tpu.memref_squeeze %dma_start3A_420 : memref<1x336x128xf32, #tpu.memory_space<hbm>> -> memref<336x128xf32, #tpu.memory_space<hbm>>
      %dma_start3A_422 = arith.constant 0 : i32
      %dma_start3A_423 = tpu.memref_slice %arg16[%mul3A_205, %dma_start3A_422] : memref<5376x128xf32, #tpu.memory_space<vmem_shared>> -> memref<336x128xf32, #tpu.memory_space<vmem_shared>>
      tpu.enqueue_dma source(%dma_start3A_423 : memref<336x128xf32, #tpu.memory_space<vmem_shared>>) target(%dma_start3A_421 : memref<336x128xf32, #tpu.memory_space<hbm>>) target_semaphore(%run_scoped3A : memref<!tpu.dma_semaphore, #tpu.memory_space<semaphore_mem>>)
      %dma_wait3A = arith.constant 0 : i32
      %dma_wait3A_424 = tpu.memref_slice %arg6[%arg0, %mul3A_207, %dma_wait3A] : memref<2x5376x128xf32, #tpu.memory_space<hbm>> -> memref<1x336x128xf32, #tpu.memory_space<hbm>>
      %dma_wait3A_425 = tpu.memref_squeeze %dma_wait3A_424 : memref<1x336x128xf32, #tpu.memory_space<hbm>> -> memref<336x128xf32, #tpu.memory_space<hbm>>
      %dma_wait3A_426 = arith.constant 0 : i32
      %dma_wait3A_427 = tpu.memref_slice %arg16[%mul3A_205, %dma_wait3A_426] : memref<5376x128xf32, #tpu.memory_space<vmem_shared>> -> memref<336x128xf32, #tpu.memory_space<vmem_shared>>
      tpu.wait_dma2 semaphore(%run_scoped3A : memref<!tpu.dma_semaphore, #tpu.memory_space<semaphore_mem>>) src(%dma_wait3A_427 : memref<336x128xf32, #tpu.memory_space<vmem_shared>>) dst(%dma_wait3A_425 : memref<336x128xf32, #tpu.memory_space<hbm>>)
      tpu.yield
    }) : () -> ()
    %mul3A_208 = arith.constant 21 : i32
    %mul3A_209 = arith.muli %arg1, %mul3A_208 : i32
    "tpu.region"() ({
      %run_scoped3A = tpu.sem_alloc : memref<!tpu.dma_semaphore, #tpu.memory_space<semaphore_mem>>
      %dma_start3A = arith.constant 0 : i32
      %dma_start3A_420 = arith.constant 0 : i32
      %dma_start3A_421 = tpu.memref_slice %arg11[%dma_start3A, %dma_start3A_420] : memref<64x128xf32, #tpu.memory_space<vmem>> -> memref<21x128xf32, #tpu.memory_space<vmem>>
      %dma_start3A_422 = arith.constant 0 : i32
      %dma_start3A_423 = tpu.memref_slice %arg17[%mul3A_209, %dma_start3A_422] : memref<384x128xf32, #tpu.memory_space<vmem_shared>> -> memref<21x128xf32, #tpu.memory_space<vmem_shared>>
      %dma_start3A_424 = arith.constant 0 : i32
      %dma_start3A_425 = arith.constant 0 : i32
      %dma_start3A_426 = tpu.memref_slice %arg11[%dma_start3A_424, %dma_start3A_425] : memref<64x128xf32, #tpu.memory_space<vmem>> -> memref<21x128xf32, #tpu.memory_space<vmem>>
      %dma_start3A_427 = arith.constant 0 : i32
      %dma_start3A_428 = tpu.memref_slice %arg17[%mul3A_209, %dma_start3A_427] : memref<384x128xf32, #tpu.memory_space<vmem_shared>> -> memref<21x128xf32, #tpu.memory_space<vmem_shared>>
      tpu.enqueue_dma source(%dma_start3A_428 : memref<21x128xf32, #tpu.memory_space<vmem_shared>>) target(%dma_start3A_426 : memref<21x128xf32, #tpu.memory_space<vmem>>) target_semaphore(%run_scoped3A : memref<!tpu.dma_semaphore, #tpu.memory_space<semaphore_mem>>)
      %dma_wait3A = arith.constant 0 : i32
      %dma_wait3A_429 = arith.constant 0 : i32
      %dma_wait3A_430 = tpu.memref_slice %arg11[%dma_wait3A, %dma_wait3A_429] : memref<64x128xf32, #tpu.memory_space<vmem>> -> memref<21x128xf32, #tpu.memory_space<vmem>>
      %dma_wait3A_431 = arith.constant 0 : i32
      %dma_wait3A_432 = tpu.memref_slice %arg17[%mul3A_209, %dma_wait3A_431] : memref<384x128xf32, #tpu.memory_space<vmem_shared>> -> memref<21x128xf32, #tpu.memory_space<vmem_shared>>
      %dma_wait3A_433 = arith.constant 0 : i32
      %dma_wait3A_434 = arith.constant 0 : i32
      %dma_wait3A_435 = tpu.memref_slice %arg11[%dma_wait3A_433, %dma_wait3A_434] : memref<64x128xf32, #tpu.memory_space<vmem>> -> memref<21x128xf32, #tpu.memory_space<vmem>>
      %dma_wait3A_436 = arith.constant 0 : i32
      %dma_wait3A_437 = tpu.memref_slice %arg17[%mul3A_209, %dma_wait3A_436] : memref<384x128xf32, #tpu.memory_space<vmem_shared>> -> memref<21x128xf32, #tpu.memory_space<vmem_shared>>
      tpu.wait_dma2 semaphore(%run_scoped3A : memref<!tpu.dma_semaphore, #tpu.memory_space<semaphore_mem>>) src(%dma_wait3A_437 : memref<21x128xf32, #tpu.memory_space<vmem_shared>>) dst(%dma_wait3A_435 : memref<21x128xf32, #tpu.memory_space<vmem>>)
      tpu.yield
    }) : () -> ()
    %scan3A_210 = arith.constant 0 : i32
    %scan3A_211 = arith.constant 0 : i32
    %scan3A_212 = arith.constant 16 : i32
    %scan3A_213 = arith.addi %scan3A_211, %scan3A_212 : i32
    %scan3A_214 = arith.constant 1 : i32
    scf.for %scan3A_420 = %scan3A_211 to %scan3A_213 step %scan3A_214  : i32 {
      %shift_right_logical3A = arith.constant 4 : i32
      %shift_right_logical3A_421 = arith.shrui %scan3A_420, %shift_right_logical3A : i32
      %and3A = arith.constant 15 : i32
      %and3A_422 = arith.andi %scan3A_420, %and3A : i32
      %mul3A_423 = arith.constant 8 : i32
      %mul3A_424 = arith.muli %and3A_422, %mul3A_423 : i32
      %broadcast_in_dim3A_425 = vector.broadcast %shift_right_logical3A_421 : i32 to vector<16xi32>
      %and3A_426 = arith.constant 15 : i32
      %and3A_427 = arith.andi %scan3A_420, %and3A_426 : i32
      %add3A_428 = arith.constant 0 : i32
      %add3A_429 = arith.addi %mul3A_424, %add3A_428 : i32
      %broadcast_in_dim3A_430 = vector.broadcast %add3A_429 : i32 to vector<16xi32>
      %gather3A = tpu.vector_load_idx %arg11[%broadcast_in_dim3A_425, %broadcast_in_dim3A_430] : memref<64x128xf32, #tpu.memory_space<vmem>>[vector<16xi32>, vector<16xi32>], vector<16xf32>,
      %swap3A_431 = arith.index_cast %and3A_427 : i32 to index
      %swap3A_432 = arith.constant 0 : index
      %swap3A_433 = tpu.vector_load %arg13[%swap3A_431, %swap3A_432] {strides = array<i32>} : memref<64x128xf32, #tpu.memory_space<vmem>>, vector<16xf32>,
      tpu.vector_store %arg13[%swap3A_431, %swap3A_432], %gather3A {strides = array<i32>} : memref<64x128xf32, #tpu.memory_space<vmem>>, vector<16xf32>,
      %add3A_434 = arith.constant 1 : i32
      %add3A_435 = arith.addi %mul3A_424, %add3A_434 : i32
      %broadcast_in_dim3A_436 = vector.broadcast %add3A_435 : i32 to vector<16xi32>
      %gather3A_437 = tpu.vector_load_idx %arg11[%broadcast_in_dim3A_425, %broadcast_in_dim3A_436] : memref<64x128xf32, #tpu.memory_space<vmem>>[vector<16xi32>, vector<16xi32>], vector<16xf32>,
      %swap3A_438 = arith.index_cast %and3A_427 : i32 to index
      %swap3A_439 = arith.constant 16 : index
      %swap3A_440 = tpu.vector_load %arg13[%swap3A_438, %swap3A_439] {strides = array<i32>} : memref<64x128xf32, #tpu.memory_space<vmem>>, vector<16xf32>,
      tpu.vector_store %arg13[%swap3A_438, %swap3A_439], %gather3A_437 {strides = array<i32>} : memref<64x128xf32, #tpu.memory_space<vmem>>, vector<16xf32>,
      %add3A_441 = arith.constant 2 : i32
      %add3A_442 = arith.addi %mul3A_424, %add3A_441 : i32
      %broadcast_in_dim3A_443 = vector.broadcast %add3A_442 : i32 to vector<16xi32>
      %gather3A_444 = tpu.vector_load_idx %arg11[%broadcast_in_dim3A_425, %broadcast_in_dim3A_443] : memref<64x128xf32, #tpu.memory_space<vmem>>[vector<16xi32>, vector<16xi32>], vector<16xf32>,
      %swap3A_445 = arith.index_cast %and3A_427 : i32 to index
      %swap3A_446 = arith.constant 32 : index
      %swap3A_447 = tpu.vector_load %arg13[%swap3A_445, %swap3A_446] {strides = array<i32>} : memref<64x128xf32, #tpu.memory_space<vmem>>, vector<16xf32>,
      tpu.vector_store %arg13[%swap3A_445, %swap3A_446], %gather3A_444 {strides = array<i32>} : memref<64x128xf32, #tpu.memory_space<vmem>>, vector<16xf32>,
      %add3A_448 = arith.constant 3 : i32
      %add3A_449 = arith.addi %mul3A_424, %add3A_448 : i32
      %broadcast_in_dim3A_450 = vector.broadcast %add3A_449 : i32 to vector<16xi32>
      %gather3A_451 = tpu.vector_load_idx %arg11[%broadcast_in_dim3A_425, %broadcast_in_dim3A_450] : memref<64x128xf32, #tpu.memory_space<vmem>>[vector<16xi32>, vector<16xi32>], vector<16xf32>,
      %swap3A_452 = arith.index_cast %and3A_427 : i32 to index
      %swap3A_453 = arith.constant 48 : index
      %swap3A_454 = tpu.vector_load %arg13[%swap3A_452, %swap3A_453] {strides = array<i32>} : memref<64x128xf32, #tpu.memory_space<vmem>>, vector<16xf32>,
      tpu.vector_store %arg13[%swap3A_452, %swap3A_453], %gather3A_451 {strides = array<i32>} : memref<64x128xf32, #tpu.memory_space<vmem>>, vector<16xf32>,
      %add3A_455 = arith.constant 4 : i32
      %add3A_456 = arith.addi %mul3A_424, %add3A_455 : i32
      %broadcast_in_dim3A_457 = vector.broadcast %add3A_456 : i32 to vector<16xi32>
      %gather3A_458 = tpu.vector_load_idx %arg11[%broadcast_in_dim3A_425, %broadcast_in_dim3A_457] : memref<64x128xf32, #tpu.memory_space<vmem>>[vector<16xi32>, vector<16xi32>], vector<16xf32>,
      %swap3A_459 = arith.index_cast %and3A_427 : i32 to index
      %swap3A_460 = arith.constant 64 : index
      %swap3A_461 = tpu.vector_load %arg13[%swap3A_459, %swap3A_460] {strides = array<i32>} : memref<64x128xf32, #tpu.memory_space<vmem>>, vector<16xf32>,
      tpu.vector_store %arg13[%swap3A_459, %swap3A_460], %gather3A_458 {strides = array<i32>} : memref<64x128xf32, #tpu.memory_space<vmem>>, vector<16xf32>,
      %add3A_462 = arith.constant 5 : i32
      %add3A_463 = arith.addi %mul3A_424, %add3A_462 : i32
      %broadcast_in_dim3A_464 = vector.broadcast %add3A_463 : i32 to vector<16xi32>
      %gather3A_465 = tpu.vector_load_idx %arg11[%broadcast_in_dim3A_425, %broadcast_in_dim3A_464] : memref<64x128xf32, #tpu.memory_space<vmem>>[vector<16xi32>, vector<16xi32>], vector<16xf32>,
      %swap3A_466 = arith.index_cast %and3A_427 : i32 to index
      %swap3A_467 = arith.constant 80 : index
      %swap3A_468 = tpu.vector_load %arg13[%swap3A_466, %swap3A_467] {strides = array<i32>} : memref<64x128xf32, #tpu.memory_space<vmem>>, vector<16xf32>,
      tpu.vector_store %arg13[%swap3A_466, %swap3A_467], %gather3A_465 {strides = array<i32>} : memref<64x128xf32, #tpu.memory_space<vmem>>, vector<16xf32>,
      %add3A_469 = arith.constant 6 : i32
      %add3A_470 = arith.addi %mul3A_424, %add3A_469 : i32
      %broadcast_in_dim3A_471 = vector.broadcast %add3A_470 : i32 to vector<16xi32>
      %gather3A_472 = tpu.vector_load_idx %arg11[%broadcast_in_dim3A_425, %broadcast_in_dim3A_471] : memref<64x128xf32, #tpu.memory_space<vmem>>[vector<16xi32>, vector<16xi32>], vector<16xf32>,
      %swap3A_473 = arith.index_cast %and3A_427 : i32 to index
      %swap3A_474 = arith.constant 96 : index
      %swap3A_475 = tpu.vector_load %arg13[%swap3A_473, %swap3A_474] {strides = array<i32>} : memref<64x128xf32, #tpu.memory_space<vmem>>, vector<16xf32>,
      tpu.vector_store %arg13[%swap3A_473, %swap3A_474], %gather3A_472 {strides = array<i32>} : memref<64x128xf32, #tpu.memory_space<vmem>>, vector<16xf32>,
      %add3A_476 = arith.constant 7 : i32
      %add3A_477 = arith.addi %mul3A_424, %add3A_476 : i32
      %broadcast_in_dim3A_478 = vector.broadcast %add3A_477 : i32 to vector<16xi32>
      %gather3A_479 = tpu.vector_load_idx %arg11[%broadcast_in_dim3A_425, %broadcast_in_dim3A_478] : memref<64x128xf32, #tpu.memory_space<vmem>>[vector<16xi32>, vector<16xi32>], vector<16xf32>,
      %swap3A_480 = arith.index_cast %and3A_427 : i32 to index
      %swap3A_481 = arith.constant 112 : index
      %swap3A_482 = tpu.vector_load %arg13[%swap3A_480, %swap3A_481] {strides = array<i32>} : memref<64x128xf32, #tpu.memory_space<vmem>>, vector<16xf32>,
      tpu.vector_store %arg13[%swap3A_480, %swap3A_481], %gather3A_479 {strides = array<i32>} : memref<64x128xf32, #tpu.memory_space<vmem>>, vector<16xf32>,
    }
    %scan3A_215 = arith.constant 16 : i32
    %mul3A_216 = arith.constant 336 : i32
    %mul3A_217 = arith.muli %arg1, %mul3A_216 : i32
    %add3A_218 = arith.constant 0 : i32
    %add3A_219 = arith.addi %mul3A_217, %add3A_218 : i32
    "tpu.region"() ({
      %run_scoped3A = tpu.sem_alloc : memref<!tpu.dma_semaphore, #tpu.memory_space<semaphore_mem>>
      %dma_start3A = arith.constant 0 : i32
      %dma_start3A_420 = arith.constant 0 : i32
      %dma_start3A_421 = tpu.memref_slice %arg13[%dma_start3A, %dma_start3A_420] : memref<64x128xf32, #tpu.memory_space<vmem>> -> memref<16x128xf32, #tpu.memory_space<vmem>>
      %dma_start3A_422 = arith.constant 0 : i32
      %dma_start3A_423 = tpu.memref_slice %arg7[%arg0, %add3A_219, %dma_start3A_422] : memref<2x5376x128xf32, #tpu.memory_space<hbm>> -> memref<1x16x128xf32, #tpu.memory_space<hbm>>
      %dma_start3A_424 = tpu.memref_squeeze %dma_start3A_423 : memref<1x16x128xf32, #tpu.memory_space<hbm>> -> memref<16x128xf32, #tpu.memory_space<hbm>>
      %dma_start3A_425 = arith.constant 0 : i32
      %dma_start3A_426 = tpu.memref_slice %arg7[%arg0, %add3A_219, %dma_start3A_425] : memref<2x5376x128xf32, #tpu.memory_space<hbm>> -> memref<1x16x128xf32, #tpu.memory_space<hbm>>
      %dma_start3A_427 = tpu.memref_squeeze %dma_start3A_426 : memref<1x16x128xf32, #tpu.memory_space<hbm>> -> memref<16x128xf32, #tpu.memory_space<hbm>>
      %dma_start3A_428 = arith.constant 0 : i32
      %dma_start3A_429 = arith.constant 0 : i32
      %dma_start3A_430 = tpu.memref_slice %arg13[%dma_start3A_428, %dma_start3A_429] : memref<64x128xf32, #tpu.memory_space<vmem>> -> memref<16x128xf32, #tpu.memory_space<vmem>>
      tpu.enqueue_dma source(%dma_start3A_430 : memref<16x128xf32, #tpu.memory_space<vmem>>) target(%dma_start3A_427 : memref<16x128xf32, #tpu.memory_space<hbm>>) target_semaphore(%run_scoped3A : memref<!tpu.dma_semaphore, #tpu.memory_space<semaphore_mem>>)
      %dma_wait3A = arith.constant 0 : i32
      %dma_wait3A_431 = arith.constant 0 : i32
      %dma_wait3A_432 = tpu.memref_slice %arg13[%dma_wait3A, %dma_wait3A_431] : memref<64x128xf32, #tpu.memory_space<vmem>> -> memref<16x128xf32, #tpu.memory_space<vmem>>
      %dma_wait3A_433 = arith.constant 0 : i32
      %dma_wait3A_434 = tpu.memref_slice %arg7[%arg0, %add3A_219, %dma_wait3A_433] : memref<2x5376x128xf32, #tpu.memory_space<hbm>> -> memref<1x16x128xf32, #tpu.memory_space<hbm>>
      %dma_wait3A_435 = tpu.memref_squeeze %dma_wait3A_434 : memref<1x16x128xf32, #tpu.memory_space<hbm>> -> memref<16x128xf32, #tpu.memory_space<hbm>>
      %dma_wait3A_436 = arith.constant 0 : i32
      %dma_wait3A_437 = tpu.memref_slice %arg7[%arg0, %add3A_219, %dma_wait3A_436] : memref<2x5376x128xf32, #tpu.memory_space<hbm>> -> memref<1x16x128xf32, #tpu.memory_space<hbm>>
      %dma_wait3A_438 = tpu.memref_squeeze %dma_wait3A_437 : memref<1x16x128xf32, #tpu.memory_space<hbm>> -> memref<16x128xf32, #tpu.memory_space<hbm>>
      %dma_wait3A_439 = arith.constant 0 : i32
      %dma_wait3A_440 = arith.constant 0 : i32
      %dma_wait3A_441 = tpu.memref_slice %arg13[%dma_wait3A_439, %dma_wait3A_440] : memref<64x128xf32, #tpu.memory_space<vmem>> -> memref<16x128xf32, #tpu.memory_space<vmem>>
      tpu.wait_dma2 semaphore(%run_scoped3A : memref<!tpu.dma_semaphore, #tpu.memory_space<semaphore_mem>>) src(%dma_wait3A_441 : memref<16x128xf32, #tpu.memory_space<vmem>>) dst(%dma_wait3A_438 : memref<16x128xf32, #tpu.memory_space<hbm>>)
      tpu.yield
    }) : () -> ()
    %scan3A_220 = arith.constant 0 : i32
    %scan3A_221 = arith.constant 16 : i32
    %scan3A_222 = arith.constant 16 : i32
    %scan3A_223 = arith.addi %scan3A_221, %scan3A_222 : i32
    %scan3A_224 = arith.constant 1 : i32
    scf.for %scan3A_420 = %scan3A_221 to %scan3A_223 step %scan3A_224  : i32 {
      %shift_right_logical3A = arith.constant 4 : i32
      %shift_right_logical3A_421 = arith.shrui %scan3A_420, %shift_right_logical3A : i32
      %and3A = arith.constant 15 : i32
      %and3A_422 = arith.andi %scan3A_420, %and3A : i32
      %mul3A_423 = arith.constant 8 : i32
      %mul3A_424 = arith.muli %and3A_422, %mul3A_423 : i32
      %broadcast_in_dim3A_425 = vector.broadcast %shift_right_logical3A_421 : i32 to vector<16xi32>
      %and3A_426 = arith.constant 15 : i32
      %and3A_427 = arith.andi %scan3A_420, %and3A_426 : i32
      %add3A_428 = arith.constant 0 : i32
      %add3A_429 = arith.addi %mul3A_424, %add3A_428 : i32
      %broadcast_in_dim3A_430 = vector.broadcast %add3A_429 : i32 to vector<16xi32>
      %gather3A = tpu.vector_load_idx %arg11[%broadcast_in_dim3A_425, %broadcast_in_dim3A_430] : memref<64x128xf32, #tpu.memory_space<vmem>>[vector<16xi32>, vector<16xi32>], vector<16xf32>,
      %swap3A_431 = arith.index_cast %and3A_427 : i32 to index
      %swap3A_432 = arith.constant 0 : index
      %swap3A_433 = tpu.vector_load %arg13[%swap3A_431, %swap3A_432] {strides = array<i32>} : memref<64x128xf32, #tpu.memory_space<vmem>>, vector<16xf32>,
      tpu.vector_store %arg13[%swap3A_431, %swap3A_432], %gather3A {strides = array<i32>} : memref<64x128xf32, #tpu.memory_space<vmem>>, vector<16xf32>,
      %add3A_434 = arith.constant 1 : i32
      %add3A_435 = arith.addi %mul3A_424, %add3A_434 : i32
      %broadcast_in_dim3A_436 = vector.broadcast %add3A_435 : i32 to vector<16xi32>
      %gather3A_437 = tpu.vector_load_idx %arg11[%broadcast_in_dim3A_425, %broadcast_in_dim3A_436] : memref<64x128xf32, #tpu.memory_space<vmem>>[vector<16xi32>, vector<16xi32>], vector<16xf32>,
      %swap3A_438 = arith.index_cast %and3A_427 : i32 to index
      %swap3A_439 = arith.constant 16 : index
      %swap3A_440 = tpu.vector_load %arg13[%swap3A_438, %swap3A_439] {strides = array<i32>} : memref<64x128xf32, #tpu.memory_space<vmem>>, vector<16xf32>,
      tpu.vector_store %arg13[%swap3A_438, %swap3A_439], %gather3A_437 {strides = array<i32>} : memref<64x128xf32, #tpu.memory_space<vmem>>, vector<16xf32>,
      %add3A_441 = arith.constant 2 : i32
      %add3A_442 = arith.addi %mul3A_424, %add3A_441 : i32
      %broadcast_in_dim3A_443 = vector.broadcast %add3A_442 : i32 to vector<16xi32>
      %gather3A_444 = tpu.vector_load_idx %arg11[%broadcast_in_dim3A_425, %broadcast_in_dim3A_443] : memref<64x128xf32, #tpu.memory_space<vmem>>[vector<16xi32>, vector<16xi32>], vector<16xf32>,
      %swap3A_445 = arith.index_cast %and3A_427 : i32 to index
      %swap3A_446 = arith.constant 32 : index
      %swap3A_447 = tpu.vector_load %arg13[%swap3A_445, %swap3A_446] {strides = array<i32>} : memref<64x128xf32, #tpu.memory_space<vmem>>, vector<16xf32>,
      tpu.vector_store %arg13[%swap3A_445, %swap3A_446], %gather3A_444 {strides = array<i32>} : memref<64x128xf32, #tpu.memory_space<vmem>>, vector<16xf32>,
      %add3A_448 = arith.constant 3 : i32
      %add3A_449 = arith.addi %mul3A_424, %add3A_448 : i32
      %broadcast_in_dim3A_450 = vector.broadcast %add3A_449 : i32 to vector<16xi32>
      %gather3A_451 = tpu.vector_load_idx %arg11[%broadcast_in_dim3A_425, %broadcast_in_dim3A_450] : memref<64x128xf32, #tpu.memory_space<vmem>>[vector<16xi32>, vector<16xi32>], vector<16xf32>,
      %swap3A_452 = arith.index_cast %and3A_427 : i32 to index
      %swap3A_453 = arith.constant 48 : index
      %swap3A_454 = tpu.vector_load %arg13[%swap3A_452, %swap3A_453] {strides = array<i32>} : memref<64x128xf32, #tpu.memory_space<vmem>>, vector<16xf32>,
      tpu.vector_store %arg13[%swap3A_452, %swap3A_453], %gather3A_451 {strides = array<i32>} : memref<64x128xf32, #tpu.memory_space<vmem>>, vector<16xf32>,
      %add3A_455 = arith.constant 4 : i32
      %add3A_456 = arith.addi %mul3A_424, %add3A_455 : i32
      %broadcast_in_dim3A_457 = vector.broadcast %add3A_456 : i32 to vector<16xi32>
      %gather3A_458 = tpu.vector_load_idx %arg11[%broadcast_in_dim3A_425, %broadcast_in_dim3A_457] : memref<64x128xf32, #tpu.memory_space<vmem>>[vector<16xi32>, vector<16xi32>], vector<16xf32>,
      %swap3A_459 = arith.index_cast %and3A_427 : i32 to index
      %swap3A_460 = arith.constant 64 : index
      %swap3A_461 = tpu.vector_load %arg13[%swap3A_459, %swap3A_460] {strides = array<i32>} : memref<64x128xf32, #tpu.memory_space<vmem>>, vector<16xf32>,
      tpu.vector_store %arg13[%swap3A_459, %swap3A_460], %gather3A_458 {strides = array<i32>} : memref<64x128xf32, #tpu.memory_space<vmem>>, vector<16xf32>,
      %add3A_462 = arith.constant 5 : i32
      %add3A_463 = arith.addi %mul3A_424, %add3A_462 : i32
      %broadcast_in_dim3A_464 = vector.broadcast %add3A_463 : i32 to vector<16xi32>
      %gather3A_465 = tpu.vector_load_idx %arg11[%broadcast_in_dim3A_425, %broadcast_in_dim3A_464] : memref<64x128xf32, #tpu.memory_space<vmem>>[vector<16xi32>, vector<16xi32>], vector<16xf32>,
      %swap3A_466 = arith.index_cast %and3A_427 : i32 to index
      %swap3A_467 = arith.constant 80 : index
      %swap3A_468 = tpu.vector_load %arg13[%swap3A_466, %swap3A_467] {strides = array<i32>} : memref<64x128xf32, #tpu.memory_space<vmem>>, vector<16xf32>,
      tpu.vector_store %arg13[%swap3A_466, %swap3A_467], %gather3A_465 {strides = array<i32>} : memref<64x128xf32, #tpu.memory_space<vmem>>, vector<16xf32>,
      %add3A_469 = arith.constant 6 : i32
      %add3A_470 = arith.addi %mul3A_424, %add3A_469 : i32
      %broadcast_in_dim3A_471 = vector.broadcast %add3A_470 : i32 to vector<16xi32>
      %gather3A_472 = tpu.vector_load_idx %arg11[%broadcast_in_dim3A_425, %broadcast_in_dim3A_471] : memref<64x128xf32, #tpu.memory_space<vmem>>[vector<16xi32>, vector<16xi32>], vector<16xf32>,
      %swap3A_473 = arith.index_cast %and3A_427 : i32 to index
      %swap3A_474 = arith.constant 96 : index
      %swap3A_475 = tpu.vector_load %arg13[%swap3A_473, %swap3A_474] {strides = array<i32>} : memref<64x128xf32, #tpu.memory_space<vmem>>, vector<16xf32>,
      tpu.vector_store %arg13[%swap3A_473, %swap3A_474], %gather3A_472 {strides = array<i32>} : memref<64x128xf32, #tpu.memory_space<vmem>>, vector<16xf32>,
      %add3A_476 = arith.constant 7 : i32
      %add3A_477 = arith.addi %mul3A_424, %add3A_476 : i32
      %broadcast_in_dim3A_478 = vector.broadcast %add3A_477 : i32 to vector<16xi32>
      %gather3A_479 = tpu.vector_load_idx %arg11[%broadcast_in_dim3A_425, %broadcast_in_dim3A_478] : memref<64x128xf32, #tpu.memory_space<vmem>>[vector<16xi32>, vector<16xi32>], vector<16xf32>,
      %swap3A_480 = arith.index_cast %and3A_427 : i32 to index
      %swap3A_481 = arith.constant 112 : index
      %swap3A_482 = tpu.vector_load %arg13[%swap3A_480, %swap3A_481] {strides = array<i32>} : memref<64x128xf32, #tpu.memory_space<vmem>>, vector<16xf32>,
      tpu.vector_store %arg13[%swap3A_480, %swap3A_481], %gather3A_479 {strides = array<i32>} : memref<64x128xf32, #tpu.memory_space<vmem>>, vector<16xf32>,
    }
    %scan3A_225 = arith.constant 16 : i32
    %mul3A_226 = arith.constant 336 : i32
    %mul3A_227 = arith.muli %arg1, %mul3A_226 : i32
    %add3A_228 = arith.constant 16 : i32
    %add3A_229 = arith.addi %mul3A_227, %add3A_228 : i32
    "tpu.region"() ({
      %run_scoped3A = tpu.sem_alloc : memref<!tpu.dma_semaphore, #tpu.memory_space<semaphore_mem>>
      %dma_start3A = arith.constant 0 : i32
      %dma_start3A_420 = arith.constant 0 : i32
      %dma_start3A_421 = tpu.memref_slice %arg13[%dma_start3A, %dma_start3A_420] : memref<64x128xf32, #tpu.memory_space<vmem>> -> memref<16x128xf32, #tpu.memory_space<vmem>>
      %dma_start3A_422 = arith.constant 0 : i32
      %dma_start3A_423 = tpu.memref_slice %arg7[%arg0, %add3A_229, %dma_start3A_422] : memref<2x5376x128xf32, #tpu.memory_space<hbm>> -> memref<1x16x128xf32, #tpu.memory_space<hbm>>
      %dma_start3A_424 = tpu.memref_squeeze %dma_start3A_423 : memref<1x16x128xf32, #tpu.memory_space<hbm>> -> memref<16x128xf32, #tpu.memory_space<hbm>>
      %dma_start3A_425 = arith.constant 0 : i32
      %dma_start3A_426 = tpu.memref_slice %arg7[%arg0, %add3A_229, %dma_start3A_425] : memref<2x5376x128xf32, #tpu.memory_space<hbm>> -> memref<1x16x128xf32, #tpu.memory_space<hbm>>
      %dma_start3A_427 = tpu.memref_squeeze %dma_start3A_426 : memref<1x16x128xf32, #tpu.memory_space<hbm>> -> memref<16x128xf32, #tpu.memory_space<hbm>>
      %dma_start3A_428 = arith.constant 0 : i32
      %dma_start3A_429 = arith.constant 0 : i32
      %dma_start3A_430 = tpu.memref_slice %arg13[%dma_start3A_428, %dma_start3A_429] : memref<64x128xf32, #tpu.memory_space<vmem>> -> memref<16x128xf32, #tpu.memory_space<vmem>>
      tpu.enqueue_dma source(%dma_start3A_430 : memref<16x128xf32, #tpu.memory_space<vmem>>) target(%dma_start3A_427 : memref<16x128xf32, #tpu.memory_space<hbm>>) target_semaphore(%run_scoped3A : memref<!tpu.dma_semaphore, #tpu.memory_space<semaphore_mem>>)
      %dma_wait3A = arith.constant 0 : i32
      %dma_wait3A_431 = arith.constant 0 : i32
      %dma_wait3A_432 = tpu.memref_slice %arg13[%dma_wait3A, %dma_wait3A_431] : memref<64x128xf32, #tpu.memory_space<vmem>> -> memref<16x128xf32, #tpu.memory_space<vmem>>
      %dma_wait3A_433 = arith.constant 0 : i32
      %dma_wait3A_434 = tpu.memref_slice %arg7[%arg0, %add3A_229, %dma_wait3A_433] : memref<2x5376x128xf32, #tpu.memory_space<hbm>> -> memref<1x16x128xf32, #tpu.memory_space<hbm>>
      %dma_wait3A_435 = tpu.memref_squeeze %dma_wait3A_434 : memref<1x16x128xf32, #tpu.memory_space<hbm>> -> memref<16x128xf32, #tpu.memory_space<hbm>>
      %dma_wait3A_436 = arith.constant 0 : i32
      %dma_wait3A_437 = tpu.memref_slice %arg7[%arg0, %add3A_229, %dma_wait3A_436] : memref<2x5376x128xf32, #tpu.memory_space<hbm>> -> memref<1x16x128xf32, #tpu.memory_space<hbm>>
      %dma_wait3A_438 = tpu.memref_squeeze %dma_wait3A_437 : memref<1x16x128xf32, #tpu.memory_space<hbm>> -> memref<16x128xf32, #tpu.memory_space<hbm>>
      %dma_wait3A_439 = arith.constant 0 : i32
      %dma_wait3A_440 = arith.constant 0 : i32
      %dma_wait3A_441 = tpu.memref_slice %arg13[%dma_wait3A_439, %dma_wait3A_440] : memref<64x128xf32, #tpu.memory_space<vmem>> -> memref<16x128xf32, #tpu.memory_space<vmem>>
      tpu.wait_dma2 semaphore(%run_scoped3A : memref<!tpu.dma_semaphore, #tpu.memory_space<semaphore_mem>>) src(%dma_wait3A_441 : memref<16x128xf32, #tpu.memory_space<vmem>>) dst(%dma_wait3A_438 : memref<16x128xf32, #tpu.memory_space<hbm>>)
      tpu.yield
    }) : () -> ()
    %scan3A_230 = arith.constant 0 : i32
    %scan3A_231 = arith.constant 32 : i32
    %scan3A_232 = arith.constant 16 : i32
    %scan3A_233 = arith.addi %scan3A_231, %scan3A_232 : i32
    %scan3A_234 = arith.constant 1 : i32
    scf.for %scan3A_420 = %scan3A_231 to %scan3A_233 step %scan3A_234  : i32 {
      %shift_right_logical3A = arith.constant 4 : i32
      %shift_right_logical3A_421 = arith.shrui %scan3A_420, %shift_right_logical3A : i32
      %and3A = arith.constant 15 : i32
      %and3A_422 = arith.andi %scan3A_420, %and3A : i32
      %mul3A_423 = arith.constant 8 : i32
      %mul3A_424 = arith.muli %and3A_422, %mul3A_423 : i32
      %broadcast_in_dim3A_425 = vector.broadcast %shift_right_logical3A_421 : i32 to vector<16xi32>
      %and3A_426 = arith.constant 15 : i32
      %and3A_427 = arith.andi %scan3A_420, %and3A_426 : i32
      %add3A_428 = arith.constant 0 : i32
      %add3A_429 = arith.addi %mul3A_424, %add3A_428 : i32
      %broadcast_in_dim3A_430 = vector.broadcast %add3A_429 : i32 to vector<16xi32>
      %gather3A = tpu.vector_load_idx %arg11[%broadcast_in_dim3A_425, %broadcast_in_dim3A_430] : memref<64x128xf32, #tpu.memory_space<vmem>>[vector<16xi32>, vector<16xi32>], vector<16xf32>,
      %swap3A_431 = arith.index_cast %and3A_427 : i32 to index
      %swap3A_432 = arith.constant 0 : index
      %swap3A_433 = tpu.vector_load %arg13[%swap3A_431, %swap3A_432] {strides = array<i32>} : memref<64x128xf32, #tpu.memory_space<vmem>>, vector<16xf32>,
      tpu.vector_store %arg13[%swap3A_431, %swap3A_432], %gather3A {strides = array<i32>} : memref<64x128xf32, #tpu.memory_space<vmem>>, vector<16xf32>,
      %add3A_434 = arith.constant 1 : i32
      %add3A_435 = arith.addi %mul3A_424, %add3A_434 : i32
      %broadcast_in_dim3A_436 = vector.broadcast %add3A_435 : i32 to vector<16xi32>
      %gather3A_437 = tpu.vector_load_idx %arg11[%broadcast_in_dim3A_425, %broadcast_in_dim3A_436] : memref<64x128xf32, #tpu.memory_space<vmem>>[vector<16xi32>, vector<16xi32>], vector<16xf32>,
      %swap3A_438 = arith.index_cast %and3A_427 : i32 to index
      %swap3A_439 = arith.constant 16 : index
      %swap3A_440 = tpu.vector_load %arg13[%swap3A_438, %swap3A_439] {strides = array<i32>} : memref<64x128xf32, #tpu.memory_space<vmem>>, vector<16xf32>,
      tpu.vector_store %arg13[%swap3A_438, %swap3A_439], %gather3A_437 {strides = array<i32>} : memref<64x128xf32, #tpu.memory_space<vmem>>, vector<16xf32>,
      %add3A_441 = arith.constant 2 : i32
      %add3A_442 = arith.addi %mul3A_424, %add3A_441 : i32
      %broadcast_in_dim3A_443 = vector.broadcast %add3A_442 : i32 to vector<16xi32>
      %gather3A_444 = tpu.vector_load_idx %arg11[%broadcast_in_dim3A_425, %broadcast_in_dim3A_443] : memref<64x128xf32, #tpu.memory_space<vmem>>[vector<16xi32>, vector<16xi32>], vector<16xf32>,
      %swap3A_445 = arith.index_cast %and3A_427 : i32 to index
      %swap3A_446 = arith.constant 32 : index
      %swap3A_447 = tpu.vector_load %arg13[%swap3A_445, %swap3A_446] {strides = array<i32>} : memref<64x128xf32, #tpu.memory_space<vmem>>, vector<16xf32>,
      tpu.vector_store %arg13[%swap3A_445, %swap3A_446], %gather3A_444 {strides = array<i32>} : memref<64x128xf32, #tpu.memory_space<vmem>>, vector<16xf32>,
      %add3A_448 = arith.constant 3 : i32
      %add3A_449 = arith.addi %mul3A_424, %add3A_448 : i32
      %broadcast_in_dim3A_450 = vector.broadcast %add3A_449 : i32 to vector<16xi32>
      %gather3A_451 = tpu.vector_load_idx %arg11[%broadcast_in_dim3A_425, %broadcast_in_dim3A_450] : memref<64x128xf32, #tpu.memory_space<vmem>>[vector<16xi32>, vector<16xi32>], vector<16xf32>,
      %swap3A_452 = arith.index_cast %and3A_427 : i32 to index
      %swap3A_453 = arith.constant 48 : index
      %swap3A_454 = tpu.vector_load %arg13[%swap3A_452, %swap3A_453] {strides = array<i32>} : memref<64x128xf32, #tpu.memory_space<vmem>>, vector<16xf32>,
      tpu.vector_store %arg13[%swap3A_452, %swap3A_453], %gather3A_451 {strides = array<i32>} : memref<64x128xf32, #tpu.memory_space<vmem>>, vector<16xf32>,
      %add3A_455 = arith.constant 4 : i32
      %add3A_456 = arith.addi %mul3A_424, %add3A_455 : i32
      %broadcast_in_dim3A_457 = vector.broadcast %add3A_456 : i32 to vector<16xi32>
      %gather3A_458 = tpu.vector_load_idx %arg11[%broadcast_in_dim3A_425, %broadcast_in_dim3A_457] : memref<64x128xf32, #tpu.memory_space<vmem>>[vector<16xi32>, vector<16xi32>], vector<16xf32>,
      %swap3A_459 = arith.index_cast %and3A_427 : i32 to index
      %swap3A_460 = arith.constant 64 : index
      %swap3A_461 = tpu.vector_load %arg13[%swap3A_459, %swap3A_460] {strides = array<i32>} : memref<64x128xf32, #tpu.memory_space<vmem>>, vector<16xf32>,
      tpu.vector_store %arg13[%swap3A_459, %swap3A_460], %gather3A_458 {strides = array<i32>} : memref<64x128xf32, #tpu.memory_space<vmem>>, vector<16xf32>,
      %add3A_462 = arith.constant 5 : i32
      %add3A_463 = arith.addi %mul3A_424, %add3A_462 : i32
      %broadcast_in_dim3A_464 = vector.broadcast %add3A_463 : i32 to vector<16xi32>
      %gather3A_465 = tpu.vector_load_idx %arg11[%broadcast_in_dim3A_425, %broadcast_in_dim3A_464] : memref<64x128xf32, #tpu.memory_space<vmem>>[vector<16xi32>, vector<16xi32>], vector<16xf32>,
      %swap3A_466 = arith.index_cast %and3A_427 : i32 to index
      %swap3A_467 = arith.constant 80 : index
      %swap3A_468 = tpu.vector_load %arg13[%swap3A_466, %swap3A_467] {strides = array<i32>} : memref<64x128xf32, #tpu.memory_space<vmem>>, vector<16xf32>,
      tpu.vector_store %arg13[%swap3A_466, %swap3A_467], %gather3A_465 {strides = array<i32>} : memref<64x128xf32, #tpu.memory_space<vmem>>, vector<16xf32>,
      %add3A_469 = arith.constant 6 : i32
      %add3A_470 = arith.addi %mul3A_424, %add3A_469 : i32
      %broadcast_in_dim3A_471 = vector.broadcast %add3A_470 : i32 to vector<16xi32>
      %gather3A_472 = tpu.vector_load_idx %arg11[%broadcast_in_dim3A_425, %broadcast_in_dim3A_471] : memref<64x128xf32, #tpu.memory_space<vmem>>[vector<16xi32>, vector<16xi32>], vector<16xf32>,
      %swap3A_473 = arith.index_cast %and3A_427 : i32 to index
      %swap3A_474 = arith.constant 96 : index
      %swap3A_475 = tpu.vector_load %arg13[%swap3A_473, %swap3A_474] {strides = array<i32>} : memref<64x128xf32, #tpu.memory_space<vmem>>, vector<16xf32>,
      tpu.vector_store %arg13[%swap3A_473, %swap3A_474], %gather3A_472 {strides = array<i32>} : memref<64x128xf32, #tpu.memory_space<vmem>>, vector<16xf32>,
      %add3A_476 = arith.constant 7 : i32
      %add3A_477 = arith.addi %mul3A_424, %add3A_476 : i32
      %broadcast_in_dim3A_478 = vector.broadcast %add3A_477 : i32 to vector<16xi32>
      %gather3A_479 = tpu.vector_load_idx %arg11[%broadcast_in_dim3A_425, %broadcast_in_dim3A_478] : memref<64x128xf32, #tpu.memory_space<vmem>>[vector<16xi32>, vector<16xi32>], vector<16xf32>,
      %swap3A_480 = arith.index_cast %and3A_427 : i32 to index
      %swap3A_481 = arith.constant 112 : index
      %swap3A_482 = tpu.vector_load %arg13[%swap3A_480, %swap3A_481] {strides = array<i32>} : memref<64x128xf32, #tpu.memory_space<vmem>>, vector<16xf32>,
      tpu.vector_store %arg13[%swap3A_480, %swap3A_481], %gather3A_479 {strides = array<i32>} : memref<64x128xf32, #tpu.memory_space<vmem>>, vector<16xf32>,
    }
    %scan3A_235 = arith.constant 16 : i32
    %mul3A_236 = arith.constant 336 : i32
    %mul3A_237 = arith.muli %arg1, %mul3A_236 : i32
    %add3A_238 = arith.constant 32 : i32
    %add3A_239 = arith.addi %mul3A_237, %add3A_238 : i32
    "tpu.region"() ({
      %run_scoped3A = tpu.sem_alloc : memref<!tpu.dma_semaphore, #tpu.memory_space<semaphore_mem>>
      %dma_start3A = arith.constant 0 : i32
      %dma_start3A_420 = arith.constant 0 : i32
      %dma_start3A_421 = tpu.memref_slice %arg13[%dma_start3A, %dma_start3A_420] : memref<64x128xf32, #tpu.memory_space<vmem>> -> memref<16x128xf32, #tpu.memory_space<vmem>>
      %dma_start3A_422 = arith.constant 0 : i32
      %dma_start3A_423 = tpu.memref_slice %arg7[%arg0, %add3A_239, %dma_start3A_422] : memref<2x5376x128xf32, #tpu.memory_space<hbm>> -> memref<1x16x128xf32, #tpu.memory_space<hbm>>
      %dma_start3A_424 = tpu.memref_squeeze %dma_start3A_423 : memref<1x16x128xf32, #tpu.memory_space<hbm>> -> memref<16x128xf32, #tpu.memory_space<hbm>>
      %dma_start3A_425 = arith.constant 0 : i32
      %dma_start3A_426 = tpu.memref_slice %arg7[%arg0, %add3A_239, %dma_start3A_425] : memref<2x5376x128xf32, #tpu.memory_space<hbm>> -> memref<1x16x128xf32, #tpu.memory_space<hbm>>
      %dma_start3A_427 = tpu.memref_squeeze %dma_start3A_426 : memref<1x16x128xf32, #tpu.memory_space<hbm>> -> memref<16x128xf32, #tpu.memory_space<hbm>>
      %dma_start3A_428 = arith.constant 0 : i32
      %dma_start3A_429 = arith.constant 0 : i32
      %dma_start3A_430 = tpu.memref_slice %arg13[%dma_start3A_428, %dma_start3A_429] : memref<64x128xf32, #tpu.memory_space<vmem>> -> memref<16x128xf32, #tpu.memory_space<vmem>>
      tpu.enqueue_dma source(%dma_start3A_430 : memref<16x128xf32, #tpu.memory_space<vmem>>) target(%dma_start3A_427 : memref<16x128xf32, #tpu.memory_space<hbm>>) target_semaphore(%run_scoped3A : memref<!tpu.dma_semaphore, #tpu.memory_space<semaphore_mem>>)
      %dma_wait3A = arith.constant 0 : i32
      %dma_wait3A_431 = arith.constant 0 : i32
      %dma_wait3A_432 = tpu.memref_slice %arg13[%dma_wait3A, %dma_wait3A_431] : memref<64x128xf32, #tpu.memory_space<vmem>> -> memref<16x128xf32, #tpu.memory_space<vmem>>
      %dma_wait3A_433 = arith.constant 0 : i32
      %dma_wait3A_434 = tpu.memref_slice %arg7[%arg0, %add3A_239, %dma_wait3A_433] : memref<2x5376x128xf32, #tpu.memory_space<hbm>> -> memref<1x16x128xf32, #tpu.memory_space<hbm>>
      %dma_wait3A_435 = tpu.memref_squeeze %dma_wait3A_434 : memref<1x16x128xf32, #tpu.memory_space<hbm>> -> memref<16x128xf32, #tpu.memory_space<hbm>>
      %dma_wait3A_436 = arith.constant 0 : i32
      %dma_wait3A_437 = tpu.memref_slice %arg7[%arg0, %add3A_239, %dma_wait3A_436] : memref<2x5376x128xf32, #tpu.memory_space<hbm>> -> memref<1x16x128xf32, #tpu.memory_space<hbm>>
      %dma_wait3A_438 = tpu.memref_squeeze %dma_wait3A_437 : memref<1x16x128xf32, #tpu.memory_space<hbm>> -> memref<16x128xf32, #tpu.memory_space<hbm>>
      %dma_wait3A_439 = arith.constant 0 : i32
      %dma_wait3A_440 = arith.constant 0 : i32
      %dma_wait3A_441 = tpu.memref_slice %arg13[%dma_wait3A_439, %dma_wait3A_440] : memref<64x128xf32, #tpu.memory_space<vmem>> -> memref<16x128xf32, #tpu.memory_space<vmem>>
      tpu.wait_dma2 semaphore(%run_scoped3A : memref<!tpu.dma_semaphore, #tpu.memory_space<semaphore_mem>>) src(%dma_wait3A_441 : memref<16x128xf32, #tpu.memory_space<vmem>>) dst(%dma_wait3A_438 : memref<16x128xf32, #tpu.memory_space<hbm>>)
      tpu.yield
    }) : () -> ()
    %scan3A_240 = arith.constant 0 : i32
    %scan3A_241 = arith.constant 48 : i32
    %scan3A_242 = arith.constant 16 : i32
    %scan3A_243 = arith.addi %scan3A_241, %scan3A_242 : i32
    %scan3A_244 = arith.constant 1 : i32
    scf.for %scan3A_420 = %scan3A_241 to %scan3A_243 step %scan3A_244  : i32 {
      %shift_right_logical3A = arith.constant 4 : i32
      %shift_right_logical3A_421 = arith.shrui %scan3A_420, %shift_right_logical3A : i32
      %and3A = arith.constant 15 : i32
      %and3A_422 = arith.andi %scan3A_420, %and3A : i32
      %mul3A_423 = arith.constant 8 : i32
      %mul3A_424 = arith.muli %and3A_422, %mul3A_423 : i32
      %broadcast_in_dim3A_425 = vector.broadcast %shift_right_logical3A_421 : i32 to vector<16xi32>
      %and3A_426 = arith.constant 15 : i32
      %and3A_427 = arith.andi %scan3A_420, %and3A_426 : i32
      %add3A_428 = arith.constant 0 : i32
      %add3A_429 = arith.addi %mul3A_424, %add3A_428 : i32
      %broadcast_in_dim3A_430 = vector.broadcast %add3A_429 : i32 to vector<16xi32>
      %gather3A = tpu.vector_load_idx %arg11[%broadcast_in_dim3A_425, %broadcast_in_dim3A_430] : memref<64x128xf32, #tpu.memory_space<vmem>>[vector<16xi32>, vector<16xi32>], vector<16xf32>,
      %swap3A_431 = arith.index_cast %and3A_427 : i32 to index
      %swap3A_432 = arith.constant 0 : index
      %swap3A_433 = tpu.vector_load %arg13[%swap3A_431, %swap3A_432] {strides = array<i32>} : memref<64x128xf32, #tpu.memory_space<vmem>>, vector<16xf32>,
      tpu.vector_store %arg13[%swap3A_431, %swap3A_432], %gather3A {strides = array<i32>} : memref<64x128xf32, #tpu.memory_space<vmem>>, vector<16xf32>,
      %add3A_434 = arith.constant 1 : i32
      %add3A_435 = arith.addi %mul3A_424, %add3A_434 : i32
      %broadcast_in_dim3A_436 = vector.broadcast %add3A_435 : i32 to vector<16xi32>
      %gather3A_437 = tpu.vector_load_idx %arg11[%broadcast_in_dim3A_425, %broadcast_in_dim3A_436] : memref<64x128xf32, #tpu.memory_space<vmem>>[vector<16xi32>, vector<16xi32>], vector<16xf32>,
      %swap3A_438 = arith.index_cast %and3A_427 : i32 to index
      %swap3A_439 = arith.constant 16 : index
      %swap3A_440 = tpu.vector_load %arg13[%swap3A_438, %swap3A_439] {strides = array<i32>} : memref<64x128xf32, #tpu.memory_space<vmem>>, vector<16xf32>,
      tpu.vector_store %arg13[%swap3A_438, %swap3A_439], %gather3A_437 {strides = array<i32>} : memref<64x128xf32, #tpu.memory_space<vmem>>, vector<16xf32>,
      %add3A_441 = arith.constant 2 : i32
      %add3A_442 = arith.addi %mul3A_424, %add3A_441 : i32
      %broadcast_in_dim3A_443 = vector.broadcast %add3A_442 : i32 to vector<16xi32>
      %gather3A_444 = tpu.vector_load_idx %arg11[%broadcast_in_dim3A_425, %broadcast_in_dim3A_443] : memref<64x128xf32, #tpu.memory_space<vmem>>[vector<16xi32>, vector<16xi32>], vector<16xf32>,
      %swap3A_445 = arith.index_cast %and3A_427 : i32 to index
      %swap3A_446 = arith.constant 32 : index
      %swap3A_447 = tpu.vector_load %arg13[%swap3A_445, %swap3A_446] {strides = array<i32>} : memref<64x128xf32, #tpu.memory_space<vmem>>, vector<16xf32>,
      tpu.vector_store %arg13[%swap3A_445, %swap3A_446], %gather3A_444 {strides = array<i32>} : memref<64x128xf32, #tpu.memory_space<vmem>>, vector<16xf32>,
      %add3A_448 = arith.constant 3 : i32
      %add3A_449 = arith.addi %mul3A_424, %add3A_448 : i32
      %broadcast_in_dim3A_450 = vector.broadcast %add3A_449 : i32 to vector<16xi32>
      %gather3A_451 = tpu.vector_load_idx %arg11[%broadcast_in_dim3A_425, %broadcast_in_dim3A_450] : memref<64x128xf32, #tpu.memory_space<vmem>>[vector<16xi32>, vector<16xi32>], vector<16xf32>,
      %swap3A_452 = arith.index_cast %and3A_427 : i32 to index
      %swap3A_453 = arith.constant 48 : index
      %swap3A_454 = tpu.vector_load %arg13[%swap3A_452, %swap3A_453] {strides = array<i32>} : memref<64x128xf32, #tpu.memory_space<vmem>>, vector<16xf32>,
      tpu.vector_store %arg13[%swap3A_452, %swap3A_453], %gather3A_451 {strides = array<i32>} : memref<64x128xf32, #tpu.memory_space<vmem>>, vector<16xf32>,
      %add3A_455 = arith.constant 4 : i32
      %add3A_456 = arith.addi %mul3A_424, %add3A_455 : i32
      %broadcast_in_dim3A_457 = vector.broadcast %add3A_456 : i32 to vector<16xi32>
      %gather3A_458 = tpu.vector_load_idx %arg11[%broadcast_in_dim3A_425, %broadcast_in_dim3A_457] : memref<64x128xf32, #tpu.memory_space<vmem>>[vector<16xi32>, vector<16xi32>], vector<16xf32>,
      %swap3A_459 = arith.index_cast %and3A_427 : i32 to index
      %swap3A_460 = arith.constant 64 : index
      %swap3A_461 = tpu.vector_load %arg13[%swap3A_459, %swap3A_460] {strides = array<i32>} : memref<64x128xf32, #tpu.memory_space<vmem>>, vector<16xf32>,
      tpu.vector_store %arg13[%swap3A_459, %swap3A_460], %gather3A_458 {strides = array<i32>} : memref<64x128xf32, #tpu.memory_space<vmem>>, vector<16xf32>,
      %add3A_462 = arith.constant 5 : i32
      %add3A_463 = arith.addi %mul3A_424, %add3A_462 : i32
      %broadcast_in_dim3A_464 = vector.broadcast %add3A_463 : i32 to vector<16xi32>
      %gather3A_465 = tpu.vector_load_idx %arg11[%broadcast_in_dim3A_425, %broadcast_in_dim3A_464] : memref<64x128xf32, #tpu.memory_space<vmem>>[vector<16xi32>, vector<16xi32>], vector<16xf32>,
      %swap3A_466 = arith.index_cast %and3A_427 : i32 to index
      %swap3A_467 = arith.constant 80 : index
      %swap3A_468 = tpu.vector_load %arg13[%swap3A_466, %swap3A_467] {strides = array<i32>} : memref<64x128xf32, #tpu.memory_space<vmem>>, vector<16xf32>,
      tpu.vector_store %arg13[%swap3A_466, %swap3A_467], %gather3A_465 {strides = array<i32>} : memref<64x128xf32, #tpu.memory_space<vmem>>, vector<16xf32>,
      %add3A_469 = arith.constant 6 : i32
      %add3A_470 = arith.addi %mul3A_424, %add3A_469 : i32
      %broadcast_in_dim3A_471 = vector.broadcast %add3A_470 : i32 to vector<16xi32>
      %gather3A_472 = tpu.vector_load_idx %arg11[%broadcast_in_dim3A_425, %broadcast_in_dim3A_471] : memref<64x128xf32, #tpu.memory_space<vmem>>[vector<16xi32>, vector<16xi32>], vector<16xf32>,
      %swap3A_473 = arith.index_cast %and3A_427 : i32 to index
      %swap3A_474 = arith.constant 96 : index
      %swap3A_475 = tpu.vector_load %arg13[%swap3A_473, %swap3A_474] {strides = array<i32>} : memref<64x128xf32, #tpu.memory_space<vmem>>, vector<16xf32>,
      tpu.vector_store %arg13[%swap3A_473, %swap3A_474], %gather3A_472 {strides = array<i32>} : memref<64x128xf32, #tpu.memory_space<vmem>>, vector<16xf32>,
      %add3A_476 = arith.constant 7 : i32
      %add3A_477 = arith.addi %mul3A_424, %add3A_476 : i32
      %broadcast_in_dim3A_478 = vector.broadcast %add3A_477 : i32 to vector<16xi32>
      %gather3A_479 = tpu.vector_load_idx %arg11[%broadcast_in_dim3A_425, %broadcast_in_dim3A_478] : memref<64x128xf32, #tpu.memory_space<vmem>>[vector<16xi32>, vector<16xi32>], vector<16xf32>,
      %swap3A_480 = arith.index_cast %and3A_427 : i32 to index
      %swap3A_481 = arith.constant 112 : index
      %swap3A_482 = tpu.vector_load %arg13[%swap3A_480, %swap3A_481] {strides = array<i32>} : memref<64x128xf32, #tpu.memory_space<vmem>>, vector<16xf32>,
      tpu.vector_store %arg13[%swap3A_480, %swap3A_481], %gather3A_479 {strides = array<i32>} : memref<64x128xf32, #tpu.memory_space<vmem>>, vector<16xf32>,
    }
    %scan3A_245 = arith.constant 16 : i32
    %mul3A_246 = arith.constant 336 : i32
    %mul3A_247 = arith.muli %arg1, %mul3A_246 : i32
    %add3A_248 = arith.constant 48 : i32
    %add3A_249 = arith.addi %mul3A_247, %add3A_248 : i32
    "tpu.region"() ({
      %run_scoped3A = tpu.sem_alloc : memref<!tpu.dma_semaphore, #tpu.memory_space<semaphore_mem>>
      %dma_start3A = arith.constant 0 : i32
      %dma_start3A_420 = arith.constant 0 : i32
      %dma_start3A_421 = tpu.memref_slice %arg13[%dma_start3A, %dma_start3A_420] : memref<64x128xf32, #tpu.memory_space<vmem>> -> memref<16x128xf32, #tpu.memory_space<vmem>>
      %dma_start3A_422 = arith.constant 0 : i32
      %dma_start3A_423 = tpu.memref_slice %arg7[%arg0, %add3A_249, %dma_start3A_422] : memref<2x5376x128xf32, #tpu.memory_space<hbm>> -> memref<1x16x128xf32, #tpu.memory_space<hbm>>
      %dma_start3A_424 = tpu.memref_squeeze %dma_start3A_423 : memref<1x16x128xf32, #tpu.memory_space<hbm>> -> memref<16x128xf32, #tpu.memory_space<hbm>>
      %dma_start3A_425 = arith.constant 0 : i32
      %dma_start3A_426 = tpu.memref_slice %arg7[%arg0, %add3A_249, %dma_start3A_425] : memref<2x5376x128xf32, #tpu.memory_space<hbm>> -> memref<1x16x128xf32, #tpu.memory_space<hbm>>
      %dma_start3A_427 = tpu.memref_squeeze %dma_start3A_426 : memref<1x16x128xf32, #tpu.memory_space<hbm>> -> memref<16x128xf32, #tpu.memory_space<hbm>>
      %dma_start3A_428 = arith.constant 0 : i32
      %dma_start3A_429 = arith.constant 0 : i32
      %dma_start3A_430 = tpu.memref_slice %arg13[%dma_start3A_428, %dma_start3A_429] : memref<64x128xf32, #tpu.memory_space<vmem>> -> memref<16x128xf32, #tpu.memory_space<vmem>>
      tpu.enqueue_dma source(%dma_start3A_430 : memref<16x128xf32, #tpu.memory_space<vmem>>) target(%dma_start3A_427 : memref<16x128xf32, #tpu.memory_space<hbm>>) target_semaphore(%run_scoped3A : memref<!tpu.dma_semaphore, #tpu.memory_space<semaphore_mem>>)
      %dma_wait3A = arith.constant 0 : i32
      %dma_wait3A_431 = arith.constant 0 : i32
      %dma_wait3A_432 = tpu.memref_slice %arg13[%dma_wait3A, %dma_wait3A_431] : memref<64x128xf32, #tpu.memory_space<vmem>> -> memref<16x128xf32, #tpu.memory_space<vmem>>
      %dma_wait3A_433 = arith.constant 0 : i32
      %dma_wait3A_434 = tpu.memref_slice %arg7[%arg0, %add3A_249, %dma_wait3A_433] : memref<2x5376x128xf32, #tpu.memory_space<hbm>> -> memref<1x16x128xf32, #tpu.memory_space<hbm>>
      %dma_wait3A_435 = tpu.memref_squeeze %dma_wait3A_434 : memref<1x16x128xf32, #tpu.memory_space<hbm>> -> memref<16x128xf32, #tpu.memory_space<hbm>>
      %dma_wait3A_436 = arith.constant 0 : i32
      %dma_wait3A_437 = tpu.memref_slice %arg7[%arg0, %add3A_249, %dma_wait3A_436] : memref<2x5376x128xf32, #tpu.memory_space<hbm>> -> memref<1x16x128xf32, #tpu.memory_space<hbm>>
      %dma_wait3A_438 = tpu.memref_squeeze %dma_wait3A_437 : memref<1x16x128xf32, #tpu.memory_space<hbm>> -> memref<16x128xf32, #tpu.memory_space<hbm>>
      %dma_wait3A_439 = arith.constant 0 : i32
      %dma_wait3A_440 = arith.constant 0 : i32
      %dma_wait3A_441 = tpu.memref_slice %arg13[%dma_wait3A_439, %dma_wait3A_440] : memref<64x128xf32, #tpu.memory_space<vmem>> -> memref<16x128xf32, #tpu.memory_space<vmem>>
      tpu.wait_dma2 semaphore(%run_scoped3A : memref<!tpu.dma_semaphore, #tpu.memory_space<semaphore_mem>>) src(%dma_wait3A_441 : memref<16x128xf32, #tpu.memory_space<vmem>>) dst(%dma_wait3A_438 : memref<16x128xf32, #tpu.memory_space<hbm>>)
      tpu.yield
    }) : () -> ()
    %scan3A_250 = arith.constant 0 : i32
    %scan3A_251 = arith.constant 64 : i32
    %scan3A_252 = arith.constant 16 : i32
    %scan3A_253 = arith.addi %scan3A_251, %scan3A_252 : i32
    %scan3A_254 = arith.constant 1 : i32
    scf.for %scan3A_420 = %scan3A_251 to %scan3A_253 step %scan3A_254  : i32 {
      %shift_right_logical3A = arith.constant 4 : i32
      %shift_right_logical3A_421 = arith.shrui %scan3A_420, %shift_right_logical3A : i32
      %and3A = arith.constant 15 : i32
      %and3A_422 = arith.andi %scan3A_420, %and3A : i32
      %mul3A_423 = arith.constant 8 : i32
      %mul3A_424 = arith.muli %and3A_422, %mul3A_423 : i32
      %broadcast_in_dim3A_425 = vector.broadcast %shift_right_logical3A_421 : i32 to vector<16xi32>
      %and3A_426 = arith.constant 15 : i32
      %and3A_427 = arith.andi %scan3A_420, %and3A_426 : i32
      %add3A_428 = arith.constant 0 : i32
      %add3A_429 = arith.addi %mul3A_424, %add3A_428 : i32
      %broadcast_in_dim3A_430 = vector.broadcast %add3A_429 : i32 to vector<16xi32>
      %gather3A = tpu.vector_load_idx %arg11[%broadcast_in_dim3A_425, %broadcast_in_dim3A_430] : memref<64x128xf32, #tpu.memory_space<vmem>>[vector<16xi32>, vector<16xi32>], vector<16xf32>,
      %swap3A_431 = arith.index_cast %and3A_427 : i32 to index
      %swap3A_432 = arith.constant 0 : index
      %swap3A_433 = tpu.vector_load %arg13[%swap3A_431, %swap3A_432] {strides = array<i32>} : memref<64x128xf32, #tpu.memory_space<vmem>>, vector<16xf32>,
      tpu.vector_store %arg13[%swap3A_431, %swap3A_432], %gather3A {strides = array<i32>} : memref<64x128xf32, #tpu.memory_space<vmem>>, vector<16xf32>,
      %add3A_434 = arith.constant 1 : i32
      %add3A_435 = arith.addi %mul3A_424, %add3A_434 : i32
      %broadcast_in_dim3A_436 = vector.broadcast %add3A_435 : i32 to vector<16xi32>
      %gather3A_437 = tpu.vector_load_idx %arg11[%broadcast_in_dim3A_425, %broadcast_in_dim3A_436] : memref<64x128xf32, #tpu.memory_space<vmem>>[vector<16xi32>, vector<16xi32>], vector<16xf32>,
      %swap3A_438 = arith.index_cast %and3A_427 : i32 to index
      %swap3A_439 = arith.constant 16 : index
      %swap3A_440 = tpu.vector_load %arg13[%swap3A_438, %swap3A_439] {strides = array<i32>} : memref<64x128xf32, #tpu.memory_space<vmem>>, vector<16xf32>,
      tpu.vector_store %arg13[%swap3A_438, %swap3A_439], %gather3A_437 {strides = array<i32>} : memref<64x128xf32, #tpu.memory_space<vmem>>, vector<16xf32>,
      %add3A_441 = arith.constant 2 : i32
      %add3A_442 = arith.addi %mul3A_424, %add3A_441 : i32
      %broadcast_in_dim3A_443 = vector.broadcast %add3A_442 : i32 to vector<16xi32>
      %gather3A_444 = tpu.vector_load_idx %arg11[%broadcast_in_dim3A_425, %broadcast_in_dim3A_443] : memref<64x128xf32, #tpu.memory_space<vmem>>[vector<16xi32>, vector<16xi32>], vector<16xf32>,
      %swap3A_445 = arith.index_cast %and3A_427 : i32 to index
      %swap3A_446 = arith.constant 32 : index
      %swap3A_447 = tpu.vector_load %arg13[%swap3A_445, %swap3A_446] {strides = array<i32>} : memref<64x128xf32, #tpu.memory_space<vmem>>, vector<16xf32>,
      tpu.vector_store %arg13[%swap3A_445, %swap3A_446], %gather3A_444 {strides = array<i32>} : memref<64x128xf32, #tpu.memory_space<vmem>>, vector<16xf32>,
      %add3A_448 = arith.constant 3 : i32
      %add3A_449 = arith.addi %mul3A_424, %add3A_448 : i32
      %broadcast_in_dim3A_450 = vector.broadcast %add3A_449 : i32 to vector<16xi32>
      %gather3A_451 = tpu.vector_load_idx %arg11[%broadcast_in_dim3A_425, %broadcast_in_dim3A_450] : memref<64x128xf32, #tpu.memory_space<vmem>>[vector<16xi32>, vector<16xi32>], vector<16xf32>,
      %swap3A_452 = arith.index_cast %and3A_427 : i32 to index
      %swap3A_453 = arith.constant 48 : index
      %swap3A_454 = tpu.vector_load %arg13[%swap3A_452, %swap3A_453] {strides = array<i32>} : memref<64x128xf32, #tpu.memory_space<vmem>>, vector<16xf32>,
      tpu.vector_store %arg13[%swap3A_452, %swap3A_453], %gather3A_451 {strides = array<i32>} : memref<64x128xf32, #tpu.memory_space<vmem>>, vector<16xf32>,
      %add3A_455 = arith.constant 4 : i32
      %add3A_456 = arith.addi %mul3A_424, %add3A_455 : i32
      %broadcast_in_dim3A_457 = vector.broadcast %add3A_456 : i32 to vector<16xi32>
      %gather3A_458 = tpu.vector_load_idx %arg11[%broadcast_in_dim3A_425, %broadcast_in_dim3A_457] : memref<64x128xf32, #tpu.memory_space<vmem>>[vector<16xi32>, vector<16xi32>], vector<16xf32>,
      %swap3A_459 = arith.index_cast %and3A_427 : i32 to index
      %swap3A_460 = arith.constant 64 : index
      %swap3A_461 = tpu.vector_load %arg13[%swap3A_459, %swap3A_460] {strides = array<i32>} : memref<64x128xf32, #tpu.memory_space<vmem>>, vector<16xf32>,
      tpu.vector_store %arg13[%swap3A_459, %swap3A_460], %gather3A_458 {strides = array<i32>} : memref<64x128xf32, #tpu.memory_space<vmem>>, vector<16xf32>,
      %add3A_462 = arith.constant 5 : i32
      %add3A_463 = arith.addi %mul3A_424, %add3A_462 : i32
      %broadcast_in_dim3A_464 = vector.broadcast %add3A_463 : i32 to vector<16xi32>
      %gather3A_465 = tpu.vector_load_idx %arg11[%broadcast_in_dim3A_425, %broadcast_in_dim3A_464] : memref<64x128xf32, #tpu.memory_space<vmem>>[vector<16xi32>, vector<16xi32>], vector<16xf32>,
      %swap3A_466 = arith.index_cast %and3A_427 : i32 to index
      %swap3A_467 = arith.constant 80 : index
      %swap3A_468 = tpu.vector_load %arg13[%swap3A_466, %swap3A_467] {strides = array<i32>} : memref<64x128xf32, #tpu.memory_space<vmem>>, vector<16xf32>,
      tpu.vector_store %arg13[%swap3A_466, %swap3A_467], %gather3A_465 {strides = array<i32>} : memref<64x128xf32, #tpu.memory_space<vmem>>, vector<16xf32>,
      %add3A_469 = arith.constant 6 : i32
      %add3A_470 = arith.addi %mul3A_424, %add3A_469 : i32
      %broadcast_in_dim3A_471 = vector.broadcast %add3A_470 : i32 to vector<16xi32>
      %gather3A_472 = tpu.vector_load_idx %arg11[%broadcast_in_dim3A_425, %broadcast_in_dim3A_471] : memref<64x128xf32, #tpu.memory_space<vmem>>[vector<16xi32>, vector<16xi32>], vector<16xf32>,
      %swap3A_473 = arith.index_cast %and3A_427 : i32 to index
      %swap3A_474 = arith.constant 96 : index
      %swap3A_475 = tpu.vector_load %arg13[%swap3A_473, %swap3A_474] {strides = array<i32>} : memref<64x128xf32, #tpu.memory_space<vmem>>, vector<16xf32>,
      tpu.vector_store %arg13[%swap3A_473, %swap3A_474], %gather3A_472 {strides = array<i32>} : memref<64x128xf32, #tpu.memory_space<vmem>>, vector<16xf32>,
      %add3A_476 = arith.constant 7 : i32
      %add3A_477 = arith.addi %mul3A_424, %add3A_476 : i32
      %broadcast_in_dim3A_478 = vector.broadcast %add3A_477 : i32 to vector<16xi32>
      %gather3A_479 = tpu.vector_load_idx %arg11[%broadcast_in_dim3A_425, %broadcast_in_dim3A_478] : memref<64x128xf32, #tpu.memory_space<vmem>>[vector<16xi32>, vector<16xi32>], vector<16xf32>,
      %swap3A_480 = arith.index_cast %and3A_427 : i32 to index
      %swap3A_481 = arith.constant 112 : index
      %swap3A_482 = tpu.vector_load %arg13[%swap3A_480, %swap3A_481] {strides = array<i32>} : memref<64x128xf32, #tpu.memory_space<vmem>>, vector<16xf32>,
      tpu.vector_store %arg13[%swap3A_480, %swap3A_481], %gather3A_479 {strides = array<i32>} : memref<64x128xf32, #tpu.memory_space<vmem>>, vector<16xf32>,
    }
    %scan3A_255 = arith.constant 16 : i32
    %mul3A_256 = arith.constant 336 : i32
    %mul3A_257 = arith.muli %arg1, %mul3A_256 : i32
    %add3A_258 = arith.constant 64 : i32
    %add3A_259 = arith.addi %mul3A_257, %add3A_258 : i32
    "tpu.region"() ({
      %run_scoped3A = tpu.sem_alloc : memref<!tpu.dma_semaphore, #tpu.memory_space<semaphore_mem>>
      %dma_start3A = arith.constant 0 : i32
      %dma_start3A_420 = arith.constant 0 : i32
      %dma_start3A_421 = tpu.memref_slice %arg13[%dma_start3A, %dma_start3A_420] : memref<64x128xf32, #tpu.memory_space<vmem>> -> memref<16x128xf32, #tpu.memory_space<vmem>>
      %dma_start3A_422 = arith.constant 0 : i32
      %dma_start3A_423 = tpu.memref_slice %arg7[%arg0, %add3A_259, %dma_start3A_422] : memref<2x5376x128xf32, #tpu.memory_space<hbm>> -> memref<1x16x128xf32, #tpu.memory_space<hbm>>
      %dma_start3A_424 = tpu.memref_squeeze %dma_start3A_423 : memref<1x16x128xf32, #tpu.memory_space<hbm>> -> memref<16x128xf32, #tpu.memory_space<hbm>>
      %dma_start3A_425 = arith.constant 0 : i32
      %dma_start3A_426 = tpu.memref_slice %arg7[%arg0, %add3A_259, %dma_start3A_425] : memref<2x5376x128xf32, #tpu.memory_space<hbm>> -> memref<1x16x128xf32, #tpu.memory_space<hbm>>
      %dma_start3A_427 = tpu.memref_squeeze %dma_start3A_426 : memref<1x16x128xf32, #tpu.memory_space<hbm>> -> memref<16x128xf32, #tpu.memory_space<hbm>>
      %dma_start3A_428 = arith.constant 0 : i32
      %dma_start3A_429 = arith.constant 0 : i32
      %dma_start3A_430 = tpu.memref_slice %arg13[%dma_start3A_428, %dma_start3A_429] : memref<64x128xf32, #tpu.memory_space<vmem>> -> memref<16x128xf32, #tpu.memory_space<vmem>>
      tpu.enqueue_dma source(%dma_start3A_430 : memref<16x128xf32, #tpu.memory_space<vmem>>) target(%dma_start3A_427 : memref<16x128xf32, #tpu.memory_space<hbm>>) target_semaphore(%run_scoped3A : memref<!tpu.dma_semaphore, #tpu.memory_space<semaphore_mem>>)
      %dma_wait3A = arith.constant 0 : i32
      %dma_wait3A_431 = arith.constant 0 : i32
      %dma_wait3A_432 = tpu.memref_slice %arg13[%dma_wait3A, %dma_wait3A_431] : memref<64x128xf32, #tpu.memory_space<vmem>> -> memref<16x128xf32, #tpu.memory_space<vmem>>
      %dma_wait3A_433 = arith.constant 0 : i32
      %dma_wait3A_434 = tpu.memref_slice %arg7[%arg0, %add3A_259, %dma_wait3A_433] : memref<2x5376x128xf32, #tpu.memory_space<hbm>> -> memref<1x16x128xf32, #tpu.memory_space<hbm>>
      %dma_wait3A_435 = tpu.memref_squeeze %dma_wait3A_434 : memref<1x16x128xf32, #tpu.memory_space<hbm>> -> memref<16x128xf32, #tpu.memory_space<hbm>>
      %dma_wait3A_436 = arith.constant 0 : i32
      %dma_wait3A_437 = tpu.memref_slice %arg7[%arg0, %add3A_259, %dma_wait3A_436] : memref<2x5376x128xf32, #tpu.memory_space<hbm>> -> memref<1x16x128xf32, #tpu.memory_space<hbm>>
      %dma_wait3A_438 = tpu.memref_squeeze %dma_wait3A_437 : memref<1x16x128xf32, #tpu.memory_space<hbm>> -> memref<16x128xf32, #tpu.memory_space<hbm>>
      %dma_wait3A_439 = arith.constant 0 : i32
      %dma_wait3A_440 = arith.constant 0 : i32
      %dma_wait3A_441 = tpu.memref_slice %arg13[%dma_wait3A_439, %dma_wait3A_440] : memref<64x128xf32, #tpu.memory_space<vmem>> -> memref<16x128xf32, #tpu.memory_space<vmem>>
      tpu.wait_dma2 semaphore(%run_scoped3A : memref<!tpu.dma_semaphore, #tpu.memory_space<semaphore_mem>>) src(%dma_wait3A_441 : memref<16x128xf32, #tpu.memory_space<vmem>>) dst(%dma_wait3A_438 : memref<16x128xf32, #tpu.memory_space<hbm>>)
      tpu.yield
    }) : () -> ()
    %scan3A_260 = arith.constant 0 : i32
    %scan3A_261 = arith.constant 80 : i32
    %scan3A_262 = arith.constant 16 : i32
    %scan3A_263 = arith.addi %scan3A_261, %scan3A_262 : i32
    %scan3A_264 = arith.constant 1 : i32
    scf.for %scan3A_420 = %scan3A_261 to %scan3A_263 step %scan3A_264  : i32 {
      %shift_right_logical3A = arith.constant 4 : i32
      %shift_right_logical3A_421 = arith.shrui %scan3A_420, %shift_right_logical3A : i32
      %and3A = arith.constant 15 : i32
      %and3A_422 = arith.andi %scan3A_420, %and3A : i32
      %mul3A_423 = arith.constant 8 : i32
      %mul3A_424 = arith.muli %and3A_422, %mul3A_423 : i32
      %broadcast_in_dim3A_425 = vector.broadcast %shift_right_logical3A_421 : i32 to vector<16xi32>
      %and3A_426 = arith.constant 15 : i32
      %and3A_427 = arith.andi %scan3A_420, %and3A_426 : i32
      %add3A_428 = arith.constant 0 : i32
      %add3A_429 = arith.addi %mul3A_424, %add3A_428 : i32
      %broadcast_in_dim3A_430 = vector.broadcast %add3A_429 : i32 to vector<16xi32>
      %gather3A = tpu.vector_load_idx %arg11[%broadcast_in_dim3A_425, %broadcast_in_dim3A_430] : memref<64x128xf32, #tpu.memory_space<vmem>>[vector<16xi32>, vector<16xi32>], vector<16xf32>,
      %swap3A_431 = arith.index_cast %and3A_427 : i32 to index
      %swap3A_432 = arith.constant 0 : index
      %swap3A_433 = tpu.vector_load %arg13[%swap3A_431, %swap3A_432] {strides = array<i32>} : memref<64x128xf32, #tpu.memory_space<vmem>>, vector<16xf32>,
      tpu.vector_store %arg13[%swap3A_431, %swap3A_432], %gather3A {strides = array<i32>} : memref<64x128xf32, #tpu.memory_space<vmem>>, vector<16xf32>,
      %add3A_434 = arith.constant 1 : i32
      %add3A_435 = arith.addi %mul3A_424, %add3A_434 : i32
      %broadcast_in_dim3A_436 = vector.broadcast %add3A_435 : i32 to vector<16xi32>
      %gather3A_437 = tpu.vector_load_idx %arg11[%broadcast_in_dim3A_425, %broadcast_in_dim3A_436] : memref<64x128xf32, #tpu.memory_space<vmem>>[vector<16xi32>, vector<16xi32>], vector<16xf32>,
      %swap3A_438 = arith.index_cast %and3A_427 : i32 to index
      %swap3A_439 = arith.constant 16 : index
      %swap3A_440 = tpu.vector_load %arg13[%swap3A_438, %swap3A_439] {strides = array<i32>} : memref<64x128xf32, #tpu.memory_space<vmem>>, vector<16xf32>,
      tpu.vector_store %arg13[%swap3A_438, %swap3A_439], %gather3A_437 {strides = array<i32>} : memref<64x128xf32, #tpu.memory_space<vmem>>, vector<16xf32>,
      %add3A_441 = arith.constant 2 : i32
      %add3A_442 = arith.addi %mul3A_424, %add3A_441 : i32
      %broadcast_in_dim3A_443 = vector.broadcast %add3A_442 : i32 to vector<16xi32>
      %gather3A_444 = tpu.vector_load_idx %arg11[%broadcast_in_dim3A_425, %broadcast_in_dim3A_443] : memref<64x128xf32, #tpu.memory_space<vmem>>[vector<16xi32>, vector<16xi32>], vector<16xf32>,
      %swap3A_445 = arith.index_cast %and3A_427 : i32 to index
      %swap3A_446 = arith.constant 32 : index
      %swap3A_447 = tpu.vector_load %arg13[%swap3A_445, %swap3A_446] {strides = array<i32>} : memref<64x128xf32, #tpu.memory_space<vmem>>, vector<16xf32>,
      tpu.vector_store %arg13[%swap3A_445, %swap3A_446], %gather3A_444 {strides = array<i32>} : memref<64x128xf32, #tpu.memory_space<vmem>>, vector<16xf32>,
      %add3A_448 = arith.constant 3 : i32
      %add3A_449 = arith.addi %mul3A_424, %add3A_448 : i32
      %broadcast_in_dim3A_450 = vector.broadcast %add3A_449 : i32 to vector<16xi32>
      %gather3A_451 = tpu.vector_load_idx %arg11[%broadcast_in_dim3A_425, %broadcast_in_dim3A_450] : memref<64x128xf32, #tpu.memory_space<vmem>>[vector<16xi32>, vector<16xi32>], vector<16xf32>,
      %swap3A_452 = arith.index_cast %and3A_427 : i32 to index
      %swap3A_453 = arith.constant 48 : index
      %swap3A_454 = tpu.vector_load %arg13[%swap3A_452, %swap3A_453] {strides = array<i32>} : memref<64x128xf32, #tpu.memory_space<vmem>>, vector<16xf32>,
      tpu.vector_store %arg13[%swap3A_452, %swap3A_453], %gather3A_451 {strides = array<i32>} : memref<64x128xf32, #tpu.memory_space<vmem>>, vector<16xf32>,
      %add3A_455 = arith.constant 4 : i32
      %add3A_456 = arith.addi %mul3A_424, %add3A_455 : i32
      %broadcast_in_dim3A_457 = vector.broadcast %add3A_456 : i32 to vector<16xi32>
      %gather3A_458 = tpu.vector_load_idx %arg11[%broadcast_in_dim3A_425, %broadcast_in_dim3A_457] : memref<64x128xf32, #tpu.memory_space<vmem>>[vector<16xi32>, vector<16xi32>], vector<16xf32>,
      %swap3A_459 = arith.index_cast %and3A_427 : i32 to index
      %swap3A_460 = arith.constant 64 : index
      %swap3A_461 = tpu.vector_load %arg13[%swap3A_459, %swap3A_460] {strides = array<i32>} : memref<64x128xf32, #tpu.memory_space<vmem>>, vector<16xf32>,
      tpu.vector_store %arg13[%swap3A_459, %swap3A_460], %gather3A_458 {strides = array<i32>} : memref<64x128xf32, #tpu.memory_space<vmem>>, vector<16xf32>,
      %add3A_462 = arith.constant 5 : i32
      %add3A_463 = arith.addi %mul3A_424, %add3A_462 : i32
      %broadcast_in_dim3A_464 = vector.broadcast %add3A_463 : i32 to vector<16xi32>
      %gather3A_465 = tpu.vector_load_idx %arg11[%broadcast_in_dim3A_425, %broadcast_in_dim3A_464] : memref<64x128xf32, #tpu.memory_space<vmem>>[vector<16xi32>, vector<16xi32>], vector<16xf32>,
      %swap3A_466 = arith.index_cast %and3A_427 : i32 to index
      %swap3A_467 = arith.constant 80 : index
      %swap3A_468 = tpu.vector_load %arg13[%swap3A_466, %swap3A_467] {strides = array<i32>} : memref<64x128xf32, #tpu.memory_space<vmem>>, vector<16xf32>,
      tpu.vector_store %arg13[%swap3A_466, %swap3A_467], %gather3A_465 {strides = array<i32>} : memref<64x128xf32, #tpu.memory_space<vmem>>, vector<16xf32>,
      %add3A_469 = arith.constant 6 : i32
      %add3A_470 = arith.addi %mul3A_424, %add3A_469 : i32
      %broadcast_in_dim3A_471 = vector.broadcast %add3A_470 : i32 to vector<16xi32>
      %gather3A_472 = tpu.vector_load_idx %arg11[%broadcast_in_dim3A_425, %broadcast_in_dim3A_471] : memref<64x128xf32, #tpu.memory_space<vmem>>[vector<16xi32>, vector<16xi32>], vector<16xf32>,
      %swap3A_473 = arith.index_cast %and3A_427 : i32 to index
      %swap3A_474 = arith.constant 96 : index
      %swap3A_475 = tpu.vector_load %arg13[%swap3A_473, %swap3A_474] {strides = array<i32>} : memref<64x128xf32, #tpu.memory_space<vmem>>, vector<16xf32>,
      tpu.vector_store %arg13[%swap3A_473, %swap3A_474], %gather3A_472 {strides = array<i32>} : memref<64x128xf32, #tpu.memory_space<vmem>>, vector<16xf32>,
      %add3A_476 = arith.constant 7 : i32
      %add3A_477 = arith.addi %mul3A_424, %add3A_476 : i32
      %broadcast_in_dim3A_478 = vector.broadcast %add3A_477 : i32 to vector<16xi32>
      %gather3A_479 = tpu.vector_load_idx %arg11[%broadcast_in_dim3A_425, %broadcast_in_dim3A_478] : memref<64x128xf32, #tpu.memory_space<vmem>>[vector<16xi32>, vector<16xi32>], vector<16xf32>,
      %swap3A_480 = arith.index_cast %and3A_427 : i32 to index
      %swap3A_481 = arith.constant 112 : index
      %swap3A_482 = tpu.vector_load %arg13[%swap3A_480, %swap3A_481] {strides = array<i32>} : memref<64x128xf32, #tpu.memory_space<vmem>>, vector<16xf32>,
      tpu.vector_store %arg13[%swap3A_480, %swap3A_481], %gather3A_479 {strides = array<i32>} : memref<64x128xf32, #tpu.memory_space<vmem>>, vector<16xf32>,
    }
    %scan3A_265 = arith.constant 16 : i32
    %mul3A_266 = arith.constant 336 : i32
    %mul3A_267 = arith.muli %arg1, %mul3A_266 : i32
    %add3A_268 = arith.constant 80 : i32
    %add3A_269 = arith.addi %mul3A_267, %add3A_268 : i32
    "tpu.region"() ({
      %run_scoped3A = tpu.sem_alloc : memref<!tpu.dma_semaphore, #tpu.memory_space<semaphore_mem>>
      %dma_start3A = arith.constant 0 : i32
      %dma_start3A_420 = arith.constant 0 : i32
      %dma_start3A_421 = tpu.memref_slice %arg13[%dma_start3A, %dma_start3A_420] : memref<64x128xf32, #tpu.memory_space<vmem>> -> memref<16x128xf32, #tpu.memory_space<vmem>>
      %dma_start3A_422 = arith.constant 0 : i32
      %dma_start3A_423 = tpu.memref_slice %arg7[%arg0, %add3A_269, %dma_start3A_422] : memref<2x5376x128xf32, #tpu.memory_space<hbm>> -> memref<1x16x128xf32, #tpu.memory_space<hbm>>
      %dma_start3A_424 = tpu.memref_squeeze %dma_start3A_423 : memref<1x16x128xf32, #tpu.memory_space<hbm>> -> memref<16x128xf32, #tpu.memory_space<hbm>>
      %dma_start3A_425 = arith.constant 0 : i32
      %dma_start3A_426 = tpu.memref_slice %arg7[%arg0, %add3A_269, %dma_start3A_425] : memref<2x5376x128xf32, #tpu.memory_space<hbm>> -> memref<1x16x128xf32, #tpu.memory_space<hbm>>
      %dma_start3A_427 = tpu.memref_squeeze %dma_start3A_426 : memref<1x16x128xf32, #tpu.memory_space<hbm>> -> memref<16x128xf32, #tpu.memory_space<hbm>>
      %dma_start3A_428 = arith.constant 0 : i32
      %dma_start3A_429 = arith.constant 0 : i32
      %dma_start3A_430 = tpu.memref_slice %arg13[%dma_start3A_428, %dma_start3A_429] : memref<64x128xf32, #tpu.memory_space<vmem>> -> memref<16x128xf32, #tpu.memory_space<vmem>>
      tpu.enqueue_dma source(%dma_start3A_430 : memref<16x128xf32, #tpu.memory_space<vmem>>) target(%dma_start3A_427 : memref<16x128xf32, #tpu.memory_space<hbm>>) target_semaphore(%run_scoped3A : memref<!tpu.dma_semaphore, #tpu.memory_space<semaphore_mem>>)
      %dma_wait3A = arith.constant 0 : i32
      %dma_wait3A_431 = arith.constant 0 : i32
      %dma_wait3A_432 = tpu.memref_slice %arg13[%dma_wait3A, %dma_wait3A_431] : memref<64x128xf32, #tpu.memory_space<vmem>> -> memref<16x128xf32, #tpu.memory_space<vmem>>
      %dma_wait3A_433 = arith.constant 0 : i32
      %dma_wait3A_434 = tpu.memref_slice %arg7[%arg0, %add3A_269, %dma_wait3A_433] : memref<2x5376x128xf32, #tpu.memory_space<hbm>> -> memref<1x16x128xf32, #tpu.memory_space<hbm>>
      %dma_wait3A_435 = tpu.memref_squeeze %dma_wait3A_434 : memref<1x16x128xf32, #tpu.memory_space<hbm>> -> memref<16x128xf32, #tpu.memory_space<hbm>>
      %dma_wait3A_436 = arith.constant 0 : i32
      %dma_wait3A_437 = tpu.memref_slice %arg7[%arg0, %add3A_269, %dma_wait3A_436] : memref<2x5376x128xf32, #tpu.memory_space<hbm>> -> memref<1x16x128xf32, #tpu.memory_space<hbm>>
      %dma_wait3A_438 = tpu.memref_squeeze %dma_wait3A_437 : memref<1x16x128xf32, #tpu.memory_space<hbm>> -> memref<16x128xf32, #tpu.memory_space<hbm>>
      %dma_wait3A_439 = arith.constant 0 : i32
      %dma_wait3A_440 = arith.constant 0 : i32
      %dma_wait3A_441 = tpu.memref_slice %arg13[%dma_wait3A_439, %dma_wait3A_440] : memref<64x128xf32, #tpu.memory_space<vmem>> -> memref<16x128xf32, #tpu.memory_space<vmem>>
      tpu.wait_dma2 semaphore(%run_scoped3A : memref<!tpu.dma_semaphore, #tpu.memory_space<semaphore_mem>>) src(%dma_wait3A_441 : memref<16x128xf32, #tpu.memory_space<vmem>>) dst(%dma_wait3A_438 : memref<16x128xf32, #tpu.memory_space<hbm>>)
      tpu.yield
    }) : () -> ()
    %scan3A_270 = arith.constant 0 : i32
    %scan3A_271 = arith.constant 96 : i32
    %scan3A_272 = arith.constant 16 : i32
    %scan3A_273 = arith.addi %scan3A_271, %scan3A_272 : i32
    %scan3A_274 = arith.constant 1 : i32
    scf.for %scan3A_420 = %scan3A_271 to %scan3A_273 step %scan3A_274  : i32 {
      %shift_right_logical3A = arith.constant 4 : i32
      %shift_right_logical3A_421 = arith.shrui %scan3A_420, %shift_right_logical3A : i32
      %and3A = arith.constant 15 : i32
      %and3A_422 = arith.andi %scan3A_420, %and3A : i32
      %mul3A_423 = arith.constant 8 : i32
      %mul3A_424 = arith.muli %and3A_422, %mul3A_423 : i32
      %broadcast_in_dim3A_425 = vector.broadcast %shift_right_logical3A_421 : i32 to vector<16xi32>
      %and3A_426 = arith.constant 15 : i32
      %and3A_427 = arith.andi %scan3A_420, %and3A_426 : i32
      %add3A_428 = arith.constant 0 : i32
      %add3A_429 = arith.addi %mul3A_424, %add3A_428 : i32
      %broadcast_in_dim3A_430 = vector.broadcast %add3A_429 : i32 to vector<16xi32>
      %gather3A = tpu.vector_load_idx %arg11[%broadcast_in_dim3A_425, %broadcast_in_dim3A_430] : memref<64x128xf32, #tpu.memory_space<vmem>>[vector<16xi32>, vector<16xi32>], vector<16xf32>,
      %swap3A_431 = arith.index_cast %and3A_427 : i32 to index
      %swap3A_432 = arith.constant 0 : index
      %swap3A_433 = tpu.vector_load %arg13[%swap3A_431, %swap3A_432] {strides = array<i32>} : memref<64x128xf32, #tpu.memory_space<vmem>>, vector<16xf32>,
      tpu.vector_store %arg13[%swap3A_431, %swap3A_432], %gather3A {strides = array<i32>} : memref<64x128xf32, #tpu.memory_space<vmem>>, vector<16xf32>,
      %add3A_434 = arith.constant 1 : i32
      %add3A_435 = arith.addi %mul3A_424, %add3A_434 : i32
      %broadcast_in_dim3A_436 = vector.broadcast %add3A_435 : i32 to vector<16xi32>
      %gather3A_437 = tpu.vector_load_idx %arg11[%broadcast_in_dim3A_425, %broadcast_in_dim3A_436] : memref<64x128xf32, #tpu.memory_space<vmem>>[vector<16xi32>, vector<16xi32>], vector<16xf32>,
      %swap3A_438 = arith.index_cast %and3A_427 : i32 to index
      %swap3A_439 = arith.constant 16 : index
      %swap3A_440 = tpu.vector_load %arg13[%swap3A_438, %swap3A_439] {strides = array<i32>} : memref<64x128xf32, #tpu.memory_space<vmem>>, vector<16xf32>,
      tpu.vector_store %arg13[%swap3A_438, %swap3A_439], %gather3A_437 {strides = array<i32>} : memref<64x128xf32, #tpu.memory_space<vmem>>, vector<16xf32>,
      %add3A_441 = arith.constant 2 : i32
      %add3A_442 = arith.addi %mul3A_424, %add3A_441 : i32
      %broadcast_in_dim3A_443 = vector.broadcast %add3A_442 : i32 to vector<16xi32>
      %gather3A_444 = tpu.vector_load_idx %arg11[%broadcast_in_dim3A_425, %broadcast_in_dim3A_443] : memref<64x128xf32, #tpu.memory_space<vmem>>[vector<16xi32>, vector<16xi32>], vector<16xf32>,
      %swap3A_445 = arith.index_cast %and3A_427 : i32 to index
      %swap3A_446 = arith.constant 32 : index
      %swap3A_447 = tpu.vector_load %arg13[%swap3A_445, %swap3A_446] {strides = array<i32>} : memref<64x128xf32, #tpu.memory_space<vmem>>, vector<16xf32>,
      tpu.vector_store %arg13[%swap3A_445, %swap3A_446], %gather3A_444 {strides = array<i32>} : memref<64x128xf32, #tpu.memory_space<vmem>>, vector<16xf32>,
      %add3A_448 = arith.constant 3 : i32
      %add3A_449 = arith.addi %mul3A_424, %add3A_448 : i32
      %broadcast_in_dim3A_450 = vector.broadcast %add3A_449 : i32 to vector<16xi32>
      %gather3A_451 = tpu.vector_load_idx %arg11[%broadcast_in_dim3A_425, %broadcast_in_dim3A_450] : memref<64x128xf32, #tpu.memory_space<vmem>>[vector<16xi32>, vector<16xi32>], vector<16xf32>,
      %swap3A_452 = arith.index_cast %and3A_427 : i32 to index
      %swap3A_453 = arith.constant 48 : index
      %swap3A_454 = tpu.vector_load %arg13[%swap3A_452, %swap3A_453] {strides = array<i32>} : memref<64x128xf32, #tpu.memory_space<vmem>>, vector<16xf32>,
      tpu.vector_store %arg13[%swap3A_452, %swap3A_453], %gather3A_451 {strides = array<i32>} : memref<64x128xf32, #tpu.memory_space<vmem>>, vector<16xf32>,
      %add3A_455 = arith.constant 4 : i32
      %add3A_456 = arith.addi %mul3A_424, %add3A_455 : i32
      %broadcast_in_dim3A_457 = vector.broadcast %add3A_456 : i32 to vector<16xi32>
      %gather3A_458 = tpu.vector_load_idx %arg11[%broadcast_in_dim3A_425, %broadcast_in_dim3A_457] : memref<64x128xf32, #tpu.memory_space<vmem>>[vector<16xi32>, vector<16xi32>], vector<16xf32>,
      %swap3A_459 = arith.index_cast %and3A_427 : i32 to index
      %swap3A_460 = arith.constant 64 : index
      %swap3A_461 = tpu.vector_load %arg13[%swap3A_459, %swap3A_460] {strides = array<i32>} : memref<64x128xf32, #tpu.memory_space<vmem>>, vector<16xf32>,
      tpu.vector_store %arg13[%swap3A_459, %swap3A_460], %gather3A_458 {strides = array<i32>} : memref<64x128xf32, #tpu.memory_space<vmem>>, vector<16xf32>,
      %add3A_462 = arith.constant 5 : i32
      %add3A_463 = arith.addi %mul3A_424, %add3A_462 : i32
      %broadcast_in_dim3A_464 = vector.broadcast %add3A_463 : i32 to vector<16xi32>
      %gather3A_465 = tpu.vector_load_idx %arg11[%broadcast_in_dim3A_425, %broadcast_in_dim3A_464] : memref<64x128xf32, #tpu.memory_space<vmem>>[vector<16xi32>, vector<16xi32>], vector<16xf32>,
      %swap3A_466 = arith.index_cast %and3A_427 : i32 to index
      %swap3A_467 = arith.constant 80 : index
      %swap3A_468 = tpu.vector_load %arg13[%swap3A_466, %swap3A_467] {strides = array<i32>} : memref<64x128xf32, #tpu.memory_space<vmem>>, vector<16xf32>,
      tpu.vector_store %arg13[%swap3A_466, %swap3A_467], %gather3A_465 {strides = array<i32>} : memref<64x128xf32, #tpu.memory_space<vmem>>, vector<16xf32>,
      %add3A_469 = arith.constant 6 : i32
      %add3A_470 = arith.addi %mul3A_424, %add3A_469 : i32
      %broadcast_in_dim3A_471 = vector.broadcast %add3A_470 : i32 to vector<16xi32>
      %gather3A_472 = tpu.vector_load_idx %arg11[%broadcast_in_dim3A_425, %broadcast_in_dim3A_471] : memref<64x128xf32, #tpu.memory_space<vmem>>[vector<16xi32>, vector<16xi32>], vector<16xf32>,
      %swap3A_473 = arith.index_cast %and3A_427 : i32 to index
      %swap3A_474 = arith.constant 96 : index
      %swap3A_475 = tpu.vector_load %arg13[%swap3A_473, %swap3A_474] {strides = array<i32>} : memref<64x128xf32, #tpu.memory_space<vmem>>, vector<16xf32>,
      tpu.vector_store %arg13[%swap3A_473, %swap3A_474], %gather3A_472 {strides = array<i32>} : memref<64x128xf32, #tpu.memory_space<vmem>>, vector<16xf32>,
      %add3A_476 = arith.constant 7 : i32
      %add3A_477 = arith.addi %mul3A_424, %add3A_476 : i32
      %broadcast_in_dim3A_478 = vector.broadcast %add3A_477 : i32 to vector<16xi32>
      %gather3A_479 = tpu.vector_load_idx %arg11[%broadcast_in_dim3A_425, %broadcast_in_dim3A_478] : memref<64x128xf32, #tpu.memory_space<vmem>>[vector<16xi32>, vector<16xi32>], vector<16xf32>,
      %swap3A_480 = arith.index_cast %and3A_427 : i32 to index
      %swap3A_481 = arith.constant 112 : index
      %swap3A_482 = tpu.vector_load %arg13[%swap3A_480, %swap3A_481] {strides = array<i32>} : memref<64x128xf32, #tpu.memory_space<vmem>>, vector<16xf32>,
      tpu.vector_store %arg13[%swap3A_480, %swap3A_481], %gather3A_479 {strides = array<i32>} : memref<64x128xf32, #tpu.memory_space<vmem>>, vector<16xf32>,
    }
    %scan3A_275 = arith.constant 16 : i32
    %mul3A_276 = arith.constant 336 : i32
    %mul3A_277 = arith.muli %arg1, %mul3A_276 : i32
    %add3A_278 = arith.constant 96 : i32
    %add3A_279 = arith.addi %mul3A_277, %add3A_278 : i32
    "tpu.region"() ({
      %run_scoped3A = tpu.sem_alloc : memref<!tpu.dma_semaphore, #tpu.memory_space<semaphore_mem>>
      %dma_start3A = arith.constant 0 : i32
      %dma_start3A_420 = arith.constant 0 : i32
      %dma_start3A_421 = tpu.memref_slice %arg13[%dma_start3A, %dma_start3A_420] : memref<64x128xf32, #tpu.memory_space<vmem>> -> memref<16x128xf32, #tpu.memory_space<vmem>>
      %dma_start3A_422 = arith.constant 0 : i32
      %dma_start3A_423 = tpu.memref_slice %arg7[%arg0, %add3A_279, %dma_start3A_422] : memref<2x5376x128xf32, #tpu.memory_space<hbm>> -> memref<1x16x128xf32, #tpu.memory_space<hbm>>
      %dma_start3A_424 = tpu.memref_squeeze %dma_start3A_423 : memref<1x16x128xf32, #tpu.memory_space<hbm>> -> memref<16x128xf32, #tpu.memory_space<hbm>>
      %dma_start3A_425 = arith.constant 0 : i32
      %dma_start3A_426 = tpu.memref_slice %arg7[%arg0, %add3A_279, %dma_start3A_425] : memref<2x5376x128xf32, #tpu.memory_space<hbm>> -> memref<1x16x128xf32, #tpu.memory_space<hbm>>
      %dma_start3A_427 = tpu.memref_squeeze %dma_start3A_426 : memref<1x16x128xf32, #tpu.memory_space<hbm>> -> memref<16x128xf32, #tpu.memory_space<hbm>>
      %dma_start3A_428 = arith.constant 0 : i32
      %dma_start3A_429 = arith.constant 0 : i32
      %dma_start3A_430 = tpu.memref_slice %arg13[%dma_start3A_428, %dma_start3A_429] : memref<64x128xf32, #tpu.memory_space<vmem>> -> memref<16x128xf32, #tpu.memory_space<vmem>>
      tpu.enqueue_dma source(%dma_start3A_430 : memref<16x128xf32, #tpu.memory_space<vmem>>) target(%dma_start3A_427 : memref<16x128xf32, #tpu.memory_space<hbm>>) target_semaphore(%run_scoped3A : memref<!tpu.dma_semaphore, #tpu.memory_space<semaphore_mem>>)
      %dma_wait3A = arith.constant 0 : i32
      %dma_wait3A_431 = arith.constant 0 : i32
      %dma_wait3A_432 = tpu.memref_slice %arg13[%dma_wait3A, %dma_wait3A_431] : memref<64x128xf32, #tpu.memory_space<vmem>> -> memref<16x128xf32, #tpu.memory_space<vmem>>
      %dma_wait3A_433 = arith.constant 0 : i32
      %dma_wait3A_434 = tpu.memref_slice %arg7[%arg0, %add3A_279, %dma_wait3A_433] : memref<2x5376x128xf32, #tpu.memory_space<hbm>> -> memref<1x16x128xf32, #tpu.memory_space<hbm>>
      %dma_wait3A_435 = tpu.memref_squeeze %dma_wait3A_434 : memref<1x16x128xf32, #tpu.memory_space<hbm>> -> memref<16x128xf32, #tpu.memory_space<hbm>>
      %dma_wait3A_436 = arith.constant 0 : i32
      %dma_wait3A_437 = tpu.memref_slice %arg7[%arg0, %add3A_279, %dma_wait3A_436] : memref<2x5376x128xf32, #tpu.memory_space<hbm>> -> memref<1x16x128xf32, #tpu.memory_space<hbm>>
      %dma_wait3A_438 = tpu.memref_squeeze %dma_wait3A_437 : memref<1x16x128xf32, #tpu.memory_space<hbm>> -> memref<16x128xf32, #tpu.memory_space<hbm>>
      %dma_wait3A_439 = arith.constant 0 : i32
      %dma_wait3A_440 = arith.constant 0 : i32
      %dma_wait3A_441 = tpu.memref_slice %arg13[%dma_wait3A_439, %dma_wait3A_440] : memref<64x128xf32, #tpu.memory_space<vmem>> -> memref<16x128xf32, #tpu.memory_space<vmem>>
      tpu.wait_dma2 semaphore(%run_scoped3A : memref<!tpu.dma_semaphore, #tpu.memory_space<semaphore_mem>>) src(%dma_wait3A_441 : memref<16x128xf32, #tpu.memory_space<vmem>>) dst(%dma_wait3A_438 : memref<16x128xf32, #tpu.memory_space<hbm>>)
      tpu.yield
    }) : () -> ()
    %scan3A_280 = arith.constant 0 : i32
    %scan3A_281 = arith.constant 112 : i32
    %scan3A_282 = arith.constant 16 : i32
    %scan3A_283 = arith.addi %scan3A_281, %scan3A_282 : i32
    %scan3A_284 = arith.constant 1 : i32
    scf.for %scan3A_420 = %scan3A_281 to %scan3A_283 step %scan3A_284  : i32 {
      %shift_right_logical3A = arith.constant 4 : i32
      %shift_right_logical3A_421 = arith.shrui %scan3A_420, %shift_right_logical3A : i32
      %and3A = arith.constant 15 : i32
      %and3A_422 = arith.andi %scan3A_420, %and3A : i32
      %mul3A_423 = arith.constant 8 : i32
      %mul3A_424 = arith.muli %and3A_422, %mul3A_423 : i32
      %broadcast_in_dim3A_425 = vector.broadcast %shift_right_logical3A_421 : i32 to vector<16xi32>
      %and3A_426 = arith.constant 15 : i32
      %and3A_427 = arith.andi %scan3A_420, %and3A_426 : i32
      %add3A_428 = arith.constant 0 : i32
      %add3A_429 = arith.addi %mul3A_424, %add3A_428 : i32
      %broadcast_in_dim3A_430 = vector.broadcast %add3A_429 : i32 to vector<16xi32>
      %gather3A = tpu.vector_load_idx %arg11[%broadcast_in_dim3A_425, %broadcast_in_dim3A_430] : memref<64x128xf32, #tpu.memory_space<vmem>>[vector<16xi32>, vector<16xi32>], vector<16xf32>,
      %swap3A_431 = arith.index_cast %and3A_427 : i32 to index
      %swap3A_432 = arith.constant 0 : index
      %swap3A_433 = tpu.vector_load %arg13[%swap3A_431, %swap3A_432] {strides = array<i32>} : memref<64x128xf32, #tpu.memory_space<vmem>>, vector<16xf32>,
      tpu.vector_store %arg13[%swap3A_431, %swap3A_432], %gather3A {strides = array<i32>} : memref<64x128xf32, #tpu.memory_space<vmem>>, vector<16xf32>,
      %add3A_434 = arith.constant 1 : i32
      %add3A_435 = arith.addi %mul3A_424, %add3A_434 : i32
      %broadcast_in_dim3A_436 = vector.broadcast %add3A_435 : i32 to vector<16xi32>
      %gather3A_437 = tpu.vector_load_idx %arg11[%broadcast_in_dim3A_425, %broadcast_in_dim3A_436] : memref<64x128xf32, #tpu.memory_space<vmem>>[vector<16xi32>, vector<16xi32>], vector<16xf32>,
      %swap3A_438 = arith.index_cast %and3A_427 : i32 to index
      %swap3A_439 = arith.constant 16 : index
      %swap3A_440 = tpu.vector_load %arg13[%swap3A_438, %swap3A_439] {strides = array<i32>} : memref<64x128xf32, #tpu.memory_space<vmem>>, vector<16xf32>,
      tpu.vector_store %arg13[%swap3A_438, %swap3A_439], %gather3A_437 {strides = array<i32>} : memref<64x128xf32, #tpu.memory_space<vmem>>, vector<16xf32>,
      %add3A_441 = arith.constant 2 : i32
      %add3A_442 = arith.addi %mul3A_424, %add3A_441 : i32
      %broadcast_in_dim3A_443 = vector.broadcast %add3A_442 : i32 to vector<16xi32>
      %gather3A_444 = tpu.vector_load_idx %arg11[%broadcast_in_dim3A_425, %broadcast_in_dim3A_443] : memref<64x128xf32, #tpu.memory_space<vmem>>[vector<16xi32>, vector<16xi32>], vector<16xf32>,
      %swap3A_445 = arith.index_cast %and3A_427 : i32 to index
      %swap3A_446 = arith.constant 32 : index
      %swap3A_447 = tpu.vector_load %arg13[%swap3A_445, %swap3A_446] {strides = array<i32>} : memref<64x128xf32, #tpu.memory_space<vmem>>, vector<16xf32>,
      tpu.vector_store %arg13[%swap3A_445, %swap3A_446], %gather3A_444 {strides = array<i32>} : memref<64x128xf32, #tpu.memory_space<vmem>>, vector<16xf32>,
      %add3A_448 = arith.constant 3 : i32
      %add3A_449 = arith.addi %mul3A_424, %add3A_448 : i32
      %broadcast_in_dim3A_450 = vector.broadcast %add3A_449 : i32 to vector<16xi32>
      %gather3A_451 = tpu.vector_load_idx %arg11[%broadcast_in_dim3A_425, %broadcast_in_dim3A_450] : memref<64x128xf32, #tpu.memory_space<vmem>>[vector<16xi32>, vector<16xi32>], vector<16xf32>,
      %swap3A_452 = arith.index_cast %and3A_427 : i32 to index
      %swap3A_453 = arith.constant 48 : index
      %swap3A_454 = tpu.vector_load %arg13[%swap3A_452, %swap3A_453] {strides = array<i32>} : memref<64x128xf32, #tpu.memory_space<vmem>>, vector<16xf32>,
      tpu.vector_store %arg13[%swap3A_452, %swap3A_453], %gather3A_451 {strides = array<i32>} : memref<64x128xf32, #tpu.memory_space<vmem>>, vector<16xf32>,
      %add3A_455 = arith.constant 4 : i32
      %add3A_456 = arith.addi %mul3A_424, %add3A_455 : i32
      %broadcast_in_dim3A_457 = vector.broadcast %add3A_456 : i32 to vector<16xi32>
      %gather3A_458 = tpu.vector_load_idx %arg11[%broadcast_in_dim3A_425, %broadcast_in_dim3A_457] : memref<64x128xf32, #tpu.memory_space<vmem>>[vector<16xi32>, vector<16xi32>], vector<16xf32>,
      %swap3A_459 = arith.index_cast %and3A_427 : i32 to index
      %swap3A_460 = arith.constant 64 : index
      %swap3A_461 = tpu.vector_load %arg13[%swap3A_459, %swap3A_460] {strides = array<i32>} : memref<64x128xf32, #tpu.memory_space<vmem>>, vector<16xf32>,
      tpu.vector_store %arg13[%swap3A_459, %swap3A_460], %gather3A_458 {strides = array<i32>} : memref<64x128xf32, #tpu.memory_space<vmem>>, vector<16xf32>,
      %add3A_462 = arith.constant 5 : i32
      %add3A_463 = arith.addi %mul3A_424, %add3A_462 : i32
      %broadcast_in_dim3A_464 = vector.broadcast %add3A_463 : i32 to vector<16xi32>
      %gather3A_465 = tpu.vector_load_idx %arg11[%broadcast_in_dim3A_425, %broadcast_in_dim3A_464] : memref<64x128xf32, #tpu.memory_space<vmem>>[vector<16xi32>, vector<16xi32>], vector<16xf32>,
      %swap3A_466 = arith.index_cast %and3A_427 : i32 to index
      %swap3A_467 = arith.constant 80 : index
      %swap3A_468 = tpu.vector_load %arg13[%swap3A_466, %swap3A_467] {strides = array<i32>} : memref<64x128xf32, #tpu.memory_space<vmem>>, vector<16xf32>,
      tpu.vector_store %arg13[%swap3A_466, %swap3A_467], %gather3A_465 {strides = array<i32>} : memref<64x128xf32, #tpu.memory_space<vmem>>, vector<16xf32>,
      %add3A_469 = arith.constant 6 : i32
      %add3A_470 = arith.addi %mul3A_424, %add3A_469 : i32
      %broadcast_in_dim3A_471 = vector.broadcast %add3A_470 : i32 to vector<16xi32>
      %gather3A_472 = tpu.vector_load_idx %arg11[%broadcast_in_dim3A_425, %broadcast_in_dim3A_471] : memref<64x128xf32, #tpu.memory_space<vmem>>[vector<16xi32>, vector<16xi32>], vector<16xf32>,
      %swap3A_473 = arith.index_cast %and3A_427 : i32 to index
      %swap3A_474 = arith.constant 96 : index
      %swap3A_475 = tpu.vector_load %arg13[%swap3A_473, %swap3A_474] {strides = array<i32>} : memref<64x128xf32, #tpu.memory_space<vmem>>, vector<16xf32>,
      tpu.vector_store %arg13[%swap3A_473, %swap3A_474], %gather3A_472 {strides = array<i32>} : memref<64x128xf32, #tpu.memory_space<vmem>>, vector<16xf32>,
      %add3A_476 = arith.constant 7 : i32
      %add3A_477 = arith.addi %mul3A_424, %add3A_476 : i32
      %broadcast_in_dim3A_478 = vector.broadcast %add3A_477 : i32 to vector<16xi32>
      %gather3A_479 = tpu.vector_load_idx %arg11[%broadcast_in_dim3A_425, %broadcast_in_dim3A_478] : memref<64x128xf32, #tpu.memory_space<vmem>>[vector<16xi32>, vector<16xi32>], vector<16xf32>,
      %swap3A_480 = arith.index_cast %and3A_427 : i32 to index
      %swap3A_481 = arith.constant 112 : index
      %swap3A_482 = tpu.vector_load %arg13[%swap3A_480, %swap3A_481] {strides = array<i32>} : memref<64x128xf32, #tpu.memory_space<vmem>>, vector<16xf32>,
      tpu.vector_store %arg13[%swap3A_480, %swap3A_481], %gather3A_479 {strides = array<i32>} : memref<64x128xf32, #tpu.memory_space<vmem>>, vector<16xf32>,
    }
    %scan3A_285 = arith.constant 16 : i32
    %mul3A_286 = arith.constant 336 : i32
    %mul3A_287 = arith.muli %arg1, %mul3A_286 : i32
    %add3A_288 = arith.constant 112 : i32
    %add3A_289 = arith.addi %mul3A_287, %add3A_288 : i32
    "tpu.region"() ({
      %run_scoped3A = tpu.sem_alloc : memref<!tpu.dma_semaphore, #tpu.memory_space<semaphore_mem>>
      %dma_start3A = arith.constant 0 : i32
      %dma_start3A_420 = arith.constant 0 : i32
      %dma_start3A_421 = tpu.memref_slice %arg13[%dma_start3A, %dma_start3A_420] : memref<64x128xf32, #tpu.memory_space<vmem>> -> memref<16x128xf32, #tpu.memory_space<vmem>>
      %dma_start3A_422 = arith.constant 0 : i32
      %dma_start3A_423 = tpu.memref_slice %arg7[%arg0, %add3A_289, %dma_start3A_422] : memref<2x5376x128xf32, #tpu.memory_space<hbm>> -> memref<1x16x128xf32, #tpu.memory_space<hbm>>
      %dma_start3A_424 = tpu.memref_squeeze %dma_start3A_423 : memref<1x16x128xf32, #tpu.memory_space<hbm>> -> memref<16x128xf32, #tpu.memory_space<hbm>>
      %dma_start3A_425 = arith.constant 0 : i32
      %dma_start3A_426 = tpu.memref_slice %arg7[%arg0, %add3A_289, %dma_start3A_425] : memref<2x5376x128xf32, #tpu.memory_space<hbm>> -> memref<1x16x128xf32, #tpu.memory_space<hbm>>
      %dma_start3A_427 = tpu.memref_squeeze %dma_start3A_426 : memref<1x16x128xf32, #tpu.memory_space<hbm>> -> memref<16x128xf32, #tpu.memory_space<hbm>>
      %dma_start3A_428 = arith.constant 0 : i32
      %dma_start3A_429 = arith.constant 0 : i32
      %dma_start3A_430 = tpu.memref_slice %arg13[%dma_start3A_428, %dma_start3A_429] : memref<64x128xf32, #tpu.memory_space<vmem>> -> memref<16x128xf32, #tpu.memory_space<vmem>>
      tpu.enqueue_dma source(%dma_start3A_430 : memref<16x128xf32, #tpu.memory_space<vmem>>) target(%dma_start3A_427 : memref<16x128xf32, #tpu.memory_space<hbm>>) target_semaphore(%run_scoped3A : memref<!tpu.dma_semaphore, #tpu.memory_space<semaphore_mem>>)
      %dma_wait3A = arith.constant 0 : i32
      %dma_wait3A_431 = arith.constant 0 : i32
      %dma_wait3A_432 = tpu.memref_slice %arg13[%dma_wait3A, %dma_wait3A_431] : memref<64x128xf32, #tpu.memory_space<vmem>> -> memref<16x128xf32, #tpu.memory_space<vmem>>
      %dma_wait3A_433 = arith.constant 0 : i32
      %dma_wait3A_434 = tpu.memref_slice %arg7[%arg0, %add3A_289, %dma_wait3A_433] : memref<2x5376x128xf32, #tpu.memory_space<hbm>> -> memref<1x16x128xf32, #tpu.memory_space<hbm>>
      %dma_wait3A_435 = tpu.memref_squeeze %dma_wait3A_434 : memref<1x16x128xf32, #tpu.memory_space<hbm>> -> memref<16x128xf32, #tpu.memory_space<hbm>>
      %dma_wait3A_436 = arith.constant 0 : i32
      %dma_wait3A_437 = tpu.memref_slice %arg7[%arg0, %add3A_289, %dma_wait3A_436] : memref<2x5376x128xf32, #tpu.memory_space<hbm>> -> memref<1x16x128xf32, #tpu.memory_space<hbm>>
      %dma_wait3A_438 = tpu.memref_squeeze %dma_wait3A_437 : memref<1x16x128xf32, #tpu.memory_space<hbm>> -> memref<16x128xf32, #tpu.memory_space<hbm>>
      %dma_wait3A_439 = arith.constant 0 : i32
      %dma_wait3A_440 = arith.constant 0 : i32
      %dma_wait3A_441 = tpu.memref_slice %arg13[%dma_wait3A_439, %dma_wait3A_440] : memref<64x128xf32, #tpu.memory_space<vmem>> -> memref<16x128xf32, #tpu.memory_space<vmem>>
      tpu.wait_dma2 semaphore(%run_scoped3A : memref<!tpu.dma_semaphore, #tpu.memory_space<semaphore_mem>>) src(%dma_wait3A_441 : memref<16x128xf32, #tpu.memory_space<vmem>>) dst(%dma_wait3A_438 : memref<16x128xf32, #tpu.memory_space<hbm>>)
      tpu.yield
    }) : () -> ()
    %scan3A_290 = arith.constant 0 : i32
    %scan3A_291 = arith.constant 128 : i32
    %scan3A_292 = arith.constant 16 : i32
    %scan3A_293 = arith.addi %scan3A_291, %scan3A_292 : i32
    %scan3A_294 = arith.constant 1 : i32
    scf.for %scan3A_420 = %scan3A_291 to %scan3A_293 step %scan3A_294  : i32 {
      %shift_right_logical3A = arith.constant 4 : i32
      %shift_right_logical3A_421 = arith.shrui %scan3A_420, %shift_right_logical3A : i32
      %and3A = arith.constant 15 : i32
      %and3A_422 = arith.andi %scan3A_420, %and3A : i32
      %mul3A_423 = arith.constant 8 : i32
      %mul3A_424 = arith.muli %and3A_422, %mul3A_423 : i32
      %broadcast_in_dim3A_425 = vector.broadcast %shift_right_logical3A_421 : i32 to vector<16xi32>
      %and3A_426 = arith.constant 15 : i32
      %and3A_427 = arith.andi %scan3A_420, %and3A_426 : i32
      %add3A_428 = arith.constant 0 : i32
      %add3A_429 = arith.addi %mul3A_424, %add3A_428 : i32
      %broadcast_in_dim3A_430 = vector.broadcast %add3A_429 : i32 to vector<16xi32>
      %gather3A = tpu.vector_load_idx %arg11[%broadcast_in_dim3A_425, %broadcast_in_dim3A_430] : memref<64x128xf32, #tpu.memory_space<vmem>>[vector<16xi32>, vector<16xi32>], vector<16xf32>,
      %swap3A_431 = arith.index_cast %and3A_427 : i32 to index
      %swap3A_432 = arith.constant 0 : index
      %swap3A_433 = tpu.vector_load %arg13[%swap3A_431, %swap3A_432] {strides = array<i32>} : memref<64x128xf32, #tpu.memory_space<vmem>>, vector<16xf32>,
      tpu.vector_store %arg13[%swap3A_431, %swap3A_432], %gather3A {strides = array<i32>} : memref<64x128xf32, #tpu.memory_space<vmem>>, vector<16xf32>,
      %add3A_434 = arith.constant 1 : i32
      %add3A_435 = arith.addi %mul3A_424, %add3A_434 : i32
      %broadcast_in_dim3A_436 = vector.broadcast %add3A_435 : i32 to vector<16xi32>
      %gather3A_437 = tpu.vector_load_idx %arg11[%broadcast_in_dim3A_425, %broadcast_in_dim3A_436] : memref<64x128xf32, #tpu.memory_space<vmem>>[vector<16xi32>, vector<16xi32>], vector<16xf32>,
      %swap3A_438 = arith.index_cast %and3A_427 : i32 to index
      %swap3A_439 = arith.constant 16 : index
      %swap3A_440 = tpu.vector_load %arg13[%swap3A_438, %swap3A_439] {strides = array<i32>} : memref<64x128xf32, #tpu.memory_space<vmem>>, vector<16xf32>,
      tpu.vector_store %arg13[%swap3A_438, %swap3A_439], %gather3A_437 {strides = array<i32>} : memref<64x128xf32, #tpu.memory_space<vmem>>, vector<16xf32>,
      %add3A_441 = arith.constant 2 : i32
      %add3A_442 = arith.addi %mul3A_424, %add3A_441 : i32
      %broadcast_in_dim3A_443 = vector.broadcast %add3A_442 : i32 to vector<16xi32>
      %gather3A_444 = tpu.vector_load_idx %arg11[%broadcast_in_dim3A_425, %broadcast_in_dim3A_443] : memref<64x128xf32, #tpu.memory_space<vmem>>[vector<16xi32>, vector<16xi32>], vector<16xf32>,
      %swap3A_445 = arith.index_cast %and3A_427 : i32 to index
      %swap3A_446 = arith.constant 32 : index
      %swap3A_447 = tpu.vector_load %arg13[%swap3A_445, %swap3A_446] {strides = array<i32>} : memref<64x128xf32, #tpu.memory_space<vmem>>, vector<16xf32>,
      tpu.vector_store %arg13[%swap3A_445, %swap3A_446], %gather3A_444 {strides = array<i32>} : memref<64x128xf32, #tpu.memory_space<vmem>>, vector<16xf32>,
      %add3A_448 = arith.constant 3 : i32
      %add3A_449 = arith.addi %mul3A_424, %add3A_448 : i32
      %broadcast_in_dim3A_450 = vector.broadcast %add3A_449 : i32 to vector<16xi32>
      %gather3A_451 = tpu.vector_load_idx %arg11[%broadcast_in_dim3A_425, %broadcast_in_dim3A_450] : memref<64x128xf32, #tpu.memory_space<vmem>>[vector<16xi32>, vector<16xi32>], vector<16xf32>,
      %swap3A_452 = arith.index_cast %and3A_427 : i32 to index
      %swap3A_453 = arith.constant 48 : index
      %swap3A_454 = tpu.vector_load %arg13[%swap3A_452, %swap3A_453] {strides = array<i32>} : memref<64x128xf32, #tpu.memory_space<vmem>>, vector<16xf32>,
      tpu.vector_store %arg13[%swap3A_452, %swap3A_453], %gather3A_451 {strides = array<i32>} : memref<64x128xf32, #tpu.memory_space<vmem>>, vector<16xf32>,
      %add3A_455 = arith.constant 4 : i32
      %add3A_456 = arith.addi %mul3A_424, %add3A_455 : i32
      %broadcast_in_dim3A_457 = vector.broadcast %add3A_456 : i32 to vector<16xi32>
      %gather3A_458 = tpu.vector_load_idx %arg11[%broadcast_in_dim3A_425, %broadcast_in_dim3A_457] : memref<64x128xf32, #tpu.memory_space<vmem>>[vector<16xi32>, vector<16xi32>], vector<16xf32>,
      %swap3A_459 = arith.index_cast %and3A_427 : i32 to index
      %swap3A_460 = arith.constant 64 : index
      %swap3A_461 = tpu.vector_load %arg13[%swap3A_459, %swap3A_460] {strides = array<i32>} : memref<64x128xf32, #tpu.memory_space<vmem>>, vector<16xf32>,
      tpu.vector_store %arg13[%swap3A_459, %swap3A_460], %gather3A_458 {strides = array<i32>} : memref<64x128xf32, #tpu.memory_space<vmem>>, vector<16xf32>,
      %add3A_462 = arith.constant 5 : i32
      %add3A_463 = arith.addi %mul3A_424, %add3A_462 : i32
      %broadcast_in_dim3A_464 = vector.broadcast %add3A_463 : i32 to vector<16xi32>
      %gather3A_465 = tpu.vector_load_idx %arg11[%broadcast_in_dim3A_425, %broadcast_in_dim3A_464] : memref<64x128xf32, #tpu.memory_space<vmem>>[vector<16xi32>, vector<16xi32>], vector<16xf32>,
      %swap3A_466 = arith.index_cast %and3A_427 : i32 to index
      %swap3A_467 = arith.constant 80 : index
      %swap3A_468 = tpu.vector_load %arg13[%swap3A_466, %swap3A_467] {strides = array<i32>} : memref<64x128xf32, #tpu.memory_space<vmem>>, vector<16xf32>,
      tpu.vector_store %arg13[%swap3A_466, %swap3A_467], %gather3A_465 {strides = array<i32>} : memref<64x128xf32, #tpu.memory_space<vmem>>, vector<16xf32>,
      %add3A_469 = arith.constant 6 : i32
      %add3A_470 = arith.addi %mul3A_424, %add3A_469 : i32
      %broadcast_in_dim3A_471 = vector.broadcast %add3A_470 : i32 to vector<16xi32>
      %gather3A_472 = tpu.vector_load_idx %arg11[%broadcast_in_dim3A_425, %broadcast_in_dim3A_471] : memref<64x128xf32, #tpu.memory_space<vmem>>[vector<16xi32>, vector<16xi32>], vector<16xf32>,
      %swap3A_473 = arith.index_cast %and3A_427 : i32 to index
      %swap3A_474 = arith.constant 96 : index
      %swap3A_475 = tpu.vector_load %arg13[%swap3A_473, %swap3A_474] {strides = array<i32>} : memref<64x128xf32, #tpu.memory_space<vmem>>, vector<16xf32>,
      tpu.vector_store %arg13[%swap3A_473, %swap3A_474], %gather3A_472 {strides = array<i32>} : memref<64x128xf32, #tpu.memory_space<vmem>>, vector<16xf32>,
      %add3A_476 = arith.constant 7 : i32
      %add3A_477 = arith.addi %mul3A_424, %add3A_476 : i32
      %broadcast_in_dim3A_478 = vector.broadcast %add3A_477 : i32 to vector<16xi32>
      %gather3A_479 = tpu.vector_load_idx %arg11[%broadcast_in_dim3A_425, %broadcast_in_dim3A_478] : memref<64x128xf32, #tpu.memory_space<vmem>>[vector<16xi32>, vector<16xi32>], vector<16xf32>,
      %swap3A_480 = arith.index_cast %and3A_427 : i32 to index
      %swap3A_481 = arith.constant 112 : index
      %swap3A_482 = tpu.vector_load %arg13[%swap3A_480, %swap3A_481] {strides = array<i32>} : memref<64x128xf32, #tpu.memory_space<vmem>>, vector<16xf32>,
      tpu.vector_store %arg13[%swap3A_480, %swap3A_481], %gather3A_479 {strides = array<i32>} : memref<64x128xf32, #tpu.memory_space<vmem>>, vector<16xf32>,
    }
    %scan3A_295 = arith.constant 16 : i32
    %mul3A_296 = arith.constant 336 : i32
    %mul3A_297 = arith.muli %arg1, %mul3A_296 : i32
    %add3A_298 = arith.constant 128 : i32
    %add3A_299 = arith.addi %mul3A_297, %add3A_298 : i32
    "tpu.region"() ({
      %run_scoped3A = tpu.sem_alloc : memref<!tpu.dma_semaphore, #tpu.memory_space<semaphore_mem>>
      %dma_start3A = arith.constant 0 : i32
      %dma_start3A_420 = arith.constant 0 : i32
      %dma_start3A_421 = tpu.memref_slice %arg13[%dma_start3A, %dma_start3A_420] : memref<64x128xf32, #tpu.memory_space<vmem>> -> memref<16x128xf32, #tpu.memory_space<vmem>>
      %dma_start3A_422 = arith.constant 0 : i32
      %dma_start3A_423 = tpu.memref_slice %arg7[%arg0, %add3A_299, %dma_start3A_422] : memref<2x5376x128xf32, #tpu.memory_space<hbm>> -> memref<1x16x128xf32, #tpu.memory_space<hbm>>
      %dma_start3A_424 = tpu.memref_squeeze %dma_start3A_423 : memref<1x16x128xf32, #tpu.memory_space<hbm>> -> memref<16x128xf32, #tpu.memory_space<hbm>>
      %dma_start3A_425 = arith.constant 0 : i32
      %dma_start3A_426 = tpu.memref_slice %arg7[%arg0, %add3A_299, %dma_start3A_425] : memref<2x5376x128xf32, #tpu.memory_space<hbm>> -> memref<1x16x128xf32, #tpu.memory_space<hbm>>
      %dma_start3A_427 = tpu.memref_squeeze %dma_start3A_426 : memref<1x16x128xf32, #tpu.memory_space<hbm>> -> memref<16x128xf32, #tpu.memory_space<hbm>>
      %dma_start3A_428 = arith.constant 0 : i32
      %dma_start3A_429 = arith.constant 0 : i32
      %dma_start3A_430 = tpu.memref_slice %arg13[%dma_start3A_428, %dma_start3A_429] : memref<64x128xf32, #tpu.memory_space<vmem>> -> memref<16x128xf32, #tpu.memory_space<vmem>>
      tpu.enqueue_dma source(%dma_start3A_430 : memref<16x128xf32, #tpu.memory_space<vmem>>) target(%dma_start3A_427 : memref<16x128xf32, #tpu.memory_space<hbm>>) target_semaphore(%run_scoped3A : memref<!tpu.dma_semaphore, #tpu.memory_space<semaphore_mem>>)
      %dma_wait3A = arith.constant 0 : i32
      %dma_wait3A_431 = arith.constant 0 : i32
      %dma_wait3A_432 = tpu.memref_slice %arg13[%dma_wait3A, %dma_wait3A_431] : memref<64x128xf32, #tpu.memory_space<vmem>> -> memref<16x128xf32, #tpu.memory_space<vmem>>
      %dma_wait3A_433 = arith.constant 0 : i32
      %dma_wait3A_434 = tpu.memref_slice %arg7[%arg0, %add3A_299, %dma_wait3A_433] : memref<2x5376x128xf32, #tpu.memory_space<hbm>> -> memref<1x16x128xf32, #tpu.memory_space<hbm>>
      %dma_wait3A_435 = tpu.memref_squeeze %dma_wait3A_434 : memref<1x16x128xf32, #tpu.memory_space<hbm>> -> memref<16x128xf32, #tpu.memory_space<hbm>>
      %dma_wait3A_436 = arith.constant 0 : i32
      %dma_wait3A_437 = tpu.memref_slice %arg7[%arg0, %add3A_299, %dma_wait3A_436] : memref<2x5376x128xf32, #tpu.memory_space<hbm>> -> memref<1x16x128xf32, #tpu.memory_space<hbm>>
      %dma_wait3A_438 = tpu.memref_squeeze %dma_wait3A_437 : memref<1x16x128xf32, #tpu.memory_space<hbm>> -> memref<16x128xf32, #tpu.memory_space<hbm>>
      %dma_wait3A_439 = arith.constant 0 : i32
      %dma_wait3A_440 = arith.constant 0 : i32
      %dma_wait3A_441 = tpu.memref_slice %arg13[%dma_wait3A_439, %dma_wait3A_440] : memref<64x128xf32, #tpu.memory_space<vmem>> -> memref<16x128xf32, #tpu.memory_space<vmem>>
      tpu.wait_dma2 semaphore(%run_scoped3A : memref<!tpu.dma_semaphore, #tpu.memory_space<semaphore_mem>>) src(%dma_wait3A_441 : memref<16x128xf32, #tpu.memory_space<vmem>>) dst(%dma_wait3A_438 : memref<16x128xf32, #tpu.memory_space<hbm>>)
      tpu.yield
    }) : () -> ()
    %scan3A_300 = arith.constant 0 : i32
    %scan3A_301 = arith.constant 144 : i32
    %scan3A_302 = arith.constant 16 : i32
    %scan3A_303 = arith.addi %scan3A_301, %scan3A_302 : i32
    %scan3A_304 = arith.constant 1 : i32
    scf.for %scan3A_420 = %scan3A_301 to %scan3A_303 step %scan3A_304  : i32 {
      %shift_right_logical3A = arith.constant 4 : i32
      %shift_right_logical3A_421 = arith.shrui %scan3A_420, %shift_right_logical3A : i32
      %and3A = arith.constant 15 : i32
      %and3A_422 = arith.andi %scan3A_420, %and3A : i32
      %mul3A_423 = arith.constant 8 : i32
      %mul3A_424 = arith.muli %and3A_422, %mul3A_423 : i32
      %broadcast_in_dim3A_425 = vector.broadcast %shift_right_logical3A_421 : i32 to vector<16xi32>
      %and3A_426 = arith.constant 15 : i32
      %and3A_427 = arith.andi %scan3A_420, %and3A_426 : i32
      %add3A_428 = arith.constant 0 : i32
      %add3A_429 = arith.addi %mul3A_424, %add3A_428 : i32
      %broadcast_in_dim3A_430 = vector.broadcast %add3A_429 : i32 to vector<16xi32>
      %gather3A = tpu.vector_load_idx %arg11[%broadcast_in_dim3A_425, %broadcast_in_dim3A_430] : memref<64x128xf32, #tpu.memory_space<vmem>>[vector<16xi32>, vector<16xi32>], vector<16xf32>,
      %swap3A_431 = arith.index_cast %and3A_427 : i32 to index
      %swap3A_432 = arith.constant 0 : index
      %swap3A_433 = tpu.vector_load %arg13[%swap3A_431, %swap3A_432] {strides = array<i32>} : memref<64x128xf32, #tpu.memory_space<vmem>>, vector<16xf32>,
      tpu.vector_store %arg13[%swap3A_431, %swap3A_432], %gather3A {strides = array<i32>} : memref<64x128xf32, #tpu.memory_space<vmem>>, vector<16xf32>,
      %add3A_434 = arith.constant 1 : i32
      %add3A_435 = arith.addi %mul3A_424, %add3A_434 : i32
      %broadcast_in_dim3A_436 = vector.broadcast %add3A_435 : i32 to vector<16xi32>
      %gather3A_437 = tpu.vector_load_idx %arg11[%broadcast_in_dim3A_425, %broadcast_in_dim3A_436] : memref<64x128xf32, #tpu.memory_space<vmem>>[vector<16xi32>, vector<16xi32>], vector<16xf32>,
      %swap3A_438 = arith.index_cast %and3A_427 : i32 to index
      %swap3A_439 = arith.constant 16 : index
      %swap3A_440 = tpu.vector_load %arg13[%swap3A_438, %swap3A_439] {strides = array<i32>} : memref<64x128xf32, #tpu.memory_space<vmem>>, vector<16xf32>,
      tpu.vector_store %arg13[%swap3A_438, %swap3A_439], %gather3A_437 {strides = array<i32>} : memref<64x128xf32, #tpu.memory_space<vmem>>, vector<16xf32>,
      %add3A_441 = arith.constant 2 : i32
      %add3A_442 = arith.addi %mul3A_424, %add3A_441 : i32
      %broadcast_in_dim3A_443 = vector.broadcast %add3A_442 : i32 to vector<16xi32>
      %gather3A_444 = tpu.vector_load_idx %arg11[%broadcast_in_dim3A_425, %broadcast_in_dim3A_443] : memref<64x128xf32, #tpu.memory_space<vmem>>[vector<16xi32>, vector<16xi32>], vector<16xf32>,
      %swap3A_445 = arith.index_cast %and3A_427 : i32 to index
      %swap3A_446 = arith.constant 32 : index
      %swap3A_447 = tpu.vector_load %arg13[%swap3A_445, %swap3A_446] {strides = array<i32>} : memref<64x128xf32, #tpu.memory_space<vmem>>, vector<16xf32>,
      tpu.vector_store %arg13[%swap3A_445, %swap3A_446], %gather3A_444 {strides = array<i32>} : memref<64x128xf32, #tpu.memory_space<vmem>>, vector<16xf32>,
      %add3A_448 = arith.constant 3 : i32
      %add3A_449 = arith.addi %mul3A_424, %add3A_448 : i32
      %broadcast_in_dim3A_450 = vector.broadcast %add3A_449 : i32 to vector<16xi32>
      %gather3A_451 = tpu.vector_load_idx %arg11[%broadcast_in_dim3A_425, %broadcast_in_dim3A_450] : memref<64x128xf32, #tpu.memory_space<vmem>>[vector<16xi32>, vector<16xi32>], vector<16xf32>,
      %swap3A_452 = arith.index_cast %and3A_427 : i32 to index
      %swap3A_453 = arith.constant 48 : index
      %swap3A_454 = tpu.vector_load %arg13[%swap3A_452, %swap3A_453] {strides = array<i32>} : memref<64x128xf32, #tpu.memory_space<vmem>>, vector<16xf32>,
      tpu.vector_store %arg13[%swap3A_452, %swap3A_453], %gather3A_451 {strides = array<i32>} : memref<64x128xf32, #tpu.memory_space<vmem>>, vector<16xf32>,
      %add3A_455 = arith.constant 4 : i32
      %add3A_456 = arith.addi %mul3A_424, %add3A_455 : i32
      %broadcast_in_dim3A_457 = vector.broadcast %add3A_456 : i32 to vector<16xi32>
      %gather3A_458 = tpu.vector_load_idx %arg11[%broadcast_in_dim3A_425, %broadcast_in_dim3A_457] : memref<64x128xf32, #tpu.memory_space<vmem>>[vector<16xi32>, vector<16xi32>], vector<16xf32>,
      %swap3A_459 = arith.index_cast %and3A_427 : i32 to index
      %swap3A_460 = arith.constant 64 : index
      %swap3A_461 = tpu.vector_load %arg13[%swap3A_459, %swap3A_460] {strides = array<i32>} : memref<64x128xf32, #tpu.memory_space<vmem>>, vector<16xf32>,
      tpu.vector_store %arg13[%swap3A_459, %swap3A_460], %gather3A_458 {strides = array<i32>} : memref<64x128xf32, #tpu.memory_space<vmem>>, vector<16xf32>,
      %add3A_462 = arith.constant 5 : i32
      %add3A_463 = arith.addi %mul3A_424, %add3A_462 : i32
      %broadcast_in_dim3A_464 = vector.broadcast %add3A_463 : i32 to vector<16xi32>
      %gather3A_465 = tpu.vector_load_idx %arg11[%broadcast_in_dim3A_425, %broadcast_in_dim3A_464] : memref<64x128xf32, #tpu.memory_space<vmem>>[vector<16xi32>, vector<16xi32>], vector<16xf32>,
      %swap3A_466 = arith.index_cast %and3A_427 : i32 to index
      %swap3A_467 = arith.constant 80 : index
      %swap3A_468 = tpu.vector_load %arg13[%swap3A_466, %swap3A_467] {strides = array<i32>} : memref<64x128xf32, #tpu.memory_space<vmem>>, vector<16xf32>,
      tpu.vector_store %arg13[%swap3A_466, %swap3A_467], %gather3A_465 {strides = array<i32>} : memref<64x128xf32, #tpu.memory_space<vmem>>, vector<16xf32>,
      %add3A_469 = arith.constant 6 : i32
      %add3A_470 = arith.addi %mul3A_424, %add3A_469 : i32
      %broadcast_in_dim3A_471 = vector.broadcast %add3A_470 : i32 to vector<16xi32>
      %gather3A_472 = tpu.vector_load_idx %arg11[%broadcast_in_dim3A_425, %broadcast_in_dim3A_471] : memref<64x128xf32, #tpu.memory_space<vmem>>[vector<16xi32>, vector<16xi32>], vector<16xf32>,
      %swap3A_473 = arith.index_cast %and3A_427 : i32 to index
      %swap3A_474 = arith.constant 96 : index
      %swap3A_475 = tpu.vector_load %arg13[%swap3A_473, %swap3A_474] {strides = array<i32>} : memref<64x128xf32, #tpu.memory_space<vmem>>, vector<16xf32>,
      tpu.vector_store %arg13[%swap3A_473, %swap3A_474], %gather3A_472 {strides = array<i32>} : memref<64x128xf32, #tpu.memory_space<vmem>>, vector<16xf32>,
      %add3A_476 = arith.constant 7 : i32
      %add3A_477 = arith.addi %mul3A_424, %add3A_476 : i32
      %broadcast_in_dim3A_478 = vector.broadcast %add3A_477 : i32 to vector<16xi32>
      %gather3A_479 = tpu.vector_load_idx %arg11[%broadcast_in_dim3A_425, %broadcast_in_dim3A_478] : memref<64x128xf32, #tpu.memory_space<vmem>>[vector<16xi32>, vector<16xi32>], vector<16xf32>,
      %swap3A_480 = arith.index_cast %and3A_427 : i32 to index
      %swap3A_481 = arith.constant 112 : index
      %swap3A_482 = tpu.vector_load %arg13[%swap3A_480, %swap3A_481] {strides = array<i32>} : memref<64x128xf32, #tpu.memory_space<vmem>>, vector<16xf32>,
      tpu.vector_store %arg13[%swap3A_480, %swap3A_481], %gather3A_479 {strides = array<i32>} : memref<64x128xf32, #tpu.memory_space<vmem>>, vector<16xf32>,
    }
    %scan3A_305 = arith.constant 16 : i32
    %mul3A_306 = arith.constant 336 : i32
    %mul3A_307 = arith.muli %arg1, %mul3A_306 : i32
    %add3A_308 = arith.constant 144 : i32
    %add3A_309 = arith.addi %mul3A_307, %add3A_308 : i32
    "tpu.region"() ({
      %run_scoped3A = tpu.sem_alloc : memref<!tpu.dma_semaphore, #tpu.memory_space<semaphore_mem>>
      %dma_start3A = arith.constant 0 : i32
      %dma_start3A_420 = arith.constant 0 : i32
      %dma_start3A_421 = tpu.memref_slice %arg13[%dma_start3A, %dma_start3A_420] : memref<64x128xf32, #tpu.memory_space<vmem>> -> memref<16x128xf32, #tpu.memory_space<vmem>>
      %dma_start3A_422 = arith.constant 0 : i32
      %dma_start3A_423 = tpu.memref_slice %arg7[%arg0, %add3A_309, %dma_start3A_422] : memref<2x5376x128xf32, #tpu.memory_space<hbm>> -> memref<1x16x128xf32, #tpu.memory_space<hbm>>
      %dma_start3A_424 = tpu.memref_squeeze %dma_start3A_423 : memref<1x16x128xf32, #tpu.memory_space<hbm>> -> memref<16x128xf32, #tpu.memory_space<hbm>>
      %dma_start3A_425 = arith.constant 0 : i32
      %dma_start3A_426 = tpu.memref_slice %arg7[%arg0, %add3A_309, %dma_start3A_425] : memref<2x5376x128xf32, #tpu.memory_space<hbm>> -> memref<1x16x128xf32, #tpu.memory_space<hbm>>
      %dma_start3A_427 = tpu.memref_squeeze %dma_start3A_426 : memref<1x16x128xf32, #tpu.memory_space<hbm>> -> memref<16x128xf32, #tpu.memory_space<hbm>>
      %dma_start3A_428 = arith.constant 0 : i32
      %dma_start3A_429 = arith.constant 0 : i32
      %dma_start3A_430 = tpu.memref_slice %arg13[%dma_start3A_428, %dma_start3A_429] : memref<64x128xf32, #tpu.memory_space<vmem>> -> memref<16x128xf32, #tpu.memory_space<vmem>>
      tpu.enqueue_dma source(%dma_start3A_430 : memref<16x128xf32, #tpu.memory_space<vmem>>) target(%dma_start3A_427 : memref<16x128xf32, #tpu.memory_space<hbm>>) target_semaphore(%run_scoped3A : memref<!tpu.dma_semaphore, #tpu.memory_space<semaphore_mem>>)
      %dma_wait3A = arith.constant 0 : i32
      %dma_wait3A_431 = arith.constant 0 : i32
      %dma_wait3A_432 = tpu.memref_slice %arg13[%dma_wait3A, %dma_wait3A_431] : memref<64x128xf32, #tpu.memory_space<vmem>> -> memref<16x128xf32, #tpu.memory_space<vmem>>
      %dma_wait3A_433 = arith.constant 0 : i32
      %dma_wait3A_434 = tpu.memref_slice %arg7[%arg0, %add3A_309, %dma_wait3A_433] : memref<2x5376x128xf32, #tpu.memory_space<hbm>> -> memref<1x16x128xf32, #tpu.memory_space<hbm>>
      %dma_wait3A_435 = tpu.memref_squeeze %dma_wait3A_434 : memref<1x16x128xf32, #tpu.memory_space<hbm>> -> memref<16x128xf32, #tpu.memory_space<hbm>>
      %dma_wait3A_436 = arith.constant 0 : i32
      %dma_wait3A_437 = tpu.memref_slice %arg7[%arg0, %add3A_309, %dma_wait3A_436] : memref<2x5376x128xf32, #tpu.memory_space<hbm>> -> memref<1x16x128xf32, #tpu.memory_space<hbm>>
      %dma_wait3A_438 = tpu.memref_squeeze %dma_wait3A_437 : memref<1x16x128xf32, #tpu.memory_space<hbm>> -> memref<16x128xf32, #tpu.memory_space<hbm>>
      %dma_wait3A_439 = arith.constant 0 : i32
      %dma_wait3A_440 = arith.constant 0 : i32
      %dma_wait3A_441 = tpu.memref_slice %arg13[%dma_wait3A_439, %dma_wait3A_440] : memref<64x128xf32, #tpu.memory_space<vmem>> -> memref<16x128xf32, #tpu.memory_space<vmem>>
      tpu.wait_dma2 semaphore(%run_scoped3A : memref<!tpu.dma_semaphore, #tpu.memory_space<semaphore_mem>>) src(%dma_wait3A_441 : memref<16x128xf32, #tpu.memory_space<vmem>>) dst(%dma_wait3A_438 : memref<16x128xf32, #tpu.memory_space<hbm>>)
      tpu.yield
    }) : () -> ()
    %scan3A_310 = arith.constant 0 : i32
    %scan3A_311 = arith.constant 160 : i32
    %scan3A_312 = arith.constant 16 : i32
    %scan3A_313 = arith.addi %scan3A_311, %scan3A_312 : i32
    %scan3A_314 = arith.constant 1 : i32
    scf.for %scan3A_420 = %scan3A_311 to %scan3A_313 step %scan3A_314  : i32 {
      %shift_right_logical3A = arith.constant 4 : i32
      %shift_right_logical3A_421 = arith.shrui %scan3A_420, %shift_right_logical3A : i32
      %and3A = arith.constant 15 : i32
      %and3A_422 = arith.andi %scan3A_420, %and3A : i32
      %mul3A_423 = arith.constant 8 : i32
      %mul3A_424 = arith.muli %and3A_422, %mul3A_423 : i32
      %broadcast_in_dim3A_425 = vector.broadcast %shift_right_logical3A_421 : i32 to vector<16xi32>
      %and3A_426 = arith.constant 15 : i32
      %and3A_427 = arith.andi %scan3A_420, %and3A_426 : i32
      %add3A_428 = arith.constant 0 : i32
      %add3A_429 = arith.addi %mul3A_424, %add3A_428 : i32
      %broadcast_in_dim3A_430 = vector.broadcast %add3A_429 : i32 to vector<16xi32>
      %gather3A = tpu.vector_load_idx %arg11[%broadcast_in_dim3A_425, %broadcast_in_dim3A_430] : memref<64x128xf32, #tpu.memory_space<vmem>>[vector<16xi32>, vector<16xi32>], vector<16xf32>,
      %swap3A_431 = arith.index_cast %and3A_427 : i32 to index
      %swap3A_432 = arith.constant 0 : index
      %swap3A_433 = tpu.vector_load %arg13[%swap3A_431, %swap3A_432] {strides = array<i32>} : memref<64x128xf32, #tpu.memory_space<vmem>>, vector<16xf32>,
      tpu.vector_store %arg13[%swap3A_431, %swap3A_432], %gather3A {strides = array<i32>} : memref<64x128xf32, #tpu.memory_space<vmem>>, vector<16xf32>,
      %add3A_434 = arith.constant 1 : i32
      %add3A_435 = arith.addi %mul3A_424, %add3A_434 : i32
      %broadcast_in_dim3A_436 = vector.broadcast %add3A_435 : i32 to vector<16xi32>
      %gather3A_437 = tpu.vector_load_idx %arg11[%broadcast_in_dim3A_425, %broadcast_in_dim3A_436] : memref<64x128xf32, #tpu.memory_space<vmem>>[vector<16xi32>, vector<16xi32>], vector<16xf32>,
      %swap3A_438 = arith.index_cast %and3A_427 : i32 to index
      %swap3A_439 = arith.constant 16 : index
      %swap3A_440 = tpu.vector_load %arg13[%swap3A_438, %swap3A_439] {strides = array<i32>} : memref<64x128xf32, #tpu.memory_space<vmem>>, vector<16xf32>,
      tpu.vector_store %arg13[%swap3A_438, %swap3A_439], %gather3A_437 {strides = array<i32>} : memref<64x128xf32, #tpu.memory_space<vmem>>, vector<16xf32>,
      %add3A_441 = arith.constant 2 : i32
      %add3A_442 = arith.addi %mul3A_424, %add3A_441 : i32
      %broadcast_in_dim3A_443 = vector.broadcast %add3A_442 : i32 to vector<16xi32>
      %gather3A_444 = tpu.vector_load_idx %arg11[%broadcast_in_dim3A_425, %broadcast_in_dim3A_443] : memref<64x128xf32, #tpu.memory_space<vmem>>[vector<16xi32>, vector<16xi32>], vector<16xf32>,
      %swap3A_445 = arith.index_cast %and3A_427 : i32 to index
      %swap3A_446 = arith.constant 32 : index
      %swap3A_447 = tpu.vector_load %arg13[%swap3A_445, %swap3A_446] {strides = array<i32>} : memref<64x128xf32, #tpu.memory_space<vmem>>, vector<16xf32>,
      tpu.vector_store %arg13[%swap3A_445, %swap3A_446], %gather3A_444 {strides = array<i32>} : memref<64x128xf32, #tpu.memory_space<vmem>>, vector<16xf32>,
      %add3A_448 = arith.constant 3 : i32
      %add3A_449 = arith.addi %mul3A_424, %add3A_448 : i32
      %broadcast_in_dim3A_450 = vector.broadcast %add3A_449 : i32 to vector<16xi32>
      %gather3A_451 = tpu.vector_load_idx %arg11[%broadcast_in_dim3A_425, %broadcast_in_dim3A_450] : memref<64x128xf32, #tpu.memory_space<vmem>>[vector<16xi32>, vector<16xi32>], vector<16xf32>,
      %swap3A_452 = arith.index_cast %and3A_427 : i32 to index
      %swap3A_453 = arith.constant 48 : index
      %swap3A_454 = tpu.vector_load %arg13[%swap3A_452, %swap3A_453] {strides = array<i32>} : memref<64x128xf32, #tpu.memory_space<vmem>>, vector<16xf32>,
      tpu.vector_store %arg13[%swap3A_452, %swap3A_453], %gather3A_451 {strides = array<i32>} : memref<64x128xf32, #tpu.memory_space<vmem>>, vector<16xf32>,
      %add3A_455 = arith.constant 4 : i32
      %add3A_456 = arith.addi %mul3A_424, %add3A_455 : i32
      %broadcast_in_dim3A_457 = vector.broadcast %add3A_456 : i32 to vector<16xi32>
      %gather3A_458 = tpu.vector_load_idx %arg11[%broadcast_in_dim3A_425, %broadcast_in_dim3A_457] : memref<64x128xf32, #tpu.memory_space<vmem>>[vector<16xi32>, vector<16xi32>], vector<16xf32>,
      %swap3A_459 = arith.index_cast %and3A_427 : i32 to index
      %swap3A_460 = arith.constant 64 : index
      %swap3A_461 = tpu.vector_load %arg13[%swap3A_459, %swap3A_460] {strides = array<i32>} : memref<64x128xf32, #tpu.memory_space<vmem>>, vector<16xf32>,
      tpu.vector_store %arg13[%swap3A_459, %swap3A_460], %gather3A_458 {strides = array<i32>} : memref<64x128xf32, #tpu.memory_space<vmem>>, vector<16xf32>,
      %add3A_462 = arith.constant 5 : i32
      %add3A_463 = arith.addi %mul3A_424, %add3A_462 : i32
      %broadcast_in_dim3A_464 = vector.broadcast %add3A_463 : i32 to vector<16xi32>
      %gather3A_465 = tpu.vector_load_idx %arg11[%broadcast_in_dim3A_425, %broadcast_in_dim3A_464] : memref<64x128xf32, #tpu.memory_space<vmem>>[vector<16xi32>, vector<16xi32>], vector<16xf32>,
      %swap3A_466 = arith.index_cast %and3A_427 : i32 to index
      %swap3A_467 = arith.constant 80 : index
      %swap3A_468 = tpu.vector_load %arg13[%swap3A_466, %swap3A_467] {strides = array<i32>} : memref<64x128xf32, #tpu.memory_space<vmem>>, vector<16xf32>,
      tpu.vector_store %arg13[%swap3A_466, %swap3A_467], %gather3A_465 {strides = array<i32>} : memref<64x128xf32, #tpu.memory_space<vmem>>, vector<16xf32>,
      %add3A_469 = arith.constant 6 : i32
      %add3A_470 = arith.addi %mul3A_424, %add3A_469 : i32
      %broadcast_in_dim3A_471 = vector.broadcast %add3A_470 : i32 to vector<16xi32>
      %gather3A_472 = tpu.vector_load_idx %arg11[%broadcast_in_dim3A_425, %broadcast_in_dim3A_471] : memref<64x128xf32, #tpu.memory_space<vmem>>[vector<16xi32>, vector<16xi32>], vector<16xf32>,
      %swap3A_473 = arith.index_cast %and3A_427 : i32 to index
      %swap3A_474 = arith.constant 96 : index
      %swap3A_475 = tpu.vector_load %arg13[%swap3A_473, %swap3A_474] {strides = array<i32>} : memref<64x128xf32, #tpu.memory_space<vmem>>, vector<16xf32>,
      tpu.vector_store %arg13[%swap3A_473, %swap3A_474], %gather3A_472 {strides = array<i32>} : memref<64x128xf32, #tpu.memory_space<vmem>>, vector<16xf32>,
      %add3A_476 = arith.constant 7 : i32
      %add3A_477 = arith.addi %mul3A_424, %add3A_476 : i32
      %broadcast_in_dim3A_478 = vector.broadcast %add3A_477 : i32 to vector<16xi32>
      %gather3A_479 = tpu.vector_load_idx %arg11[%broadcast_in_dim3A_425, %broadcast_in_dim3A_478] : memref<64x128xf32, #tpu.memory_space<vmem>>[vector<16xi32>, vector<16xi32>], vector<16xf32>,
      %swap3A_480 = arith.index_cast %and3A_427 : i32 to index
      %swap3A_481 = arith.constant 112 : index
      %swap3A_482 = tpu.vector_load %arg13[%swap3A_480, %swap3A_481] {strides = array<i32>} : memref<64x128xf32, #tpu.memory_space<vmem>>, vector<16xf32>,
      tpu.vector_store %arg13[%swap3A_480, %swap3A_481], %gather3A_479 {strides = array<i32>} : memref<64x128xf32, #tpu.memory_space<vmem>>, vector<16xf32>,
    }
    %scan3A_315 = arith.constant 16 : i32
    %mul3A_316 = arith.constant 336 : i32
    %mul3A_317 = arith.muli %arg1, %mul3A_316 : i32
    %add3A_318 = arith.constant 160 : i32
    %add3A_319 = arith.addi %mul3A_317, %add3A_318 : i32
    "tpu.region"() ({
      %run_scoped3A = tpu.sem_alloc : memref<!tpu.dma_semaphore, #tpu.memory_space<semaphore_mem>>
      %dma_start3A = arith.constant 0 : i32
      %dma_start3A_420 = arith.constant 0 : i32
      %dma_start3A_421 = tpu.memref_slice %arg13[%dma_start3A, %dma_start3A_420] : memref<64x128xf32, #tpu.memory_space<vmem>> -> memref<16x128xf32, #tpu.memory_space<vmem>>
      %dma_start3A_422 = arith.constant 0 : i32
      %dma_start3A_423 = tpu.memref_slice %arg7[%arg0, %add3A_319, %dma_start3A_422] : memref<2x5376x128xf32, #tpu.memory_space<hbm>> -> memref<1x16x128xf32, #tpu.memory_space<hbm>>
      %dma_start3A_424 = tpu.memref_squeeze %dma_start3A_423 : memref<1x16x128xf32, #tpu.memory_space<hbm>> -> memref<16x128xf32, #tpu.memory_space<hbm>>
      %dma_start3A_425 = arith.constant 0 : i32
      %dma_start3A_426 = tpu.memref_slice %arg7[%arg0, %add3A_319, %dma_start3A_425] : memref<2x5376x128xf32, #tpu.memory_space<hbm>> -> memref<1x16x128xf32, #tpu.memory_space<hbm>>
      %dma_start3A_427 = tpu.memref_squeeze %dma_start3A_426 : memref<1x16x128xf32, #tpu.memory_space<hbm>> -> memref<16x128xf32, #tpu.memory_space<hbm>>
      %dma_start3A_428 = arith.constant 0 : i32
      %dma_start3A_429 = arith.constant 0 : i32
      %dma_start3A_430 = tpu.memref_slice %arg13[%dma_start3A_428, %dma_start3A_429] : memref<64x128xf32, #tpu.memory_space<vmem>> -> memref<16x128xf32, #tpu.memory_space<vmem>>
      tpu.enqueue_dma source(%dma_start3A_430 : memref<16x128xf32, #tpu.memory_space<vmem>>) target(%dma_start3A_427 : memref<16x128xf32, #tpu.memory_space<hbm>>) target_semaphore(%run_scoped3A : memref<!tpu.dma_semaphore, #tpu.memory_space<semaphore_mem>>)
      %dma_wait3A = arith.constant 0 : i32
      %dma_wait3A_431 = arith.constant 0 : i32
      %dma_wait3A_432 = tpu.memref_slice %arg13[%dma_wait3A, %dma_wait3A_431] : memref<64x128xf32, #tpu.memory_space<vmem>> -> memref<16x128xf32, #tpu.memory_space<vmem>>
      %dma_wait3A_433 = arith.constant 0 : i32
      %dma_wait3A_434 = tpu.memref_slice %arg7[%arg0, %add3A_319, %dma_wait3A_433] : memref<2x5376x128xf32, #tpu.memory_space<hbm>> -> memref<1x16x128xf32, #tpu.memory_space<hbm>>
      %dma_wait3A_435 = tpu.memref_squeeze %dma_wait3A_434 : memref<1x16x128xf32, #tpu.memory_space<hbm>> -> memref<16x128xf32, #tpu.memory_space<hbm>>
      %dma_wait3A_436 = arith.constant 0 : i32
      %dma_wait3A_437 = tpu.memref_slice %arg7[%arg0, %add3A_319, %dma_wait3A_436] : memref<2x5376x128xf32, #tpu.memory_space<hbm>> -> memref<1x16x128xf32, #tpu.memory_space<hbm>>
      %dma_wait3A_438 = tpu.memref_squeeze %dma_wait3A_437 : memref<1x16x128xf32, #tpu.memory_space<hbm>> -> memref<16x128xf32, #tpu.memory_space<hbm>>
      %dma_wait3A_439 = arith.constant 0 : i32
      %dma_wait3A_440 = arith.constant 0 : i32
      %dma_wait3A_441 = tpu.memref_slice %arg13[%dma_wait3A_439, %dma_wait3A_440] : memref<64x128xf32, #tpu.memory_space<vmem>> -> memref<16x128xf32, #tpu.memory_space<vmem>>
      tpu.wait_dma2 semaphore(%run_scoped3A : memref<!tpu.dma_semaphore, #tpu.memory_space<semaphore_mem>>) src(%dma_wait3A_441 : memref<16x128xf32, #tpu.memory_space<vmem>>) dst(%dma_wait3A_438 : memref<16x128xf32, #tpu.memory_space<hbm>>)
      tpu.yield
    }) : () -> ()
    %scan3A_320 = arith.constant 0 : i32
    %scan3A_321 = arith.constant 176 : i32
    %scan3A_322 = arith.constant 16 : i32
    %scan3A_323 = arith.addi %scan3A_321, %scan3A_322 : i32
    %scan3A_324 = arith.constant 1 : i32
    scf.for %scan3A_420 = %scan3A_321 to %scan3A_323 step %scan3A_324  : i32 {
      %shift_right_logical3A = arith.constant 4 : i32
      %shift_right_logical3A_421 = arith.shrui %scan3A_420, %shift_right_logical3A : i32
      %and3A = arith.constant 15 : i32
      %and3A_422 = arith.andi %scan3A_420, %and3A : i32
      %mul3A_423 = arith.constant 8 : i32
      %mul3A_424 = arith.muli %and3A_422, %mul3A_423 : i32
      %broadcast_in_dim3A_425 = vector.broadcast %shift_right_logical3A_421 : i32 to vector<16xi32>
      %and3A_426 = arith.constant 15 : i32
      %and3A_427 = arith.andi %scan3A_420, %and3A_426 : i32
      %add3A_428 = arith.constant 0 : i32
      %add3A_429 = arith.addi %mul3A_424, %add3A_428 : i32
      %broadcast_in_dim3A_430 = vector.broadcast %add3A_429 : i32 to vector<16xi32>
      %gather3A = tpu.vector_load_idx %arg11[%broadcast_in_dim3A_425, %broadcast_in_dim3A_430] : memref<64x128xf32, #tpu.memory_space<vmem>>[vector<16xi32>, vector<16xi32>], vector<16xf32>,
      %swap3A_431 = arith.index_cast %and3A_427 : i32 to index
      %swap3A_432 = arith.constant 0 : index
      %swap3A_433 = tpu.vector_load %arg13[%swap3A_431, %swap3A_432] {strides = array<i32>} : memref<64x128xf32, #tpu.memory_space<vmem>>, vector<16xf32>,
      tpu.vector_store %arg13[%swap3A_431, %swap3A_432], %gather3A {strides = array<i32>} : memref<64x128xf32, #tpu.memory_space<vmem>>, vector<16xf32>,
      %add3A_434 = arith.constant 1 : i32
      %add3A_435 = arith.addi %mul3A_424, %add3A_434 : i32
      %broadcast_in_dim3A_436 = vector.broadcast %add3A_435 : i32 to vector<16xi32>
      %gather3A_437 = tpu.vector_load_idx %arg11[%broadcast_in_dim3A_425, %broadcast_in_dim3A_436] : memref<64x128xf32, #tpu.memory_space<vmem>>[vector<16xi32>, vector<16xi32>], vector<16xf32>,
      %swap3A_438 = arith.index_cast %and3A_427 : i32 to index
      %swap3A_439 = arith.constant 16 : index
      %swap3A_440 = tpu.vector_load %arg13[%swap3A_438, %swap3A_439] {strides = array<i32>} : memref<64x128xf32, #tpu.memory_space<vmem>>, vector<16xf32>,
      tpu.vector_store %arg13[%swap3A_438, %swap3A_439], %gather3A_437 {strides = array<i32>} : memref<64x128xf32, #tpu.memory_space<vmem>>, vector<16xf32>,
      %add3A_441 = arith.constant 2 : i32
      %add3A_442 = arith.addi %mul3A_424, %add3A_441 : i32
      %broadcast_in_dim3A_443 = vector.broadcast %add3A_442 : i32 to vector<16xi32>
      %gather3A_444 = tpu.vector_load_idx %arg11[%broadcast_in_dim3A_425, %broadcast_in_dim3A_443] : memref<64x128xf32, #tpu.memory_space<vmem>>[vector<16xi32>, vector<16xi32>], vector<16xf32>,
      %swap3A_445 = arith.index_cast %and3A_427 : i32 to index
      %swap3A_446 = arith.constant 32 : index
      %swap3A_447 = tpu.vector_load %arg13[%swap3A_445, %swap3A_446] {strides = array<i32>} : memref<64x128xf32, #tpu.memory_space<vmem>>, vector<16xf32>,
      tpu.vector_store %arg13[%swap3A_445, %swap3A_446], %gather3A_444 {strides = array<i32>} : memref<64x128xf32, #tpu.memory_space<vmem>>, vector<16xf32>,
      %add3A_448 = arith.constant 3 : i32
      %add3A_449 = arith.addi %mul3A_424, %add3A_448 : i32
      %broadcast_in_dim3A_450 = vector.broadcast %add3A_449 : i32 to vector<16xi32>
      %gather3A_451 = tpu.vector_load_idx %arg11[%broadcast_in_dim3A_425, %broadcast_in_dim3A_450] : memref<64x128xf32, #tpu.memory_space<vmem>>[vector<16xi32>, vector<16xi32>], vector<16xf32>,
      %swap3A_452 = arith.index_cast %and3A_427 : i32 to index
      %swap3A_453 = arith.constant 48 : index
      %swap3A_454 = tpu.vector_load %arg13[%swap3A_452, %swap3A_453] {strides = array<i32>} : memref<64x128xf32, #tpu.memory_space<vmem>>, vector<16xf32>,
      tpu.vector_store %arg13[%swap3A_452, %swap3A_453], %gather3A_451 {strides = array<i32>} : memref<64x128xf32, #tpu.memory_space<vmem>>, vector<16xf32>,
      %add3A_455 = arith.constant 4 : i32
      %add3A_456 = arith.addi %mul3A_424, %add3A_455 : i32
      %broadcast_in_dim3A_457 = vector.broadcast %add3A_456 : i32 to vector<16xi32>
      %gather3A_458 = tpu.vector_load_idx %arg11[%broadcast_in_dim3A_425, %broadcast_in_dim3A_457] : memref<64x128xf32, #tpu.memory_space<vmem>>[vector<16xi32>, vector<16xi32>], vector<16xf32>,
      %swap3A_459 = arith.index_cast %and3A_427 : i32 to index
      %swap3A_460 = arith.constant 64 : index
      %swap3A_461 = tpu.vector_load %arg13[%swap3A_459, %swap3A_460] {strides = array<i32>} : memref<64x128xf32, #tpu.memory_space<vmem>>, vector<16xf32>,
      tpu.vector_store %arg13[%swap3A_459, %swap3A_460], %gather3A_458 {strides = array<i32>} : memref<64x128xf32, #tpu.memory_space<vmem>>, vector<16xf32>,
      %add3A_462 = arith.constant 5 : i32
      %add3A_463 = arith.addi %mul3A_424, %add3A_462 : i32
      %broadcast_in_dim3A_464 = vector.broadcast %add3A_463 : i32 to vector<16xi32>
      %gather3A_465 = tpu.vector_load_idx %arg11[%broadcast_in_dim3A_425, %broadcast_in_dim3A_464] : memref<64x128xf32, #tpu.memory_space<vmem>>[vector<16xi32>, vector<16xi32>], vector<16xf32>,
      %swap3A_466 = arith.index_cast %and3A_427 : i32 to index
      %swap3A_467 = arith.constant 80 : index
      %swap3A_468 = tpu.vector_load %arg13[%swap3A_466, %swap3A_467] {strides = array<i32>} : memref<64x128xf32, #tpu.memory_space<vmem>>, vector<16xf32>,
      tpu.vector_store %arg13[%swap3A_466, %swap3A_467], %gather3A_465 {strides = array<i32>} : memref<64x128xf32, #tpu.memory_space<vmem>>, vector<16xf32>,
      %add3A_469 = arith.constant 6 : i32
      %add3A_470 = arith.addi %mul3A_424, %add3A_469 : i32
      %broadcast_in_dim3A_471 = vector.broadcast %add3A_470 : i32 to vector<16xi32>
      %gather3A_472 = tpu.vector_load_idx %arg11[%broadcast_in_dim3A_425, %broadcast_in_dim3A_471] : memref<64x128xf32, #tpu.memory_space<vmem>>[vector<16xi32>, vector<16xi32>], vector<16xf32>,
      %swap3A_473 = arith.index_cast %and3A_427 : i32 to index
      %swap3A_474 = arith.constant 96 : index
      %swap3A_475 = tpu.vector_load %arg13[%swap3A_473, %swap3A_474] {strides = array<i32>} : memref<64x128xf32, #tpu.memory_space<vmem>>, vector<16xf32>,
      tpu.vector_store %arg13[%swap3A_473, %swap3A_474], %gather3A_472 {strides = array<i32>} : memref<64x128xf32, #tpu.memory_space<vmem>>, vector<16xf32>,
      %add3A_476 = arith.constant 7 : i32
      %add3A_477 = arith.addi %mul3A_424, %add3A_476 : i32
      %broadcast_in_dim3A_478 = vector.broadcast %add3A_477 : i32 to vector<16xi32>
      %gather3A_479 = tpu.vector_load_idx %arg11[%broadcast_in_dim3A_425, %broadcast_in_dim3A_478] : memref<64x128xf32, #tpu.memory_space<vmem>>[vector<16xi32>, vector<16xi32>], vector<16xf32>,
      %swap3A_480 = arith.index_cast %and3A_427 : i32 to index
      %swap3A_481 = arith.constant 112 : index
      %swap3A_482 = tpu.vector_load %arg13[%swap3A_480, %swap3A_481] {strides = array<i32>} : memref<64x128xf32, #tpu.memory_space<vmem>>, vector<16xf32>,
      tpu.vector_store %arg13[%swap3A_480, %swap3A_481], %gather3A_479 {strides = array<i32>} : memref<64x128xf32, #tpu.memory_space<vmem>>, vector<16xf32>,
    }
    %scan3A_325 = arith.constant 16 : i32
    %mul3A_326 = arith.constant 336 : i32
    %mul3A_327 = arith.muli %arg1, %mul3A_326 : i32
    %add3A_328 = arith.constant 176 : i32
    %add3A_329 = arith.addi %mul3A_327, %add3A_328 : i32
    "tpu.region"() ({
      %run_scoped3A = tpu.sem_alloc : memref<!tpu.dma_semaphore, #tpu.memory_space<semaphore_mem>>
      %dma_start3A = arith.constant 0 : i32
      %dma_start3A_420 = arith.constant 0 : i32
      %dma_start3A_421 = tpu.memref_slice %arg13[%dma_start3A, %dma_start3A_420] : memref<64x128xf32, #tpu.memory_space<vmem>> -> memref<16x128xf32, #tpu.memory_space<vmem>>
      %dma_start3A_422 = arith.constant 0 : i32
      %dma_start3A_423 = tpu.memref_slice %arg7[%arg0, %add3A_329, %dma_start3A_422] : memref<2x5376x128xf32, #tpu.memory_space<hbm>> -> memref<1x16x128xf32, #tpu.memory_space<hbm>>
      %dma_start3A_424 = tpu.memref_squeeze %dma_start3A_423 : memref<1x16x128xf32, #tpu.memory_space<hbm>> -> memref<16x128xf32, #tpu.memory_space<hbm>>
      %dma_start3A_425 = arith.constant 0 : i32
      %dma_start3A_426 = tpu.memref_slice %arg7[%arg0, %add3A_329, %dma_start3A_425] : memref<2x5376x128xf32, #tpu.memory_space<hbm>> -> memref<1x16x128xf32, #tpu.memory_space<hbm>>
      %dma_start3A_427 = tpu.memref_squeeze %dma_start3A_426 : memref<1x16x128xf32, #tpu.memory_space<hbm>> -> memref<16x128xf32, #tpu.memory_space<hbm>>
      %dma_start3A_428 = arith.constant 0 : i32
      %dma_start3A_429 = arith.constant 0 : i32
      %dma_start3A_430 = tpu.memref_slice %arg13[%dma_start3A_428, %dma_start3A_429] : memref<64x128xf32, #tpu.memory_space<vmem>> -> memref<16x128xf32, #tpu.memory_space<vmem>>
      tpu.enqueue_dma source(%dma_start3A_430 : memref<16x128xf32, #tpu.memory_space<vmem>>) target(%dma_start3A_427 : memref<16x128xf32, #tpu.memory_space<hbm>>) target_semaphore(%run_scoped3A : memref<!tpu.dma_semaphore, #tpu.memory_space<semaphore_mem>>)
      %dma_wait3A = arith.constant 0 : i32
      %dma_wait3A_431 = arith.constant 0 : i32
      %dma_wait3A_432 = tpu.memref_slice %arg13[%dma_wait3A, %dma_wait3A_431] : memref<64x128xf32, #tpu.memory_space<vmem>> -> memref<16x128xf32, #tpu.memory_space<vmem>>
      %dma_wait3A_433 = arith.constant 0 : i32
      %dma_wait3A_434 = tpu.memref_slice %arg7[%arg0, %add3A_329, %dma_wait3A_433] : memref<2x5376x128xf32, #tpu.memory_space<hbm>> -> memref<1x16x128xf32, #tpu.memory_space<hbm>>
      %dma_wait3A_435 = tpu.memref_squeeze %dma_wait3A_434 : memref<1x16x128xf32, #tpu.memory_space<hbm>> -> memref<16x128xf32, #tpu.memory_space<hbm>>
      %dma_wait3A_436 = arith.constant 0 : i32
      %dma_wait3A_437 = tpu.memref_slice %arg7[%arg0, %add3A_329, %dma_wait3A_436] : memref<2x5376x128xf32, #tpu.memory_space<hbm>> -> memref<1x16x128xf32, #tpu.memory_space<hbm>>
      %dma_wait3A_438 = tpu.memref_squeeze %dma_wait3A_437 : memref<1x16x128xf32, #tpu.memory_space<hbm>> -> memref<16x128xf32, #tpu.memory_space<hbm>>
      %dma_wait3A_439 = arith.constant 0 : i32
      %dma_wait3A_440 = arith.constant 0 : i32
      %dma_wait3A_441 = tpu.memref_slice %arg13[%dma_wait3A_439, %dma_wait3A_440] : memref<64x128xf32, #tpu.memory_space<vmem>> -> memref<16x128xf32, #tpu.memory_space<vmem>>
      tpu.wait_dma2 semaphore(%run_scoped3A : memref<!tpu.dma_semaphore, #tpu.memory_space<semaphore_mem>>) src(%dma_wait3A_441 : memref<16x128xf32, #tpu.memory_space<vmem>>) dst(%dma_wait3A_438 : memref<16x128xf32, #tpu.memory_space<hbm>>)
      tpu.yield
    }) : () -> ()
    %scan3A_330 = arith.constant 0 : i32
    %scan3A_331 = arith.constant 192 : i32
    %scan3A_332 = arith.constant 16 : i32
    %scan3A_333 = arith.addi %scan3A_331, %scan3A_332 : i32
    %scan3A_334 = arith.constant 1 : i32
    scf.for %scan3A_420 = %scan3A_331 to %scan3A_333 step %scan3A_334  : i32 {
      %shift_right_logical3A = arith.constant 4 : i32
      %shift_right_logical3A_421 = arith.shrui %scan3A_420, %shift_right_logical3A : i32
      %and3A = arith.constant 15 : i32
      %and3A_422 = arith.andi %scan3A_420, %and3A : i32
      %mul3A_423 = arith.constant 8 : i32
      %mul3A_424 = arith.muli %and3A_422, %mul3A_423 : i32
      %broadcast_in_dim3A_425 = vector.broadcast %shift_right_logical3A_421 : i32 to vector<16xi32>
      %and3A_426 = arith.constant 15 : i32
      %and3A_427 = arith.andi %scan3A_420, %and3A_426 : i32
      %add3A_428 = arith.constant 0 : i32
      %add3A_429 = arith.addi %mul3A_424, %add3A_428 : i32
      %broadcast_in_dim3A_430 = vector.broadcast %add3A_429 : i32 to vector<16xi32>
      %gather3A = tpu.vector_load_idx %arg11[%broadcast_in_dim3A_425, %broadcast_in_dim3A_430] : memref<64x128xf32, #tpu.memory_space<vmem>>[vector<16xi32>, vector<16xi32>], vector<16xf32>,
      %swap3A_431 = arith.index_cast %and3A_427 : i32 to index
      %swap3A_432 = arith.constant 0 : index
      %swap3A_433 = tpu.vector_load %arg13[%swap3A_431, %swap3A_432] {strides = array<i32>} : memref<64x128xf32, #tpu.memory_space<vmem>>, vector<16xf32>,
      tpu.vector_store %arg13[%swap3A_431, %swap3A_432], %gather3A {strides = array<i32>} : memref<64x128xf32, #tpu.memory_space<vmem>>, vector<16xf32>,
      %add3A_434 = arith.constant 1 : i32
      %add3A_435 = arith.addi %mul3A_424, %add3A_434 : i32
      %broadcast_in_dim3A_436 = vector.broadcast %add3A_435 : i32 to vector<16xi32>
      %gather3A_437 = tpu.vector_load_idx %arg11[%broadcast_in_dim3A_425, %broadcast_in_dim3A_436] : memref<64x128xf32, #tpu.memory_space<vmem>>[vector<16xi32>, vector<16xi32>], vector<16xf32>,
      %swap3A_438 = arith.index_cast %and3A_427 : i32 to index
      %swap3A_439 = arith.constant 16 : index
      %swap3A_440 = tpu.vector_load %arg13[%swap3A_438, %swap3A_439] {strides = array<i32>} : memref<64x128xf32, #tpu.memory_space<vmem>>, vector<16xf32>,
      tpu.vector_store %arg13[%swap3A_438, %swap3A_439], %gather3A_437 {strides = array<i32>} : memref<64x128xf32, #tpu.memory_space<vmem>>, vector<16xf32>,
      %add3A_441 = arith.constant 2 : i32
      %add3A_442 = arith.addi %mul3A_424, %add3A_441 : i32
      %broadcast_in_dim3A_443 = vector.broadcast %add3A_442 : i32 to vector<16xi32>
      %gather3A_444 = tpu.vector_load_idx %arg11[%broadcast_in_dim3A_425, %broadcast_in_dim3A_443] : memref<64x128xf32, #tpu.memory_space<vmem>>[vector<16xi32>, vector<16xi32>], vector<16xf32>,
      %swap3A_445 = arith.index_cast %and3A_427 : i32 to index
      %swap3A_446 = arith.constant 32 : index
      %swap3A_447 = tpu.vector_load %arg13[%swap3A_445, %swap3A_446] {strides = array<i32>} : memref<64x128xf32, #tpu.memory_space<vmem>>, vector<16xf32>,
      tpu.vector_store %arg13[%swap3A_445, %swap3A_446], %gather3A_444 {strides = array<i32>} : memref<64x128xf32, #tpu.memory_space<vmem>>, vector<16xf32>,
      %add3A_448 = arith.constant 3 : i32
      %add3A_449 = arith.addi %mul3A_424, %add3A_448 : i32
      %broadcast_in_dim3A_450 = vector.broadcast %add3A_449 : i32 to vector<16xi32>
      %gather3A_451 = tpu.vector_load_idx %arg11[%broadcast_in_dim3A_425, %broadcast_in_dim3A_450] : memref<64x128xf32, #tpu.memory_space<vmem>>[vector<16xi32>, vector<16xi32>], vector<16xf32>,
      %swap3A_452 = arith.index_cast %and3A_427 : i32 to index
      %swap3A_453 = arith.constant 48 : index
      %swap3A_454 = tpu.vector_load %arg13[%swap3A_452, %swap3A_453] {strides = array<i32>} : memref<64x128xf32, #tpu.memory_space<vmem>>, vector<16xf32>,
      tpu.vector_store %arg13[%swap3A_452, %swap3A_453], %gather3A_451 {strides = array<i32>} : memref<64x128xf32, #tpu.memory_space<vmem>>, vector<16xf32>,
      %add3A_455 = arith.constant 4 : i32
      %add3A_456 = arith.addi %mul3A_424, %add3A_455 : i32
      %broadcast_in_dim3A_457 = vector.broadcast %add3A_456 : i32 to vector<16xi32>
      %gather3A_458 = tpu.vector_load_idx %arg11[%broadcast_in_dim3A_425, %broadcast_in_dim3A_457] : memref<64x128xf32, #tpu.memory_space<vmem>>[vector<16xi32>, vector<16xi32>], vector<16xf32>,
      %swap3A_459 = arith.index_cast %and3A_427 : i32 to index
      %swap3A_460 = arith.constant 64 : index
      %swap3A_461 = tpu.vector_load %arg13[%swap3A_459, %swap3A_460] {strides = array<i32>} : memref<64x128xf32, #tpu.memory_space<vmem>>, vector<16xf32>,
      tpu.vector_store %arg13[%swap3A_459, %swap3A_460], %gather3A_458 {strides = array<i32>} : memref<64x128xf32, #tpu.memory_space<vmem>>, vector<16xf32>,
      %add3A_462 = arith.constant 5 : i32
      %add3A_463 = arith.addi %mul3A_424, %add3A_462 : i32
      %broadcast_in_dim3A_464 = vector.broadcast %add3A_463 : i32 to vector<16xi32>
      %gather3A_465 = tpu.vector_load_idx %arg11[%broadcast_in_dim3A_425, %broadcast_in_dim3A_464] : memref<64x128xf32, #tpu.memory_space<vmem>>[vector<16xi32>, vector<16xi32>], vector<16xf32>,
      %swap3A_466 = arith.index_cast %and3A_427 : i32 to index
      %swap3A_467 = arith.constant 80 : index
      %swap3A_468 = tpu.vector_load %arg13[%swap3A_466, %swap3A_467] {strides = array<i32>} : memref<64x128xf32, #tpu.memory_space<vmem>>, vector<16xf32>,
      tpu.vector_store %arg13[%swap3A_466, %swap3A_467], %gather3A_465 {strides = array<i32>} : memref<64x128xf32, #tpu.memory_space<vmem>>, vector<16xf32>,
      %add3A_469 = arith.constant 6 : i32
      %add3A_470 = arith.addi %mul3A_424, %add3A_469 : i32
      %broadcast_in_dim3A_471 = vector.broadcast %add3A_470 : i32 to vector<16xi32>
      %gather3A_472 = tpu.vector_load_idx %arg11[%broadcast_in_dim3A_425, %broadcast_in_dim3A_471] : memref<64x128xf32, #tpu.memory_space<vmem>>[vector<16xi32>, vector<16xi32>], vector<16xf32>,
      %swap3A_473 = arith.index_cast %and3A_427 : i32 to index
      %swap3A_474 = arith.constant 96 : index
      %swap3A_475 = tpu.vector_load %arg13[%swap3A_473, %swap3A_474] {strides = array<i32>} : memref<64x128xf32, #tpu.memory_space<vmem>>, vector<16xf32>,
      tpu.vector_store %arg13[%swap3A_473, %swap3A_474], %gather3A_472 {strides = array<i32>} : memref<64x128xf32, #tpu.memory_space<vmem>>, vector<16xf32>,
      %add3A_476 = arith.constant 7 : i32
      %add3A_477 = arith.addi %mul3A_424, %add3A_476 : i32
      %broadcast_in_dim3A_478 = vector.broadcast %add3A_477 : i32 to vector<16xi32>
      %gather3A_479 = tpu.vector_load_idx %arg11[%broadcast_in_dim3A_425, %broadcast_in_dim3A_478] : memref<64x128xf32, #tpu.memory_space<vmem>>[vector<16xi32>, vector<16xi32>], vector<16xf32>,
      %swap3A_480 = arith.index_cast %and3A_427 : i32 to index
      %swap3A_481 = arith.constant 112 : index
      %swap3A_482 = tpu.vector_load %arg13[%swap3A_480, %swap3A_481] {strides = array<i32>} : memref<64x128xf32, #tpu.memory_space<vmem>>, vector<16xf32>,
      tpu.vector_store %arg13[%swap3A_480, %swap3A_481], %gather3A_479 {strides = array<i32>} : memref<64x128xf32, #tpu.memory_space<vmem>>, vector<16xf32>,
    }
    %scan3A_335 = arith.constant 16 : i32
    %mul3A_336 = arith.constant 336 : i32
    %mul3A_337 = arith.muli %arg1, %mul3A_336 : i32
    %add3A_338 = arith.constant 192 : i32
    %add3A_339 = arith.addi %mul3A_337, %add3A_338 : i32
    "tpu.region"() ({
      %run_scoped3A = tpu.sem_alloc : memref<!tpu.dma_semaphore, #tpu.memory_space<semaphore_mem>>
      %dma_start3A = arith.constant 0 : i32
      %dma_start3A_420 = arith.constant 0 : i32
      %dma_start3A_421 = tpu.memref_slice %arg13[%dma_start3A, %dma_start3A_420] : memref<64x128xf32, #tpu.memory_space<vmem>> -> memref<16x128xf32, #tpu.memory_space<vmem>>
      %dma_start3A_422 = arith.constant 0 : i32
      %dma_start3A_423 = tpu.memref_slice %arg7[%arg0, %add3A_339, %dma_start3A_422] : memref<2x5376x128xf32, #tpu.memory_space<hbm>> -> memref<1x16x128xf32, #tpu.memory_space<hbm>>
      %dma_start3A_424 = tpu.memref_squeeze %dma_start3A_423 : memref<1x16x128xf32, #tpu.memory_space<hbm>> -> memref<16x128xf32, #tpu.memory_space<hbm>>
      %dma_start3A_425 = arith.constant 0 : i32
      %dma_start3A_426 = tpu.memref_slice %arg7[%arg0, %add3A_339, %dma_start3A_425] : memref<2x5376x128xf32, #tpu.memory_space<hbm>> -> memref<1x16x128xf32, #tpu.memory_space<hbm>>
      %dma_start3A_427 = tpu.memref_squeeze %dma_start3A_426 : memref<1x16x128xf32, #tpu.memory_space<hbm>> -> memref<16x128xf32, #tpu.memory_space<hbm>>
      %dma_start3A_428 = arith.constant 0 : i32
      %dma_start3A_429 = arith.constant 0 : i32
      %dma_start3A_430 = tpu.memref_slice %arg13[%dma_start3A_428, %dma_start3A_429] : memref<64x128xf32, #tpu.memory_space<vmem>> -> memref<16x128xf32, #tpu.memory_space<vmem>>
      tpu.enqueue_dma source(%dma_start3A_430 : memref<16x128xf32, #tpu.memory_space<vmem>>) target(%dma_start3A_427 : memref<16x128xf32, #tpu.memory_space<hbm>>) target_semaphore(%run_scoped3A : memref<!tpu.dma_semaphore, #tpu.memory_space<semaphore_mem>>)
      %dma_wait3A = arith.constant 0 : i32
      %dma_wait3A_431 = arith.constant 0 : i32
      %dma_wait3A_432 = tpu.memref_slice %arg13[%dma_wait3A, %dma_wait3A_431] : memref<64x128xf32, #tpu.memory_space<vmem>> -> memref<16x128xf32, #tpu.memory_space<vmem>>
      %dma_wait3A_433 = arith.constant 0 : i32
      %dma_wait3A_434 = tpu.memref_slice %arg7[%arg0, %add3A_339, %dma_wait3A_433] : memref<2x5376x128xf32, #tpu.memory_space<hbm>> -> memref<1x16x128xf32, #tpu.memory_space<hbm>>
      %dma_wait3A_435 = tpu.memref_squeeze %dma_wait3A_434 : memref<1x16x128xf32, #tpu.memory_space<hbm>> -> memref<16x128xf32, #tpu.memory_space<hbm>>
      %dma_wait3A_436 = arith.constant 0 : i32
      %dma_wait3A_437 = tpu.memref_slice %arg7[%arg0, %add3A_339, %dma_wait3A_436] : memref<2x5376x128xf32, #tpu.memory_space<hbm>> -> memref<1x16x128xf32, #tpu.memory_space<hbm>>
      %dma_wait3A_438 = tpu.memref_squeeze %dma_wait3A_437 : memref<1x16x128xf32, #tpu.memory_space<hbm>> -> memref<16x128xf32, #tpu.memory_space<hbm>>
      %dma_wait3A_439 = arith.constant 0 : i32
      %dma_wait3A_440 = arith.constant 0 : i32
      %dma_wait3A_441 = tpu.memref_slice %arg13[%dma_wait3A_439, %dma_wait3A_440] : memref<64x128xf32, #tpu.memory_space<vmem>> -> memref<16x128xf32, #tpu.memory_space<vmem>>
      tpu.wait_dma2 semaphore(%run_scoped3A : memref<!tpu.dma_semaphore, #tpu.memory_space<semaphore_mem>>) src(%dma_wait3A_441 : memref<16x128xf32, #tpu.memory_space<vmem>>) dst(%dma_wait3A_438 : memref<16x128xf32, #tpu.memory_space<hbm>>)
      tpu.yield
    }) : () -> ()
    %scan3A_340 = arith.constant 0 : i32
    %scan3A_341 = arith.constant 208 : i32
    %scan3A_342 = arith.constant 16 : i32
    %scan3A_343 = arith.addi %scan3A_341, %scan3A_342 : i32
    %scan3A_344 = arith.constant 1 : i32
    scf.for %scan3A_420 = %scan3A_341 to %scan3A_343 step %scan3A_344  : i32 {
      %shift_right_logical3A = arith.constant 4 : i32
      %shift_right_logical3A_421 = arith.shrui %scan3A_420, %shift_right_logical3A : i32
      %and3A = arith.constant 15 : i32
      %and3A_422 = arith.andi %scan3A_420, %and3A : i32
      %mul3A_423 = arith.constant 8 : i32
      %mul3A_424 = arith.muli %and3A_422, %mul3A_423 : i32
      %broadcast_in_dim3A_425 = vector.broadcast %shift_right_logical3A_421 : i32 to vector<16xi32>
      %and3A_426 = arith.constant 15 : i32
      %and3A_427 = arith.andi %scan3A_420, %and3A_426 : i32
      %add3A_428 = arith.constant 0 : i32
      %add3A_429 = arith.addi %mul3A_424, %add3A_428 : i32
      %broadcast_in_dim3A_430 = vector.broadcast %add3A_429 : i32 to vector<16xi32>
      %gather3A = tpu.vector_load_idx %arg11[%broadcast_in_dim3A_425, %broadcast_in_dim3A_430] : memref<64x128xf32, #tpu.memory_space<vmem>>[vector<16xi32>, vector<16xi32>], vector<16xf32>,
      %swap3A_431 = arith.index_cast %and3A_427 : i32 to index
      %swap3A_432 = arith.constant 0 : index
      %swap3A_433 = tpu.vector_load %arg13[%swap3A_431, %swap3A_432] {strides = array<i32>} : memref<64x128xf32, #tpu.memory_space<vmem>>, vector<16xf32>,
      tpu.vector_store %arg13[%swap3A_431, %swap3A_432], %gather3A {strides = array<i32>} : memref<64x128xf32, #tpu.memory_space<vmem>>, vector<16xf32>,
      %add3A_434 = arith.constant 1 : i32
      %add3A_435 = arith.addi %mul3A_424, %add3A_434 : i32
      %broadcast_in_dim3A_436 = vector.broadcast %add3A_435 : i32 to vector<16xi32>
      %gather3A_437 = tpu.vector_load_idx %arg11[%broadcast_in_dim3A_425, %broadcast_in_dim3A_436] : memref<64x128xf32, #tpu.memory_space<vmem>>[vector<16xi32>, vector<16xi32>], vector<16xf32>,
      %swap3A_438 = arith.index_cast %and3A_427 : i32 to index
      %swap3A_439 = arith.constant 16 : index
      %swap3A_440 = tpu.vector_load %arg13[%swap3A_438, %swap3A_439] {strides = array<i32>} : memref<64x128xf32, #tpu.memory_space<vmem>>, vector<16xf32>,
      tpu.vector_store %arg13[%swap3A_438, %swap3A_439], %gather3A_437 {strides = array<i32>} : memref<64x128xf32, #tpu.memory_space<vmem>>, vector<16xf32>,
      %add3A_441 = arith.constant 2 : i32
      %add3A_442 = arith.addi %mul3A_424, %add3A_441 : i32
      %broadcast_in_dim3A_443 = vector.broadcast %add3A_442 : i32 to vector<16xi32>
      %gather3A_444 = tpu.vector_load_idx %arg11[%broadcast_in_dim3A_425, %broadcast_in_dim3A_443] : memref<64x128xf32, #tpu.memory_space<vmem>>[vector<16xi32>, vector<16xi32>], vector<16xf32>,
      %swap3A_445 = arith.index_cast %and3A_427 : i32 to index
      %swap3A_446 = arith.constant 32 : index
      %swap3A_447 = tpu.vector_load %arg13[%swap3A_445, %swap3A_446] {strides = array<i32>} : memref<64x128xf32, #tpu.memory_space<vmem>>, vector<16xf32>,
      tpu.vector_store %arg13[%swap3A_445, %swap3A_446], %gather3A_444 {strides = array<i32>} : memref<64x128xf32, #tpu.memory_space<vmem>>, vector<16xf32>,
      %add3A_448 = arith.constant 3 : i32
      %add3A_449 = arith.addi %mul3A_424, %add3A_448 : i32
      %broadcast_in_dim3A_450 = vector.broadcast %add3A_449 : i32 to vector<16xi32>
      %gather3A_451 = tpu.vector_load_idx %arg11[%broadcast_in_dim3A_425, %broadcast_in_dim3A_450] : memref<64x128xf32, #tpu.memory_space<vmem>>[vector<16xi32>, vector<16xi32>], vector<16xf32>,
      %swap3A_452 = arith.index_cast %and3A_427 : i32 to index
      %swap3A_453 = arith.constant 48 : index
      %swap3A_454 = tpu.vector_load %arg13[%swap3A_452, %swap3A_453] {strides = array<i32>} : memref<64x128xf32, #tpu.memory_space<vmem>>, vector<16xf32>,
      tpu.vector_store %arg13[%swap3A_452, %swap3A_453], %gather3A_451 {strides = array<i32>} : memref<64x128xf32, #tpu.memory_space<vmem>>, vector<16xf32>,
      %add3A_455 = arith.constant 4 : i32
      %add3A_456 = arith.addi %mul3A_424, %add3A_455 : i32
      %broadcast_in_dim3A_457 = vector.broadcast %add3A_456 : i32 to vector<16xi32>
      %gather3A_458 = tpu.vector_load_idx %arg11[%broadcast_in_dim3A_425, %broadcast_in_dim3A_457] : memref<64x128xf32, #tpu.memory_space<vmem>>[vector<16xi32>, vector<16xi32>], vector<16xf32>,
      %swap3A_459 = arith.index_cast %and3A_427 : i32 to index
      %swap3A_460 = arith.constant 64 : index
      %swap3A_461 = tpu.vector_load %arg13[%swap3A_459, %swap3A_460] {strides = array<i32>} : memref<64x128xf32, #tpu.memory_space<vmem>>, vector<16xf32>,
      tpu.vector_store %arg13[%swap3A_459, %swap3A_460], %gather3A_458 {strides = array<i32>} : memref<64x128xf32, #tpu.memory_space<vmem>>, vector<16xf32>,
      %add3A_462 = arith.constant 5 : i32
      %add3A_463 = arith.addi %mul3A_424, %add3A_462 : i32
      %broadcast_in_dim3A_464 = vector.broadcast %add3A_463 : i32 to vector<16xi32>
      %gather3A_465 = tpu.vector_load_idx %arg11[%broadcast_in_dim3A_425, %broadcast_in_dim3A_464] : memref<64x128xf32, #tpu.memory_space<vmem>>[vector<16xi32>, vector<16xi32>], vector<16xf32>,
      %swap3A_466 = arith.index_cast %and3A_427 : i32 to index
      %swap3A_467 = arith.constant 80 : index
      %swap3A_468 = tpu.vector_load %arg13[%swap3A_466, %swap3A_467] {strides = array<i32>} : memref<64x128xf32, #tpu.memory_space<vmem>>, vector<16xf32>,
      tpu.vector_store %arg13[%swap3A_466, %swap3A_467], %gather3A_465 {strides = array<i32>} : memref<64x128xf32, #tpu.memory_space<vmem>>, vector<16xf32>,
      %add3A_469 = arith.constant 6 : i32
      %add3A_470 = arith.addi %mul3A_424, %add3A_469 : i32
      %broadcast_in_dim3A_471 = vector.broadcast %add3A_470 : i32 to vector<16xi32>
      %gather3A_472 = tpu.vector_load_idx %arg11[%broadcast_in_dim3A_425, %broadcast_in_dim3A_471] : memref<64x128xf32, #tpu.memory_space<vmem>>[vector<16xi32>, vector<16xi32>], vector<16xf32>,
      %swap3A_473 = arith.index_cast %and3A_427 : i32 to index
      %swap3A_474 = arith.constant 96 : index
      %swap3A_475 = tpu.vector_load %arg13[%swap3A_473, %swap3A_474] {strides = array<i32>} : memref<64x128xf32, #tpu.memory_space<vmem>>, vector<16xf32>,
      tpu.vector_store %arg13[%swap3A_473, %swap3A_474], %gather3A_472 {strides = array<i32>} : memref<64x128xf32, #tpu.memory_space<vmem>>, vector<16xf32>,
      %add3A_476 = arith.constant 7 : i32
      %add3A_477 = arith.addi %mul3A_424, %add3A_476 : i32
      %broadcast_in_dim3A_478 = vector.broadcast %add3A_477 : i32 to vector<16xi32>
      %gather3A_479 = tpu.vector_load_idx %arg11[%broadcast_in_dim3A_425, %broadcast_in_dim3A_478] : memref<64x128xf32, #tpu.memory_space<vmem>>[vector<16xi32>, vector<16xi32>], vector<16xf32>,
      %swap3A_480 = arith.index_cast %and3A_427 : i32 to index
      %swap3A_481 = arith.constant 112 : index
      %swap3A_482 = tpu.vector_load %arg13[%swap3A_480, %swap3A_481] {strides = array<i32>} : memref<64x128xf32, #tpu.memory_space<vmem>>, vector<16xf32>,
      tpu.vector_store %arg13[%swap3A_480, %swap3A_481], %gather3A_479 {strides = array<i32>} : memref<64x128xf32, #tpu.memory_space<vmem>>, vector<16xf32>,
    }
    %scan3A_345 = arith.constant 16 : i32
    %mul3A_346 = arith.constant 336 : i32
    %mul3A_347 = arith.muli %arg1, %mul3A_346 : i32
    %add3A_348 = arith.constant 208 : i32
    %add3A_349 = arith.addi %mul3A_347, %add3A_348 : i32
    "tpu.region"() ({
      %run_scoped3A = tpu.sem_alloc : memref<!tpu.dma_semaphore, #tpu.memory_space<semaphore_mem>>
      %dma_start3A = arith.constant 0 : i32
      %dma_start3A_420 = arith.constant 0 : i32
      %dma_start3A_421 = tpu.memref_slice %arg13[%dma_start3A, %dma_start3A_420] : memref<64x128xf32, #tpu.memory_space<vmem>> -> memref<16x128xf32, #tpu.memory_space<vmem>>
      %dma_start3A_422 = arith.constant 0 : i32
      %dma_start3A_423 = tpu.memref_slice %arg7[%arg0, %add3A_349, %dma_start3A_422] : memref<2x5376x128xf32, #tpu.memory_space<hbm>> -> memref<1x16x128xf32, #tpu.memory_space<hbm>>
      %dma_start3A_424 = tpu.memref_squeeze %dma_start3A_423 : memref<1x16x128xf32, #tpu.memory_space<hbm>> -> memref<16x128xf32, #tpu.memory_space<hbm>>
      %dma_start3A_425 = arith.constant 0 : i32
      %dma_start3A_426 = tpu.memref_slice %arg7[%arg0, %add3A_349, %dma_start3A_425] : memref<2x5376x128xf32, #tpu.memory_space<hbm>> -> memref<1x16x128xf32, #tpu.memory_space<hbm>>
      %dma_start3A_427 = tpu.memref_squeeze %dma_start3A_426 : memref<1x16x128xf32, #tpu.memory_space<hbm>> -> memref<16x128xf32, #tpu.memory_space<hbm>>
      %dma_start3A_428 = arith.constant 0 : i32
      %dma_start3A_429 = arith.constant 0 : i32
      %dma_start3A_430 = tpu.memref_slice %arg13[%dma_start3A_428, %dma_start3A_429] : memref<64x128xf32, #tpu.memory_space<vmem>> -> memref<16x128xf32, #tpu.memory_space<vmem>>
      tpu.enqueue_dma source(%dma_start3A_430 : memref<16x128xf32, #tpu.memory_space<vmem>>) target(%dma_start3A_427 : memref<16x128xf32, #tpu.memory_space<hbm>>) target_semaphore(%run_scoped3A : memref<!tpu.dma_semaphore, #tpu.memory_space<semaphore_mem>>)
      %dma_wait3A = arith.constant 0 : i32
      %dma_wait3A_431 = arith.constant 0 : i32
      %dma_wait3A_432 = tpu.memref_slice %arg13[%dma_wait3A, %dma_wait3A_431] : memref<64x128xf32, #tpu.memory_space<vmem>> -> memref<16x128xf32, #tpu.memory_space<vmem>>
      %dma_wait3A_433 = arith.constant 0 : i32
      %dma_wait3A_434 = tpu.memref_slice %arg7[%arg0, %add3A_349, %dma_wait3A_433] : memref<2x5376x128xf32, #tpu.memory_space<hbm>> -> memref<1x16x128xf32, #tpu.memory_space<hbm>>
      %dma_wait3A_435 = tpu.memref_squeeze %dma_wait3A_434 : memref<1x16x128xf32, #tpu.memory_space<hbm>> -> memref<16x128xf32, #tpu.memory_space<hbm>>
      %dma_wait3A_436 = arith.constant 0 : i32
      %dma_wait3A_437 = tpu.memref_slice %arg7[%arg0, %add3A_349, %dma_wait3A_436] : memref<2x5376x128xf32, #tpu.memory_space<hbm>> -> memref<1x16x128xf32, #tpu.memory_space<hbm>>
      %dma_wait3A_438 = tpu.memref_squeeze %dma_wait3A_437 : memref<1x16x128xf32, #tpu.memory_space<hbm>> -> memref<16x128xf32, #tpu.memory_space<hbm>>
      %dma_wait3A_439 = arith.constant 0 : i32
      %dma_wait3A_440 = arith.constant 0 : i32
      %dma_wait3A_441 = tpu.memref_slice %arg13[%dma_wait3A_439, %dma_wait3A_440] : memref<64x128xf32, #tpu.memory_space<vmem>> -> memref<16x128xf32, #tpu.memory_space<vmem>>
      tpu.wait_dma2 semaphore(%run_scoped3A : memref<!tpu.dma_semaphore, #tpu.memory_space<semaphore_mem>>) src(%dma_wait3A_441 : memref<16x128xf32, #tpu.memory_space<vmem>>) dst(%dma_wait3A_438 : memref<16x128xf32, #tpu.memory_space<hbm>>)
      tpu.yield
    }) : () -> ()
    %scan3A_350 = arith.constant 0 : i32
    %scan3A_351 = arith.constant 224 : i32
    %scan3A_352 = arith.constant 16 : i32
    %scan3A_353 = arith.addi %scan3A_351, %scan3A_352 : i32
    %scan3A_354 = arith.constant 1 : i32
    scf.for %scan3A_420 = %scan3A_351 to %scan3A_353 step %scan3A_354  : i32 {
      %shift_right_logical3A = arith.constant 4 : i32
      %shift_right_logical3A_421 = arith.shrui %scan3A_420, %shift_right_logical3A : i32
      %and3A = arith.constant 15 : i32
      %and3A_422 = arith.andi %scan3A_420, %and3A : i32
      %mul3A_423 = arith.constant 8 : i32
      %mul3A_424 = arith.muli %and3A_422, %mul3A_423 : i32
      %broadcast_in_dim3A_425 = vector.broadcast %shift_right_logical3A_421 : i32 to vector<16xi32>
      %and3A_426 = arith.constant 15 : i32
      %and3A_427 = arith.andi %scan3A_420, %and3A_426 : i32
      %add3A_428 = arith.constant 0 : i32
      %add3A_429 = arith.addi %mul3A_424, %add3A_428 : i32
      %broadcast_in_dim3A_430 = vector.broadcast %add3A_429 : i32 to vector<16xi32>
      %gather3A = tpu.vector_load_idx %arg11[%broadcast_in_dim3A_425, %broadcast_in_dim3A_430] : memref<64x128xf32, #tpu.memory_space<vmem>>[vector<16xi32>, vector<16xi32>], vector<16xf32>,
      %swap3A_431 = arith.index_cast %and3A_427 : i32 to index
      %swap3A_432 = arith.constant 0 : index
      %swap3A_433 = tpu.vector_load %arg13[%swap3A_431, %swap3A_432] {strides = array<i32>} : memref<64x128xf32, #tpu.memory_space<vmem>>, vector<16xf32>,
      tpu.vector_store %arg13[%swap3A_431, %swap3A_432], %gather3A {strides = array<i32>} : memref<64x128xf32, #tpu.memory_space<vmem>>, vector<16xf32>,
      %add3A_434 = arith.constant 1 : i32
      %add3A_435 = arith.addi %mul3A_424, %add3A_434 : i32
      %broadcast_in_dim3A_436 = vector.broadcast %add3A_435 : i32 to vector<16xi32>
      %gather3A_437 = tpu.vector_load_idx %arg11[%broadcast_in_dim3A_425, %broadcast_in_dim3A_436] : memref<64x128xf32, #tpu.memory_space<vmem>>[vector<16xi32>, vector<16xi32>], vector<16xf32>,
      %swap3A_438 = arith.index_cast %and3A_427 : i32 to index
      %swap3A_439 = arith.constant 16 : index
      %swap3A_440 = tpu.vector_load %arg13[%swap3A_438, %swap3A_439] {strides = array<i32>} : memref<64x128xf32, #tpu.memory_space<vmem>>, vector<16xf32>,
      tpu.vector_store %arg13[%swap3A_438, %swap3A_439], %gather3A_437 {strides = array<i32>} : memref<64x128xf32, #tpu.memory_space<vmem>>, vector<16xf32>,
      %add3A_441 = arith.constant 2 : i32
      %add3A_442 = arith.addi %mul3A_424, %add3A_441 : i32
      %broadcast_in_dim3A_443 = vector.broadcast %add3A_442 : i32 to vector<16xi32>
      %gather3A_444 = tpu.vector_load_idx %arg11[%broadcast_in_dim3A_425, %broadcast_in_dim3A_443] : memref<64x128xf32, #tpu.memory_space<vmem>>[vector<16xi32>, vector<16xi32>], vector<16xf32>,
      %swap3A_445 = arith.index_cast %and3A_427 : i32 to index
      %swap3A_446 = arith.constant 32 : index
      %swap3A_447 = tpu.vector_load %arg13[%swap3A_445, %swap3A_446] {strides = array<i32>} : memref<64x128xf32, #tpu.memory_space<vmem>>, vector<16xf32>,
      tpu.vector_store %arg13[%swap3A_445, %swap3A_446], %gather3A_444 {strides = array<i32>} : memref<64x128xf32, #tpu.memory_space<vmem>>, vector<16xf32>,
      %add3A_448 = arith.constant 3 : i32
      %add3A_449 = arith.addi %mul3A_424, %add3A_448 : i32
      %broadcast_in_dim3A_450 = vector.broadcast %add3A_449 : i32 to vector<16xi32>
      %gather3A_451 = tpu.vector_load_idx %arg11[%broadcast_in_dim3A_425, %broadcast_in_dim3A_450] : memref<64x128xf32, #tpu.memory_space<vmem>>[vector<16xi32>, vector<16xi32>], vector<16xf32>,
      %swap3A_452 = arith.index_cast %and3A_427 : i32 to index
      %swap3A_453 = arith.constant 48 : index
      %swap3A_454 = tpu.vector_load %arg13[%swap3A_452, %swap3A_453] {strides = array<i32>} : memref<64x128xf32, #tpu.memory_space<vmem>>, vector<16xf32>,
      tpu.vector_store %arg13[%swap3A_452, %swap3A_453], %gather3A_451 {strides = array<i32>} : memref<64x128xf32, #tpu.memory_space<vmem>>, vector<16xf32>,
      %add3A_455 = arith.constant 4 : i32
      %add3A_456 = arith.addi %mul3A_424, %add3A_455 : i32
      %broadcast_in_dim3A_457 = vector.broadcast %add3A_456 : i32 to vector<16xi32>
      %gather3A_458 = tpu.vector_load_idx %arg11[%broadcast_in_dim3A_425, %broadcast_in_dim3A_457] : memref<64x128xf32, #tpu.memory_space<vmem>>[vector<16xi32>, vector<16xi32>], vector<16xf32>,
      %swap3A_459 = arith.index_cast %and3A_427 : i32 to index
      %swap3A_460 = arith.constant 64 : index
      %swap3A_461 = tpu.vector_load %arg13[%swap3A_459, %swap3A_460] {strides = array<i32>} : memref<64x128xf32, #tpu.memory_space<vmem>>, vector<16xf32>,
      tpu.vector_store %arg13[%swap3A_459, %swap3A_460], %gather3A_458 {strides = array<i32>} : memref<64x128xf32, #tpu.memory_space<vmem>>, vector<16xf32>,
      %add3A_462 = arith.constant 5 : i32
      %add3A_463 = arith.addi %mul3A_424, %add3A_462 : i32
      %broadcast_in_dim3A_464 = vector.broadcast %add3A_463 : i32 to vector<16xi32>
      %gather3A_465 = tpu.vector_load_idx %arg11[%broadcast_in_dim3A_425, %broadcast_in_dim3A_464] : memref<64x128xf32, #tpu.memory_space<vmem>>[vector<16xi32>, vector<16xi32>], vector<16xf32>,
      %swap3A_466 = arith.index_cast %and3A_427 : i32 to index
      %swap3A_467 = arith.constant 80 : index
      %swap3A_468 = tpu.vector_load %arg13[%swap3A_466, %swap3A_467] {strides = array<i32>} : memref<64x128xf32, #tpu.memory_space<vmem>>, vector<16xf32>,
      tpu.vector_store %arg13[%swap3A_466, %swap3A_467], %gather3A_465 {strides = array<i32>} : memref<64x128xf32, #tpu.memory_space<vmem>>, vector<16xf32>,
      %add3A_469 = arith.constant 6 : i32
      %add3A_470 = arith.addi %mul3A_424, %add3A_469 : i32
      %broadcast_in_dim3A_471 = vector.broadcast %add3A_470 : i32 to vector<16xi32>
      %gather3A_472 = tpu.vector_load_idx %arg11[%broadcast_in_dim3A_425, %broadcast_in_dim3A_471] : memref<64x128xf32, #tpu.memory_space<vmem>>[vector<16xi32>, vector<16xi32>], vector<16xf32>,
      %swap3A_473 = arith.index_cast %and3A_427 : i32 to index
      %swap3A_474 = arith.constant 96 : index
      %swap3A_475 = tpu.vector_load %arg13[%swap3A_473, %swap3A_474] {strides = array<i32>} : memref<64x128xf32, #tpu.memory_space<vmem>>, vector<16xf32>,
      tpu.vector_store %arg13[%swap3A_473, %swap3A_474], %gather3A_472 {strides = array<i32>} : memref<64x128xf32, #tpu.memory_space<vmem>>, vector<16xf32>,
      %add3A_476 = arith.constant 7 : i32
      %add3A_477 = arith.addi %mul3A_424, %add3A_476 : i32
      %broadcast_in_dim3A_478 = vector.broadcast %add3A_477 : i32 to vector<16xi32>
      %gather3A_479 = tpu.vector_load_idx %arg11[%broadcast_in_dim3A_425, %broadcast_in_dim3A_478] : memref<64x128xf32, #tpu.memory_space<vmem>>[vector<16xi32>, vector<16xi32>], vector<16xf32>,
      %swap3A_480 = arith.index_cast %and3A_427 : i32 to index
      %swap3A_481 = arith.constant 112 : index
      %swap3A_482 = tpu.vector_load %arg13[%swap3A_480, %swap3A_481] {strides = array<i32>} : memref<64x128xf32, #tpu.memory_space<vmem>>, vector<16xf32>,
      tpu.vector_store %arg13[%swap3A_480, %swap3A_481], %gather3A_479 {strides = array<i32>} : memref<64x128xf32, #tpu.memory_space<vmem>>, vector<16xf32>,
    }
    %scan3A_355 = arith.constant 16 : i32
    %mul3A_356 = arith.constant 336 : i32
    %mul3A_357 = arith.muli %arg1, %mul3A_356 : i32
    %add3A_358 = arith.constant 224 : i32
    %add3A_359 = arith.addi %mul3A_357, %add3A_358 : i32
    "tpu.region"() ({
      %run_scoped3A = tpu.sem_alloc : memref<!tpu.dma_semaphore, #tpu.memory_space<semaphore_mem>>
      %dma_start3A = arith.constant 0 : i32
      %dma_start3A_420 = arith.constant 0 : i32
      %dma_start3A_421 = tpu.memref_slice %arg13[%dma_start3A, %dma_start3A_420] : memref<64x128xf32, #tpu.memory_space<vmem>> -> memref<16x128xf32, #tpu.memory_space<vmem>>
      %dma_start3A_422 = arith.constant 0 : i32
      %dma_start3A_423 = tpu.memref_slice %arg7[%arg0, %add3A_359, %dma_start3A_422] : memref<2x5376x128xf32, #tpu.memory_space<hbm>> -> memref<1x16x128xf32, #tpu.memory_space<hbm>>
      %dma_start3A_424 = tpu.memref_squeeze %dma_start3A_423 : memref<1x16x128xf32, #tpu.memory_space<hbm>> -> memref<16x128xf32, #tpu.memory_space<hbm>>
      %dma_start3A_425 = arith.constant 0 : i32
      %dma_start3A_426 = tpu.memref_slice %arg7[%arg0, %add3A_359, %dma_start3A_425] : memref<2x5376x128xf32, #tpu.memory_space<hbm>> -> memref<1x16x128xf32, #tpu.memory_space<hbm>>
      %dma_start3A_427 = tpu.memref_squeeze %dma_start3A_426 : memref<1x16x128xf32, #tpu.memory_space<hbm>> -> memref<16x128xf32, #tpu.memory_space<hbm>>
      %dma_start3A_428 = arith.constant 0 : i32
      %dma_start3A_429 = arith.constant 0 : i32
      %dma_start3A_430 = tpu.memref_slice %arg13[%dma_start3A_428, %dma_start3A_429] : memref<64x128xf32, #tpu.memory_space<vmem>> -> memref<16x128xf32, #tpu.memory_space<vmem>>
      tpu.enqueue_dma source(%dma_start3A_430 : memref<16x128xf32, #tpu.memory_space<vmem>>) target(%dma_start3A_427 : memref<16x128xf32, #tpu.memory_space<hbm>>) target_semaphore(%run_scoped3A : memref<!tpu.dma_semaphore, #tpu.memory_space<semaphore_mem>>)
      %dma_wait3A = arith.constant 0 : i32
      %dma_wait3A_431 = arith.constant 0 : i32
      %dma_wait3A_432 = tpu.memref_slice %arg13[%dma_wait3A, %dma_wait3A_431] : memref<64x128xf32, #tpu.memory_space<vmem>> -> memref<16x128xf32, #tpu.memory_space<vmem>>
      %dma_wait3A_433 = arith.constant 0 : i32
      %dma_wait3A_434 = tpu.memref_slice %arg7[%arg0, %add3A_359, %dma_wait3A_433] : memref<2x5376x128xf32, #tpu.memory_space<hbm>> -> memref<1x16x128xf32, #tpu.memory_space<hbm>>
      %dma_wait3A_435 = tpu.memref_squeeze %dma_wait3A_434 : memref<1x16x128xf32, #tpu.memory_space<hbm>> -> memref<16x128xf32, #tpu.memory_space<hbm>>
      %dma_wait3A_436 = arith.constant 0 : i32
      %dma_wait3A_437 = tpu.memref_slice %arg7[%arg0, %add3A_359, %dma_wait3A_436] : memref<2x5376x128xf32, #tpu.memory_space<hbm>> -> memref<1x16x128xf32, #tpu.memory_space<hbm>>
      %dma_wait3A_438 = tpu.memref_squeeze %dma_wait3A_437 : memref<1x16x128xf32, #tpu.memory_space<hbm>> -> memref<16x128xf32, #tpu.memory_space<hbm>>
      %dma_wait3A_439 = arith.constant 0 : i32
      %dma_wait3A_440 = arith.constant 0 : i32
      %dma_wait3A_441 = tpu.memref_slice %arg13[%dma_wait3A_439, %dma_wait3A_440] : memref<64x128xf32, #tpu.memory_space<vmem>> -> memref<16x128xf32, #tpu.memory_space<vmem>>
      tpu.wait_dma2 semaphore(%run_scoped3A : memref<!tpu.dma_semaphore, #tpu.memory_space<semaphore_mem>>) src(%dma_wait3A_441 : memref<16x128xf32, #tpu.memory_space<vmem>>) dst(%dma_wait3A_438 : memref<16x128xf32, #tpu.memory_space<hbm>>)
      tpu.yield
    }) : () -> ()
    %scan3A_360 = arith.constant 0 : i32
    %scan3A_361 = arith.constant 240 : i32
    %scan3A_362 = arith.constant 16 : i32
    %scan3A_363 = arith.addi %scan3A_361, %scan3A_362 : i32
    %scan3A_364 = arith.constant 1 : i32
    scf.for %scan3A_420 = %scan3A_361 to %scan3A_363 step %scan3A_364  : i32 {
      %shift_right_logical3A = arith.constant 4 : i32
      %shift_right_logical3A_421 = arith.shrui %scan3A_420, %shift_right_logical3A : i32
      %and3A = arith.constant 15 : i32
      %and3A_422 = arith.andi %scan3A_420, %and3A : i32
      %mul3A_423 = arith.constant 8 : i32
      %mul3A_424 = arith.muli %and3A_422, %mul3A_423 : i32
      %broadcast_in_dim3A_425 = vector.broadcast %shift_right_logical3A_421 : i32 to vector<16xi32>
      %and3A_426 = arith.constant 15 : i32
      %and3A_427 = arith.andi %scan3A_420, %and3A_426 : i32
      %add3A_428 = arith.constant 0 : i32
      %add3A_429 = arith.addi %mul3A_424, %add3A_428 : i32
      %broadcast_in_dim3A_430 = vector.broadcast %add3A_429 : i32 to vector<16xi32>
      %gather3A = tpu.vector_load_idx %arg11[%broadcast_in_dim3A_425, %broadcast_in_dim3A_430] : memref<64x128xf32, #tpu.memory_space<vmem>>[vector<16xi32>, vector<16xi32>], vector<16xf32>,
      %swap3A_431 = arith.index_cast %and3A_427 : i32 to index
      %swap3A_432 = arith.constant 0 : index
      %swap3A_433 = tpu.vector_load %arg13[%swap3A_431, %swap3A_432] {strides = array<i32>} : memref<64x128xf32, #tpu.memory_space<vmem>>, vector<16xf32>,
      tpu.vector_store %arg13[%swap3A_431, %swap3A_432], %gather3A {strides = array<i32>} : memref<64x128xf32, #tpu.memory_space<vmem>>, vector<16xf32>,
      %add3A_434 = arith.constant 1 : i32
      %add3A_435 = arith.addi %mul3A_424, %add3A_434 : i32
      %broadcast_in_dim3A_436 = vector.broadcast %add3A_435 : i32 to vector<16xi32>
      %gather3A_437 = tpu.vector_load_idx %arg11[%broadcast_in_dim3A_425, %broadcast_in_dim3A_436] : memref<64x128xf32, #tpu.memory_space<vmem>>[vector<16xi32>, vector<16xi32>], vector<16xf32>,
      %swap3A_438 = arith.index_cast %and3A_427 : i32 to index
      %swap3A_439 = arith.constant 16 : index
      %swap3A_440 = tpu.vector_load %arg13[%swap3A_438, %swap3A_439] {strides = array<i32>} : memref<64x128xf32, #tpu.memory_space<vmem>>, vector<16xf32>,
      tpu.vector_store %arg13[%swap3A_438, %swap3A_439], %gather3A_437 {strides = array<i32>} : memref<64x128xf32, #tpu.memory_space<vmem>>, vector<16xf32>,
      %add3A_441 = arith.constant 2 : i32
      %add3A_442 = arith.addi %mul3A_424, %add3A_441 : i32
      %broadcast_in_dim3A_443 = vector.broadcast %add3A_442 : i32 to vector<16xi32>
      %gather3A_444 = tpu.vector_load_idx %arg11[%broadcast_in_dim3A_425, %broadcast_in_dim3A_443] : memref<64x128xf32, #tpu.memory_space<vmem>>[vector<16xi32>, vector<16xi32>], vector<16xf32>,
      %swap3A_445 = arith.index_cast %and3A_427 : i32 to index
      %swap3A_446 = arith.constant 32 : index
      %swap3A_447 = tpu.vector_load %arg13[%swap3A_445, %swap3A_446] {strides = array<i32>} : memref<64x128xf32, #tpu.memory_space<vmem>>, vector<16xf32>,
      tpu.vector_store %arg13[%swap3A_445, %swap3A_446], %gather3A_444 {strides = array<i32>} : memref<64x128xf32, #tpu.memory_space<vmem>>, vector<16xf32>,
      %add3A_448 = arith.constant 3 : i32
      %add3A_449 = arith.addi %mul3A_424, %add3A_448 : i32
      %broadcast_in_dim3A_450 = vector.broadcast %add3A_449 : i32 to vector<16xi32>
      %gather3A_451 = tpu.vector_load_idx %arg11[%broadcast_in_dim3A_425, %broadcast_in_dim3A_450] : memref<64x128xf32, #tpu.memory_space<vmem>>[vector<16xi32>, vector<16xi32>], vector<16xf32>,
      %swap3A_452 = arith.index_cast %and3A_427 : i32 to index
      %swap3A_453 = arith.constant 48 : index
      %swap3A_454 = tpu.vector_load %arg13[%swap3A_452, %swap3A_453] {strides = array<i32>} : memref<64x128xf32, #tpu.memory_space<vmem>>, vector<16xf32>,
      tpu.vector_store %arg13[%swap3A_452, %swap3A_453], %gather3A_451 {strides = array<i32>} : memref<64x128xf32, #tpu.memory_space<vmem>>, vector<16xf32>,
      %add3A_455 = arith.constant 4 : i32
      %add3A_456 = arith.addi %mul3A_424, %add3A_455 : i32
      %broadcast_in_dim3A_457 = vector.broadcast %add3A_456 : i32 to vector<16xi32>
      %gather3A_458 = tpu.vector_load_idx %arg11[%broadcast_in_dim3A_425, %broadcast_in_dim3A_457] : memref<64x128xf32, #tpu.memory_space<vmem>>[vector<16xi32>, vector<16xi32>], vector<16xf32>,
      %swap3A_459 = arith.index_cast %and3A_427 : i32 to index
      %swap3A_460 = arith.constant 64 : index
      %swap3A_461 = tpu.vector_load %arg13[%swap3A_459, %swap3A_460] {strides = array<i32>} : memref<64x128xf32, #tpu.memory_space<vmem>>, vector<16xf32>,
      tpu.vector_store %arg13[%swap3A_459, %swap3A_460], %gather3A_458 {strides = array<i32>} : memref<64x128xf32, #tpu.memory_space<vmem>>, vector<16xf32>,
      %add3A_462 = arith.constant 5 : i32
      %add3A_463 = arith.addi %mul3A_424, %add3A_462 : i32
      %broadcast_in_dim3A_464 = vector.broadcast %add3A_463 : i32 to vector<16xi32>
      %gather3A_465 = tpu.vector_load_idx %arg11[%broadcast_in_dim3A_425, %broadcast_in_dim3A_464] : memref<64x128xf32, #tpu.memory_space<vmem>>[vector<16xi32>, vector<16xi32>], vector<16xf32>,
      %swap3A_466 = arith.index_cast %and3A_427 : i32 to index
      %swap3A_467 = arith.constant 80 : index
      %swap3A_468 = tpu.vector_load %arg13[%swap3A_466, %swap3A_467] {strides = array<i32>} : memref<64x128xf32, #tpu.memory_space<vmem>>, vector<16xf32>,
      tpu.vector_store %arg13[%swap3A_466, %swap3A_467], %gather3A_465 {strides = array<i32>} : memref<64x128xf32, #tpu.memory_space<vmem>>, vector<16xf32>,
      %add3A_469 = arith.constant 6 : i32
      %add3A_470 = arith.addi %mul3A_424, %add3A_469 : i32
      %broadcast_in_dim3A_471 = vector.broadcast %add3A_470 : i32 to vector<16xi32>
      %gather3A_472 = tpu.vector_load_idx %arg11[%broadcast_in_dim3A_425, %broadcast_in_dim3A_471] : memref<64x128xf32, #tpu.memory_space<vmem>>[vector<16xi32>, vector<16xi32>], vector<16xf32>,
      %swap3A_473 = arith.index_cast %and3A_427 : i32 to index
      %swap3A_474 = arith.constant 96 : index
      %swap3A_475 = tpu.vector_load %arg13[%swap3A_473, %swap3A_474] {strides = array<i32>} : memref<64x128xf32, #tpu.memory_space<vmem>>, vector<16xf32>,
      tpu.vector_store %arg13[%swap3A_473, %swap3A_474], %gather3A_472 {strides = array<i32>} : memref<64x128xf32, #tpu.memory_space<vmem>>, vector<16xf32>,
      %add3A_476 = arith.constant 7 : i32
      %add3A_477 = arith.addi %mul3A_424, %add3A_476 : i32
      %broadcast_in_dim3A_478 = vector.broadcast %add3A_477 : i32 to vector<16xi32>
      %gather3A_479 = tpu.vector_load_idx %arg11[%broadcast_in_dim3A_425, %broadcast_in_dim3A_478] : memref<64x128xf32, #tpu.memory_space<vmem>>[vector<16xi32>, vector<16xi32>], vector<16xf32>,
      %swap3A_480 = arith.index_cast %and3A_427 : i32 to index
      %swap3A_481 = arith.constant 112 : index
      %swap3A_482 = tpu.vector_load %arg13[%swap3A_480, %swap3A_481] {strides = array<i32>} : memref<64x128xf32, #tpu.memory_space<vmem>>, vector<16xf32>,
      tpu.vector_store %arg13[%swap3A_480, %swap3A_481], %gather3A_479 {strides = array<i32>} : memref<64x128xf32, #tpu.memory_space<vmem>>, vector<16xf32>,
    }
    %scan3A_365 = arith.constant 16 : i32
    %mul3A_366 = arith.constant 336 : i32
    %mul3A_367 = arith.muli %arg1, %mul3A_366 : i32
    %add3A_368 = arith.constant 240 : i32
    %add3A_369 = arith.addi %mul3A_367, %add3A_368 : i32
    "tpu.region"() ({
      %run_scoped3A = tpu.sem_alloc : memref<!tpu.dma_semaphore, #tpu.memory_space<semaphore_mem>>
      %dma_start3A = arith.constant 0 : i32
      %dma_start3A_420 = arith.constant 0 : i32
      %dma_start3A_421 = tpu.memref_slice %arg13[%dma_start3A, %dma_start3A_420] : memref<64x128xf32, #tpu.memory_space<vmem>> -> memref<16x128xf32, #tpu.memory_space<vmem>>
      %dma_start3A_422 = arith.constant 0 : i32
      %dma_start3A_423 = tpu.memref_slice %arg7[%arg0, %add3A_369, %dma_start3A_422] : memref<2x5376x128xf32, #tpu.memory_space<hbm>> -> memref<1x16x128xf32, #tpu.memory_space<hbm>>
      %dma_start3A_424 = tpu.memref_squeeze %dma_start3A_423 : memref<1x16x128xf32, #tpu.memory_space<hbm>> -> memref<16x128xf32, #tpu.memory_space<hbm>>
      %dma_start3A_425 = arith.constant 0 : i32
      %dma_start3A_426 = tpu.memref_slice %arg7[%arg0, %add3A_369, %dma_start3A_425] : memref<2x5376x128xf32, #tpu.memory_space<hbm>> -> memref<1x16x128xf32, #tpu.memory_space<hbm>>
      %dma_start3A_427 = tpu.memref_squeeze %dma_start3A_426 : memref<1x16x128xf32, #tpu.memory_space<hbm>> -> memref<16x128xf32, #tpu.memory_space<hbm>>
      %dma_start3A_428 = arith.constant 0 : i32
      %dma_start3A_429 = arith.constant 0 : i32
      %dma_start3A_430 = tpu.memref_slice %arg13[%dma_start3A_428, %dma_start3A_429] : memref<64x128xf32, #tpu.memory_space<vmem>> -> memref<16x128xf32, #tpu.memory_space<vmem>>
      tpu.enqueue_dma source(%dma_start3A_430 : memref<16x128xf32, #tpu.memory_space<vmem>>) target(%dma_start3A_427 : memref<16x128xf32, #tpu.memory_space<hbm>>) target_semaphore(%run_scoped3A : memref<!tpu.dma_semaphore, #tpu.memory_space<semaphore_mem>>)
      %dma_wait3A = arith.constant 0 : i32
      %dma_wait3A_431 = arith.constant 0 : i32
      %dma_wait3A_432 = tpu.memref_slice %arg13[%dma_wait3A, %dma_wait3A_431] : memref<64x128xf32, #tpu.memory_space<vmem>> -> memref<16x128xf32, #tpu.memory_space<vmem>>
      %dma_wait3A_433 = arith.constant 0 : i32
      %dma_wait3A_434 = tpu.memref_slice %arg7[%arg0, %add3A_369, %dma_wait3A_433] : memref<2x5376x128xf32, #tpu.memory_space<hbm>> -> memref<1x16x128xf32, #tpu.memory_space<hbm>>
      %dma_wait3A_435 = tpu.memref_squeeze %dma_wait3A_434 : memref<1x16x128xf32, #tpu.memory_space<hbm>> -> memref<16x128xf32, #tpu.memory_space<hbm>>
      %dma_wait3A_436 = arith.constant 0 : i32
      %dma_wait3A_437 = tpu.memref_slice %arg7[%arg0, %add3A_369, %dma_wait3A_436] : memref<2x5376x128xf32, #tpu.memory_space<hbm>> -> memref<1x16x128xf32, #tpu.memory_space<hbm>>
      %dma_wait3A_438 = tpu.memref_squeeze %dma_wait3A_437 : memref<1x16x128xf32, #tpu.memory_space<hbm>> -> memref<16x128xf32, #tpu.memory_space<hbm>>
      %dma_wait3A_439 = arith.constant 0 : i32
      %dma_wait3A_440 = arith.constant 0 : i32
      %dma_wait3A_441 = tpu.memref_slice %arg13[%dma_wait3A_439, %dma_wait3A_440] : memref<64x128xf32, #tpu.memory_space<vmem>> -> memref<16x128xf32, #tpu.memory_space<vmem>>
      tpu.wait_dma2 semaphore(%run_scoped3A : memref<!tpu.dma_semaphore, #tpu.memory_space<semaphore_mem>>) src(%dma_wait3A_441 : memref<16x128xf32, #tpu.memory_space<vmem>>) dst(%dma_wait3A_438 : memref<16x128xf32, #tpu.memory_space<hbm>>)
      tpu.yield
    }) : () -> ()
    %scan3A_370 = arith.constant 0 : i32
    %scan3A_371 = arith.constant 256 : i32
    %scan3A_372 = arith.constant 16 : i32
    %scan3A_373 = arith.addi %scan3A_371, %scan3A_372 : i32
    %scan3A_374 = arith.constant 1 : i32
    scf.for %scan3A_420 = %scan3A_371 to %scan3A_373 step %scan3A_374  : i32 {
      %shift_right_logical3A = arith.constant 4 : i32
      %shift_right_logical3A_421 = arith.shrui %scan3A_420, %shift_right_logical3A : i32
      %and3A = arith.constant 15 : i32
      %and3A_422 = arith.andi %scan3A_420, %and3A : i32
      %mul3A_423 = arith.constant 8 : i32
      %mul3A_424 = arith.muli %and3A_422, %mul3A_423 : i32
      %broadcast_in_dim3A_425 = vector.broadcast %shift_right_logical3A_421 : i32 to vector<16xi32>
      %and3A_426 = arith.constant 15 : i32
      %and3A_427 = arith.andi %scan3A_420, %and3A_426 : i32
      %add3A_428 = arith.constant 0 : i32
      %add3A_429 = arith.addi %mul3A_424, %add3A_428 : i32
      %broadcast_in_dim3A_430 = vector.broadcast %add3A_429 : i32 to vector<16xi32>
      %gather3A = tpu.vector_load_idx %arg11[%broadcast_in_dim3A_425, %broadcast_in_dim3A_430] : memref<64x128xf32, #tpu.memory_space<vmem>>[vector<16xi32>, vector<16xi32>], vector<16xf32>,
      %swap3A_431 = arith.index_cast %and3A_427 : i32 to index
      %swap3A_432 = arith.constant 0 : index
      %swap3A_433 = tpu.vector_load %arg13[%swap3A_431, %swap3A_432] {strides = array<i32>} : memref<64x128xf32, #tpu.memory_space<vmem>>, vector<16xf32>,
      tpu.vector_store %arg13[%swap3A_431, %swap3A_432], %gather3A {strides = array<i32>} : memref<64x128xf32, #tpu.memory_space<vmem>>, vector<16xf32>,
      %add3A_434 = arith.constant 1 : i32
      %add3A_435 = arith.addi %mul3A_424, %add3A_434 : i32
      %broadcast_in_dim3A_436 = vector.broadcast %add3A_435 : i32 to vector<16xi32>
      %gather3A_437 = tpu.vector_load_idx %arg11[%broadcast_in_dim3A_425, %broadcast_in_dim3A_436] : memref<64x128xf32, #tpu.memory_space<vmem>>[vector<16xi32>, vector<16xi32>], vector<16xf32>,
      %swap3A_438 = arith.index_cast %and3A_427 : i32 to index
      %swap3A_439 = arith.constant 16 : index
      %swap3A_440 = tpu.vector_load %arg13[%swap3A_438, %swap3A_439] {strides = array<i32>} : memref<64x128xf32, #tpu.memory_space<vmem>>, vector<16xf32>,
      tpu.vector_store %arg13[%swap3A_438, %swap3A_439], %gather3A_437 {strides = array<i32>} : memref<64x128xf32, #tpu.memory_space<vmem>>, vector<16xf32>,
      %add3A_441 = arith.constant 2 : i32
      %add3A_442 = arith.addi %mul3A_424, %add3A_441 : i32
      %broadcast_in_dim3A_443 = vector.broadcast %add3A_442 : i32 to vector<16xi32>
      %gather3A_444 = tpu.vector_load_idx %arg11[%broadcast_in_dim3A_425, %broadcast_in_dim3A_443] : memref<64x128xf32, #tpu.memory_space<vmem>>[vector<16xi32>, vector<16xi32>], vector<16xf32>,
      %swap3A_445 = arith.index_cast %and3A_427 : i32 to index
      %swap3A_446 = arith.constant 32 : index
      %swap3A_447 = tpu.vector_load %arg13[%swap3A_445, %swap3A_446] {strides = array<i32>} : memref<64x128xf32, #tpu.memory_space<vmem>>, vector<16xf32>,
      tpu.vector_store %arg13[%swap3A_445, %swap3A_446], %gather3A_444 {strides = array<i32>} : memref<64x128xf32, #tpu.memory_space<vmem>>, vector<16xf32>,
      %add3A_448 = arith.constant 3 : i32
      %add3A_449 = arith.addi %mul3A_424, %add3A_448 : i32
      %broadcast_in_dim3A_450 = vector.broadcast %add3A_449 : i32 to vector<16xi32>
      %gather3A_451 = tpu.vector_load_idx %arg11[%broadcast_in_dim3A_425, %broadcast_in_dim3A_450] : memref<64x128xf32, #tpu.memory_space<vmem>>[vector<16xi32>, vector<16xi32>], vector<16xf32>,
      %swap3A_452 = arith.index_cast %and3A_427 : i32 to index
      %swap3A_453 = arith.constant 48 : index
      %swap3A_454 = tpu.vector_load %arg13[%swap3A_452, %swap3A_453] {strides = array<i32>} : memref<64x128xf32, #tpu.memory_space<vmem>>, vector<16xf32>,
      tpu.vector_store %arg13[%swap3A_452, %swap3A_453], %gather3A_451 {strides = array<i32>} : memref<64x128xf32, #tpu.memory_space<vmem>>, vector<16xf32>,
      %add3A_455 = arith.constant 4 : i32
      %add3A_456 = arith.addi %mul3A_424, %add3A_455 : i32
      %broadcast_in_dim3A_457 = vector.broadcast %add3A_456 : i32 to vector<16xi32>
      %gather3A_458 = tpu.vector_load_idx %arg11[%broadcast_in_dim3A_425, %broadcast_in_dim3A_457] : memref<64x128xf32, #tpu.memory_space<vmem>>[vector<16xi32>, vector<16xi32>], vector<16xf32>,
      %swap3A_459 = arith.index_cast %and3A_427 : i32 to index
      %swap3A_460 = arith.constant 64 : index
      %swap3A_461 = tpu.vector_load %arg13[%swap3A_459, %swap3A_460] {strides = array<i32>} : memref<64x128xf32, #tpu.memory_space<vmem>>, vector<16xf32>,
      tpu.vector_store %arg13[%swap3A_459, %swap3A_460], %gather3A_458 {strides = array<i32>} : memref<64x128xf32, #tpu.memory_space<vmem>>, vector<16xf32>,
      %add3A_462 = arith.constant 5 : i32
      %add3A_463 = arith.addi %mul3A_424, %add3A_462 : i32
      %broadcast_in_dim3A_464 = vector.broadcast %add3A_463 : i32 to vector<16xi32>
      %gather3A_465 = tpu.vector_load_idx %arg11[%broadcast_in_dim3A_425, %broadcast_in_dim3A_464] : memref<64x128xf32, #tpu.memory_space<vmem>>[vector<16xi32>, vector<16xi32>], vector<16xf32>,
      %swap3A_466 = arith.index_cast %and3A_427 : i32 to index
      %swap3A_467 = arith.constant 80 : index
      %swap3A_468 = tpu.vector_load %arg13[%swap3A_466, %swap3A_467] {strides = array<i32>} : memref<64x128xf32, #tpu.memory_space<vmem>>, vector<16xf32>,
      tpu.vector_store %arg13[%swap3A_466, %swap3A_467], %gather3A_465 {strides = array<i32>} : memref<64x128xf32, #tpu.memory_space<vmem>>, vector<16xf32>,
      %add3A_469 = arith.constant 6 : i32
      %add3A_470 = arith.addi %mul3A_424, %add3A_469 : i32
      %broadcast_in_dim3A_471 = vector.broadcast %add3A_470 : i32 to vector<16xi32>
      %gather3A_472 = tpu.vector_load_idx %arg11[%broadcast_in_dim3A_425, %broadcast_in_dim3A_471] : memref<64x128xf32, #tpu.memory_space<vmem>>[vector<16xi32>, vector<16xi32>], vector<16xf32>,
      %swap3A_473 = arith.index_cast %and3A_427 : i32 to index
      %swap3A_474 = arith.constant 96 : index
      %swap3A_475 = tpu.vector_load %arg13[%swap3A_473, %swap3A_474] {strides = array<i32>} : memref<64x128xf32, #tpu.memory_space<vmem>>, vector<16xf32>,
      tpu.vector_store %arg13[%swap3A_473, %swap3A_474], %gather3A_472 {strides = array<i32>} : memref<64x128xf32, #tpu.memory_space<vmem>>, vector<16xf32>,
      %add3A_476 = arith.constant 7 : i32
      %add3A_477 = arith.addi %mul3A_424, %add3A_476 : i32
      %broadcast_in_dim3A_478 = vector.broadcast %add3A_477 : i32 to vector<16xi32>
      %gather3A_479 = tpu.vector_load_idx %arg11[%broadcast_in_dim3A_425, %broadcast_in_dim3A_478] : memref<64x128xf32, #tpu.memory_space<vmem>>[vector<16xi32>, vector<16xi32>], vector<16xf32>,
      %swap3A_480 = arith.index_cast %and3A_427 : i32 to index
      %swap3A_481 = arith.constant 112 : index
      %swap3A_482 = tpu.vector_load %arg13[%swap3A_480, %swap3A_481] {strides = array<i32>} : memref<64x128xf32, #tpu.memory_space<vmem>>, vector<16xf32>,
      tpu.vector_store %arg13[%swap3A_480, %swap3A_481], %gather3A_479 {strides = array<i32>} : memref<64x128xf32, #tpu.memory_space<vmem>>, vector<16xf32>,
    }
    %scan3A_375 = arith.constant 16 : i32
    %mul3A_376 = arith.constant 336 : i32
    %mul3A_377 = arith.muli %arg1, %mul3A_376 : i32
    %add3A_378 = arith.constant 256 : i32
    %add3A_379 = arith.addi %mul3A_377, %add3A_378 : i32
    "tpu.region"() ({
      %run_scoped3A = tpu.sem_alloc : memref<!tpu.dma_semaphore, #tpu.memory_space<semaphore_mem>>
      %dma_start3A = arith.constant 0 : i32
      %dma_start3A_420 = arith.constant 0 : i32
      %dma_start3A_421 = tpu.memref_slice %arg13[%dma_start3A, %dma_start3A_420] : memref<64x128xf32, #tpu.memory_space<vmem>> -> memref<16x128xf32, #tpu.memory_space<vmem>>
      %dma_start3A_422 = arith.constant 0 : i32
      %dma_start3A_423 = tpu.memref_slice %arg7[%arg0, %add3A_379, %dma_start3A_422] : memref<2x5376x128xf32, #tpu.memory_space<hbm>> -> memref<1x16x128xf32, #tpu.memory_space<hbm>>
      %dma_start3A_424 = tpu.memref_squeeze %dma_start3A_423 : memref<1x16x128xf32, #tpu.memory_space<hbm>> -> memref<16x128xf32, #tpu.memory_space<hbm>>
      %dma_start3A_425 = arith.constant 0 : i32
      %dma_start3A_426 = tpu.memref_slice %arg7[%arg0, %add3A_379, %dma_start3A_425] : memref<2x5376x128xf32, #tpu.memory_space<hbm>> -> memref<1x16x128xf32, #tpu.memory_space<hbm>>
      %dma_start3A_427 = tpu.memref_squeeze %dma_start3A_426 : memref<1x16x128xf32, #tpu.memory_space<hbm>> -> memref<16x128xf32, #tpu.memory_space<hbm>>
      %dma_start3A_428 = arith.constant 0 : i32
      %dma_start3A_429 = arith.constant 0 : i32
      %dma_start3A_430 = tpu.memref_slice %arg13[%dma_start3A_428, %dma_start3A_429] : memref<64x128xf32, #tpu.memory_space<vmem>> -> memref<16x128xf32, #tpu.memory_space<vmem>>
      tpu.enqueue_dma source(%dma_start3A_430 : memref<16x128xf32, #tpu.memory_space<vmem>>) target(%dma_start3A_427 : memref<16x128xf32, #tpu.memory_space<hbm>>) target_semaphore(%run_scoped3A : memref<!tpu.dma_semaphore, #tpu.memory_space<semaphore_mem>>)
      %dma_wait3A = arith.constant 0 : i32
      %dma_wait3A_431 = arith.constant 0 : i32
      %dma_wait3A_432 = tpu.memref_slice %arg13[%dma_wait3A, %dma_wait3A_431] : memref<64x128xf32, #tpu.memory_space<vmem>> -> memref<16x128xf32, #tpu.memory_space<vmem>>
      %dma_wait3A_433 = arith.constant 0 : i32
      %dma_wait3A_434 = tpu.memref_slice %arg7[%arg0, %add3A_379, %dma_wait3A_433] : memref<2x5376x128xf32, #tpu.memory_space<hbm>> -> memref<1x16x128xf32, #tpu.memory_space<hbm>>
      %dma_wait3A_435 = tpu.memref_squeeze %dma_wait3A_434 : memref<1x16x128xf32, #tpu.memory_space<hbm>> -> memref<16x128xf32, #tpu.memory_space<hbm>>
      %dma_wait3A_436 = arith.constant 0 : i32
      %dma_wait3A_437 = tpu.memref_slice %arg7[%arg0, %add3A_379, %dma_wait3A_436] : memref<2x5376x128xf32, #tpu.memory_space<hbm>> -> memref<1x16x128xf32, #tpu.memory_space<hbm>>
      %dma_wait3A_438 = tpu.memref_squeeze %dma_wait3A_437 : memref<1x16x128xf32, #tpu.memory_space<hbm>> -> memref<16x128xf32, #tpu.memory_space<hbm>>
      %dma_wait3A_439 = arith.constant 0 : i32
      %dma_wait3A_440 = arith.constant 0 : i32
      %dma_wait3A_441 = tpu.memref_slice %arg13[%dma_wait3A_439, %dma_wait3A_440] : memref<64x128xf32, #tpu.memory_space<vmem>> -> memref<16x128xf32, #tpu.memory_space<vmem>>
      tpu.wait_dma2 semaphore(%run_scoped3A : memref<!tpu.dma_semaphore, #tpu.memory_space<semaphore_mem>>) src(%dma_wait3A_441 : memref<16x128xf32, #tpu.memory_space<vmem>>) dst(%dma_wait3A_438 : memref<16x128xf32, #tpu.memory_space<hbm>>)
      tpu.yield
    }) : () -> ()
    %scan3A_380 = arith.constant 0 : i32
    %scan3A_381 = arith.constant 272 : i32
    %scan3A_382 = arith.constant 16 : i32
    %scan3A_383 = arith.addi %scan3A_381, %scan3A_382 : i32
    %scan3A_384 = arith.constant 1 : i32
    scf.for %scan3A_420 = %scan3A_381 to %scan3A_383 step %scan3A_384  : i32 {
      %shift_right_logical3A = arith.constant 4 : i32
      %shift_right_logical3A_421 = arith.shrui %scan3A_420, %shift_right_logical3A : i32
      %and3A = arith.constant 15 : i32
      %and3A_422 = arith.andi %scan3A_420, %and3A : i32
      %mul3A_423 = arith.constant 8 : i32
      %mul3A_424 = arith.muli %and3A_422, %mul3A_423 : i32
      %broadcast_in_dim3A_425 = vector.broadcast %shift_right_logical3A_421 : i32 to vector<16xi32>
      %and3A_426 = arith.constant 15 : i32
      %and3A_427 = arith.andi %scan3A_420, %and3A_426 : i32
      %add3A_428 = arith.constant 0 : i32
      %add3A_429 = arith.addi %mul3A_424, %add3A_428 : i32
      %broadcast_in_dim3A_430 = vector.broadcast %add3A_429 : i32 to vector<16xi32>
      %gather3A = tpu.vector_load_idx %arg11[%broadcast_in_dim3A_425, %broadcast_in_dim3A_430] : memref<64x128xf32, #tpu.memory_space<vmem>>[vector<16xi32>, vector<16xi32>], vector<16xf32>,
      %swap3A_431 = arith.index_cast %and3A_427 : i32 to index
      %swap3A_432 = arith.constant 0 : index
      %swap3A_433 = tpu.vector_load %arg13[%swap3A_431, %swap3A_432] {strides = array<i32>} : memref<64x128xf32, #tpu.memory_space<vmem>>, vector<16xf32>,
      tpu.vector_store %arg13[%swap3A_431, %swap3A_432], %gather3A {strides = array<i32>} : memref<64x128xf32, #tpu.memory_space<vmem>>, vector<16xf32>,
      %add3A_434 = arith.constant 1 : i32
      %add3A_435 = arith.addi %mul3A_424, %add3A_434 : i32
      %broadcast_in_dim3A_436 = vector.broadcast %add3A_435 : i32 to vector<16xi32>
      %gather3A_437 = tpu.vector_load_idx %arg11[%broadcast_in_dim3A_425, %broadcast_in_dim3A_436] : memref<64x128xf32, #tpu.memory_space<vmem>>[vector<16xi32>, vector<16xi32>], vector<16xf32>,
      %swap3A_438 = arith.index_cast %and3A_427 : i32 to index
      %swap3A_439 = arith.constant 16 : index
      %swap3A_440 = tpu.vector_load %arg13[%swap3A_438, %swap3A_439] {strides = array<i32>} : memref<64x128xf32, #tpu.memory_space<vmem>>, vector<16xf32>,
      tpu.vector_store %arg13[%swap3A_438, %swap3A_439], %gather3A_437 {strides = array<i32>} : memref<64x128xf32, #tpu.memory_space<vmem>>, vector<16xf32>,
      %add3A_441 = arith.constant 2 : i32
      %add3A_442 = arith.addi %mul3A_424, %add3A_441 : i32
      %broadcast_in_dim3A_443 = vector.broadcast %add3A_442 : i32 to vector<16xi32>
      %gather3A_444 = tpu.vector_load_idx %arg11[%broadcast_in_dim3A_425, %broadcast_in_dim3A_443] : memref<64x128xf32, #tpu.memory_space<vmem>>[vector<16xi32>, vector<16xi32>], vector<16xf32>,
      %swap3A_445 = arith.index_cast %and3A_427 : i32 to index
      %swap3A_446 = arith.constant 32 : index
      %swap3A_447 = tpu.vector_load %arg13[%swap3A_445, %swap3A_446] {strides = array<i32>} : memref<64x128xf32, #tpu.memory_space<vmem>>, vector<16xf32>,
      tpu.vector_store %arg13[%swap3A_445, %swap3A_446], %gather3A_444 {strides = array<i32>} : memref<64x128xf32, #tpu.memory_space<vmem>>, vector<16xf32>,
      %add3A_448 = arith.constant 3 : i32
      %add3A_449 = arith.addi %mul3A_424, %add3A_448 : i32
      %broadcast_in_dim3A_450 = vector.broadcast %add3A_449 : i32 to vector<16xi32>
      %gather3A_451 = tpu.vector_load_idx %arg11[%broadcast_in_dim3A_425, %broadcast_in_dim3A_450] : memref<64x128xf32, #tpu.memory_space<vmem>>[vector<16xi32>, vector<16xi32>], vector<16xf32>,
      %swap3A_452 = arith.index_cast %and3A_427 : i32 to index
      %swap3A_453 = arith.constant 48 : index
      %swap3A_454 = tpu.vector_load %arg13[%swap3A_452, %swap3A_453] {strides = array<i32>} : memref<64x128xf32, #tpu.memory_space<vmem>>, vector<16xf32>,
      tpu.vector_store %arg13[%swap3A_452, %swap3A_453], %gather3A_451 {strides = array<i32>} : memref<64x128xf32, #tpu.memory_space<vmem>>, vector<16xf32>,
      %add3A_455 = arith.constant 4 : i32
      %add3A_456 = arith.addi %mul3A_424, %add3A_455 : i32
      %broadcast_in_dim3A_457 = vector.broadcast %add3A_456 : i32 to vector<16xi32>
      %gather3A_458 = tpu.vector_load_idx %arg11[%broadcast_in_dim3A_425, %broadcast_in_dim3A_457] : memref<64x128xf32, #tpu.memory_space<vmem>>[vector<16xi32>, vector<16xi32>], vector<16xf32>,
      %swap3A_459 = arith.index_cast %and3A_427 : i32 to index
      %swap3A_460 = arith.constant 64 : index
      %swap3A_461 = tpu.vector_load %arg13[%swap3A_459, %swap3A_460] {strides = array<i32>} : memref<64x128xf32, #tpu.memory_space<vmem>>, vector<16xf32>,
      tpu.vector_store %arg13[%swap3A_459, %swap3A_460], %gather3A_458 {strides = array<i32>} : memref<64x128xf32, #tpu.memory_space<vmem>>, vector<16xf32>,
      %add3A_462 = arith.constant 5 : i32
      %add3A_463 = arith.addi %mul3A_424, %add3A_462 : i32
      %broadcast_in_dim3A_464 = vector.broadcast %add3A_463 : i32 to vector<16xi32>
      %gather3A_465 = tpu.vector_load_idx %arg11[%broadcast_in_dim3A_425, %broadcast_in_dim3A_464] : memref<64x128xf32, #tpu.memory_space<vmem>>[vector<16xi32>, vector<16xi32>], vector<16xf32>,
      %swap3A_466 = arith.index_cast %and3A_427 : i32 to index
      %swap3A_467 = arith.constant 80 : index
      %swap3A_468 = tpu.vector_load %arg13[%swap3A_466, %swap3A_467] {strides = array<i32>} : memref<64x128xf32, #tpu.memory_space<vmem>>, vector<16xf32>,
      tpu.vector_store %arg13[%swap3A_466, %swap3A_467], %gather3A_465 {strides = array<i32>} : memref<64x128xf32, #tpu.memory_space<vmem>>, vector<16xf32>,
      %add3A_469 = arith.constant 6 : i32
      %add3A_470 = arith.addi %mul3A_424, %add3A_469 : i32
      %broadcast_in_dim3A_471 = vector.broadcast %add3A_470 : i32 to vector<16xi32>
      %gather3A_472 = tpu.vector_load_idx %arg11[%broadcast_in_dim3A_425, %broadcast_in_dim3A_471] : memref<64x128xf32, #tpu.memory_space<vmem>>[vector<16xi32>, vector<16xi32>], vector<16xf32>,
      %swap3A_473 = arith.index_cast %and3A_427 : i32 to index
      %swap3A_474 = arith.constant 96 : index
      %swap3A_475 = tpu.vector_load %arg13[%swap3A_473, %swap3A_474] {strides = array<i32>} : memref<64x128xf32, #tpu.memory_space<vmem>>, vector<16xf32>,
      tpu.vector_store %arg13[%swap3A_473, %swap3A_474], %gather3A_472 {strides = array<i32>} : memref<64x128xf32, #tpu.memory_space<vmem>>, vector<16xf32>,
      %add3A_476 = arith.constant 7 : i32
      %add3A_477 = arith.addi %mul3A_424, %add3A_476 : i32
      %broadcast_in_dim3A_478 = vector.broadcast %add3A_477 : i32 to vector<16xi32>
      %gather3A_479 = tpu.vector_load_idx %arg11[%broadcast_in_dim3A_425, %broadcast_in_dim3A_478] : memref<64x128xf32, #tpu.memory_space<vmem>>[vector<16xi32>, vector<16xi32>], vector<16xf32>,
      %swap3A_480 = arith.index_cast %and3A_427 : i32 to index
      %swap3A_481 = arith.constant 112 : index
      %swap3A_482 = tpu.vector_load %arg13[%swap3A_480, %swap3A_481] {strides = array<i32>} : memref<64x128xf32, #tpu.memory_space<vmem>>, vector<16xf32>,
      tpu.vector_store %arg13[%swap3A_480, %swap3A_481], %gather3A_479 {strides = array<i32>} : memref<64x128xf32, #tpu.memory_space<vmem>>, vector<16xf32>,
    }
    %scan3A_385 = arith.constant 16 : i32
    %mul3A_386 = arith.constant 336 : i32
    %mul3A_387 = arith.muli %arg1, %mul3A_386 : i32
    %add3A_388 = arith.constant 272 : i32
    %add3A_389 = arith.addi %mul3A_387, %add3A_388 : i32
    "tpu.region"() ({
      %run_scoped3A = tpu.sem_alloc : memref<!tpu.dma_semaphore, #tpu.memory_space<semaphore_mem>>
      %dma_start3A = arith.constant 0 : i32
      %dma_start3A_420 = arith.constant 0 : i32
      %dma_start3A_421 = tpu.memref_slice %arg13[%dma_start3A, %dma_start3A_420] : memref<64x128xf32, #tpu.memory_space<vmem>> -> memref<16x128xf32, #tpu.memory_space<vmem>>
      %dma_start3A_422 = arith.constant 0 : i32
      %dma_start3A_423 = tpu.memref_slice %arg7[%arg0, %add3A_389, %dma_start3A_422] : memref<2x5376x128xf32, #tpu.memory_space<hbm>> -> memref<1x16x128xf32, #tpu.memory_space<hbm>>
      %dma_start3A_424 = tpu.memref_squeeze %dma_start3A_423 : memref<1x16x128xf32, #tpu.memory_space<hbm>> -> memref<16x128xf32, #tpu.memory_space<hbm>>
      %dma_start3A_425 = arith.constant 0 : i32
      %dma_start3A_426 = tpu.memref_slice %arg7[%arg0, %add3A_389, %dma_start3A_425] : memref<2x5376x128xf32, #tpu.memory_space<hbm>> -> memref<1x16x128xf32, #tpu.memory_space<hbm>>
      %dma_start3A_427 = tpu.memref_squeeze %dma_start3A_426 : memref<1x16x128xf32, #tpu.memory_space<hbm>> -> memref<16x128xf32, #tpu.memory_space<hbm>>
      %dma_start3A_428 = arith.constant 0 : i32
      %dma_start3A_429 = arith.constant 0 : i32
      %dma_start3A_430 = tpu.memref_slice %arg13[%dma_start3A_428, %dma_start3A_429] : memref<64x128xf32, #tpu.memory_space<vmem>> -> memref<16x128xf32, #tpu.memory_space<vmem>>
      tpu.enqueue_dma source(%dma_start3A_430 : memref<16x128xf32, #tpu.memory_space<vmem>>) target(%dma_start3A_427 : memref<16x128xf32, #tpu.memory_space<hbm>>) target_semaphore(%run_scoped3A : memref<!tpu.dma_semaphore, #tpu.memory_space<semaphore_mem>>)
      %dma_wait3A = arith.constant 0 : i32
      %dma_wait3A_431 = arith.constant 0 : i32
      %dma_wait3A_432 = tpu.memref_slice %arg13[%dma_wait3A, %dma_wait3A_431] : memref<64x128xf32, #tpu.memory_space<vmem>> -> memref<16x128xf32, #tpu.memory_space<vmem>>
      %dma_wait3A_433 = arith.constant 0 : i32
      %dma_wait3A_434 = tpu.memref_slice %arg7[%arg0, %add3A_389, %dma_wait3A_433] : memref<2x5376x128xf32, #tpu.memory_space<hbm>> -> memref<1x16x128xf32, #tpu.memory_space<hbm>>
      %dma_wait3A_435 = tpu.memref_squeeze %dma_wait3A_434 : memref<1x16x128xf32, #tpu.memory_space<hbm>> -> memref<16x128xf32, #tpu.memory_space<hbm>>
      %dma_wait3A_436 = arith.constant 0 : i32
      %dma_wait3A_437 = tpu.memref_slice %arg7[%arg0, %add3A_389, %dma_wait3A_436] : memref<2x5376x128xf32, #tpu.memory_space<hbm>> -> memref<1x16x128xf32, #tpu.memory_space<hbm>>
      %dma_wait3A_438 = tpu.memref_squeeze %dma_wait3A_437 : memref<1x16x128xf32, #tpu.memory_space<hbm>> -> memref<16x128xf32, #tpu.memory_space<hbm>>
      %dma_wait3A_439 = arith.constant 0 : i32
      %dma_wait3A_440 = arith.constant 0 : i32
      %dma_wait3A_441 = tpu.memref_slice %arg13[%dma_wait3A_439, %dma_wait3A_440] : memref<64x128xf32, #tpu.memory_space<vmem>> -> memref<16x128xf32, #tpu.memory_space<vmem>>
      tpu.wait_dma2 semaphore(%run_scoped3A : memref<!tpu.dma_semaphore, #tpu.memory_space<semaphore_mem>>) src(%dma_wait3A_441 : memref<16x128xf32, #tpu.memory_space<vmem>>) dst(%dma_wait3A_438 : memref<16x128xf32, #tpu.memory_space<hbm>>)
      tpu.yield
    }) : () -> ()
    %scan3A_390 = arith.constant 0 : i32
    %scan3A_391 = arith.constant 288 : i32
    %scan3A_392 = arith.constant 16 : i32
    %scan3A_393 = arith.addi %scan3A_391, %scan3A_392 : i32
    %scan3A_394 = arith.constant 1 : i32
    scf.for %scan3A_420 = %scan3A_391 to %scan3A_393 step %scan3A_394  : i32 {
      %shift_right_logical3A = arith.constant 4 : i32
      %shift_right_logical3A_421 = arith.shrui %scan3A_420, %shift_right_logical3A : i32
      %and3A = arith.constant 15 : i32
      %and3A_422 = arith.andi %scan3A_420, %and3A : i32
      %mul3A_423 = arith.constant 8 : i32
      %mul3A_424 = arith.muli %and3A_422, %mul3A_423 : i32
      %broadcast_in_dim3A_425 = vector.broadcast %shift_right_logical3A_421 : i32 to vector<16xi32>
      %and3A_426 = arith.constant 15 : i32
      %and3A_427 = arith.andi %scan3A_420, %and3A_426 : i32
      %add3A_428 = arith.constant 0 : i32
      %add3A_429 = arith.addi %mul3A_424, %add3A_428 : i32
      %broadcast_in_dim3A_430 = vector.broadcast %add3A_429 : i32 to vector<16xi32>
      %gather3A = tpu.vector_load_idx %arg11[%broadcast_in_dim3A_425, %broadcast_in_dim3A_430] : memref<64x128xf32, #tpu.memory_space<vmem>>[vector<16xi32>, vector<16xi32>], vector<16xf32>,
      %swap3A_431 = arith.index_cast %and3A_427 : i32 to index
      %swap3A_432 = arith.constant 0 : index
      %swap3A_433 = tpu.vector_load %arg13[%swap3A_431, %swap3A_432] {strides = array<i32>} : memref<64x128xf32, #tpu.memory_space<vmem>>, vector<16xf32>,
      tpu.vector_store %arg13[%swap3A_431, %swap3A_432], %gather3A {strides = array<i32>} : memref<64x128xf32, #tpu.memory_space<vmem>>, vector<16xf32>,
      %add3A_434 = arith.constant 1 : i32
      %add3A_435 = arith.addi %mul3A_424, %add3A_434 : i32
      %broadcast_in_dim3A_436 = vector.broadcast %add3A_435 : i32 to vector<16xi32>
      %gather3A_437 = tpu.vector_load_idx %arg11[%broadcast_in_dim3A_425, %broadcast_in_dim3A_436] : memref<64x128xf32, #tpu.memory_space<vmem>>[vector<16xi32>, vector<16xi32>], vector<16xf32>,
      %swap3A_438 = arith.index_cast %and3A_427 : i32 to index
      %swap3A_439 = arith.constant 16 : index
      %swap3A_440 = tpu.vector_load %arg13[%swap3A_438, %swap3A_439] {strides = array<i32>} : memref<64x128xf32, #tpu.memory_space<vmem>>, vector<16xf32>,
      tpu.vector_store %arg13[%swap3A_438, %swap3A_439], %gather3A_437 {strides = array<i32>} : memref<64x128xf32, #tpu.memory_space<vmem>>, vector<16xf32>,
      %add3A_441 = arith.constant 2 : i32
      %add3A_442 = arith.addi %mul3A_424, %add3A_441 : i32
      %broadcast_in_dim3A_443 = vector.broadcast %add3A_442 : i32 to vector<16xi32>
      %gather3A_444 = tpu.vector_load_idx %arg11[%broadcast_in_dim3A_425, %broadcast_in_dim3A_443] : memref<64x128xf32, #tpu.memory_space<vmem>>[vector<16xi32>, vector<16xi32>], vector<16xf32>,
      %swap3A_445 = arith.index_cast %and3A_427 : i32 to index
      %swap3A_446 = arith.constant 32 : index
      %swap3A_447 = tpu.vector_load %arg13[%swap3A_445, %swap3A_446] {strides = array<i32>} : memref<64x128xf32, #tpu.memory_space<vmem>>, vector<16xf32>,
      tpu.vector_store %arg13[%swap3A_445, %swap3A_446], %gather3A_444 {strides = array<i32>} : memref<64x128xf32, #tpu.memory_space<vmem>>, vector<16xf32>,
      %add3A_448 = arith.constant 3 : i32
      %add3A_449 = arith.addi %mul3A_424, %add3A_448 : i32
      %broadcast_in_dim3A_450 = vector.broadcast %add3A_449 : i32 to vector<16xi32>
      %gather3A_451 = tpu.vector_load_idx %arg11[%broadcast_in_dim3A_425, %broadcast_in_dim3A_450] : memref<64x128xf32, #tpu.memory_space<vmem>>[vector<16xi32>, vector<16xi32>], vector<16xf32>,
      %swap3A_452 = arith.index_cast %and3A_427 : i32 to index
      %swap3A_453 = arith.constant 48 : index
      %swap3A_454 = tpu.vector_load %arg13[%swap3A_452, %swap3A_453] {strides = array<i32>} : memref<64x128xf32, #tpu.memory_space<vmem>>, vector<16xf32>,
      tpu.vector_store %arg13[%swap3A_452, %swap3A_453], %gather3A_451 {strides = array<i32>} : memref<64x128xf32, #tpu.memory_space<vmem>>, vector<16xf32>,
      %add3A_455 = arith.constant 4 : i32
      %add3A_456 = arith.addi %mul3A_424, %add3A_455 : i32
      %broadcast_in_dim3A_457 = vector.broadcast %add3A_456 : i32 to vector<16xi32>
      %gather3A_458 = tpu.vector_load_idx %arg11[%broadcast_in_dim3A_425, %broadcast_in_dim3A_457] : memref<64x128xf32, #tpu.memory_space<vmem>>[vector<16xi32>, vector<16xi32>], vector<16xf32>,
      %swap3A_459 = arith.index_cast %and3A_427 : i32 to index
      %swap3A_460 = arith.constant 64 : index
      %swap3A_461 = tpu.vector_load %arg13[%swap3A_459, %swap3A_460] {strides = array<i32>} : memref<64x128xf32, #tpu.memory_space<vmem>>, vector<16xf32>,
      tpu.vector_store %arg13[%swap3A_459, %swap3A_460], %gather3A_458 {strides = array<i32>} : memref<64x128xf32, #tpu.memory_space<vmem>>, vector<16xf32>,
      %add3A_462 = arith.constant 5 : i32
      %add3A_463 = arith.addi %mul3A_424, %add3A_462 : i32
      %broadcast_in_dim3A_464 = vector.broadcast %add3A_463 : i32 to vector<16xi32>
      %gather3A_465 = tpu.vector_load_idx %arg11[%broadcast_in_dim3A_425, %broadcast_in_dim3A_464] : memref<64x128xf32, #tpu.memory_space<vmem>>[vector<16xi32>, vector<16xi32>], vector<16xf32>,
      %swap3A_466 = arith.index_cast %and3A_427 : i32 to index
      %swap3A_467 = arith.constant 80 : index
      %swap3A_468 = tpu.vector_load %arg13[%swap3A_466, %swap3A_467] {strides = array<i32>} : memref<64x128xf32, #tpu.memory_space<vmem>>, vector<16xf32>,
      tpu.vector_store %arg13[%swap3A_466, %swap3A_467], %gather3A_465 {strides = array<i32>} : memref<64x128xf32, #tpu.memory_space<vmem>>, vector<16xf32>,
      %add3A_469 = arith.constant 6 : i32
      %add3A_470 = arith.addi %mul3A_424, %add3A_469 : i32
      %broadcast_in_dim3A_471 = vector.broadcast %add3A_470 : i32 to vector<16xi32>
      %gather3A_472 = tpu.vector_load_idx %arg11[%broadcast_in_dim3A_425, %broadcast_in_dim3A_471] : memref<64x128xf32, #tpu.memory_space<vmem>>[vector<16xi32>, vector<16xi32>], vector<16xf32>,
      %swap3A_473 = arith.index_cast %and3A_427 : i32 to index
      %swap3A_474 = arith.constant 96 : index
      %swap3A_475 = tpu.vector_load %arg13[%swap3A_473, %swap3A_474] {strides = array<i32>} : memref<64x128xf32, #tpu.memory_space<vmem>>, vector<16xf32>,
      tpu.vector_store %arg13[%swap3A_473, %swap3A_474], %gather3A_472 {strides = array<i32>} : memref<64x128xf32, #tpu.memory_space<vmem>>, vector<16xf32>,
      %add3A_476 = arith.constant 7 : i32
      %add3A_477 = arith.addi %mul3A_424, %add3A_476 : i32
      %broadcast_in_dim3A_478 = vector.broadcast %add3A_477 : i32 to vector<16xi32>
      %gather3A_479 = tpu.vector_load_idx %arg11[%broadcast_in_dim3A_425, %broadcast_in_dim3A_478] : memref<64x128xf32, #tpu.memory_space<vmem>>[vector<16xi32>, vector<16xi32>], vector<16xf32>,
      %swap3A_480 = arith.index_cast %and3A_427 : i32 to index
      %swap3A_481 = arith.constant 112 : index
      %swap3A_482 = tpu.vector_load %arg13[%swap3A_480, %swap3A_481] {strides = array<i32>} : memref<64x128xf32, #tpu.memory_space<vmem>>, vector<16xf32>,
      tpu.vector_store %arg13[%swap3A_480, %swap3A_481], %gather3A_479 {strides = array<i32>} : memref<64x128xf32, #tpu.memory_space<vmem>>, vector<16xf32>,
    }
    %scan3A_395 = arith.constant 16 : i32
    %mul3A_396 = arith.constant 336 : i32
    %mul3A_397 = arith.muli %arg1, %mul3A_396 : i32
    %add3A_398 = arith.constant 288 : i32
    %add3A_399 = arith.addi %mul3A_397, %add3A_398 : i32
    "tpu.region"() ({
      %run_scoped3A = tpu.sem_alloc : memref<!tpu.dma_semaphore, #tpu.memory_space<semaphore_mem>>
      %dma_start3A = arith.constant 0 : i32
      %dma_start3A_420 = arith.constant 0 : i32
      %dma_start3A_421 = tpu.memref_slice %arg13[%dma_start3A, %dma_start3A_420] : memref<64x128xf32, #tpu.memory_space<vmem>> -> memref<16x128xf32, #tpu.memory_space<vmem>>
      %dma_start3A_422 = arith.constant 0 : i32
      %dma_start3A_423 = tpu.memref_slice %arg7[%arg0, %add3A_399, %dma_start3A_422] : memref<2x5376x128xf32, #tpu.memory_space<hbm>> -> memref<1x16x128xf32, #tpu.memory_space<hbm>>
      %dma_start3A_424 = tpu.memref_squeeze %dma_start3A_423 : memref<1x16x128xf32, #tpu.memory_space<hbm>> -> memref<16x128xf32, #tpu.memory_space<hbm>>
      %dma_start3A_425 = arith.constant 0 : i32
      %dma_start3A_426 = tpu.memref_slice %arg7[%arg0, %add3A_399, %dma_start3A_425] : memref<2x5376x128xf32, #tpu.memory_space<hbm>> -> memref<1x16x128xf32, #tpu.memory_space<hbm>>
      %dma_start3A_427 = tpu.memref_squeeze %dma_start3A_426 : memref<1x16x128xf32, #tpu.memory_space<hbm>> -> memref<16x128xf32, #tpu.memory_space<hbm>>
      %dma_start3A_428 = arith.constant 0 : i32
      %dma_start3A_429 = arith.constant 0 : i32
      %dma_start3A_430 = tpu.memref_slice %arg13[%dma_start3A_428, %dma_start3A_429] : memref<64x128xf32, #tpu.memory_space<vmem>> -> memref<16x128xf32, #tpu.memory_space<vmem>>
      tpu.enqueue_dma source(%dma_start3A_430 : memref<16x128xf32, #tpu.memory_space<vmem>>) target(%dma_start3A_427 : memref<16x128xf32, #tpu.memory_space<hbm>>) target_semaphore(%run_scoped3A : memref<!tpu.dma_semaphore, #tpu.memory_space<semaphore_mem>>)
      %dma_wait3A = arith.constant 0 : i32
      %dma_wait3A_431 = arith.constant 0 : i32
      %dma_wait3A_432 = tpu.memref_slice %arg13[%dma_wait3A, %dma_wait3A_431] : memref<64x128xf32, #tpu.memory_space<vmem>> -> memref<16x128xf32, #tpu.memory_space<vmem>>
      %dma_wait3A_433 = arith.constant 0 : i32
      %dma_wait3A_434 = tpu.memref_slice %arg7[%arg0, %add3A_399, %dma_wait3A_433] : memref<2x5376x128xf32, #tpu.memory_space<hbm>> -> memref<1x16x128xf32, #tpu.memory_space<hbm>>
      %dma_wait3A_435 = tpu.memref_squeeze %dma_wait3A_434 : memref<1x16x128xf32, #tpu.memory_space<hbm>> -> memref<16x128xf32, #tpu.memory_space<hbm>>
      %dma_wait3A_436 = arith.constant 0 : i32
      %dma_wait3A_437 = tpu.memref_slice %arg7[%arg0, %add3A_399, %dma_wait3A_436] : memref<2x5376x128xf32, #tpu.memory_space<hbm>> -> memref<1x16x128xf32, #tpu.memory_space<hbm>>
      %dma_wait3A_438 = tpu.memref_squeeze %dma_wait3A_437 : memref<1x16x128xf32, #tpu.memory_space<hbm>> -> memref<16x128xf32, #tpu.memory_space<hbm>>
      %dma_wait3A_439 = arith.constant 0 : i32
      %dma_wait3A_440 = arith.constant 0 : i32
      %dma_wait3A_441 = tpu.memref_slice %arg13[%dma_wait3A_439, %dma_wait3A_440] : memref<64x128xf32, #tpu.memory_space<vmem>> -> memref<16x128xf32, #tpu.memory_space<vmem>>
      tpu.wait_dma2 semaphore(%run_scoped3A : memref<!tpu.dma_semaphore, #tpu.memory_space<semaphore_mem>>) src(%dma_wait3A_441 : memref<16x128xf32, #tpu.memory_space<vmem>>) dst(%dma_wait3A_438 : memref<16x128xf32, #tpu.memory_space<hbm>>)
      tpu.yield
    }) : () -> ()
    %scan3A_400 = arith.constant 0 : i32
    %scan3A_401 = arith.constant 304 : i32
    %scan3A_402 = arith.constant 16 : i32
    %scan3A_403 = arith.addi %scan3A_401, %scan3A_402 : i32
    %scan3A_404 = arith.constant 1 : i32
    scf.for %scan3A_420 = %scan3A_401 to %scan3A_403 step %scan3A_404  : i32 {
      %shift_right_logical3A = arith.constant 4 : i32
      %shift_right_logical3A_421 = arith.shrui %scan3A_420, %shift_right_logical3A : i32
      %and3A = arith.constant 15 : i32
      %and3A_422 = arith.andi %scan3A_420, %and3A : i32
      %mul3A_423 = arith.constant 8 : i32
      %mul3A_424 = arith.muli %and3A_422, %mul3A_423 : i32
      %broadcast_in_dim3A_425 = vector.broadcast %shift_right_logical3A_421 : i32 to vector<16xi32>
      %and3A_426 = arith.constant 15 : i32
      %and3A_427 = arith.andi %scan3A_420, %and3A_426 : i32
      %add3A_428 = arith.constant 0 : i32
      %add3A_429 = arith.addi %mul3A_424, %add3A_428 : i32
      %broadcast_in_dim3A_430 = vector.broadcast %add3A_429 : i32 to vector<16xi32>
      %gather3A = tpu.vector_load_idx %arg11[%broadcast_in_dim3A_425, %broadcast_in_dim3A_430] : memref<64x128xf32, #tpu.memory_space<vmem>>[vector<16xi32>, vector<16xi32>], vector<16xf32>,
      %swap3A_431 = arith.index_cast %and3A_427 : i32 to index
      %swap3A_432 = arith.constant 0 : index
      %swap3A_433 = tpu.vector_load %arg13[%swap3A_431, %swap3A_432] {strides = array<i32>} : memref<64x128xf32, #tpu.memory_space<vmem>>, vector<16xf32>,
      tpu.vector_store %arg13[%swap3A_431, %swap3A_432], %gather3A {strides = array<i32>} : memref<64x128xf32, #tpu.memory_space<vmem>>, vector<16xf32>,
      %add3A_434 = arith.constant 1 : i32
      %add3A_435 = arith.addi %mul3A_424, %add3A_434 : i32
      %broadcast_in_dim3A_436 = vector.broadcast %add3A_435 : i32 to vector<16xi32>
      %gather3A_437 = tpu.vector_load_idx %arg11[%broadcast_in_dim3A_425, %broadcast_in_dim3A_436] : memref<64x128xf32, #tpu.memory_space<vmem>>[vector<16xi32>, vector<16xi32>], vector<16xf32>,
      %swap3A_438 = arith.index_cast %and3A_427 : i32 to index
      %swap3A_439 = arith.constant 16 : index
      %swap3A_440 = tpu.vector_load %arg13[%swap3A_438, %swap3A_439] {strides = array<i32>} : memref<64x128xf32, #tpu.memory_space<vmem>>, vector<16xf32>,
      tpu.vector_store %arg13[%swap3A_438, %swap3A_439], %gather3A_437 {strides = array<i32>} : memref<64x128xf32, #tpu.memory_space<vmem>>, vector<16xf32>,
      %add3A_441 = arith.constant 2 : i32
      %add3A_442 = arith.addi %mul3A_424, %add3A_441 : i32
      %broadcast_in_dim3A_443 = vector.broadcast %add3A_442 : i32 to vector<16xi32>
      %gather3A_444 = tpu.vector_load_idx %arg11[%broadcast_in_dim3A_425, %broadcast_in_dim3A_443] : memref<64x128xf32, #tpu.memory_space<vmem>>[vector<16xi32>, vector<16xi32>], vector<16xf32>,
      %swap3A_445 = arith.index_cast %and3A_427 : i32 to index
      %swap3A_446 = arith.constant 32 : index
      %swap3A_447 = tpu.vector_load %arg13[%swap3A_445, %swap3A_446] {strides = array<i32>} : memref<64x128xf32, #tpu.memory_space<vmem>>, vector<16xf32>,
      tpu.vector_store %arg13[%swap3A_445, %swap3A_446], %gather3A_444 {strides = array<i32>} : memref<64x128xf32, #tpu.memory_space<vmem>>, vector<16xf32>,
      %add3A_448 = arith.constant 3 : i32
      %add3A_449 = arith.addi %mul3A_424, %add3A_448 : i32
      %broadcast_in_dim3A_450 = vector.broadcast %add3A_449 : i32 to vector<16xi32>
      %gather3A_451 = tpu.vector_load_idx %arg11[%broadcast_in_dim3A_425, %broadcast_in_dim3A_450] : memref<64x128xf32, #tpu.memory_space<vmem>>[vector<16xi32>, vector<16xi32>], vector<16xf32>,
      %swap3A_452 = arith.index_cast %and3A_427 : i32 to index
      %swap3A_453 = arith.constant 48 : index
      %swap3A_454 = tpu.vector_load %arg13[%swap3A_452, %swap3A_453] {strides = array<i32>} : memref<64x128xf32, #tpu.memory_space<vmem>>, vector<16xf32>,
      tpu.vector_store %arg13[%swap3A_452, %swap3A_453], %gather3A_451 {strides = array<i32>} : memref<64x128xf32, #tpu.memory_space<vmem>>, vector<16xf32>,
      %add3A_455 = arith.constant 4 : i32
      %add3A_456 = arith.addi %mul3A_424, %add3A_455 : i32
      %broadcast_in_dim3A_457 = vector.broadcast %add3A_456 : i32 to vector<16xi32>
      %gather3A_458 = tpu.vector_load_idx %arg11[%broadcast_in_dim3A_425, %broadcast_in_dim3A_457] : memref<64x128xf32, #tpu.memory_space<vmem>>[vector<16xi32>, vector<16xi32>], vector<16xf32>,
      %swap3A_459 = arith.index_cast %and3A_427 : i32 to index
      %swap3A_460 = arith.constant 64 : index
      %swap3A_461 = tpu.vector_load %arg13[%swap3A_459, %swap3A_460] {strides = array<i32>} : memref<64x128xf32, #tpu.memory_space<vmem>>, vector<16xf32>,
      tpu.vector_store %arg13[%swap3A_459, %swap3A_460], %gather3A_458 {strides = array<i32>} : memref<64x128xf32, #tpu.memory_space<vmem>>, vector<16xf32>,
      %add3A_462 = arith.constant 5 : i32
      %add3A_463 = arith.addi %mul3A_424, %add3A_462 : i32
      %broadcast_in_dim3A_464 = vector.broadcast %add3A_463 : i32 to vector<16xi32>
      %gather3A_465 = tpu.vector_load_idx %arg11[%broadcast_in_dim3A_425, %broadcast_in_dim3A_464] : memref<64x128xf32, #tpu.memory_space<vmem>>[vector<16xi32>, vector<16xi32>], vector<16xf32>,
      %swap3A_466 = arith.index_cast %and3A_427 : i32 to index
      %swap3A_467 = arith.constant 80 : index
      %swap3A_468 = tpu.vector_load %arg13[%swap3A_466, %swap3A_467] {strides = array<i32>} : memref<64x128xf32, #tpu.memory_space<vmem>>, vector<16xf32>,
      tpu.vector_store %arg13[%swap3A_466, %swap3A_467], %gather3A_465 {strides = array<i32>} : memref<64x128xf32, #tpu.memory_space<vmem>>, vector<16xf32>,
      %add3A_469 = arith.constant 6 : i32
      %add3A_470 = arith.addi %mul3A_424, %add3A_469 : i32
      %broadcast_in_dim3A_471 = vector.broadcast %add3A_470 : i32 to vector<16xi32>
      %gather3A_472 = tpu.vector_load_idx %arg11[%broadcast_in_dim3A_425, %broadcast_in_dim3A_471] : memref<64x128xf32, #tpu.memory_space<vmem>>[vector<16xi32>, vector<16xi32>], vector<16xf32>,
      %swap3A_473 = arith.index_cast %and3A_427 : i32 to index
      %swap3A_474 = arith.constant 96 : index
      %swap3A_475 = tpu.vector_load %arg13[%swap3A_473, %swap3A_474] {strides = array<i32>} : memref<64x128xf32, #tpu.memory_space<vmem>>, vector<16xf32>,
      tpu.vector_store %arg13[%swap3A_473, %swap3A_474], %gather3A_472 {strides = array<i32>} : memref<64x128xf32, #tpu.memory_space<vmem>>, vector<16xf32>,
      %add3A_476 = arith.constant 7 : i32
      %add3A_477 = arith.addi %mul3A_424, %add3A_476 : i32
      %broadcast_in_dim3A_478 = vector.broadcast %add3A_477 : i32 to vector<16xi32>
      %gather3A_479 = tpu.vector_load_idx %arg11[%broadcast_in_dim3A_425, %broadcast_in_dim3A_478] : memref<64x128xf32, #tpu.memory_space<vmem>>[vector<16xi32>, vector<16xi32>], vector<16xf32>,
      %swap3A_480 = arith.index_cast %and3A_427 : i32 to index
      %swap3A_481 = arith.constant 112 : index
      %swap3A_482 = tpu.vector_load %arg13[%swap3A_480, %swap3A_481] {strides = array<i32>} : memref<64x128xf32, #tpu.memory_space<vmem>>, vector<16xf32>,
      tpu.vector_store %arg13[%swap3A_480, %swap3A_481], %gather3A_479 {strides = array<i32>} : memref<64x128xf32, #tpu.memory_space<vmem>>, vector<16xf32>,
    }
    %scan3A_405 = arith.constant 16 : i32
    %mul3A_406 = arith.constant 336 : i32
    %mul3A_407 = arith.muli %arg1, %mul3A_406 : i32
    %add3A_408 = arith.constant 304 : i32
    %add3A_409 = arith.addi %mul3A_407, %add3A_408 : i32
    "tpu.region"() ({
      %run_scoped3A = tpu.sem_alloc : memref<!tpu.dma_semaphore, #tpu.memory_space<semaphore_mem>>
      %dma_start3A = arith.constant 0 : i32
      %dma_start3A_420 = arith.constant 0 : i32
      %dma_start3A_421 = tpu.memref_slice %arg13[%dma_start3A, %dma_start3A_420] : memref<64x128xf32, #tpu.memory_space<vmem>> -> memref<16x128xf32, #tpu.memory_space<vmem>>
      %dma_start3A_422 = arith.constant 0 : i32
      %dma_start3A_423 = tpu.memref_slice %arg7[%arg0, %add3A_409, %dma_start3A_422] : memref<2x5376x128xf32, #tpu.memory_space<hbm>> -> memref<1x16x128xf32, #tpu.memory_space<hbm>>
      %dma_start3A_424 = tpu.memref_squeeze %dma_start3A_423 : memref<1x16x128xf32, #tpu.memory_space<hbm>> -> memref<16x128xf32, #tpu.memory_space<hbm>>
      %dma_start3A_425 = arith.constant 0 : i32
      %dma_start3A_426 = tpu.memref_slice %arg7[%arg0, %add3A_409, %dma_start3A_425] : memref<2x5376x128xf32, #tpu.memory_space<hbm>> -> memref<1x16x128xf32, #tpu.memory_space<hbm>>
      %dma_start3A_427 = tpu.memref_squeeze %dma_start3A_426 : memref<1x16x128xf32, #tpu.memory_space<hbm>> -> memref<16x128xf32, #tpu.memory_space<hbm>>
      %dma_start3A_428 = arith.constant 0 : i32
      %dma_start3A_429 = arith.constant 0 : i32
      %dma_start3A_430 = tpu.memref_slice %arg13[%dma_start3A_428, %dma_start3A_429] : memref<64x128xf32, #tpu.memory_space<vmem>> -> memref<16x128xf32, #tpu.memory_space<vmem>>
      tpu.enqueue_dma source(%dma_start3A_430 : memref<16x128xf32, #tpu.memory_space<vmem>>) target(%dma_start3A_427 : memref<16x128xf32, #tpu.memory_space<hbm>>) target_semaphore(%run_scoped3A : memref<!tpu.dma_semaphore, #tpu.memory_space<semaphore_mem>>)
      %dma_wait3A = arith.constant 0 : i32
      %dma_wait3A_431 = arith.constant 0 : i32
      %dma_wait3A_432 = tpu.memref_slice %arg13[%dma_wait3A, %dma_wait3A_431] : memref<64x128xf32, #tpu.memory_space<vmem>> -> memref<16x128xf32, #tpu.memory_space<vmem>>
      %dma_wait3A_433 = arith.constant 0 : i32
      %dma_wait3A_434 = tpu.memref_slice %arg7[%arg0, %add3A_409, %dma_wait3A_433] : memref<2x5376x128xf32, #tpu.memory_space<hbm>> -> memref<1x16x128xf32, #tpu.memory_space<hbm>>
      %dma_wait3A_435 = tpu.memref_squeeze %dma_wait3A_434 : memref<1x16x128xf32, #tpu.memory_space<hbm>> -> memref<16x128xf32, #tpu.memory_space<hbm>>
      %dma_wait3A_436 = arith.constant 0 : i32
      %dma_wait3A_437 = tpu.memref_slice %arg7[%arg0, %add3A_409, %dma_wait3A_436] : memref<2x5376x128xf32, #tpu.memory_space<hbm>> -> memref<1x16x128xf32, #tpu.memory_space<hbm>>
      %dma_wait3A_438 = tpu.memref_squeeze %dma_wait3A_437 : memref<1x16x128xf32, #tpu.memory_space<hbm>> -> memref<16x128xf32, #tpu.memory_space<hbm>>
      %dma_wait3A_439 = arith.constant 0 : i32
      %dma_wait3A_440 = arith.constant 0 : i32
      %dma_wait3A_441 = tpu.memref_slice %arg13[%dma_wait3A_439, %dma_wait3A_440] : memref<64x128xf32, #tpu.memory_space<vmem>> -> memref<16x128xf32, #tpu.memory_space<vmem>>
      tpu.wait_dma2 semaphore(%run_scoped3A : memref<!tpu.dma_semaphore, #tpu.memory_space<semaphore_mem>>) src(%dma_wait3A_441 : memref<16x128xf32, #tpu.memory_space<vmem>>) dst(%dma_wait3A_438 : memref<16x128xf32, #tpu.memory_space<hbm>>)
      tpu.yield
    }) : () -> ()
    %scan3A_410 = arith.constant 0 : i32
    %scan3A_411 = arith.constant 320 : i32
    %scan3A_412 = arith.constant 16 : i32
    %scan3A_413 = arith.addi %scan3A_411, %scan3A_412 : i32
    %scan3A_414 = arith.constant 1 : i32
    scf.for %scan3A_420 = %scan3A_411 to %scan3A_413 step %scan3A_414  : i32 {
      %shift_right_logical3A = arith.constant 4 : i32
      %shift_right_logical3A_421 = arith.shrui %scan3A_420, %shift_right_logical3A : i32
      %and3A = arith.constant 15 : i32
      %and3A_422 = arith.andi %scan3A_420, %and3A : i32
      %mul3A_423 = arith.constant 8 : i32
      %mul3A_424 = arith.muli %and3A_422, %mul3A_423 : i32
      %broadcast_in_dim3A_425 = vector.broadcast %shift_right_logical3A_421 : i32 to vector<16xi32>
      %and3A_426 = arith.constant 15 : i32
      %and3A_427 = arith.andi %scan3A_420, %and3A_426 : i32
      %add3A_428 = arith.constant 0 : i32
      %add3A_429 = arith.addi %mul3A_424, %add3A_428 : i32
      %broadcast_in_dim3A_430 = vector.broadcast %add3A_429 : i32 to vector<16xi32>
      %gather3A = tpu.vector_load_idx %arg11[%broadcast_in_dim3A_425, %broadcast_in_dim3A_430] : memref<64x128xf32, #tpu.memory_space<vmem>>[vector<16xi32>, vector<16xi32>], vector<16xf32>,
      %swap3A_431 = arith.index_cast %and3A_427 : i32 to index
      %swap3A_432 = arith.constant 0 : index
      %swap3A_433 = tpu.vector_load %arg13[%swap3A_431, %swap3A_432] {strides = array<i32>} : memref<64x128xf32, #tpu.memory_space<vmem>>, vector<16xf32>,
      tpu.vector_store %arg13[%swap3A_431, %swap3A_432], %gather3A {strides = array<i32>} : memref<64x128xf32, #tpu.memory_space<vmem>>, vector<16xf32>,
      %add3A_434 = arith.constant 1 : i32
      %add3A_435 = arith.addi %mul3A_424, %add3A_434 : i32
      %broadcast_in_dim3A_436 = vector.broadcast %add3A_435 : i32 to vector<16xi32>
      %gather3A_437 = tpu.vector_load_idx %arg11[%broadcast_in_dim3A_425, %broadcast_in_dim3A_436] : memref<64x128xf32, #tpu.memory_space<vmem>>[vector<16xi32>, vector<16xi32>], vector<16xf32>,
      %swap3A_438 = arith.index_cast %and3A_427 : i32 to index
      %swap3A_439 = arith.constant 16 : index
      %swap3A_440 = tpu.vector_load %arg13[%swap3A_438, %swap3A_439] {strides = array<i32>} : memref<64x128xf32, #tpu.memory_space<vmem>>, vector<16xf32>,
      tpu.vector_store %arg13[%swap3A_438, %swap3A_439], %gather3A_437 {strides = array<i32>} : memref<64x128xf32, #tpu.memory_space<vmem>>, vector<16xf32>,
      %add3A_441 = arith.constant 2 : i32
      %add3A_442 = arith.addi %mul3A_424, %add3A_441 : i32
      %broadcast_in_dim3A_443 = vector.broadcast %add3A_442 : i32 to vector<16xi32>
      %gather3A_444 = tpu.vector_load_idx %arg11[%broadcast_in_dim3A_425, %broadcast_in_dim3A_443] : memref<64x128xf32, #tpu.memory_space<vmem>>[vector<16xi32>, vector<16xi32>], vector<16xf32>,
      %swap3A_445 = arith.index_cast %and3A_427 : i32 to index
      %swap3A_446 = arith.constant 32 : index
      %swap3A_447 = tpu.vector_load %arg13[%swap3A_445, %swap3A_446] {strides = array<i32>} : memref<64x128xf32, #tpu.memory_space<vmem>>, vector<16xf32>,
      tpu.vector_store %arg13[%swap3A_445, %swap3A_446], %gather3A_444 {strides = array<i32>} : memref<64x128xf32, #tpu.memory_space<vmem>>, vector<16xf32>,
      %add3A_448 = arith.constant 3 : i32
      %add3A_449 = arith.addi %mul3A_424, %add3A_448 : i32
      %broadcast_in_dim3A_450 = vector.broadcast %add3A_449 : i32 to vector<16xi32>
      %gather3A_451 = tpu.vector_load_idx %arg11[%broadcast_in_dim3A_425, %broadcast_in_dim3A_450] : memref<64x128xf32, #tpu.memory_space<vmem>>[vector<16xi32>, vector<16xi32>], vector<16xf32>,
      %swap3A_452 = arith.index_cast %and3A_427 : i32 to index
      %swap3A_453 = arith.constant 48 : index
      %swap3A_454 = tpu.vector_load %arg13[%swap3A_452, %swap3A_453] {strides = array<i32>} : memref<64x128xf32, #tpu.memory_space<vmem>>, vector<16xf32>,
      tpu.vector_store %arg13[%swap3A_452, %swap3A_453], %gather3A_451 {strides = array<i32>} : memref<64x128xf32, #tpu.memory_space<vmem>>, vector<16xf32>,
      %add3A_455 = arith.constant 4 : i32
      %add3A_456 = arith.addi %mul3A_424, %add3A_455 : i32
      %broadcast_in_dim3A_457 = vector.broadcast %add3A_456 : i32 to vector<16xi32>
      %gather3A_458 = tpu.vector_load_idx %arg11[%broadcast_in_dim3A_425, %broadcast_in_dim3A_457] : memref<64x128xf32, #tpu.memory_space<vmem>>[vector<16xi32>, vector<16xi32>], vector<16xf32>,
      %swap3A_459 = arith.index_cast %and3A_427 : i32 to index
      %swap3A_460 = arith.constant 64 : index
      %swap3A_461 = tpu.vector_load %arg13[%swap3A_459, %swap3A_460] {strides = array<i32>} : memref<64x128xf32, #tpu.memory_space<vmem>>, vector<16xf32>,
      tpu.vector_store %arg13[%swap3A_459, %swap3A_460], %gather3A_458 {strides = array<i32>} : memref<64x128xf32, #tpu.memory_space<vmem>>, vector<16xf32>,
      %add3A_462 = arith.constant 5 : i32
      %add3A_463 = arith.addi %mul3A_424, %add3A_462 : i32
      %broadcast_in_dim3A_464 = vector.broadcast %add3A_463 : i32 to vector<16xi32>
      %gather3A_465 = tpu.vector_load_idx %arg11[%broadcast_in_dim3A_425, %broadcast_in_dim3A_464] : memref<64x128xf32, #tpu.memory_space<vmem>>[vector<16xi32>, vector<16xi32>], vector<16xf32>,
      %swap3A_466 = arith.index_cast %and3A_427 : i32 to index
      %swap3A_467 = arith.constant 80 : index
      %swap3A_468 = tpu.vector_load %arg13[%swap3A_466, %swap3A_467] {strides = array<i32>} : memref<64x128xf32, #tpu.memory_space<vmem>>, vector<16xf32>,
      tpu.vector_store %arg13[%swap3A_466, %swap3A_467], %gather3A_465 {strides = array<i32>} : memref<64x128xf32, #tpu.memory_space<vmem>>, vector<16xf32>,
      %add3A_469 = arith.constant 6 : i32
      %add3A_470 = arith.addi %mul3A_424, %add3A_469 : i32
      %broadcast_in_dim3A_471 = vector.broadcast %add3A_470 : i32 to vector<16xi32>
      %gather3A_472 = tpu.vector_load_idx %arg11[%broadcast_in_dim3A_425, %broadcast_in_dim3A_471] : memref<64x128xf32, #tpu.memory_space<vmem>>[vector<16xi32>, vector<16xi32>], vector<16xf32>,
      %swap3A_473 = arith.index_cast %and3A_427 : i32 to index
      %swap3A_474 = arith.constant 96 : index
      %swap3A_475 = tpu.vector_load %arg13[%swap3A_473, %swap3A_474] {strides = array<i32>} : memref<64x128xf32, #tpu.memory_space<vmem>>, vector<16xf32>,
      tpu.vector_store %arg13[%swap3A_473, %swap3A_474], %gather3A_472 {strides = array<i32>} : memref<64x128xf32, #tpu.memory_space<vmem>>, vector<16xf32>,
      %add3A_476 = arith.constant 7 : i32
      %add3A_477 = arith.addi %mul3A_424, %add3A_476 : i32
      %broadcast_in_dim3A_478 = vector.broadcast %add3A_477 : i32 to vector<16xi32>
      %gather3A_479 = tpu.vector_load_idx %arg11[%broadcast_in_dim3A_425, %broadcast_in_dim3A_478] : memref<64x128xf32, #tpu.memory_space<vmem>>[vector<16xi32>, vector<16xi32>], vector<16xf32>,
      %swap3A_480 = arith.index_cast %and3A_427 : i32 to index
      %swap3A_481 = arith.constant 112 : index
      %swap3A_482 = tpu.vector_load %arg13[%swap3A_480, %swap3A_481] {strides = array<i32>} : memref<64x128xf32, #tpu.memory_space<vmem>>, vector<16xf32>,
      tpu.vector_store %arg13[%swap3A_480, %swap3A_481], %gather3A_479 {strides = array<i32>} : memref<64x128xf32, #tpu.memory_space<vmem>>, vector<16xf32>,
    }
    %scan3A_415 = arith.constant 16 : i32
    %mul3A_416 = arith.constant 336 : i32
    %mul3A_417 = arith.muli %arg1, %mul3A_416 : i32
    %add3A_418 = arith.constant 320 : i32
    %add3A_419 = arith.addi %mul3A_417, %add3A_418 : i32
    "tpu.region"() ({
      %run_scoped3A = tpu.sem_alloc : memref<!tpu.dma_semaphore, #tpu.memory_space<semaphore_mem>>
      %dma_start3A = arith.constant 0 : i32
      %dma_start3A_420 = arith.constant 0 : i32
      %dma_start3A_421 = tpu.memref_slice %arg13[%dma_start3A, %dma_start3A_420] : memref<64x128xf32, #tpu.memory_space<vmem>> -> memref<16x128xf32, #tpu.memory_space<vmem>>
      %dma_start3A_422 = arith.constant 0 : i32
      %dma_start3A_423 = tpu.memref_slice %arg7[%arg0, %add3A_419, %dma_start3A_422] : memref<2x5376x128xf32, #tpu.memory_space<hbm>> -> memref<1x16x128xf32, #tpu.memory_space<hbm>>
      %dma_start3A_424 = tpu.memref_squeeze %dma_start3A_423 : memref<1x16x128xf32, #tpu.memory_space<hbm>> -> memref<16x128xf32, #tpu.memory_space<hbm>>
      %dma_start3A_425 = arith.constant 0 : i32
      %dma_start3A_426 = tpu.memref_slice %arg7[%arg0, %add3A_419, %dma_start3A_425] : memref<2x5376x128xf32, #tpu.memory_space<hbm>> -> memref<1x16x128xf32, #tpu.memory_space<hbm>>
      %dma_start3A_427 = tpu.memref_squeeze %dma_start3A_426 : memref<1x16x128xf32, #tpu.memory_space<hbm>> -> memref<16x128xf32, #tpu.memory_space<hbm>>
      %dma_start3A_428 = arith.constant 0 : i32
      %dma_start3A_429 = arith.constant 0 : i32
      %dma_start3A_430 = tpu.memref_slice %arg13[%dma_start3A_428, %dma_start3A_429] : memref<64x128xf32, #tpu.memory_space<vmem>> -> memref<16x128xf32, #tpu.memory_space<vmem>>
      tpu.enqueue_dma source(%dma_start3A_430 : memref<16x128xf32, #tpu.memory_space<vmem>>) target(%dma_start3A_427 : memref<16x128xf32, #tpu.memory_space<hbm>>) target_semaphore(%run_scoped3A : memref<!tpu.dma_semaphore, #tpu.memory_space<semaphore_mem>>)
      %dma_wait3A = arith.constant 0 : i32
      %dma_wait3A_431 = arith.constant 0 : i32
      %dma_wait3A_432 = tpu.memref_slice %arg13[%dma_wait3A, %dma_wait3A_431] : memref<64x128xf32, #tpu.memory_space<vmem>> -> memref<16x128xf32, #tpu.memory_space<vmem>>
      %dma_wait3A_433 = arith.constant 0 : i32
      %dma_wait3A_434 = tpu.memref_slice %arg7[%arg0, %add3A_419, %dma_wait3A_433] : memref<2x5376x128xf32, #tpu.memory_space<hbm>> -> memref<1x16x128xf32, #tpu.memory_space<hbm>>
      %dma_wait3A_435 = tpu.memref_squeeze %dma_wait3A_434 : memref<1x16x128xf32, #tpu.memory_space<hbm>> -> memref<16x128xf32, #tpu.memory_space<hbm>>
      %dma_wait3A_436 = arith.constant 0 : i32
      %dma_wait3A_437 = tpu.memref_slice %arg7[%arg0, %add3A_419, %dma_wait3A_436] : memref<2x5376x128xf32, #tpu.memory_space<hbm>> -> memref<1x16x128xf32, #tpu.memory_space<hbm>>
      %dma_wait3A_438 = tpu.memref_squeeze %dma_wait3A_437 : memref<1x16x128xf32, #tpu.memory_space<hbm>> -> memref<16x128xf32, #tpu.memory_space<hbm>>
      %dma_wait3A_439 = arith.constant 0 : i32
      %dma_wait3A_440 = arith.constant 0 : i32
      %dma_wait3A_441 = tpu.memref_slice %arg13[%dma_wait3A_439, %dma_wait3A_440] : memref<64x128xf32, #tpu.memory_space<vmem>> -> memref<16x128xf32, #tpu.memory_space<vmem>>
      tpu.wait_dma2 semaphore(%run_scoped3A : memref<!tpu.dma_semaphore, #tpu.memory_space<semaphore_mem>>) src(%dma_wait3A_441 : memref<16x128xf32, #tpu.memory_space<vmem>>) dst(%dma_wait3A_438 : memref<16x128xf32, #tpu.memory_space<hbm>>)
      tpu.yield
    }) : () -> ()
    return
  }
}

module attributes {stable_mosaic.version = 14 : i64} {
  func.func @_qkv_body(%arg0: i32, %arg1: memref<1000x128xf32, #tpu.memory_space<vmem>>, %arg2: memref<128x384xf32, #tpu.memory_space<vmem>>, %arg3: memref<1000x128xf32, #tpu.memory_space<vmem>>, %arg4: memref<1000x256xf32, #tpu.memory_space<vmem>>) attributes {dimension_semantics = [#tpu.dimension_semantics<arbitrary>], iteration_bounds = array<i64: 10>, scalar_prefetch = 0 : i64, scratch_operands = 0 : i64, tpu.core_type = #tpu.core_type<tc>, window_params = [{transform_indices = @transform_0, window_bounds = array<i64: 1000, 128>}, {pipeline_mode = #tpu.pipeline_mode<synchronous>, transform_indices = @transform_1, window_bounds = array<i64: 128, 384>}, {transform_indices = @transform_2, window_bounds = array<i64: 1000, 128>}, {transform_indices = @transform_3, window_bounds = array<i64: 1000, 256>}]} {
    %get3A = arith.constant 0 : index
    %get3A_0 = arith.constant 0 : index
    %get3A_1 = vector.load %arg1[%get3A, %get3A_0] : memref<1000x128xf32, #tpu.memory_space<vmem>>, vector<1000x128xf32>
    %get3A_2 = arith.constant 0 : index
    %get3A_3 = arith.constant 0 : index
    %get3A_4 = vector.load %arg2[%get3A_2, %get3A_3] : memref<128x384xf32, #tpu.memory_space<vmem>>, vector<128x384xf32>
    %dot_general3A = arith.constant dense<0.000000e+00> : vector<1000x384xf32>
    %dot_general3A_5 = tpu.matmul %get3A_1, %get3A_4, %dot_general3A {dimension_numbers = #tpu.dot_dimension_numbers<[1], [0], [0], [1], [0, 0, 1, 1], [], []>, transpose_lhs_hint = false} : vector<1000x128xf32>, vector<128x384xf32>, vector<1000x384xf32> -> vector<1000x384xf32>
    %slice3A = vector.extract_strided_slice %dot_general3A_5 {offsets = [0, 0], sizes = [1000, 128], strides = [1, 1]} : vector<1000x384xf32> to vector<1000x128xf32>
    %swap3A = arith.constant 0 : index
    %swap3A_6 = arith.constant 0 : index
    %swap3A_7 = vector.load %arg3[%swap3A, %swap3A_6] : memref<1000x128xf32, #tpu.memory_space<vmem>>, vector<1000x128xf32>
    tpu.vector_store %arg3[%swap3A, %swap3A_6], %slice3A {strides = array<i32>} : memref<1000x128xf32, #tpu.memory_space<vmem>>, vector<1000x128xf32>,
    %slice3A_8 = vector.extract_strided_slice %dot_general3A_5 {offsets = [0, 128], sizes = [1000, 256], strides = [1, 1]} : vector<1000x384xf32> to vector<1000x256xf32>
    %swap3A_9 = arith.constant 0 : index
    %swap3A_10 = arith.constant 0 : index
    %swap3A_11 = vector.load %arg4[%swap3A_9, %swap3A_10] : memref<1000x256xf32, #tpu.memory_space<vmem>>, vector<1000x256xf32>
    tpu.vector_store %arg4[%swap3A_9, %swap3A_10], %slice3A_8 {strides = array<i32>} : memref<1000x256xf32, #tpu.memory_space<vmem>>, vector<1000x256xf32>,
    return
  }
  func.func @transform_0(%arg0: i32) -> (i32, i32) {
    %c0_i32 = arith.constant 0 : i32
    %c0_i32_0 = arith.constant 0 : i32
    return %arg0, %c0_i32 : i32, i32
  }
  func.func @transform_1(%arg0: i32) -> (i32, i32) {
    %c0_i32 = arith.constant 0 : i32
    %c0_i32_0 = arith.constant 0 : i32
    %c0_i32_1 = arith.constant 0 : i32
    return %c0_i32, %c0_i32_0 : i32, i32
  }
  func.func @transform_2(%arg0: i32) -> (i32, i32) {
    %c0_i32 = arith.constant 0 : i32
    %c0_i32_0 = arith.constant 0 : i32
    return %arg0, %c0_i32 : i32, i32
  }
  func.func @transform_3(%arg0: i32) -> (i32, i32) {
    %c0_i32 = arith.constant 0 : i32
    %c0_i32_0 = arith.constant 0 : i32
    return %arg0, %c0_i32 : i32, i32
  }
}

module attributes {stable_mosaic.version = 14 : i64} {
  func.func @_out_body(%arg0: i32, %arg1: memref<1x640x128xf32, #tpu.memory_space<vmem>>, %arg2: memref<1x640x128xf32, #tpu.memory_space<vmem>>, %arg3: memref<128x128xf32, #tpu.memory_space<vmem>>, %arg4: memref<640x128xf32, #tpu.memory_space<vmem>>) attributes {dimension_semantics = [#tpu.dimension_semantics<arbitrary>], iteration_bounds = array<i64: 16>, scalar_prefetch = 0 : i64, scratch_operands = 0 : i64, tpu.core_type = #tpu.core_type<tc>, window_params = [{transform_indices = @transform_0, window_bounds = array<i64: 1, 640, 128>}, {transform_indices = @transform_1, window_bounds = array<i64: 1, 640, 128>}, {pipeline_mode = #tpu.pipeline_mode<synchronous>, transform_indices = @transform_2, window_bounds = array<i64: 128, 128>}, {transform_indices = @transform_3, window_bounds = array<i64: 640, 128>}]} {
    %get3A = arith.constant 0 : index
    %get3A_0 = arith.constant 0 : index
    %get3A_1 = arith.constant 0 : index
    %get3A_2 = vector.load %arg1[%get3A, %get3A_0, %get3A_1] : memref<1x640x128xf32, #tpu.memory_space<vmem>>, vector<1x640x128xf32>
    %get3A_3 = vector.shape_cast %get3A_2 : vector<1x640x128xf32> to vector<640x128xf32>
    %get3A_4 = arith.constant 0 : index
    %get3A_5 = arith.constant 0 : index
    %get3A_6 = arith.constant 0 : index
    %get3A_7 = vector.load %arg2[%get3A_4, %get3A_5, %get3A_6] : memref<1x640x128xf32, #tpu.memory_space<vmem>>, vector<1x640x128xf32>
    %get3A_8 = vector.shape_cast %get3A_7 : vector<1x640x128xf32> to vector<640x128xf32>
    %add3A = arith.constant 1.000000e-10 : f32
    %add3A_9 = vector.broadcast %add3A : f32 to vector<640x128xf32>
    %add3A_10 = arith.addf %get3A_8, %add3A_9 : vector<640x128xf32>
    %div3A = arith.divf %get3A_3, %add3A_10 : vector<640x128xf32>
    %get3A_11 = arith.constant 0 : index
    %get3A_12 = arith.constant 0 : index
    %get3A_13 = vector.load %arg3[%get3A_11, %get3A_12] : memref<128x128xf32, #tpu.memory_space<vmem>>, vector<128x128xf32>
    %dot_general3A = arith.constant dense<0.000000e+00> : vector<640x128xf32>
    %dot_general3A_14 = tpu.matmul %div3A, %get3A_13, %dot_general3A {dimension_numbers = #tpu.dot_dimension_numbers<[1], [0], [0], [1], [0, 0, 1, 1], [], []>, transpose_lhs_hint = false} : vector<640x128xf32>, vector<128x128xf32>, vector<640x128xf32> -> vector<640x128xf32>
    %swap3A = arith.constant 0 : index
    %swap3A_15 = arith.constant 0 : index
    %swap3A_16 = vector.load %arg4[%swap3A, %swap3A_15] : memref<640x128xf32, #tpu.memory_space<vmem>>, vector<640x128xf32>
    tpu.vector_store %arg4[%swap3A, %swap3A_15], %dot_general3A_14 {strides = array<i32>} : memref<640x128xf32, #tpu.memory_space<vmem>>, vector<640x128xf32>,
    return
  }
  func.func @transform_0(%arg0: i32) -> (i32, i32, i32) {
    %jit3A = arith.constant 8 : i32
    %div3A = arith.divsi %arg0, %jit3A : i32
    %sign3A = arith.constant 0 : i32
    %sign3A_0 = arith.cmpi sgt, %arg0, %sign3A : i32
    %sign3A_1 = arith.extui %sign3A_0 : i1 to i32
    %sign3A_2 = arith.constant 0 : i32
    %sign3A_3 = arith.cmpi slt, %arg0, %sign3A_2 : i32
    %sign3A_4 = arith.extui %sign3A_3 : i1 to i32
    %sign3A_5 = arith.subi %sign3A_1, %sign3A_4 : i32
    %sign3A_6 = arith.constant 0 : i32
    %sign3A_7 = arith.cmpi sgt, %jit3A, %sign3A_6 : i32
    %sign3A_8 = arith.extui %sign3A_7 : i1 to i32
    %sign3A_9 = arith.constant 0 : i32
    %sign3A_10 = arith.cmpi slt, %jit3A, %sign3A_9 : i32
    %sign3A_11 = arith.extui %sign3A_10 : i1 to i32
    %sign3A_12 = arith.subi %sign3A_8, %sign3A_11 : i32
    %ne3A = arith.cmpi ne, %sign3A_5, %sign3A_12 : i32
    %rem3A = arith.remsi %arg0, %jit3A : i32
    %ne3A_13 = arith.constant 0 : i32
    %ne3A_14 = arith.cmpi ne, %rem3A, %ne3A_13 : i32
    %and3A = arith.andi %ne3A, %ne3A_14 : i1
    %sub3A = arith.constant 1 : i32
    %sub3A_15 = arith.subi %div3A, %sub3A : i32
    %select_n3A = arith.select %and3A, %sub3A_15, %div3A : i32
    %jit3A_16 = arith.constant 8 : i32
    %eq3A = arith.constant 0 : i32
    %eq3A_17 = arith.cmpi eq, %jit3A_16, %eq3A : i32
    %jit3A_18 = arith.constant 1 : i32
    %select_n3A_19 = arith.select %eq3A_17, %jit3A_18, %jit3A_16 : i32
    %rem3A_20 = arith.remsi %arg0, %select_n3A_19 : i32
    %ne3A_21 = arith.constant 0 : i32
    %ne3A_22 = arith.cmpi ne, %rem3A_20, %ne3A_21 : i32
    %lt3A = arith.constant 0 : i32
    %lt3A_23 = arith.cmpi slt, %rem3A_20, %lt3A : i32
    %lt3A_24 = arith.constant 0 : i32
    %lt3A_25 = arith.cmpi slt, %select_n3A_19, %lt3A_24 : i32
    %ne3A_26 = arith.xori %lt3A_23, %lt3A_25 : i1
    %and3A_27 = arith.andi %ne3A_26, %ne3A_22 : i1
    %add3A = arith.addi %rem3A_20, %select_n3A_19 : i32
    %select_n3A_28 = arith.select %and3A_27, %add3A, %rem3A_20 : i32
    %c0_i32 = arith.constant 0 : i32
    %c0_i32_29 = arith.constant 0 : i32
    return %select_n3A, %select_n3A_28, %c0_i32 : i32, i32, i32
  }
  func.func @transform_1(%arg0: i32) -> (i32, i32, i32) {
    %jit3A = arith.constant 8 : i32
    %div3A = arith.divsi %arg0, %jit3A : i32
    %sign3A = arith.constant 0 : i32
    %sign3A_0 = arith.cmpi sgt, %arg0, %sign3A : i32
    %sign3A_1 = arith.extui %sign3A_0 : i1 to i32
    %sign3A_2 = arith.constant 0 : i32
    %sign3A_3 = arith.cmpi slt, %arg0, %sign3A_2 : i32
    %sign3A_4 = arith.extui %sign3A_3 : i1 to i32
    %sign3A_5 = arith.subi %sign3A_1, %sign3A_4 : i32
    %sign3A_6 = arith.constant 0 : i32
    %sign3A_7 = arith.cmpi sgt, %jit3A, %sign3A_6 : i32
    %sign3A_8 = arith.extui %sign3A_7 : i1 to i32
    %sign3A_9 = arith.constant 0 : i32
    %sign3A_10 = arith.cmpi slt, %jit3A, %sign3A_9 : i32
    %sign3A_11 = arith.extui %sign3A_10 : i1 to i32
    %sign3A_12 = arith.subi %sign3A_8, %sign3A_11 : i32
    %ne3A = arith.cmpi ne, %sign3A_5, %sign3A_12 : i32
    %rem3A = arith.remsi %arg0, %jit3A : i32
    %ne3A_13 = arith.constant 0 : i32
    %ne3A_14 = arith.cmpi ne, %rem3A, %ne3A_13 : i32
    %and3A = arith.andi %ne3A, %ne3A_14 : i1
    %sub3A = arith.constant 1 : i32
    %sub3A_15 = arith.subi %div3A, %sub3A : i32
    %select_n3A = arith.select %and3A, %sub3A_15, %div3A : i32
    %jit3A_16 = arith.constant 8 : i32
    %eq3A = arith.constant 0 : i32
    %eq3A_17 = arith.cmpi eq, %jit3A_16, %eq3A : i32
    %jit3A_18 = arith.constant 1 : i32
    %select_n3A_19 = arith.select %eq3A_17, %jit3A_18, %jit3A_16 : i32
    %rem3A_20 = arith.remsi %arg0, %select_n3A_19 : i32
    %ne3A_21 = arith.constant 0 : i32
    %ne3A_22 = arith.cmpi ne, %rem3A_20, %ne3A_21 : i32
    %lt3A = arith.constant 0 : i32
    %lt3A_23 = arith.cmpi slt, %rem3A_20, %lt3A : i32
    %lt3A_24 = arith.constant 0 : i32
    %lt3A_25 = arith.cmpi slt, %select_n3A_19, %lt3A_24 : i32
    %ne3A_26 = arith.xori %lt3A_23, %lt3A_25 : i1
    %and3A_27 = arith.andi %ne3A_26, %ne3A_22 : i1
    %add3A = arith.addi %rem3A_20, %select_n3A_19 : i32
    %select_n3A_28 = arith.select %and3A_27, %add3A, %rem3A_20 : i32
    %c0_i32 = arith.constant 0 : i32
    %c0_i32_29 = arith.constant 0 : i32
    return %select_n3A, %select_n3A_28, %c0_i32 : i32, i32, i32
  }
  func.func @transform_2(%arg0: i32) -> (i32, i32) {
    %c0_i32 = arith.constant 0 : i32
    %c0_i32_0 = arith.constant 0 : i32
    %c0_i32_1 = arith.constant 0 : i32
    return %c0_i32, %c0_i32_0 : i32, i32
  }
  func.func @transform_3(%arg0: i32) -> (i32, i32) {
    %c0_i32 = arith.constant 0 : i32
    %c0_i32_0 = arith.constant 0 : i32
    return %arg0, %c0_i32 : i32, i32
  }
}

</mosaic_0001>

<sc_bundles>
// kernel: kernel.5.cloned.1.call-start
scs
__scs_entry_jumppad:
0x0: {  	(pc) =	sbr.rel $0x88, $3  }
0x1: {  	(tag) =	ssettag $0x0;
	lr =	simm.s32 $0x1  }
0x2: {  	[smem:$0x3F9D] =	sst lr;
	_ =	strace $0xD0000000  }
0x3: {  	_ = 	snop  }
0x4: {  	_ = 	snop  }
0x5: {  	_ = 	snop  }
0x6: {  	_ = 	snop  }
0x7: {  	_ = 	snop  }
__scs_overlays_trampoline_lowered:
0x8: {  	[smem:$0x3FAC] =	sst s0  }
0x9: {  	[smem:$0x3FAD] =	sst s1  }
0xa: {  	[smem:$0x3FAE] =	sst s2  }
0xb: {  	[smem:$0x3FAF] =	sst s3  }
0xc: {  	[smem:$0x3FB0] =	sst s4  }
0xd: {  	[smem:$0x3FB1] =	sst s5  }
0xe: {  	[smem:$0x3FB2] =	sst s6  }
0xf: {  	[smem:$0x3FB3] =	sst s7  }
0x10: {  	[smem:$0x3FB4] =	sst s8  }
0x11: {  	[smem:$0x3FB5] =	sst s9;
	s0 =	simm.s32 @!p0 $0x0  }
0x12: {  	s1 =	sld [smem:$0x3F9B];
	s0 =	simm.s32 @p0 $0x1  }
0x13: {  	[smem:$0x3FB6] =	sst s0;
	s0 =	simm.s32 @!p1 $0x0  }
0x14: {  	s2 =	sld [smem:$0x3F9A];
	s0 =	simm.s32 @p1 $0x1  }
0x15: {  	[smem:$0x3FB7] =	sst s0;
	s0 =	simm.s32 @!p2 $0x0  }
0x16: {  	s3 =	sld [smem:$0x3FDB];
	s0 =	simm.s32 @p2 $0x1  }
0x17: {  	s4 =	simm.s32 $0x1BF5;
	[smem:$0x3FB9] =	sst s0  }
0x18: {  	s0 =	sld [smem:$0x3F9C];
	_ =	swait.ge [sflag:s4], $0x0  }
0x19: {  	s7 =	sld [smem:$0x3F9D]  }
0x1a: {  	s8 =	sadd.s32 $0xFFFFE003, lr  }
0x1b: {  	s9 =	sadd.s32 $0xFFFFFEF7, lr;
	s5 =	simm.s32 $0xFFFFFFFF;
	p2 =	slt.u32 s8, $0xFFFFF086  }
0x1c: {  	p1 =	slt.u32 s9, $0xF7A;
	s5 =	simm.s32 @!p2 $0x0  }
0x1d: {  	s5 =	simm.s32 @p1 $0x1;
	p0 =	seq.s32 s7, s2  }
0x1e: {  	s7 =	smul.u32 @!p0 $0xF7A, s2;
	p2 =	seq.s32 @!p0 s5, $0x0  }
0x1f: {  	s9 =	smul.u32 $0xF7A, s1;
	s8 =	simm.s32 @!p0 $0x1BF5;
	p2 =	por !p2, p0  }
0x20: {  	[sflag:s8] =	ssyncset.s32 @!p0 $0xFFFFF086;
	s6 =	sadd.s32 @!p0 s3, s7;
	s7 =	simm.s32 @!p0 $0x108  }
0x21: {  	s3 =	sadd.s32 s3, s9;
	s6 =	sadd.s32 @!p0 $0x88, s6;
	s7 =	simm.s32 @p2 $0x1082  }
0x22: {  	[simem:s7], [sflag:s8] =	dma.local @!p0 [hbm:s6], $0xF7A  }
0x23: {  	s9 =	sor.u32 $0xD0000000, s2;
	s6 =	simm.s32 $0x108;
	_ =	swait.ge @!p0 [sflag:s8], $0x0  }
0x24: {  	s3 =	sadd.s32 $0x88, s3;
	s6 =	simm.s32 @!p1 $0x1082;
	[sflag:s4] =	ssyncset.s32 $0xFFFFF086  }
0x25: {  	[simem:s6], [sflag:s4] =	dma.local [hbm:s3], $0xF7A  }
0x26: {  	[smem:$0x3F9D] =	sst s1;
	(tag) =	ssettag s2;
	_ =	strace s9  }
0x27: {  	s1 =	sld [smem:$0x3FAD]  }
0x28: {  	s2 =	sld [smem:$0x3FAE]  }
0x29: {  	s4 =	sld [smem:$0x3FB0]  }
0x2a: {  	p0 =	seq.s32 s5, $0x0;
	s5 =	sld [smem:$0x3FB1]  }
0x2b: {  	s6 =	sld [smem:$0x3FB2]  }
0x2c: {  	s7 =	sld [smem:$0x3FB3]  }
0x2d: {  	s3 =	simm.s32 $0x108;
	s8 =	sld [smem:$0x3FB4]  }
0x2e: {  	s3 =	simm.s32 @!p0 $0x1082;
	s9 =	sld [smem:$0x3FB5]  }
0x2f: {  	lr =	sadd.s32 s0, s3;
	s0 =	sld [smem:$0x3FAC]  }
0x30: {  	s3 =	sld [smem:$0x3FAF]  }
0x31: {  	[smem:$0x3FB8] =	sst s10  }
0x32: {  	s10 =	sld [smem:$0x3FB6];
	_ =	sdelay $0x3  }
0x33: {  	p0 =	seq.s32 s10, $0x1;
	s10 =	sld [smem:$0x3FB8];
	_ =	sdelay $0x3  }
0x34: {  	[smem:$0x3FB8] =	sst s10  }
0x35: {  	s10 =	sld [smem:$0x3FB7];
	_ =	sdelay $0x3  }
0x36: {  	p1 =	seq.s32 s10, $0x1;
	s10 =	sld [smem:$0x3FB8];
	_ =	sdelay $0x3  }
0x37: {  	[smem:$0x3FB8] =	sst s10  }
0x38: {  	s10 =	sld [smem:$0x3FB9]  }
0x39: {  	_ = 	snop;
	(pc) =	sbr.ind lr, $3  }
0x3a: {  	_ = 	snop  }
0x3b: {  	_ = 	snop  }
0x3c: {  	p2 =	seq.s32 s10, $0x1;
	s10 =	sld [smem:$0x3FB8]  }
0x3d: {  	_ =	shalt  }
0x3e: {  	_ =	shalt  }
0x3f: {  	_ =	shalt  }
0x40: {  	_ =	shalt  }
0x41: {  	_ =	shalt  }
0x42: {  	_ =	shalt  }
0x43: {  	_ =	shalt  }
0x44: {  	_ =	shalt  }
0x45: {  	_ =	shalt  }
0x46: {  	_ =	shalt  }
0x47: {  	_ =	shalt  }
0x48: {  	_ =	shalt  }
0x49: {  	_ =	shalt  }
0x4a: {  	_ =	shalt  }
0x4b: {  	_ =	shalt  }
0x4c: {  	_ =	shalt  }
0x4d: {  	_ =	shalt  }
0x4e: {  	_ =	shalt  }
0x4f: {  	_ =	shalt  }
0x50: {  	_ =	shalt  }
0x51: {  	_ =	shalt  }
0x52: {  	_ =	shalt  }
0x53: {  	_ =	shalt  }
0x54: {  	_ =	shalt  }
0x55: {  	_ =	shalt  }
0x56: {  	_ =	shalt  }
0x57: {  	_ =	shalt  }
0x58: {  	_ =	shalt  }
0x59: {  	_ =	shalt  }
0x5a: {  	_ =	shalt  }
0x5b: {  	_ =	shalt  }
0x5c: {  	_ =	shalt  }
0x5d: {  	_ =	shalt  }
0x5e: {  	_ =	shalt  }
0x5f: {  	_ =	shalt  }
0x60: {  	_ =	shalt  }
0x61: {  	_ =	shalt  }
0x62: {  	_ =	shalt  }
0x63: {  	_ =	shalt  }
0x64: {  	_ =	shalt  }
0x65: {  	_ =	shalt  }
0x66: {  	_ =	shalt  }
0x67: {  	_ =	shalt  }
0x68: {  	_ =	shalt  }
0x69: {  	_ =	shalt  }
0x6a: {  	_ =	shalt  }
0x6b: {  	_ =	shalt  }
0x6c: {  	_ =	shalt  }
0x6d: {  	_ =	shalt  }
0x6e: {  	_ =	shalt  }
0x6f: {  	_ =	shalt  }
0x70: {  	_ =	shalt  }
0x71: {  	_ =	shalt  }
0x72: {  	_ =	shalt  }
0x73: {  	_ =	shalt  }
0x74: {  	_ =	shalt  }
0x75: {  	_ =	shalt  }
0x76: {  	_ =	shalt  }
0x77: {  	_ =	shalt  }
0x78: {  	_ =	shalt  }
0x79: {  	_ =	shalt  }
0x7a: {  	_ =	shalt  }
0x7b: {  	_ =	shalt  }
0x7c: {  	_ =	shalt  }
0x7d: {  	_ =	shalt  }
0x7e: {  	_ =	shalt  }
0x7f: {  	_ =	shalt  }
0x80: {  	_ =	shalt  }
0x81: {  	_ =	shalt  }
0x82: {  	_ =	shalt  }
0x83: {  	_ =	shalt  }
0x84: {  	_ =	shalt  }
0x85: {  	_ =	shalt  }
0x86: {  	_ =	shalt  }
0x87: {  	_ =	shalt  }
.Lfunc_end0:
.L_simem_size_0:
called_computation_lowered:
.L_overlay_start_0:
0x88: {  	s2 =	sld [smem:$0x3FD9]  }
0x89: {  	s3 =	sld [smem:$0x3FFE];
	_ =	sdelay $0x1  }
0x8a: {  	s1 =	srdreg.scid  }
0x8b: {  	s0 =	sand.u32 $0x1, s1  }
0x8c: {  	s17 =	sshll.u32 s0, $0xA;
	s2 =	sadd.s32 s3, s2  }
0x8d: {  	s2 =	sadd.s32 s2, s17  }
0x8e: {  	[smem:$0x3FC4] =	sst s2  }
0x8f: {  	_ = 	snop  }
0x90: {  	s2 =	sld [smem:$0x3FD0];
	(tm) =	ssettm $0x1  }
0x91: {  	s18 =	sld [smem:$0x3FFB];
	_ =	sdelay $0x3  }
0x92: {  	_ =	strace s18  }
0x93: {  	s3 =	sld [smem:$0x3FFC];
	_ =	sdelay $0x3  }
0x94: {  	_ =	strace s3  }
0x95: {  	s3 =	sld [smem:$0x3FFD];
	_ =	sdelay $0x3  }
0x96: {  	_ =	strace s3  }
0x97: {  	_ =	strace $0x8FFFFFFF  }
0x98: {  	s19 =	sld [smem:$0x3FDB];
	_ =	sdelay $0x1  }
0x99: {  	s4 =	simm.s32 $_scs_section_size  }
0x9a: {  	s5 =	simm.s32 $_size__tile_overlayer_lowered;
	s6 =	simm.s32 $_tile_overlayer_lowered  }
0x9b: {  	s22 =	simm.s32 $0x1BFF;
	s21 =	sshll.u32 s6, $0x1;
	s3 =	sadd.s32 s4, s19  }
0x9c: {  	s7 =	simm.s32 $0x0;
	s20 =	sshll.u32 s5, $0x1;
	s5 =	sadd.s32 s21, s3  }
0x9d: {  	[timem:s7], [sflag:s22] =	dma.local [hbm:s5], s20  }
0x9e: {  	_ =	swait.ge [sflag:s22], s20  }
0x9f: {  	s4 =	ssub.s32 $0x0, s20;
	[sflag:s22] =	ssyncset.done $0x0  }
0xa0: {  	[sflag:s22] =	ssyncadd.s32 s4;
	_ =	sdelay $0x1  }
0xa1: {  	s23 =	simm.s32 $0x1B8B  }
0xa2: {  	_ =	swait.ge [sflag:s23], $0x1  }
0xa3: {  	[sflag:s23] =	ssyncset.done $0x0  }
0xa4: {  	s25 =	simm.s32 $0x1B8E;
	s24 =	sld [smem:$0x3FFE];
	[sflag:s23] =	ssyncadd.s32 $0xFFFFFFFF  }
0xa5: {  	s26 =	simm.s32 $execute0_lowered;
	[smem:$0x3FD2] =	sst s25  }
0xa6: {  	s5 =	sshll.u32 s26, $0x1;
	_ =	strace $0x80000046;
	[dreg:$0x1] =	wrdreg $0xFFFFFFFF  }
0xa7: {  	s28 =	simm.s32 $_size_execute0_lowered;
	s3 =	sadd.s32 s3, s5;
	[dreg:$0x0] =	wrdreg $0x0  }
0xa8: {  	s5 =	sshll.u32 s28, $0x1;
	[dreg:$0x2] =	wrdreg s3  }
0xa9: {  	[dreg:$0x3] =	wrdreg s5  }
0xaa: {  	[dreg:$0x4] =	wrdreg $0xC0  }
0xab: {  	_ =	task [dreg:s7], $0x5FFFF  }
0xac: {  	[dreg:$0x1] =	wrdreg $0xFFFFFFFF  }
0xad: {  	[dreg:$0x0] =	wrdreg $0x60  }
0xae: {  	[dreg:$0x2] =	wrdreg s24  }
0xaf: {  	[dreg:$0x3] =	wrdreg s2  }
0xb0: {  	[dreg:$0x4] =	wrdreg $0x142000  }
0xb1: {  	[dreg:$0x5] =	wrdreg $0x1EA000  }
0xb2: {  	[dreg:$0x6] =	wrdreg $0x9  }
0xb3: {  	_ =	task.clear_ibuf [dreg:s7], $0x7FFFF;
	_ =	strace $0x90000046  }
0xb4: {  	s29 =	simm.s32 $0x9;
	_ =	strace $0x80000048  }
0xb5: {  	_ =	swait.ge [sflag:s29], $0x1  }
0xb6: {  	[sflag:s29] =	ssyncadd.s32 $0xFFFFFFFF  }
0xb7: {  	_ =	strace $0x90000048  }
0xb8: {  	_ =	sfence  }
0xb9: {  	s30 =	sld [smem:$0x0];
	_ =	sdelay $0x2  }
0xba: {  	s31 =	sshll.u32 s1, $0xD;
	s1 =	sshrl.u32 s1, $0x2  }
0xbb: {  	s3 =	sand.u32 $0x4000, s31;
	s1 =	sadd.s32 s1, s30  }
0xbc: {  	s0 =	sor.u32 s3, s0;
	s1 =	sshll.u32 s1, $0x11  }
0xbd: {  	s0 =	sor.u32 s1, s0  }
0xbe: {  	s0 =	sadd.s32 $0x8F2B, s0  }
0xbf: {  	[sflag:s0] =	ssyncadd.remote.s32 $0x1  }
0xc0: {  	_ =	sfence.sel $0xFFFF  }
0xc1: {  	[dreg:$0x0] =	wrdreg $0xFFFFFFFF;
	(pc) =	sbr.abs _section_cstart, $3  }
0xc2: {  	[dreg:$0x1] =	wrdreg $0xFFFFFFFF  }
0xc3: {  	_ =	task.clear_ibuf [dreg:s7], $0x2FFFF;
	_ =	strace $0x9FFFFFFF  }
0xc4: {  	(tm) =	ssettm $0x7FFFFFFF  }
0xc5: {  	_ =	shalt  }
tec
execute0_lowered:
.L_overlay_start_1:
0x0: {  	(tag) =	ssettag $0x1  }
0x1: {  	s0 =	rddreg [dreg:$0x0]  }
0x2: {  	s2 =	rddreg [dreg:$0x2]  }
0x3: {  	s12 =	rddreg [dreg:$0x3];
	s13 =	stileid.u32  }
0x4: {  	s1 =	srdreg.scid;
	s4 =	smul.u32 $0xA800, s13  }
0x5: {  	s5 =	simm.s32 $0x0;
	s1 =	sand.u32 $0x1, s1;
	s20 =	smul.u32 $0x2A000, s13  }
0x6: {  	[smem:$0x7FF] =	sst s5;
	s6 =	sadd.s32 $0xC00, s0;
	s9 =	smul.u32 $0x3000, s13  }
0x7: {  	s7 =	sadd.s32 $0x27E00, s0;
	s8 =	sadd.s32 $0x76200, s0;
	s3 =	smul.u32 $0xA8000, s1  }
0x8: {  	s11 =	smul.u32 $0x2A00, s13;
	_ =	strace $0x80000047;
	s21 =	ssub.s32 $0x2, s1  }
0x9: {  	s1 =	smul.u32 $0x1400, s1;
	s22 =	sshrl.u32 s9, $0x2;
	s3 =	sadd.s32 s4, s3  }
0xa: {  	s25 =	sshrl.u32 s11, $0x2;
	s23 =	sadd.s32 s22, s12;
	s3 =	sshrl.u32 s3, $0x3  }
0xb: {  	v0 =	vmov s1;
	s1 =	sadd.s32 s25, s12;
	[dreg:$0x5] =	wrdreg s23;
	s0 =	sadd.s32 s3, s0  }
0xc: {  	s10 =	sshrl.u32 s21, $0x1;
	[dreg:$0x7] =	wrdreg s1;
	s24 =	sadd.s32 $0x80000, s0  }
0xd: {  	s4 =	sshrl.u32 s20, $0x2;
	s26 =	sadd.s32 $0xAA000, s0;
	[dreg:$0x6] =	wrdreg s24  }
0xe: {  	s3 =	ssub.s32 s21, s10;
	s31 =	sadd.s32 $0xAA100, s0;
	[dreg:$0x8] =	wrdreg s26  }
0xf: {  	s10 =	sadd.s32 s4, s2;
	s2 =	sadd.s32 $0xAA200, s0;
	[dreg:$0x9] =	wrdreg s31  }
0x10: {  	s4 =	sadd.s32 $0xAA300, s0;
	[dreg:$0xa] =	wrdreg s2  }
0x11: {  	s9 =	sadd.s32 $0xAA400, s0;
	[dreg:$0xb] =	wrdreg s4  }
0x12: {  	s11 =	sadd.s32 $0xAA500, s0;
	[dreg:$0xc] =	wrdreg s9  }
0x13: {  	s12 =	sadd.s32 $0xAA600, s0;
	[dreg:$0xd] =	wrdreg s11  }
0x14: {  	s14 =	sadd.s32 $0xAA700, s0;
	[dreg:$0xe] =	wrdreg s12  }
0x15: {  	s15 =	sadd.s32 $0xAA800, s0;
	[dreg:$0xf] =	wrdreg s14  }
0x16: {  	s16 =	sadd.s32 $0xAA900, s0;
	[dreg:$0x10] =	wrdreg s15  }
0x17: {  	v1 =	vimm.f32 $0.0e+00;
	v2 =	vlaneseq.u32;
	s17 =	sadd.s32 $0xAAA00, s0;
	[dreg:$0x11] =	wrdreg s16  }
0x18: {  	vm0 =	vcmask $0x300;
	vm1 =	vcmask $0xF0C;
	v3 =	vand.u32 $0x7, v2;
	s18 =	sadd.s32 $0xAAB00, s0;
	[dreg:$0x12] =	wrdreg s17  }
0x19: {  	v4 =	vshrl.u32 v2, $0x3;
	v5 =	vsel vm0, $0x3F800000, v1;
	vm0 =	vcmask $0x704;
	s19 =	sadd.s32 $0xAAC00, s0;
	[dreg:$0x13] =	wrdreg s18  }
0x1a: {  	v8 =	vsel vm1, $0x3F800000, v1;
	vm1 =	vcmask $0x1B18;
	v12 =	vor.u32 $0x8, v2;
	s20 =	sadd.s32 $0xAAD00, s0;
	[dreg:$0x14] =	wrdreg s19  }
0x1b: {  	v14 =	vor.u32 $0x10, v2;
	v15 =	vor.u32 $0x20, v2;
	v16 =	vor.u32 $0x30, v2;
	s21 =	sadd.s32 $0xAAE00, s0;
	[dreg:$0x15] =	wrdreg s20  }
0x1c: {  	s28 =	simm.s32 $0x2;
	v17 =	vor.u32 $0x40, v2;
	v18 =	vor.u32 $0x50, v2;
	v19 =	vor.u32 $0x60, v2;
	s22 =	sadd.s32 $0xAAF00, s0;
	[dreg:$0x16] =	wrdreg s21  }
0x1d: {  	s29 =	simm.s32 $0x100;
	v20 =	vor.u32 $0x70, v2;
	v21 =	vor.u32 $0x80, v2;
	v22 =	vor.u32 $0x90, v2;
	s23 =	sadd.s32 $0xAB000, s0;
	[dreg:$0x17] =	wrdreg s22  }
0x1e: {  	s30 =	simm.s32 $0x6180;
	v23 =	vor.u32 $0xA0, v2;
	v24 =	vor.u32 $0xB0, v2;
	v25 =	vor.u32 $0xC0, v2;
	s25 =	sadd.s32 $0xAB200, s0;
	[dreg:$0x18] =	wrdreg s23  }
0x1f: {  	v26 =	vor.u32 $0xD0, v2;
	v27 =	vor.u32 $0xE0, v2;
	v28 =	vor.u32 $0xF0, v2;
	s1 =	simm.s32 $0x0;
	s24 =	sadd.s32 $0xAB100, s0;
	[dreg:$0x1a] =	wrdreg s25  }
0x20: {  	v29 =	vor.u32 $0x100, v2;
	v30 =	vor.u32 $0x110, v2;
	v31 =	vor.u32 $0x120, v2;
	s26 =	sadd.s32 $0xAB300, s0;
	s0 =	sadd.s32 $0xAB400, s0;
	s31 =	smax.u32 s3, $0x1  }
0x21: {  	v32 =	vor.u32 $0x130, v2;
	v33 =	vor.u32 $0x140, v2;
	v34 =	vor.u32 $0x150, v2;
	s12 =	smul.u32 $0x4E40, s13;
	s13 =	simm.s32 $0x8180;
	s14 =	simm.s32 $0x3  }
0x22: {  	v35 =	vor.u32 $0x160, v2;
	v36 =	vor.u32 $0x170, v2;
	v4 =	vmul.u32 $0x8, v4;
	s15 =	simm.s32 $0x80;
	s16 =	simm.s32 $0x40;
	s17 =	simm.s32 $0x180  }
0x23: {  	v6 =	vsel vm0, $0x3F800000, v1;
	vm0 =	vcmask $0xB08;
	v11 =	vsel vm1, $0x3F800000, v1;
	s19 =	simm.s32 $0x2980;
	s20 =	simm.s32 $0x3180;
	[dreg:$0x19] =	wrdreg s24  }
0x24: {  	vm1 =	vcmask $0x1F1C;
	v7 =	vsel vm0, $0x3F800000, v1;
	vm0 =	vcmask $0x1310;
	s21 =	simm.s32 $0x3980;
	s22 =	simm.s32 $0x4180;
	[dreg:$0x1b] =	wrdreg s26  }
0x25: {  	v13 =	vsel vm1, $0x3F800000, v1;
	v9 =	vsel vm0, $0x3F800000, v1;
	vm0 =	vcmask $0x1714;
	s23 =	simm.s32 $0x4980;
	s25 =	simm.s32 $0x5980;
	[dreg:$0x1c] =	wrdreg s0  }
0x26: {  	vm1 =	vmmov $0xff;
	v10 =	vsel vm0, $0x3F800000, v1;
	vm0 =	vmmov $0xffff;
	[dreg:$0x1d] =	wrdreg s31;
	s24 =	simm.s32 $0x5180;
	s26 =	simm.s32 $0x1  }
.LBB2_1:
0x27: {  	[dreg:$0x1e] =	wrdreg s1;
	s0 =	simm.s32 $0x0;
	s1 =	simm.s32 $0x200  }
.LBB2_2:
0x28: {  	p0 =	sne.s32 s1, $0x2FE00;
	[tilespmem:s0+$0x81F0] =	vst v1  }
0x29: {  	[tilespmem:s0+$0x8180] =	vst v1  }
0x2a: {  	[tilespmem:s0+$0x8190] =	vst v1  }
.Ltmp0:
0x2b: {  	[tilespmem:s0+$0x81A0] =	vst v1;
	(pc) =	sbr.rel @p0 .LBB2_2-.Ltmp0, $4  }
0x2c: {  	[tilespmem:s0+$0x81B0] =	vst v1  }
0x2d: {  	[tilespmem:s0+$0x81C0] =	vst v1  }
0x2e: {  	[tilespmem:s0+$0x81D0] =	vst v1  }
0x2f: {  	[tilespmem:s0+$0x81E0] =	vst v1;
	s0 =	sshra.s32 s1, $0x2;
	s1 =	sadd.s32 $0x200, s1  }
0x30: {  	[tilespmem:s0+$0x81F0] =	vst v1  }
0x31: {  	[tilespmem:s0+$0x8180] =	vst v1  }
0x32: {  	[tilespmem:s0+$0x8190] =	vst v1  }
0x33: {  	[tilespmem:s0+$0x81A0] =	vst v1  }
0x34: {  	[tilespmem:s0+$0x81B0] =	vst v1  }
0x35: {  	[tilespmem:s0+$0x81C0] =	vst v1  }
0x36: {  	[tilespmem:s0+$0x81D0] =	vst v1  }
0x37: {  	[tilespmem:s0+$0x81E0] =	vst v1  }
0x38: {  	[spmem:s10] =	stream.linear.scatter [tilespmem:s13], [sflag:$0x3], $0xA800, $0x38;
	[tilespmem:$0x1F600] =	vst v63  }
0x39: {  	_ =	swait.ge [sflag:s14], $0xA800  }
0x3a: {  	[sflag:s14] =	ssyncset.done $0x0  }
0x3b: {  	s31 =	rddreg [dreg:$0x5];
	[sflag:s14] =	ssyncadd.s32 $0xFFFF5800  }
0x3c: {  	[spmem:s31] =	stream.linear.scatter [tilespmem:s13], [sflag:$0x3], $0xC00, $0x38;
	[tilespmem:$0x1F600] =	vst v63  }
0x3d: {  	_ =	swait.ge [sflag:s14], $0xC00  }
0x3e: {  	[sflag:s14] =	ssyncset.done $0x0  }
0x3f: {  	s18 =	smov.u32 s10;
	[sflag:s14] =	ssyncadd.s32 $0xFFFFF400  }
0x40: {  	s4 =	simm.s32 $0x0;
	s10 =	simm.s32 $0x0;
	[bflag:$0x0] =	sbarrier.arrive $0xFFFF  }
.LBB2_4:
0x41: {  	s0 =	sshll.u32 s10, $0x6  }
0x42: {  	s0 =	sadd.s32 s12, s0  }
0x43: {  	s1 =	rddreg [dreg:$0x1];
	s0 =	sshrl.u32 s0, $0x3  }
0x44: {  	s1 =	sadd.s32 s1, s0  }
0x45: {  	[tilespmem:s4], [sflag:$0x3] =	stream.linear.gather [hbm4b:s1+s4], $0x40, $0x38;
	[tilespmem:$0x1F600] =	vst v63  }
0x46: {  	_ =	swait.ge [sflag:s14], $0x40  }
0x47: {  	[sflag:s14] =	ssyncset.done $0x0  }
0x48: {  	s0 =	sadd.s32 s8, s0;
	[sflag:s14] =	ssyncadd.s32 $0xFFFFFFC0  }
0x49: {  	[tilespmem:s15], [sflag:$0x3] =	stream.linear.gather [hbm4b:s0+s4], $0x40, $0x38;
	[tilespmem:$0x1F600] =	vst v63  }
0x4a: {  	_ =	swait.ge [sflag:s14], $0x40  }
0x4b: {  	[sflag:s14] =	ssyncset.done $0x0  }
0x4c: {  	[sflag:s14] =	ssyncadd.s32 $0xFFFFFFC0  }
0x4d: {  	[tilespmem:s17], [sflag:$0x1] =	stream.indirect.gather [hbm4b:s6+s16], $0x80, s4, s16, $0xb8;
	[tilespmem:$0x1F600] =	vst v63  }
0x4e: {  	v37 =	vld [tilespmem:$0x80];
	_ =	sdelay $0x4  }
0x4f: {  	v38 =	vshll.u32 v37, $0x1  }
0x50: {  	v37 =	vand.u32 $0x7, v37;
	v38 =	vand.u32 $0xFFFFFFF0, v38  }
0x51: {  	v37 =	vor.u32 v37, v38  }
0x52: {  	v38 =	vperm.xlane v37, v3;
	_ =	sdelay $0x1  }
0x53: {  	v37 =	vperm.xlane v37, v12;
	v38 =	vadd.s32 v4, v38;
	_ =	sdelay $0x1  }
0x54: {  	v37 =	vadd.s32 v4, v37;
	_ =	sdelay $0x1  }
0x55: {  	s11 =	simm.s32 $0x2180  }
0x56: {  	[tilespmem:s11], [sflag:$0x2] =	stream.indirect_vreg.gather [hbm4b:s7+s4], $0x80, v38, vm0, $0xb8;
	[tilespmem:$0x1F600] =	vst v63  }
0x57: {  	_ = 	snop  }
0x58: {  	[tilespmem:s19], [sflag:$0x2] =	stream.indirect_vreg.gather [hbm4b:s7+s4], $0x80, v37, vm0, $0xb8;
	[tilespmem:$0x1F600] =	vst v63  }
0x59: {  	v37 =	vld [tilespmem:$0x90];
	_ =	sdelay $0x4  }
0x5a: {  	v56 =	vshll.u32 v37, $0x1  }
0x5b: {  	v37 =	vand.u32 $0x7, v37;
	v38 =	vand.u32 $0xFFFFFFF0, v56  }
0x5c: {  	v37 =	vor.u32 v37, v38  }
0x5d: {  	v38 =	vperm.xlane v37, v3;
	_ =	sdelay $0x1  }
0x5e: {  	v37 =	vperm.xlane v37, v12;
	v38 =	vadd.s32 v4, v38;
	_ =	sdelay $0x1  }
0x5f: {  	v37 =	vadd.s32 v4, v37;
	_ =	sdelay $0x2  }
0x60: {  	[tilespmem:s20], [sflag:$0x2] =	stream.indirect_vreg.gather [hbm4b:s7+s4], $0x80, v38, vm0, $0xb8;
	[tilespmem:$0x1F600] =	vst v63  }
0x61: {  	_ = 	snop  }
0x62: {  	[tilespmem:s21], [sflag:$0x2] =	stream.indirect_vreg.gather [hbm4b:s7+s4], $0x80, v37, vm0, $0xb8;
	[tilespmem:$0x1F600] =	vst v63  }
0x63: {  	v37 =	vld [tilespmem:$0xA0];
	_ =	sdelay $0x4  }
0x64: {  	v57 =	vshll.u32 v37, $0x1  }
0x65: {  	v37 =	vand.u32 $0x7, v37;
	v38 =	vand.u32 $0xFFFFFFF0, v57  }
0x66: {  	v37 =	vor.u32 v37, v38  }
0x67: {  	v38 =	vperm.xlane v37, v3;
	_ =	sdelay $0x1  }
0x68: {  	v37 =	vperm.xlane v37, v12;
	v38 =	vadd.s32 v4, v38;
	_ =	sdelay $0x1  }
0x69: {  	v37 =	vadd.s32 v4, v37;
	_ =	sdelay $0x2  }
0x6a: {  	[tilespmem:s22], [sflag:$0x2] =	stream.indirect_vreg.gather [hbm4b:s7+s4], $0x80, v38, vm0, $0xb8;
	[tilespmem:$0x1F600] =	vst v63  }
0x6b: {  	_ = 	snop  }
0x6c: {  	[tilespmem:s23], [sflag:$0x2] =	stream.indirect_vreg.gather [hbm4b:s7+s4], $0x80, v37, vm0, $0xb8;
	[tilespmem:$0x1F600] =	vst v63  }
0x6d: {  	v37 =	vld [tilespmem:$0xB0];
	_ =	sdelay $0x4  }
0x6e: {  	v58 =	vshll.u32 v37, $0x1  }
0x6f: {  	v37 =	vand.u32 $0x7, v37;
	v38 =	vand.u32 $0xFFFFFFF0, v58  }
0x70: {  	v37 =	vor.u32 v37, v38  }
0x71: {  	v38 =	vperm.xlane v37, v3;
	_ =	sdelay $0x1  }
0x72: {  	v37 =	vperm.xlane v37, v12;
	v38 =	vadd.s32 v4, v38;
	_ =	sdelay $0x1  }
0x73: {  	v37 =	vadd.s32 v4, v37;
	_ =	sdelay $0x2  }
0x74: {  	[tilespmem:s24], [sflag:$0x2] =	stream.indirect_vreg.gather [hbm4b:s7+s4], $0x80, v38, vm0, $0xb8;
	[tilespmem:$0x1F600] =	vst v63  }
0x75: {  	_ = 	snop  }
0x76: {  	[tilespmem:s25], [sflag:$0x2] =	stream.indirect_vreg.gather [hbm4b:s7+s4], $0x80, v37, vm0, $0xb8;
	[tilespmem:$0x1F600] =	vst v63  }
0x77: {  	v37 =	vld [tilespmem:$0x0]  }
0x78: {  	v38 =	vld [tilespmem:$0x10]  }
0x79: {  	v39 =	vld [tilespmem:$0x20]  }
0x7a: {  	v40 =	vld [tilespmem:$0x30];
	_ =	sdelay $0x1  }
0x7b: {  	v37 =	vsub.s32 v37, v0  }
0x7c: {  	v38 =	vsub.s32 v38, v0;
	v37 =	vmin.u32 v37, $0x1400  }
0x7d: {  	v60 =	vsub.s32 v39, v0;
	v59 =	vmin.u32 v38, $0x1400;
	[tilespmem:$0x100] =	vst v37  }
0x7e: {  	v62 =	vsub.s32 v40, v0;
	v61 =	vmin.u32 v60, $0x1400;
	[tilespmem:$0x110] =	vst v59  }
0x7f: {  	v63 =	vmin.u32 v62, $0x1400;
	[tilespmem:$0x120] =	vst v61  }
0x80: {  	[tilespmem:$0x130] =	vst v63  }
0x81: {  	_ =	swait.ge [sflag:s26], $0x2000  }
0x82: {  	[sflag:s26] =	ssyncset.done $0x0  }
0x83: {  	[sflag:s26] =	ssyncadd.s32 $0xFFFFE000  }
0x84: {  	s3 =	simm.s32 $0x61C0;
	_ =	swait.ge [sflag:s28], $0x4000  }
0x85: {  	s31 =	simm.s32 $0x0;
	s9 =	simm.s32 $0x0;
	[sflag:s28] =	ssyncset.done $0x0  }
0x86: {  	s0 =	simm.s32 $0x0;
	s11 =	simm.s32 $0x1C0;
	[sflag:s28] =	ssyncadd.s32 $0xFFFFC000  }
.LBB2_5:
0x87: {  	s1 =	sand.u32 $0x3800, s9;
	s2 =	sand.u32 $0x380, s31  }
0x88: {  	v37 =	vld [tilespmem:s11+$0xFFFFFFC0];
	s1 =	sor.u32 s2, s1  }
0x89: {  	v38 =	vld [tilespmem:s1+$0x2180];
	_ =	sdelay $0x4  }
0x8a: {  	v37 =	vmul.f32 v38, v37;
	_ =	sdelay $0x1  }
0x8b: {  	(xrf2) =	vadd.scan.msk.f32 $0xffff, v37;
	_ =	sdelay $0x9  }
0x8c: {  	v37, _, _ =	vpop (xrf2)  }
0x8d: {  	v37 =	vmul.f32 $2.500000000e-01, v37;
	_ =	sdelay $0x1  }
0x8e: {  	v37 =	vbroadcast v37, $0xF;
	_ =	sdelay $0x1  }
0x8f: {  	v51 =	vmul.f32 $2.000000030e-01, v37  }
0x90: {  	vm2 =	vge.f32 v37, $0.0e+00  }
0x91: {  	v37 =	vsel vm2, v37, v51  }
0x92: {  	v37 =	vmax.f32 v37, $-2.000000000e+01  }
0x93: {  	v37 =	vmin.f32 v37, $2.000000000e+01  }
0x94: {  	v37 =	vmul.f32 $1.442695020e+00, v37;
	_ =	sdelay $0x1  }
0x95: {  	(erf) = vpow2.f32 v37;
	_ =	sdelay $0x4  }
0x96: {  	v52 =	vld [tilespmem:s1+$0x2580];
	_ =	sdelay $0x3  }
0x97: {  	v38 =	vpop (erf)  }
0x98: {  	v37 =	vmul.f32 v38, v52;
	_ =	sdelay $0x1  }
0x99: {  	[tilespmem:s3+$0xFFFFFFC0] =	vst v37  }
0x9a: {  	v37 =	vld [tilespmem:s11+$0xFFFFFFD0]  }
0x9b: {  	v39 =	vld [tilespmem:s1+$0x2190];
	_ =	sdelay $0x4  }
0x9c: {  	v37 =	vmul.f32 v39, v37;
	_ =	sdelay $0x1  }
0x9d: {  	(xrf2) =	vadd.scan.msk.f32 $0xffff, v37;
	_ =	sdelay $0x9  }
0x9e: {  	v37, _, _ =	vpop (xrf2)  }
0x9f: {  	v37 =	vmul.f32 $2.500000000e-01, v37;
	_ =	sdelay $0x1  }
0xa0: {  	v37 =	vbroadcast v37, $0xF;
	_ =	sdelay $0x1  }
0xa1: {  	v53 =	vmul.f32 $2.000000030e-01, v37  }
0xa2: {  	vm2 =	vge.f32 v37, $0.0e+00  }
0xa3: {  	v37 =	vsel vm2, v37, v53  }
0xa4: {  	v37 =	vmax.f32 v37, $-2.000000000e+01  }
0xa5: {  	v37 =	vmin.f32 v37, $2.000000000e+01  }
0xa6: {  	v37 =	vmul.f32 $1.442695020e+00, v37;
	_ =	sdelay $0x1  }
0xa7: {  	(erf) = vpow2.f32 v37;
	_ =	sdelay $0x4  }
0xa8: {  	v54 =	vld [tilespmem:s1+$0x2590];
	_ =	sdelay $0x3  }
0xa9: {  	v39 =	vpop (erf)  }
0xaa: {  	v37 =	vmul.f32 v39, v54;
	_ =	sdelay $0x1  }
0xab: {  	[tilespmem:s3+$0xFFFFFFD0] =	vst v37  }
0xac: {  	v37 =	vld [tilespmem:s11+$0xFFFFFFE0]  }
0xad: {  	v40 =	vld [tilespmem:s1+$0x21A0];
	_ =	sdelay $0x4  }
0xae: {  	v37 =	vmul.f32 v40, v37;
	_ =	sdelay $0x1  }
0xaf: {  	(xrf2) =	vadd.scan.msk.f32 $0xffff, v37;
	_ =	sdelay $0x9  }
0xb0: {  	v37, _, _ =	vpop (xrf2)  }
0xb1: {  	v37 =	vmul.f32 $2.500000000e-01, v37;
	_ =	sdelay $0x1  }
0xb2: {  	v37 =	vbroadcast v37, $0xF;
	_ =	sdelay $0x1  }
0xb3: {  	v55 =	vmul.f32 $2.000000030e-01, v37  }
0xb4: {  	vm2 =	vge.f32 v37, $0.0e+00  }
0xb5: {  	v37 =	vsel vm2, v37, v55  }
0xb6: {  	v37 =	vmax.f32 v37, $-2.000000000e+01  }
0xb7: {  	v37 =	vmin.f32 v37, $2.000000000e+01  }
0xb8: {  	v37 =	vmul.f32 $1.442695020e+00, v37;
	_ =	sdelay $0x1  }
0xb9: {  	(erf) = vpow2.f32 v37;
	_ =	sdelay $0x4  }
0xba: {  	v56 =	vld [tilespmem:s1+$0x25A0];
	_ =	sdelay $0x3  }
0xbb: {  	v57 =	vpop (erf)  }
0xbc: {  	v37 =	vmul.f32 v57, v56;
	_ =	sdelay $0x1  }
0xbd: {  	[tilespmem:s3+$0xFFFFFFE0] =	vst v37  }
0xbe: {  	v37 =	vld [tilespmem:s11+$0xFFFFFFF0]  }
0xbf: {  	v41 =	vld [tilespmem:s1+$0x21B0];
	_ =	sdelay $0x4  }
0xc0: {  	v37 =	vmul.f32 v41, v37;
	_ =	sdelay $0x1  }
0xc1: {  	(xrf2) =	vadd.scan.msk.f32 $0xffff, v37;
	_ =	sdelay $0x9  }
0xc2: {  	v37, _, _ =	vpop (xrf2)  }
0xc3: {  	v37 =	vmul.f32 $2.500000000e-01, v37;
	_ =	sdelay $0x1  }
0xc4: {  	v37 =	vbroadcast v37, $0xF;
	_ =	sdelay $0x1  }
0xc5: {  	v58 =	vmul.f32 $2.000000030e-01, v37  }
0xc6: {  	vm2 =	vge.f32 v37, $0.0e+00  }
0xc7: {  	v37 =	vsel vm2, v37, v58  }
0xc8: {  	v37 =	vmax.f32 v37, $-2.000000000e+01  }
0xc9: {  	v37 =	vmin.f32 v37, $2.000000000e+01  }
0xca: {  	v37 =	vmul.f32 $1.442695020e+00, v37;
	_ =	sdelay $0x1  }
0xcb: {  	(erf) = vpow2.f32 v37;
	_ =	sdelay $0x4  }
0xcc: {  	v59 =	vld [tilespmem:s1+$0x25B0];
	_ =	sdelay $0x3  }
0xcd: {  	v60 =	vpop (erf)  }
0xce: {  	v37 =	vmul.f32 v60, v59;
	_ =	sdelay $0x1  }
0xcf: {  	[tilespmem:s3+$0xFFFFFFF0] =	vst v37  }
0xd0: {  	v37 =	vld [tilespmem:s11+$0x0]  }
0xd1: {  	v42 =	vld [tilespmem:s1+$0x21C0];
	_ =	sdelay $0x4  }
0xd2: {  	v37 =	vmul.f32 v42, v37;
	_ =	sdelay $0x1  }
0xd3: {  	(xrf2) =	vadd.scan.msk.f32 $0xffff, v37;
	_ =	sdelay $0x9  }
0xd4: {  	v37, _, _ =	vpop (xrf2)  }
0xd5: {  	v37 =	vmul.f32 $2.500000000e-01, v37;
	_ =	sdelay $0x1  }
0xd6: {  	v37 =	vbroadcast v37, $0xF;
	_ =	sdelay $0x1  }
0xd7: {  	v61 =	vmul.f32 $2.000000030e-01, v37  }
0xd8: {  	vm2 =	vge.f32 v37, $0.0e+00  }
0xd9: {  	v37 =	vsel vm2, v37, v61  }
0xda: {  	v37 =	vmax.f32 v37, $-2.000000000e+01  }
0xdb: {  	v37 =	vmin.f32 v37, $2.000000000e+01  }
0xdc: {  	v37 =	vmul.f32 $1.442695020e+00, v37;
	_ =	sdelay $0x1  }
0xdd: {  	(erf) = vpow2.f32 v37;
	_ =	sdelay $0x4  }
0xde: {  	v62 =	vld [tilespmem:s1+$0x25C0];
	_ =	sdelay $0x3  }
0xdf: {  	v63 =	vpop (erf)  }
0xe0: {  	v37 =	vmul.f32 v63, v62;
	_ =	sdelay $0x1  }
0xe1: {  	[tilespmem:s3+$0x0] =	vst v37  }
0xe2: {  	v37 =	vld [tilespmem:s11+$0x10]  }
0xe3: {  	v43 =	vld [tilespmem:s1+$0x21D0];
	_ =	sdelay $0x4  }
0xe4: {  	v37 =	vmul.f32 v43, v37;
	_ =	sdelay $0x1  }
0xe5: {  	(xrf2) =	vadd.scan.msk.f32 $0xffff, v37;
	_ =	sdelay $0x9  }
0xe6: {  	v37, _, _ =	vpop (xrf2)  }
0xe7: {  	v37 =	vmul.f32 $2.500000000e-01, v37;
	_ =	sdelay $0x1  }
0xe8: {  	v37 =	vbroadcast v37, $0xF;
	_ =	sdelay $0x1  }
0xe9: {  	v46 =	vmul.f32 $2.000000030e-01, v37  }
0xea: {  	vm2 =	vge.f32 v37, $0.0e+00  }
0xeb: {  	v37 =	vsel vm2, v37, v46  }
0xec: {  	v37 =	vmax.f32 v37, $-2.000000000e+01  }
0xed: {  	v37 =	vmin.f32 v37, $2.000000000e+01  }
0xee: {  	v37 =	vmul.f32 $1.442695020e+00, v37;
	_ =	sdelay $0x1  }
0xef: {  	(erf) = vpow2.f32 v37;
	_ =	sdelay $0x4  }
0xf0: {  	v47 =	vld [tilespmem:s1+$0x25D0];
	_ =	sdelay $0x3  }
0xf1: {  	v48 =	vpop (erf)  }
0xf2: {  	v37 =	vmul.f32 v48, v47;
	_ =	sdelay $0x1  }
0xf3: {  	[tilespmem:s3+$0x10] =	vst v37  }
0xf4: {  	v37 =	vld [tilespmem:s11+$0x20]  }
0xf5: {  	v44 =	vld [tilespmem:s1+$0x21E0];
	_ =	sdelay $0x4  }
0xf6: {  	v37 =	vmul.f32 v44, v37;
	_ =	sdelay $0x1  }
0xf7: {  	(xrf2) =	vadd.scan.msk.f32 $0xffff, v37;
	_ =	sdelay $0x9  }
0xf8: {  	v37, _, _ =	vpop (xrf2)  }
0xf9: {  	v37 =	vmul.f32 $2.500000000e-01, v37;
	_ =	sdelay $0x1  }
0xfa: {  	v37 =	vbroadcast v37, $0xF;
	_ =	sdelay $0x1  }
0xfb: {  	v49 =	vmul.f32 $2.000000030e-01, v37  }
0xfc: {  	vm2 =	vge.f32 v37, $0.0e+00  }
0xfd: {  	v37 =	vsel vm2, v37, v49  }
0xfe: {  	v37 =	vmax.f32 v37, $-2.000000000e+01  }
0xff: {  	v37 =	vmin.f32 v37, $2.000000000e+01  }
0x100: {  	v37 =	vmul.f32 $1.442695020e+00, v37;
	_ =	sdelay $0x1  }
0x101: {  	(erf) = vpow2.f32 v37;
	_ =	sdelay $0x4  }
0x102: {  	v50 =	vld [tilespmem:s1+$0x25E0];
	_ =	sdelay $0x3  }
0x103: {  	v51 =	vpop (erf)  }
0x104: {  	v37 =	vmul.f32 v51, v50;
	_ =	sdelay $0x1  }
0x105: {  	[tilespmem:s3+$0x20] =	vst v37  }
0x106: {  	v37 =	vld [tilespmem:s11+$0x30]  }
0x107: {  	v45 =	vld [tilespmem:s1+$0x21F0];
	_ =	sdelay $0x4  }
0x108: {  	v37 =	vmul.f32 v45, v37;
	_ =	sdelay $0x1  }
0x109: {  	(xrf2) =	vadd.scan.msk.f32 $0xffff, v37;
	_ =	sdelay $0x9  }
0x10a: {  	v37, _, _ =	vpop (xrf2)  }
0x10b: {  	v37 =	vmul.f32 $2.500000000e-01, v37;
	_ =	sdelay $0x1  }
0x10c: {  	v37 =	vbroadcast v37, $0xF;
	_ =	sdelay $0x1  }
0x10d: {  	v52 =	vmul.f32 $2.000000030e-01, v37  }
0x10e: {  	vm2 =	vge.f32 v37, $0.0e+00  }
0x10f: {  	v37 =	vsel vm2, v37, v52  }
0x110: {  	v37 =	vmax.f32 v37, $-2.000000000e+01  }
0x111: {  	v37 =	vmin.f32 v37, $2.000000000e+01  }
0x112: {  	v37 =	vmul.f32 $1.442695020e+00, v37;
	_ =	sdelay $0x1  }
0x113: {  	(erf) = vpow2.f32 v37;
	_ =	sdelay $0x4  }
0x114: {  	v53 =	vld [tilespmem:s1+$0x25F0];
	_ =	sdelay $0x2  }
0x115: {  	v38 =	vmul.f32 v5, v38;
	v54 =	vmov s0  }
0x116: {  	v46 =	vpop (erf)  }
0x117: {  	v38 =	vadd.f32 $0.0e+00, v38;
	v39 =	vmul.f32 v6, v39;
	v37 =	vmul.f32 v46, v53;
	_ =	sdelay $0x1  }
0x118: {  	v38 =	vadd.f32 v39, v38;
	v55 =	vmul.f32 v7, v57;
	[tilespmem:s3+$0x30] =	vst v37  }
0x119: {  	v58 =	vld.idx.msk [tilespmem:v54+s5+$0x0], $0xffff  }
0x11a: {  	v56 =	vadd.f32 v55, v38;
	v57 =	vmul.f32 v8, v60;
	_ =	sdelay $0x1  }
0x11b: {  	v59 =	vmul.f32 v9, v63;
	v37 =	vadd.f32 v57, v56;
	_ =	sdelay $0x1  }
0x11c: {  	v60 =	vmul.f32 v10, v48;
	v37 =	vadd.f32 v59, v37;
	v39 =	vsub.s32 v58, v0  }
0x11d: {  	v62 =	vmul.f32 v11, v51;
	vm2 =	vlt.u32 v39, $0x1400;
	v61 =	vshll.u32 v39, $0x3  }
0x11e: {  	v37 =	vadd.f32 v60, v37;
	vm2 =	vmand vm2, vm1;
	v38 =	vadd.s32 v2, v61  }
0x11f: {  	p0 =	sne.s32 s0, $0x3F;
	v38 =	vnsel vm2, $0x0, v38  }
.Ltmp1:
0x120: {  	v63 =	vmul.f32 v13, v46;
	v37 =	vadd.f32 v62, v37;
	(pc) =	sbr.rel @p0 .LBB2_5-.Ltmp1, $4  }
0x121: {  	_ = 	snop  }
0x122: {  	v37 =	vadd.f32 v63, v37  }
0x123: {  	s9 =	sadd.s32 $0x100, s9;
	s31 =	sadd.s32 $0x80, s31  }
0x124: {  	s0 =	sadd.s32 $0x1, s0;
	s11 =	sadd.s32 $0x80, s11;
	s3 =	sadd.s32 $0x80, s3;
	[tilespmem:v38+s13+$0x0] =	vst.idx.add.f32.msk vm2, v37  }
0x125: {  	s10 =	sadd.s32 $0x1, s10  }
0x126: {  	p0 =	sne.s32 s10, $0x139  }
.Ltmp2:
0x127: {  	s0 =	rddreg [dreg:$0x2];
	(pc) =	sbr.rel @p0 .LBB2_4-.Ltmp2, $4  }
0x128: {  	[spmem:s0] =	stream.indirect.scatter.add.f32 [tilespmem:s30], [sflag:$0x3], $0x80, s29, s16, $0xb8;
	[tilespmem:$0x1F600] =	vst v63  }
0x129: {  	_ =	swait.ge [sflag:s14], $0x2000  }
0x12a: {  	[sflag:s14] =	ssyncset.done $0x0  }
0x12b: {  	[sflag:s14] =	ssyncadd.s32 $0xFFFFE000  }
0x12c: {  	[bflag:$0x0] =	sbarrier.arrive $0xFFFF  }
0x12d: {  	[tilespmem:$0x14180] =	vst v2  }
0x12e: {  	[tilespmem:$0x14190] =	vst v14  }
0x12f: {  	[tilespmem:$0x141A0] =	vst v15  }
0x130: {  	[tilespmem:$0x141B0] =	vst v16  }
0x131: {  	[tilespmem:$0x141C0] =	vst v17  }
0x132: {  	[tilespmem:$0x141D0] =	vst v18  }
0x133: {  	[tilespmem:$0x141E0] =	vst v19  }
0x134: {  	s1 =	simm.s32 $0x14180;
	[tilespmem:$0x141F0] =	vst v20;
	s0 =	rddreg [dreg:$0x3]  }
0x135: {  	[spmem:s0] =	stream.indirect.scatter.add.f32 [tilespmem:s13], [sflag:$0x3], $0x80, s1, s15, $0xb8;
	[tilespmem:$0x1F600] =	vst v63  }
0x136: {  	_ =	swait.ge [sflag:s14], $0x4000  }
0x137: {  	[sflag:s14] =	ssyncset.done $0x0  }
0x138: {  	[sflag:s14] =	ssyncadd.s32 $0xFFFFC000  }
0x139: {  	[tilespmem:$0x14180] =	vst v21  }
0x13a: {  	[tilespmem:$0x14190] =	vst v22  }
0x13b: {  	[tilespmem:$0x141A0] =	vst v23  }
0x13c: {  	[tilespmem:$0x141B0] =	vst v24  }
0x13d: {  	[tilespmem:$0x141C0] =	vst v25  }
0x13e: {  	[tilespmem:$0x141D0] =	vst v26  }
0x13f: {  	[tilespmem:$0x141E0] =	vst v27  }
0x140: {  	s2 =	simm.s32 $0xC180;
	[tilespmem:$0x141F0] =	vst v28  }
0x141: {  	[spmem:s0] =	stream.indirect.scatter.add.f32 [tilespmem:s2], [sflag:$0x3], $0x80, s1, s15, $0xb8;
	[tilespmem:$0x1F600] =	vst v63  }
0x142: {  	_ =	swait.ge [sflag:s14], $0x4000  }
0x143: {  	[sflag:s14] =	ssyncset.done $0x0  }
0x144: {  	[sflag:s14] =	ssyncadd.s32 $0xFFFFC000  }
0x145: {  	[tilespmem:$0x14180] =	vst v29  }
0x146: {  	[tilespmem:$0x14190] =	vst v30  }
0x147: {  	[tilespmem:$0x141A0] =	vst v31  }
0x148: {  	[tilespmem:$0x141B0] =	vst v32  }
0x149: {  	[tilespmem:$0x141C0] =	vst v33  }
0x14a: {  	[tilespmem:$0x141D0] =	vst v34  }
0x14b: {  	[tilespmem:$0x141E0] =	vst v35  }
0x14c: {  	s9 =	simm.s32 $0x10180;
	[tilespmem:$0x141F0] =	vst v36  }
0x14d: {  	[spmem:s0] =	stream.indirect.scatter.add.f32 [tilespmem:s9], [sflag:$0x3], $0x80, s1, s15, $0xb8;
	[tilespmem:$0x1F600] =	vst v63  }
0x14e: {  	_ =	swait.ge [sflag:s14], $0x4000  }
0x14f: {  	[sflag:s14] =	ssyncset.done $0x0  }
0x150: {  	s10 =	stileid.u32;
	[sflag:s14] =	ssyncadd.s32 $0xFFFFC000  }
0x151: {  	s11 =	sshrl.u32 s18, $0x3;
	s0 =	sshll.u32 s10, $0x6;
	[bflag:$0x0] =	sbarrier.arrive $0xFFFF  }
0x152: {  	s10 =	smov.u32 s18;
	s0 =	sor.u32 $0x1C03, s0;
	s18 =	rddreg [dreg:$0x6]  }
0x153: {  	[hbm:s18], [sflag:s0] =	dma.local [spmem:s11], $0x1500  }
0x154: {  	_ =	swait.ge [sflag:s14], $0x1500  }
0x155: {  	s31 =	simm.s32 $0x0;
	[sflag:s14] =	ssyncset.done $0x0  }
0x156: {  	v37 =	vmov s31;
	s1 =	rddreg [dreg:$0x7];
	[sflag:s14] =	ssyncadd.s32 $0xFFFFEB00  }
0x157: {  	[tilespmem:s17], [sflag:$0x3] =	stream.linear.gather [spmem:s1], $0xA80, $0x38;
	[tilespmem:$0x1F600] =	vst v63  }
0x158: {  	_ =	swait.ge [sflag:s14], $0xA80  }
0x159: {  	[sflag:s14] =	ssyncset.done $0x0  }
0x15a: {  	[sflag:s14] =	ssyncadd.s32 $0xFFFFF580  }
0x15b: {  	s2 =	simm.s32 $0x1;
	v37 =	vld.idx.msk [tilespmem:v37+s17+$0x0], $0xffff  }
0x15c: {  	v38 =	vmov s2;
	_ =	sdelay $0x2  }
0x15d: {  	s0 =	simm.s32 $0x61C0  }
0x15e: {  	[tilespmem:s0+$0xFFFFFFC0] =	vst v37  }
0x15f: {  	s3 =	simm.s32 $0x2;
	v37 =	vld.idx.msk [tilespmem:v38+s17+$0x0], $0xffff  }
0x160: {  	v58 =	vmov s3;
	_ =	sdelay $0x3  }
0x161: {  	[tilespmem:s0+$0xFFFFFFD0] =	vst v37  }
0x162: {  	s4 =	simm.s32 $0x3;
	v37 =	vld.idx.msk [tilespmem:v58+s17+$0x0], $0xffff  }
0x163: {  	v59 =	vmov s4;
	_ =	sdelay $0x3  }
0x164: {  	[tilespmem:s0+$0xFFFFFFE0] =	vst v37  }
0x165: {  	s9 =	simm.s32 $0x4;
	v37 =	vld.idx.msk [tilespmem:v59+s17+$0x0], $0xffff  }
0x166: {  	v60 =	vmov s9;
	_ =	sdelay $0x3  }
0x167: {  	[tilespmem:s0+$0xFFFFFFF0] =	vst v37  }
0x168: {  	s11 =	simm.s32 $0x5;
	v37 =	vld.idx.msk [tilespmem:v60+s17+$0x0], $0xffff  }
0x169: {  	v61 =	vmov s11;
	_ =	sdelay $0x3  }
0x16a: {  	[tilespmem:s0+$0x0] =	vst v37  }
0x16b: {  	s18 =	simm.s32 $0x6;
	v37 =	vld.idx.msk [tilespmem:v61+s17+$0x0], $0xffff  }
0x16c: {  	v62 =	vmov s18;
	_ =	sdelay $0x3  }
0x16d: {  	[tilespmem:s0+$0x10] =	vst v37  }
0x16e: {  	s31 =	simm.s32 $0x7;
	v37 =	vld.idx.msk [tilespmem:v62+s17+$0x0], $0xffff  }
0x16f: {  	v63 =	vmov s31;
	_ =	sdelay $0x3  }
0x170: {  	[tilespmem:s0+$0x20] =	vst v37  }
0x171: {  	s4 =	simm.s32 $0x8;
	s3 =	simm.s32 $0x17;
	s1 =	simm.s32 $0xF;
	v37 =	vld.idx.msk [tilespmem:v63+s17+$0x0], $0xffff  }
.LBB2_8:
0x172: {  	p0 =	sne.s32 s3, $0x7F;
	v38 =	vmov s4;
	_ =	sdelay $0x3  }
0x173: {  	[tilespmem:s0+$0x30] =	vst v37  }
0x174: {  	v37 =	vld.idx.msk [tilespmem:v38+s17+$0x0], $0xffff  }
0x175: {  	s2 =	sadd.s32 $0xFFFFFFFA, s1  }
0x176: {  	v38 =	vmov s2;
	_ =	sdelay $0x2  }
0x177: {  	s0 =	sadd.s32 $0x80, s0  }
0x178: {  	[tilespmem:s0+$0xFFFFFFC0] =	vst v37  }
0x179: {  	v37 =	vld.idx.msk [tilespmem:v38+s17+$0x0], $0xffff  }
0x17a: {  	s2 =	sadd.s32 $0xFFFFFFFB, s1  }
0x17b: {  	v38 =	vmov s2;
	_ =	sdelay $0x3  }
0x17c: {  	[tilespmem:s0+$0xFFFFFFD0] =	vst v37  }
0x17d: {  	v37 =	vld.idx.msk [tilespmem:v38+s17+$0x0], $0xffff  }
0x17e: {  	s2 =	sadd.s32 $0xFFFFFFFC, s1  }
0x17f: {  	v38 =	vmov s2;
	_ =	sdelay $0x3  }
0x180: {  	[tilespmem:s0+$0xFFFFFFE0] =	vst v37  }
0x181: {  	v37 =	vld.idx.msk [tilespmem:v38+s17+$0x0], $0xffff  }
0x182: {  	s2 =	sadd.s32 $0xFFFFFFFD, s1  }
0x183: {  	v38 =	vmov s2;
	_ =	sdelay $0x3  }
0x184: {  	[tilespmem:s0+$0xFFFFFFF0] =	vst v37  }
0x185: {  	v37 =	vld.idx.msk [tilespmem:v38+s17+$0x0], $0xffff  }
0x186: {  	s2 =	sadd.s32 $0xFFFFFFFE, s1  }
0x187: {  	v38 =	vmov s2;
	_ =	sdelay $0x3  }
0x188: {  	[tilespmem:s0+$0x0] =	vst v37  }
0x189: {  	v37 =	vld.idx.msk [tilespmem:v38+s17+$0x0], $0xffff  }
0x18a: {  	s2 =	sadd.s32 $0xFFFFFFFF, s1  }
0x18b: {  	v38 =	vmov s2;
	_ =	sdelay $0x3  }
0x18c: {  	[tilespmem:s0+$0x10] =	vst v37  }
0x18d: {  	v37 =	vld.idx.msk [tilespmem:v38+s17+$0x0], $0xffff;
	_ =	sdelay $0x1  }
0x18e: {  	v38 =	vmov s1;
	s1 =	smov.u32 s3;
	_ =	sdelay $0x1  }
.Ltmp3:
0x18f: {  	(pc) =	sbr.rel @p0 .LBB2_8-.Ltmp3, $4  }
0x190: {  	_ = 	snop  }
0x191: {  	[tilespmem:s0+$0x20] =	vst v37  }
0x192: {  	v37 =	vld.idx.msk [tilespmem:v38+s17+$0x0], $0xffff  }
0x193: {  	s3 =	sadd.s32 $0x8, s3;
	s4 =	sadd.s32 $0xFFFFFFF9, s1  }
0x194: {  	v38 =	vmov s4;
	_ =	sdelay $0x3  }
0x195: {  	[tilespmem:s0+$0x30] =	vst v37  }
0x196: {  	s2 =	sadd.s32 $0xFFFFFFFA, s1;
	v37 =	vld.idx.msk [tilespmem:v38+s17+$0x0], $0xffff  }
0x197: {  	v50 =	vmov s2;
	_ =	sdelay $0x2  }
0x198: {  	s0 =	sadd.s32 $0x80, s0  }
0x199: {  	[tilespmem:s0+$0xFFFFFFC0] =	vst v37  }
0x19a: {  	s3 =	sadd.s32 $0xFFFFFFFB, s1;
	v37 =	vld.idx.msk [tilespmem:v50+s17+$0x0], $0xffff  }
0x19b: {  	v51 =	vmov s3;
	_ =	sdelay $0x3  }
0x19c: {  	[tilespmem:s0+$0xFFFFFFD0] =	vst v37  }
0x19d: {  	s4 =	sadd.s32 $0xFFFFFFFC, s1;
	v37 =	vld.idx.msk [tilespmem:v51+s17+$0x0], $0xffff  }
0x19e: {  	v52 =	vmov s4;
	_ =	sdelay $0x3  }
0x19f: {  	[tilespmem:s0+$0xFFFFFFE0] =	vst v37  }
0x1a0: {  	s9 =	sadd.s32 $0xFFFFFFFD, s1;
	v37 =	vld.idx.msk [tilespmem:v52+s17+$0x0], $0xffff  }
0x1a1: {  	v53 =	vmov s9;
	_ =	sdelay $0x3  }
0x1a2: {  	[tilespmem:s0+$0xFFFFFFF0] =	vst v37  }
0x1a3: {  	s11 =	sadd.s32 $0xFFFFFFFE, s1;
	v37 =	vld.idx.msk [tilespmem:v53+s17+$0x0], $0xffff  }
0x1a4: {  	v54 =	vmov s11;
	_ =	sdelay $0x3  }
0x1a5: {  	[tilespmem:s0+$0x0] =	vst v37  }
0x1a6: {  	s18 =	sadd.s32 $0xFFFFFFFF, s1;
	v37 =	vld.idx.msk [tilespmem:v54+s17+$0x0], $0xffff  }
0x1a7: {  	v55 =	vmov s18;
	_ =	sdelay $0x3  }
0x1a8: {  	[tilespmem:s0+$0x10] =	vst v37  }
0x1a9: {  	v37 =	vld.idx.msk [tilespmem:v55+s17+$0x0], $0xffff  }
0x1aa: {  	v56 =	vmov s1;
	_ =	sdelay $0x3  }
0x1ab: {  	[tilespmem:s0+$0x20] =	vst v37  }
0x1ac: {  	v37 =	vld.idx.msk [tilespmem:v56+s17+$0x0], $0xffff  }
0x1ad: {  	s31 =	simm.s32 $0x80  }
0x1ae: {  	s1 =	sand.u32 $0xFFFFFF80, s31  }
0x1af: {  	s2 =	sadd.s32 $0x7, s1  }
0x1b0: {  	s1 =	sadd.s32 $0xFFFFFFF9, s2  }
0x1b1: {  	v57 =	vmov s1;
	s1 =	rddreg [dreg:$0x8];
	[tilespmem:s0+$0x30] =	vst v37  }
0x1b2: {  	[hbm4b:s1+s5] =	stream.linear.scatter [tilespmem:s30], [sflag:$0x3], $0x800, $0x38;
	[tilespmem:$0x1F600] =	vst v63  }
0x1b3: {  	_ =	swait.ge [sflag:s14], $0x800  }
0x1b4: {  	[sflag:s14] =	ssyncset.done $0x0  }
0x1b5: {  	[sflag:s14] =	ssyncadd.s32 $0xFFFFF800  }
0x1b6: {  	s3 =	sadd.s32 $0xFFFFFFFA, s2;
	v37 =	vld.idx.msk [tilespmem:v57+s17+$0x0], $0xffff  }
0x1b7: {  	v58 =	vmov s3;
	_ =	sdelay $0x2  }
0x1b8: {  	s0 =	simm.s32 $0x61C0  }
0x1b9: {  	[tilespmem:s0+$0xFFFFFFC0] =	vst v37  }
0x1ba: {  	s4 =	sadd.s32 $0xFFFFFFFB, s2;
	v37 =	vld.idx.msk [tilespmem:v58+s17+$0x0], $0xffff  }
0x1bb: {  	v59 =	vmov s4;
	_ =	sdelay $0x3  }
0x1bc: {  	[tilespmem:s0+$0xFFFFFFD0] =	vst v37  }
0x1bd: {  	s9 =	sadd.s32 $0xFFFFFFFC, s2;
	v37 =	vld.idx.msk [tilespmem:v59+s17+$0x0], $0xffff  }
0x1be: {  	v60 =	vmov s9;
	_ =	sdelay $0x3  }
0x1bf: {  	[tilespmem:s0+$0xFFFFFFE0] =	vst v37  }
0x1c0: {  	s11 =	sadd.s32 $0xFFFFFFFD, s2;
	v37 =	vld.idx.msk [tilespmem:v60+s17+$0x0], $0xffff  }
0x1c1: {  	v61 =	vmov s11;
	_ =	sdelay $0x3  }
0x1c2: {  	[tilespmem:s0+$0xFFFFFFF0] =	vst v37  }
0x1c3: {  	s18 =	sadd.s32 $0xFFFFFFFE, s2;
	v37 =	vld.idx.msk [tilespmem:v61+s17+$0x0], $0xffff  }
0x1c4: {  	v62 =	vmov s18;
	_ =	sdelay $0x3  }
0x1c5: {  	[tilespmem:s0+$0x0] =	vst v37  }
0x1c6: {  	s31 =	sadd.s32 $0xFFFFFFFF, s2;
	v37 =	vld.idx.msk [tilespmem:v62+s17+$0x0], $0xffff  }
0x1c7: {  	v63 =	vmov s31;
	_ =	sdelay $0x3  }
0x1c8: {  	[tilespmem:s0+$0x10] =	vst v37  }
0x1c9: {  	v38 =	vld.idx.msk [tilespmem:v63+s17+$0x0], $0xffff  }
0x1ca: {  	v37 =	vmov s2;
	_ =	sdelay $0x1  }
0x1cb: {  	s3 =	simm.s32 $0x11  }
0x1cc: {  	s9 =	simm.s32 $0x88;
	s4 =	simm.s32 $0x17;
	s1 =	simm.s32 $0xF  }
.LBB2_10:
0x1cd: {  	p0 =	sne.s32 s4, $0x7F;
	s2 =	sand.u32 $0xFFFFFF80, s9;
	[tilespmem:s0+$0x20] =	vst v38  }
0x1ce: {  	s9 =	sadd.s32 s2, s1;
	v37 =	vld.idx.msk [tilespmem:v37+s17+$0x0], $0xffff;
	s1 =	smov.u32 s4  }
0x1cf: {  	s2 =	sadd.s32 $0xFFFFFFF9, s9  }
0x1d0: {  	v38 =	vmov s2;
	_ =	sdelay $0x3  }
0x1d1: {  	[tilespmem:s0+$0x30] =	vst v37  }
0x1d2: {  	v37 =	vld.idx.msk [tilespmem:v38+s17+$0x0], $0xffff  }
0x1d3: {  	s2 =	sadd.s32 $0xFFFFFFFA, s9  }
0x1d4: {  	v38 =	vmov s2;
	_ =	sdelay $0x2  }
0x1d5: {  	s0 =	sadd.s32 $0x80, s0  }
0x1d6: {  	[tilespmem:s0+$0xFFFFFFC0] =	vst v37  }
0x1d7: {  	v37 =	vld.idx.msk [tilespmem:v38+s17+$0x0], $0xffff  }
0x1d8: {  	s2 =	sadd.s32 $0xFFFFFFFB, s9  }
0x1d9: {  	v38 =	vmov s2;
	_ =	sdelay $0x3  }
0x1da: {  	[tilespmem:s0+$0xFFFFFFD0] =	vst v37  }
0x1db: {  	v37 =	vld.idx.msk [tilespmem:v38+s17+$0x0], $0xffff  }
0x1dc: {  	s2 =	sadd.s32 $0xFFFFFFFC, s9  }
0x1dd: {  	v38 =	vmov s2;
	_ =	sdelay $0x3  }
0x1de: {  	[tilespmem:s0+$0xFFFFFFE0] =	vst v37  }
0x1df: {  	v37 =	vld.idx.msk [tilespmem:v38+s17+$0x0], $0xffff  }
0x1e0: {  	s2 =	sadd.s32 $0xFFFFFFFD, s9  }
0x1e1: {  	v38 =	vmov s2;
	_ =	sdelay $0x3  }
0x1e2: {  	[tilespmem:s0+$0xFFFFFFF0] =	vst v37  }
0x1e3: {  	v37 =	vld.idx.msk [tilespmem:v38+s17+$0x0], $0xffff  }
0x1e4: {  	s2 =	sadd.s32 $0xFFFFFFFE, s9  }
0x1e5: {  	v38 =	vmov s2;
	_ =	sdelay $0x3  }
0x1e6: {  	[tilespmem:s0+$0x0] =	vst v37  }
0x1e7: {  	v37 =	vld.idx.msk [tilespmem:v38+s17+$0x0], $0xffff  }
0x1e8: {  	s2 =	sadd.s32 $0xFFFFFFFF, s9  }
0x1e9: {  	v38 =	vmov s2;
	_ =	sdelay $0x3  }
0x1ea: {  	[tilespmem:s0+$0x10] =	vst v37  }
0x1eb: {  	v38 =	vld.idx.msk [tilespmem:v38+s17+$0x0], $0xffff  }
.Ltmp4:
0x1ec: {  	(pc) =	sbr.rel @p0 .LBB2_10-.Ltmp4, $3  }
0x1ed: {  	v37 =	vmov s9;
	_ =	sdelay $0x1  }
0x1ee: {  	s3 =	sadd.s32 $0x1, s3  }
0x1ef: {  	s4 =	sadd.s32 $0x8, s4;
	s9 =	sshll.u32 s3, $0x3  }
0x1f0: {  	_ =	sdelay $0x1  }
0x1f1: {  	s2 =	sand.u32 $0xFFFFFF80, s9  }
0x1f2: {  	[tilespmem:s0+$0x20] =	vst v38;
	s1 =	sadd.s32 s2, s1  }
0x1f3: {  	v37 =	vld.idx.msk [tilespmem:v37+s17+$0x0], $0xffff;
	s2 =	sadd.s32 $0xFFFFFFF9, s1  }
0x1f4: {  	v49 =	vmov s2;
	_ =	sdelay $0x3  }
0x1f5: {  	[tilespmem:s0+$0x30] =	vst v37  }
0x1f6: {  	s31 =	sadd.s32 $0xFFFFFFFA, s1;
	v37 =	vld.idx.msk [tilespmem:v49+s17+$0x0], $0xffff  }
0x1f7: {  	v50 =	vmov s31;
	_ =	sdelay $0x2  }
0x1f8: {  	s0 =	sadd.s32 $0x80, s0  }
0x1f9: {  	[tilespmem:s0+$0xFFFFFFC0] =	vst v37  }
0x1fa: {  	s3 =	sadd.s32 $0xFFFFFFFB, s1;
	v37 =	vld.idx.msk [tilespmem:v50+s17+$0x0], $0xffff  }
0x1fb: {  	v51 =	vmov s3;
	_ =	sdelay $0x3  }
0x1fc: {  	[tilespmem:s0+$0xFFFFFFD0] =	vst v37  }
0x1fd: {  	s4 =	sadd.s32 $0xFFFFFFFC, s1;
	v37 =	vld.idx.msk [tilespmem:v51+s17+$0x0], $0xffff  }
0x1fe: {  	v52 =	vmov s4;
	_ =	sdelay $0x3  }
0x1ff: {  	[tilespmem:s0+$0xFFFFFFE0] =	vst v37  }
0x200: {  	s9 =	sadd.s32 $0xFFFFFFFD, s1;
	v37 =	vld.idx.msk [tilespmem:v52+s17+$0x0], $0xffff  }
0x201: {  	v53 =	vmov s9;
	_ =	sdelay $0x3  }
0x202: {  	[tilespmem:s0+$0xFFFFFFF0] =	vst v37  }
0x203: {  	s11 =	sadd.s32 $0xFFFFFFFE, s1;
	v37 =	vld.idx.msk [tilespmem:v53+s17+$0x0], $0xffff  }
0x204: {  	v54 =	vmov s11;
	_ =	sdelay $0x3  }
0x205: {  	[tilespmem:s0+$0x0] =	vst v37  }
0x206: {  	s18 =	sadd.s32 $0xFFFFFFFF, s1;
	v37 =	vld.idx.msk [tilespmem:v54+s17+$0x0], $0xffff  }
0x207: {  	v55 =	vmov s18;
	_ =	sdelay $0x3  }
0x208: {  	[tilespmem:s0+$0x10] =	vst v37  }
0x209: {  	v37 =	vld.idx.msk [tilespmem:v55+s17+$0x0], $0xffff  }
0x20a: {  	v56 =	vmov s1;
	_ =	sdelay $0x3  }
0x20b: {  	[tilespmem:s0+$0x20] =	vst v37  }
0x20c: {  	v37 =	vld.idx.msk [tilespmem:v56+s17+$0x0], $0xffff  }
0x20d: {  	s31 =	simm.s32 $0x100  }
0x20e: {  	s1 =	sand.u32 $0xFFFFFF80, s31  }
0x20f: {  	s2 =	sadd.s32 $0x7, s1  }
0x210: {  	s1 =	sadd.s32 $0xFFFFFFF9, s2  }
0x211: {  	v57 =	vmov s1;
	s1 =	rddreg [dreg:$0x9];
	[tilespmem:s0+$0x30] =	vst v37  }
0x212: {  	[hbm4b:s1+s5] =	stream.linear.scatter [tilespmem:s30], [sflag:$0x3], $0x800, $0x38;
	[tilespmem:$0x1F600] =	vst v63  }
0x213: {  	_ =	swait.ge [sflag:s14], $0x800  }
0x214: {  	[sflag:s14] =	ssyncset.done $0x0  }
0x215: {  	[sflag:s14] =	ssyncadd.s32 $0xFFFFF800  }
0x216: {  	s3 =	sadd.s32 $0xFFFFFFFA, s2;
	v37 =	vld.idx.msk [tilespmem:v57+s17+$0x0], $0xffff  }
0x217: {  	v58 =	vmov s3;
	_ =	sdelay $0x2  }
0x218: {  	s0 =	simm.s32 $0x61C0  }
0x219: {  	[tilespmem:s0+$0xFFFFFFC0] =	vst v37  }
0x21a: {  	s4 =	sadd.s32 $0xFFFFFFFB, s2;
	v37 =	vld.idx.msk [tilespmem:v58+s17+$0x0], $0xffff  }
0x21b: {  	v59 =	vmov s4;
	_ =	sdelay $0x3  }
0x21c: {  	[tilespmem:s0+$0xFFFFFFD0] =	vst v37  }
0x21d: {  	s9 =	sadd.s32 $0xFFFFFFFC, s2;
	v37 =	vld.idx.msk [tilespmem:v59+s17+$0x0], $0xffff  }
0x21e: {  	v60 =	vmov s9;
	_ =	sdelay $0x3  }
0x21f: {  	[tilespmem:s0+$0xFFFFFFE0] =	vst v37  }
0x220: {  	s11 =	sadd.s32 $0xFFFFFFFD, s2;
	v37 =	vld.idx.msk [tilespmem:v60+s17+$0x0], $0xffff  }
0x221: {  	v61 =	vmov s11;
	_ =	sdelay $0x3  }
0x222: {  	[tilespmem:s0+$0xFFFFFFF0] =	vst v37  }
0x223: {  	s18 =	sadd.s32 $0xFFFFFFFE, s2;
	v37 =	vld.idx.msk [tilespmem:v61+s17+$0x0], $0xffff  }
0x224: {  	v62 =	vmov s18;
	_ =	sdelay $0x3  }
0x225: {  	[tilespmem:s0+$0x0] =	vst v37  }
0x226: {  	s31 =	sadd.s32 $0xFFFFFFFF, s2;
	v37 =	vld.idx.msk [tilespmem:v62+s17+$0x0], $0xffff  }
0x227: {  	v63 =	vmov s31;
	_ =	sdelay $0x3  }
0x228: {  	[tilespmem:s0+$0x10] =	vst v37  }
0x229: {  	v38 =	vld.idx.msk [tilespmem:v63+s17+$0x0], $0xffff  }
0x22a: {  	v37 =	vmov s2;
	_ =	sdelay $0x1  }
0x22b: {  	s3 =	simm.s32 $0x21  }
0x22c: {  	s9 =	simm.s32 $0x108;
	s4 =	simm.s32 $0x17;
	s1 =	simm.s32 $0xF  }
.LBB2_12:
0x22d: {  	p0 =	sne.s32 s4, $0x7F;
	s2 =	sand.u32 $0xFFFFFF80, s9;
	[tilespmem:s0+$0x20] =	vst v38  }
0x22e: {  	s9 =	sadd.s32 s2, s1;
	v37 =	vld.idx.msk [tilespmem:v37+s17+$0x0], $0xffff;
	s1 =	smov.u32 s4  }
0x22f: {  	s2 =	sadd.s32 $0xFFFFFFF9, s9  }
0x230: {  	v38 =	vmov s2;
	_ =	sdelay $0x3  }
0x231: {  	[tilespmem:s0+$0x30] =	vst v37  }
0x232: {  	v37 =	vld.idx.msk [tilespmem:v38+s17+$0x0], $0xffff  }
0x233: {  	s2 =	sadd.s32 $0xFFFFFFFA, s9  }
0x234: {  	v38 =	vmov s2;
	_ =	sdelay $0x2  }
0x235: {  	s0 =	sadd.s32 $0x80, s0  }
0x236: {  	[tilespmem:s0+$0xFFFFFFC0] =	vst v37  }
0x237: {  	v37 =	vld.idx.msk [tilespmem:v38+s17+$0x0], $0xffff  }
0x238: {  	s2 =	sadd.s32 $0xFFFFFFFB, s9  }
0x239: {  	v38 =	vmov s2;
	_ =	sdelay $0x3  }
0x23a: {  	[tilespmem:s0+$0xFFFFFFD0] =	vst v37  }
0x23b: {  	v37 =	vld.idx.msk [tilespmem:v38+s17+$0x0], $0xffff  }
0x23c: {  	s2 =	sadd.s32 $0xFFFFFFFC, s9  }
0x23d: {  	v38 =	vmov s2;
	_ =	sdelay $0x3  }
0x23e: {  	[tilespmem:s0+$0xFFFFFFE0] =	vst v37  }
0x23f: {  	v37 =	vld.idx.msk [tilespmem:v38+s17+$0x0], $0xffff  }
0x240: {  	s2 =	sadd.s32 $0xFFFFFFFD, s9  }
0x241: {  	v38 =	vmov s2;
	_ =	sdelay $0x3  }
0x242: {  	[tilespmem:s0+$0xFFFFFFF0] =	vst v37  }
0x243: {  	v37 =	vld.idx.msk [tilespmem:v38+s17+$0x0], $0xffff  }
0x244: {  	s2 =	sadd.s32 $0xFFFFFFFE, s9  }
0x245: {  	v38 =	vmov s2;
	_ =	sdelay $0x3  }
0x246: {  	[tilespmem:s0+$0x0] =	vst v37  }
0x247: {  	v37 =	vld.idx.msk [tilespmem:v38+s17+$0x0], $0xffff  }
0x248: {  	s2 =	sadd.s32 $0xFFFFFFFF, s9  }
0x249: {  	v38 =	vmov s2;
	_ =	sdelay $0x3  }
0x24a: {  	[tilespmem:s0+$0x10] =	vst v37  }
0x24b: {  	v38 =	vld.idx.msk [tilespmem:v38+s17+$0x0], $0xffff  }
.Ltmp5:
0x24c: {  	(pc) =	sbr.rel @p0 .LBB2_12-.Ltmp5, $3  }
0x24d: {  	v37 =	vmov s9;
	_ =	sdelay $0x1  }
0x24e: {  	s3 =	sadd.s32 $0x1, s3  }
0x24f: {  	s4 =	sadd.s32 $0x8, s4;
	s9 =	sshll.u32 s3, $0x3  }
0x250: {  	_ =	sdelay $0x1  }
0x251: {  	s2 =	sand.u32 $0xFFFFFF80, s9  }
0x252: {  	[tilespmem:s0+$0x20] =	vst v38;
	s1 =	sadd.s32 s2, s1  }
0x253: {  	v37 =	vld.idx.msk [tilespmem:v37+s17+$0x0], $0xffff;
	s2 =	sadd.s32 $0xFFFFFFF9, s1  }
0x254: {  	v49 =	vmov s2;
	_ =	sdelay $0x3  }
0x255: {  	[tilespmem:s0+$0x30] =	vst v37  }
0x256: {  	s31 =	sadd.s32 $0xFFFFFFFA, s1;
	v37 =	vld.idx.msk [tilespmem:v49+s17+$0x0], $0xffff  }
0x257: {  	v50 =	vmov s31;
	_ =	sdelay $0x2  }
0x258: {  	s0 =	sadd.s32 $0x80, s0  }
0x259: {  	[tilespmem:s0+$0xFFFFFFC0] =	vst v37  }
0x25a: {  	s3 =	sadd.s32 $0xFFFFFFFB, s1;
	v37 =	vld.idx.msk [tilespmem:v50+s17+$0x0], $0xffff  }
0x25b: {  	v51 =	vmov s3;
	_ =	sdelay $0x3  }
0x25c: {  	[tilespmem:s0+$0xFFFFFFD0] =	vst v37  }
0x25d: {  	s4 =	sadd.s32 $0xFFFFFFFC, s1;
	v37 =	vld.idx.msk [tilespmem:v51+s17+$0x0], $0xffff  }
0x25e: {  	v52 =	vmov s4;
	_ =	sdelay $0x3  }
0x25f: {  	[tilespmem:s0+$0xFFFFFFE0] =	vst v37  }
0x260: {  	s9 =	sadd.s32 $0xFFFFFFFD, s1;
	v37 =	vld.idx.msk [tilespmem:v52+s17+$0x0], $0xffff  }
0x261: {  	v53 =	vmov s9;
	_ =	sdelay $0x3  }
0x262: {  	[tilespmem:s0+$0xFFFFFFF0] =	vst v37  }
0x263: {  	s11 =	sadd.s32 $0xFFFFFFFE, s1;
	v37 =	vld.idx.msk [tilespmem:v53+s17+$0x0], $0xffff  }
0x264: {  	v54 =	vmov s11;
	_ =	sdelay $0x3  }
0x265: {  	[tilespmem:s0+$0x0] =	vst v37  }
0x266: {  	s18 =	sadd.s32 $0xFFFFFFFF, s1;
	v37 =	vld.idx.msk [tilespmem:v54+s17+$0x0], $0xffff  }
0x267: {  	v55 =	vmov s18;
	_ =	sdelay $0x3  }
0x268: {  	[tilespmem:s0+$0x10] =	vst v37  }
0x269: {  	v37 =	vld.idx.msk [tilespmem:v55+s17+$0x0], $0xffff  }
0x26a: {  	v56 =	vmov s1;
	_ =	sdelay $0x3  }
0x26b: {  	[tilespmem:s0+$0x20] =	vst v37  }
0x26c: {  	v37 =	vld.idx.msk [tilespmem:v56+s17+$0x0], $0xffff  }
0x26d: {  	s31 =	simm.s32 $0x180  }
0x26e: {  	s1 =	sand.u32 $0xFFFFFF80, s31  }
0x26f: {  	s2 =	sadd.s32 $0x7, s1  }
0x270: {  	s1 =	sadd.s32 $0xFFFFFFF9, s2  }
0x271: {  	v57 =	vmov s1;
	s1 =	rddreg [dreg:$0xa];
	[tilespmem:s0+$0x30] =	vst v37  }
0x272: {  	[hbm4b:s1+s5] =	stream.linear.scatter [tilespmem:s30], [sflag:$0x3], $0x800, $0x38;
	[tilespmem:$0x1F600] =	vst v63  }
0x273: {  	_ =	swait.ge [sflag:s14], $0x800  }
0x274: {  	[sflag:s14] =	ssyncset.done $0x0  }
0x275: {  	[sflag:s14] =	ssyncadd.s32 $0xFFFFF800  }
0x276: {  	s3 =	sadd.s32 $0xFFFFFFFA, s2;
	v37 =	vld.idx.msk [tilespmem:v57+s17+$0x0], $0xffff  }
0x277: {  	v58 =	vmov s3;
	_ =	sdelay $0x2  }
0x278: {  	s0 =	simm.s32 $0x61C0  }
0x279: {  	[tilespmem:s0+$0xFFFFFFC0] =	vst v37  }
0x27a: {  	s4 =	sadd.s32 $0xFFFFFFFB, s2;
	v37 =	vld.idx.msk [tilespmem:v58+s17+$0x0], $0xffff  }
0x27b: {  	v59 =	vmov s4;
	_ =	sdelay $0x3  }
0x27c: {  	[tilespmem:s0+$0xFFFFFFD0] =	vst v37  }
0x27d: {  	s9 =	sadd.s32 $0xFFFFFFFC, s2;
	v37 =	vld.idx.msk [tilespmem:v59+s17+$0x0], $0xffff  }
0x27e: {  	v60 =	vmov s9;
	_ =	sdelay $0x3  }
0x27f: {  	[tilespmem:s0+$0xFFFFFFE0] =	vst v37  }
0x280: {  	s11 =	sadd.s32 $0xFFFFFFFD, s2;
	v37 =	vld.idx.msk [tilespmem:v60+s17+$0x0], $0xffff  }
0x281: {  	v61 =	vmov s11;
	_ =	sdelay $0x3  }
0x282: {  	[tilespmem:s0+$0xFFFFFFF0] =	vst v37  }
0x283: {  	s18 =	sadd.s32 $0xFFFFFFFE, s2;
	v37 =	vld.idx.msk [tilespmem:v61+s17+$0x0], $0xffff  }
0x284: {  	v62 =	vmov s18;
	_ =	sdelay $0x3  }
0x285: {  	[tilespmem:s0+$0x0] =	vst v37  }
0x286: {  	s31 =	sadd.s32 $0xFFFFFFFF, s2;
	v37 =	vld.idx.msk [tilespmem:v62+s17+$0x0], $0xffff  }
0x287: {  	v63 =	vmov s31;
	_ =	sdelay $0x3  }
0x288: {  	[tilespmem:s0+$0x10] =	vst v37  }
0x289: {  	v38 =	vld.idx.msk [tilespmem:v63+s17+$0x0], $0xffff  }
0x28a: {  	v37 =	vmov s2;
	_ =	sdelay $0x1  }
0x28b: {  	s3 =	simm.s32 $0x31  }
0x28c: {  	s9 =	simm.s32 $0x188;
	s4 =	simm.s32 $0x17;
	s1 =	simm.s32 $0xF  }
.LBB2_14:
0x28d: {  	p0 =	sne.s32 s4, $0x7F;
	s2 =	sand.u32 $0xFFFFFF80, s9;
	[tilespmem:s0+$0x20] =	vst v38  }
0x28e: {  	s9 =	sadd.s32 s2, s1;
	v37 =	vld.idx.msk [tilespmem:v37+s17+$0x0], $0xffff;
	s1 =	smov.u32 s4  }
0x28f: {  	s2 =	sadd.s32 $0xFFFFFFF9, s9  }
0x290: {  	v38 =	vmov s2;
	_ =	sdelay $0x3  }
0x291: {  	[tilespmem:s0+$0x30] =	vst v37  }
0x292: {  	v37 =	vld.idx.msk [tilespmem:v38+s17+$0x0], $0xffff  }
0x293: {  	s2 =	sadd.s32 $0xFFFFFFFA, s9  }
0x294: {  	v38 =	vmov s2;
	_ =	sdelay $0x2  }
0x295: {  	s0 =	sadd.s32 $0x80, s0  }
0x296: {  	[tilespmem:s0+$0xFFFFFFC0] =	vst v37  }
0x297: {  	v37 =	vld.idx.msk [tilespmem:v38+s17+$0x0], $0xffff  }
0x298: {  	s2 =	sadd.s32 $0xFFFFFFFB, s9  }
0x299: {  	v38 =	vmov s2;
	_ =	sdelay $0x3  }
0x29a: {  	[tilespmem:s0+$0xFFFFFFD0] =	vst v37  }
0x29b: {  	v37 =	vld.idx.msk [tilespmem:v38+s17+$0x0], $0xffff  }
0x29c: {  	s2 =	sadd.s32 $0xFFFFFFFC, s9  }
0x29d: {  	v38 =	vmov s2;
	_ =	sdelay $0x3  }
0x29e: {  	[tilespmem:s0+$0xFFFFFFE0] =	vst v37  }
0x29f: {  	v37 =	vld.idx.msk [tilespmem:v38+s17+$0x0], $0xffff  }
0x2a0: {  	s2 =	sadd.s32 $0xFFFFFFFD, s9  }
0x2a1: {  	v38 =	vmov s2;
	_ =	sdelay $0x3  }
0x2a2: {  	[tilespmem:s0+$0xFFFFFFF0] =	vst v37  }
0x2a3: {  	v37 =	vld.idx.msk [tilespmem:v38+s17+$0x0], $0xffff  }
0x2a4: {  	s2 =	sadd.s32 $0xFFFFFFFE, s9  }
0x2a5: {  	v38 =	vmov s2;
	_ =	sdelay $0x3  }
0x2a6: {  	[tilespmem:s0+$0x0] =	vst v37  }
0x2a7: {  	v37 =	vld.idx.msk [tilespmem:v38+s17+$0x0], $0xffff  }
0x2a8: {  	s2 =	sadd.s32 $0xFFFFFFFF, s9  }
0x2a9: {  	v38 =	vmov s2;
	_ =	sdelay $0x3  }
0x2aa: {  	[tilespmem:s0+$0x10] =	vst v37  }
0x2ab: {  	v38 =	vld.idx.msk [tilespmem:v38+s17+$0x0], $0xffff  }
.Ltmp6:
0x2ac: {  	(pc) =	sbr.rel @p0 .LBB2_14-.Ltmp6, $3  }
0x2ad: {  	v37 =	vmov s9;
	_ =	sdelay $0x1  }
0x2ae: {  	s3 =	sadd.s32 $0x1, s3  }
0x2af: {  	s4 =	sadd.s32 $0x8, s4;
	s9 =	sshll.u32 s3, $0x3  }
0x2b0: {  	_ =	sdelay $0x1  }
0x2b1: {  	s2 =	sand.u32 $0xFFFFFF80, s9  }
0x2b2: {  	[tilespmem:s0+$0x20] =	vst v38;
	s1 =	sadd.s32 s2, s1  }
0x2b3: {  	v37 =	vld.idx.msk [tilespmem:v37+s17+$0x0], $0xffff;
	s2 =	sadd.s32 $0xFFFFFFF9, s1  }
0x2b4: {  	v49 =	vmov s2;
	_ =	sdelay $0x3  }
0x2b5: {  	[tilespmem:s0+$0x30] =	vst v37  }
0x2b6: {  	s31 =	sadd.s32 $0xFFFFFFFA, s1;
	v37 =	vld.idx.msk [tilespmem:v49+s17+$0x0], $0xffff  }
0x2b7: {  	v50 =	vmov s31;
	_ =	sdelay $0x2  }
0x2b8: {  	s0 =	sadd.s32 $0x80, s0  }
0x2b9: {  	[tilespmem:s0+$0xFFFFFFC0] =	vst v37  }
0x2ba: {  	s3 =	sadd.s32 $0xFFFFFFFB, s1;
	v37 =	vld.idx.msk [tilespmem:v50+s17+$0x0], $0xffff  }
0x2bb: {  	v51 =	vmov s3;
	_ =	sdelay $0x3  }
0x2bc: {  	[tilespmem:s0+$0xFFFFFFD0] =	vst v37  }
0x2bd: {  	s4 =	sadd.s32 $0xFFFFFFFC, s1;
	v37 =	vld.idx.msk [tilespmem:v51+s17+$0x0], $0xffff  }
0x2be: {  	v52 =	vmov s4;
	_ =	sdelay $0x3  }
0x2bf: {  	[tilespmem:s0+$0xFFFFFFE0] =	vst v37  }
0x2c0: {  	s9 =	sadd.s32 $0xFFFFFFFD, s1;
	v37 =	vld.idx.msk [tilespmem:v52+s17+$0x0], $0xffff  }
0x2c1: {  	v53 =	vmov s9;
	_ =	sdelay $0x3  }
0x2c2: {  	[tilespmem:s0+$0xFFFFFFF0] =	vst v37  }
0x2c3: {  	s11 =	sadd.s32 $0xFFFFFFFE, s1;
	v37 =	vld.idx.msk [tilespmem:v53+s17+$0x0], $0xffff  }
0x2c4: {  	v54 =	vmov s11;
	_ =	sdelay $0x3  }
0x2c5: {  	[tilespmem:s0+$0x0] =	vst v37  }
0x2c6: {  	s18 =	sadd.s32 $0xFFFFFFFF, s1;
	v37 =	vld.idx.msk [tilespmem:v54+s17+$0x0], $0xffff  }
0x2c7: {  	v55 =	vmov s18;
	_ =	sdelay $0x3  }
0x2c8: {  	[tilespmem:s0+$0x10] =	vst v37  }
0x2c9: {  	v37 =	vld.idx.msk [tilespmem:v55+s17+$0x0], $0xffff  }
0x2ca: {  	v56 =	vmov s1;
	_ =	sdelay $0x3  }
0x2cb: {  	[tilespmem:s0+$0x20] =	vst v37  }
0x2cc: {  	v37 =	vld.idx.msk [tilespmem:v56+s17+$0x0], $0xffff  }
0x2cd: {  	s31 =	simm.s32 $0x200  }
0x2ce: {  	s1 =	sand.u32 $0xFFFFFF80, s31  }
0x2cf: {  	s2 =	sadd.s32 $0x7, s1  }
0x2d0: {  	s1 =	sadd.s32 $0xFFFFFFF9, s2  }
0x2d1: {  	v57 =	vmov s1;
	s1 =	rddreg [dreg:$0xb];
	[tilespmem:s0+$0x30] =	vst v37  }
0x2d2: {  	[hbm4b:s1+s5] =	stream.linear.scatter [tilespmem:s30], [sflag:$0x3], $0x800, $0x38;
	[tilespmem:$0x1F600] =	vst v63  }
0x2d3: {  	_ =	swait.ge [sflag:s14], $0x800  }
0x2d4: {  	[sflag:s14] =	ssyncset.done $0x0  }
0x2d5: {  	[sflag:s14] =	ssyncadd.s32 $0xFFFFF800  }
0x2d6: {  	s3 =	sadd.s32 $0xFFFFFFFA, s2;
	v37 =	vld.idx.msk [tilespmem:v57+s17+$0x0], $0xffff  }
0x2d7: {  	v58 =	vmov s3;
	_ =	sdelay $0x2  }
0x2d8: {  	s0 =	simm.s32 $0x61C0  }
0x2d9: {  	[tilespmem:s0+$0xFFFFFFC0] =	vst v37  }
0x2da: {  	s4 =	sadd.s32 $0xFFFFFFFB, s2;
	v37 =	vld.idx.msk [tilespmem:v58+s17+$0x0], $0xffff  }
0x2db: {  	v59 =	vmov s4;
	_ =	sdelay $0x3  }
0x2dc: {  	[tilespmem:s0+$0xFFFFFFD0] =	vst v37  }
0x2dd: {  	s9 =	sadd.s32 $0xFFFFFFFC, s2;
	v37 =	vld.idx.msk [tilespmem:v59+s17+$0x0], $0xffff  }
0x2de: {  	v60 =	vmov s9;
	_ =	sdelay $0x3  }
0x2df: {  	[tilespmem:s0+$0xFFFFFFE0] =	vst v37  }
0x2e0: {  	s11 =	sadd.s32 $0xFFFFFFFD, s2;
	v37 =	vld.idx.msk [tilespmem:v60+s17+$0x0], $0xffff  }
0x2e1: {  	v61 =	vmov s11;
	_ =	sdelay $0x3  }
0x2e2: {  	[tilespmem:s0+$0xFFFFFFF0] =	vst v37  }
0x2e3: {  	s18 =	sadd.s32 $0xFFFFFFFE, s2;
	v37 =	vld.idx.msk [tilespmem:v61+s17+$0x0], $0xffff  }
0x2e4: {  	v62 =	vmov s18;
	_ =	sdelay $0x3  }
0x2e5: {  	[tilespmem:s0+$0x0] =	vst v37  }
0x2e6: {  	s31 =	sadd.s32 $0xFFFFFFFF, s2;
	v37 =	vld.idx.msk [tilespmem:v62+s17+$0x0], $0xffff  }
0x2e7: {  	v63 =	vmov s31;
	_ =	sdelay $0x3  }
0x2e8: {  	[tilespmem:s0+$0x10] =	vst v37  }
0x2e9: {  	v38 =	vld.idx.msk [tilespmem:v63+s17+$0x0], $0xffff  }
0x2ea: {  	v37 =	vmov s2;
	_ =	sdelay $0x1  }
0x2eb: {  	s3 =	simm.s32 $0x41  }
0x2ec: {  	s9 =	simm.s32 $0x208;
	s4 =	simm.s32 $0x17;
	s1 =	simm.s32 $0xF  }
.LBB2_16:
0x2ed: {  	p0 =	sne.s32 s4, $0x7F;
	s2 =	sand.u32 $0xFFFFFF80, s9;
	[tilespmem:s0+$0x20] =	vst v38  }
0x2ee: {  	s9 =	sadd.s32 s2, s1;
	v37 =	vld.idx.msk [tilespmem:v37+s17+$0x0], $0xffff;
	s1 =	smov.u32 s4  }
0x2ef: {  	s2 =	sadd.s32 $0xFFFFFFF9, s9  }
0x2f0: {  	v38 =	vmov s2;
	_ =	sdelay $0x3  }
0x2f1: {  	[tilespmem:s0+$0x30] =	vst v37  }
0x2f2: {  	v37 =	vld.idx.msk [tilespmem:v38+s17+$0x0], $0xffff  }
0x2f3: {  	s2 =	sadd.s32 $0xFFFFFFFA, s9  }
0x2f4: {  	v38 =	vmov s2;
	_ =	sdelay $0x2  }
0x2f5: {  	s0 =	sadd.s32 $0x80, s0  }
0x2f6: {  	[tilespmem:s0+$0xFFFFFFC0] =	vst v37  }
0x2f7: {  	v37 =	vld.idx.msk [tilespmem:v38+s17+$0x0], $0xffff  }
0x2f8: {  	s2 =	sadd.s32 $0xFFFFFFFB, s9  }
0x2f9: {  	v38 =	vmov s2;
	_ =	sdelay $0x3  }
0x2fa: {  	[tilespmem:s0+$0xFFFFFFD0] =	vst v37  }
0x2fb: {  	v37 =	vld.idx.msk [tilespmem:v38+s17+$0x0], $0xffff  }
0x2fc: {  	s2 =	sadd.s32 $0xFFFFFFFC, s9  }
0x2fd: {  	v38 =	vmov s2;
	_ =	sdelay $0x3  }
0x2fe: {  	[tilespmem:s0+$0xFFFFFFE0] =	vst v37  }
0x2ff: {  	v37 =	vld.idx.msk [tilespmem:v38+s17+$0x0], $0xffff  }
0x300: {  	s2 =	sadd.s32 $0xFFFFFFFD, s9  }
0x301: {  	v38 =	vmov s2;
	_ =	sdelay $0x3  }
0x302: {  	[tilespmem:s0+$0xFFFFFFF0] =	vst v37  }
0x303: {  	v37 =	vld.idx.msk [tilespmem:v38+s17+$0x0], $0xffff  }
0x304: {  	s2 =	sadd.s32 $0xFFFFFFFE, s9  }
0x305: {  	v38 =	vmov s2;
	_ =	sdelay $0x3  }
0x306: {  	[tilespmem:s0+$0x0] =	vst v37  }
0x307: {  	v37 =	vld.idx.msk [tilespmem:v38+s17+$0x0], $0xffff  }
0x308: {  	s2 =	sadd.s32 $0xFFFFFFFF, s9  }
0x309: {  	v38 =	vmov s2;
	_ =	sdelay $0x3  }
0x30a: {  	[tilespmem:s0+$0x10] =	vst v37  }
0x30b: {  	v38 =	vld.idx.msk [tilespmem:v38+s17+$0x0], $0xffff  }
.Ltmp7:
0x30c: {  	(pc) =	sbr.rel @p0 .LBB2_16-.Ltmp7, $3  }
0x30d: {  	v37 =	vmov s9;
	_ =	sdelay $0x1  }
0x30e: {  	s3 =	sadd.s32 $0x1, s3  }
0x30f: {  	s4 =	sadd.s32 $0x8, s4;
	s9 =	sshll.u32 s3, $0x3  }
0x310: {  	_ =	sdelay $0x1  }
0x311: {  	s2 =	sand.u32 $0xFFFFFF80, s9  }
0x312: {  	[tilespmem:s0+$0x20] =	vst v38;
	s1 =	sadd.s32 s2, s1  }
0x313: {  	v37 =	vld.idx.msk [tilespmem:v37+s17+$0x0], $0xffff;
	s2 =	sadd.s32 $0xFFFFFFF9, s1  }
0x314: {  	v49 =	vmov s2;
	_ =	sdelay $0x3  }
0x315: {  	[tilespmem:s0+$0x30] =	vst v37  }
0x316: {  	s31 =	sadd.s32 $0xFFFFFFFA, s1;
	v37 =	vld.idx.msk [tilespmem:v49+s17+$0x0], $0xffff  }
0x317: {  	v50 =	vmov s31;
	_ =	sdelay $0x2  }
0x318: {  	s0 =	sadd.s32 $0x80, s0  }
0x319: {  	[tilespmem:s0+$0xFFFFFFC0] =	vst v37  }
0x31a: {  	s3 =	sadd.s32 $0xFFFFFFFB, s1;
	v37 =	vld.idx.msk [tilespmem:v50+s17+$0x0], $0xffff  }
0x31b: {  	v51 =	vmov s3;
	_ =	sdelay $0x3  }
0x31c: {  	[tilespmem:s0+$0xFFFFFFD0] =	vst v37  }
0x31d: {  	s4 =	sadd.s32 $0xFFFFFFFC, s1;
	v37 =	vld.idx.msk [tilespmem:v51+s17+$0x0], $0xffff  }
0x31e: {  	v52 =	vmov s4;
	_ =	sdelay $0x3  }
0x31f: {  	[tilespmem:s0+$0xFFFFFFE0] =	vst v37  }
0x320: {  	s9 =	sadd.s32 $0xFFFFFFFD, s1;
	v37 =	vld.idx.msk [tilespmem:v52+s17+$0x0], $0xffff  }
0x321: {  	v53 =	vmov s9;
	_ =	sdelay $0x3  }
0x322: {  	[tilespmem:s0+$0xFFFFFFF0] =	vst v37  }
0x323: {  	s11 =	sadd.s32 $0xFFFFFFFE, s1;
	v37 =	vld.idx.msk [tilespmem:v53+s17+$0x0], $0xffff  }
0x324: {  	v54 =	vmov s11;
	_ =	sdelay $0x3  }
0x325: {  	[tilespmem:s0+$0x0] =	vst v37  }
0x326: {  	s18 =	sadd.s32 $0xFFFFFFFF, s1;
	v37 =	vld.idx.msk [tilespmem:v54+s17+$0x0], $0xffff  }
0x327: {  	v55 =	vmov s18;
	_ =	sdelay $0x3  }
0x328: {  	[tilespmem:s0+$0x10] =	vst v37  }
0x329: {  	v37 =	vld.idx.msk [tilespmem:v55+s17+$0x0], $0xffff  }
0x32a: {  	v56 =	vmov s1;
	_ =	sdelay $0x3  }
0x32b: {  	[tilespmem:s0+$0x20] =	vst v37  }
0x32c: {  	v37 =	vld.idx.msk [tilespmem:v56+s17+$0x0], $0xffff  }
0x32d: {  	s31 =	simm.s32 $0x280  }
0x32e: {  	s1 =	sand.u32 $0xFFFFFF80, s31  }
0x32f: {  	s2 =	sadd.s32 $0x7, s1  }
0x330: {  	s1 =	sadd.s32 $0xFFFFFFF9, s2  }
0x331: {  	v57 =	vmov s1;
	s1 =	rddreg [dreg:$0xc];
	[tilespmem:s0+$0x30] =	vst v37  }
0x332: {  	[hbm4b:s1+s5] =	stream.linear.scatter [tilespmem:s30], [sflag:$0x3], $0x800, $0x38;
	[tilespmem:$0x1F600] =	vst v63  }
0x333: {  	_ =	swait.ge [sflag:s14], $0x800  }
0x334: {  	[sflag:s14] =	ssyncset.done $0x0  }
0x335: {  	[sflag:s14] =	ssyncadd.s32 $0xFFFFF800  }
0x336: {  	s3 =	sadd.s32 $0xFFFFFFFA, s2;
	v37 =	vld.idx.msk [tilespmem:v57+s17+$0x0], $0xffff  }
0x337: {  	v58 =	vmov s3;
	_ =	sdelay $0x2  }
0x338: {  	s0 =	simm.s32 $0x61C0  }
0x339: {  	[tilespmem:s0+$0xFFFFFFC0] =	vst v37  }
0x33a: {  	s4 =	sadd.s32 $0xFFFFFFFB, s2;
	v37 =	vld.idx.msk [tilespmem:v58+s17+$0x0], $0xffff  }
0x33b: {  	v59 =	vmov s4;
	_ =	sdelay $0x3  }
0x33c: {  	[tilespmem:s0+$0xFFFFFFD0] =	vst v37  }
0x33d: {  	s9 =	sadd.s32 $0xFFFFFFFC, s2;
	v37 =	vld.idx.msk [tilespmem:v59+s17+$0x0], $0xffff  }
0x33e: {  	v60 =	vmov s9;
	_ =	sdelay $0x3  }
0x33f: {  	[tilespmem:s0+$0xFFFFFFE0] =	vst v37  }
0x340: {  	s11 =	sadd.s32 $0xFFFFFFFD, s2;
	v37 =	vld.idx.msk [tilespmem:v60+s17+$0x0], $0xffff  }
0x341: {  	v61 =	vmov s11;
	_ =	sdelay $0x3  }
0x342: {  	[tilespmem:s0+$0xFFFFFFF0] =	vst v37  }
0x343: {  	s18 =	sadd.s32 $0xFFFFFFFE, s2;
	v37 =	vld.idx.msk [tilespmem:v61+s17+$0x0], $0xffff  }
0x344: {  	v62 =	vmov s18;
	_ =	sdelay $0x3  }
0x345: {  	[tilespmem:s0+$0x0] =	vst v37  }
0x346: {  	s31 =	sadd.s32 $0xFFFFFFFF, s2;
	v37 =	vld.idx.msk [tilespmem:v62+s17+$0x0], $0xffff  }
0x347: {  	v63 =	vmov s31;
	_ =	sdelay $0x3  }
0x348: {  	[tilespmem:s0+$0x10] =	vst v37  }
0x349: {  	v38 =	vld.idx.msk [tilespmem:v63+s17+$0x0], $0xffff  }
0x34a: {  	v37 =	vmov s2;
	_ =	sdelay $0x1  }
0x34b: {  	s3 =	simm.s32 $0x51  }
0x34c: {  	s9 =	simm.s32 $0x288;
	s4 =	simm.s32 $0x17;
	s1 =	simm.s32 $0xF  }
.LBB2_18:
0x34d: {  	p0 =	sne.s32 s4, $0x7F;
	s2 =	sand.u32 $0xFFFFFF80, s9;
	[tilespmem:s0+$0x20] =	vst v38  }
0x34e: {  	s9 =	sadd.s32 s2, s1;
	v37 =	vld.idx.msk [tilespmem:v37+s17+$0x0], $0xffff;
	s1 =	smov.u32 s4  }
0x34f: {  	s2 =	sadd.s32 $0xFFFFFFF9, s9  }
0x350: {  	v38 =	vmov s2;
	_ =	sdelay $0x3  }
0x351: {  	[tilespmem:s0+$0x30] =	vst v37  }
0x352: {  	v37 =	vld.idx.msk [tilespmem:v38+s17+$0x0], $0xffff  }
0x353: {  	s2 =	sadd.s32 $0xFFFFFFFA, s9  }
0x354: {  	v38 =	vmov s2;
	_ =	sdelay $0x2  }
0x355: {  	s0 =	sadd.s32 $0x80, s0  }
0x356: {  	[tilespmem:s0+$0xFFFFFFC0] =	vst v37  }
0x357: {  	v37 =	vld.idx.msk [tilespmem:v38+s17+$0x0], $0xffff  }
0x358: {  	s2 =	sadd.s32 $0xFFFFFFFB, s9  }
0x359: {  	v38 =	vmov s2;
	_ =	sdelay $0x3  }
0x35a: {  	[tilespmem:s0+$0xFFFFFFD0] =	vst v37  }
0x35b: {  	v37 =	vld.idx.msk [tilespmem:v38+s17+$0x0], $0xffff  }
0x35c: {  	s2 =	sadd.s32 $0xFFFFFFFC, s9  }
0x35d: {  	v38 =	vmov s2;
	_ =	sdelay $0x3  }
0x35e: {  	[tilespmem:s0+$0xFFFFFFE0] =	vst v37  }
0x35f: {  	v37 =	vld.idx.msk [tilespmem:v38+s17+$0x0], $0xffff  }
0x360: {  	s2 =	sadd.s32 $0xFFFFFFFD, s9  }
0x361: {  	v38 =	vmov s2;
	_ =	sdelay $0x3  }
0x362: {  	[tilespmem:s0+$0xFFFFFFF0] =	vst v37  }
0x363: {  	v37 =	vld.idx.msk [tilespmem:v38+s17+$0x0], $0xffff  }
0x364: {  	s2 =	sadd.s32 $0xFFFFFFFE, s9  }
0x365: {  	v38 =	vmov s2;
	_ =	sdelay $0x3  }
0x366: {  	[tilespmem:s0+$0x0] =	vst v37  }
0x367: {  	v37 =	vld.idx.msk [tilespmem:v38+s17+$0x0], $0xffff  }
0x368: {  	s2 =	sadd.s32 $0xFFFFFFFF, s9  }
0x369: {  	v38 =	vmov s2;
	_ =	sdelay $0x3  }
0x36a: {  	[tilespmem:s0+$0x10] =	vst v37  }
0x36b: {  	v38 =	vld.idx.msk [tilespmem:v38+s17+$0x0], $0xffff  }
.Ltmp8:
0x36c: {  	(pc) =	sbr.rel @p0 .LBB2_18-.Ltmp8, $3  }
0x36d: {  	v37 =	vmov s9;
	_ =	sdelay $0x1  }
0x36e: {  	s3 =	sadd.s32 $0x1, s3  }
0x36f: {  	s4 =	sadd.s32 $0x8, s4;
	s9 =	sshll.u32 s3, $0x3  }
0x370: {  	_ =	sdelay $0x1  }
0x371: {  	s2 =	sand.u32 $0xFFFFFF80, s9  }
0x372: {  	[tilespmem:s0+$0x20] =	vst v38;
	s1 =	sadd.s32 s2, s1  }
0x373: {  	v37 =	vld.idx.msk [tilespmem:v37+s17+$0x0], $0xffff;
	s2 =	sadd.s32 $0xFFFFFFF9, s1  }
0x374: {  	v49 =	vmov s2;
	_ =	sdelay $0x3  }
0x375: {  	[tilespmem:s0+$0x30] =	vst v37  }
0x376: {  	s31 =	sadd.s32 $0xFFFFFFFA, s1;
	v37 =	vld.idx.msk [tilespmem:v49+s17+$0x0], $0xffff  }
0x377: {  	v50 =	vmov s31;
	_ =	sdelay $0x2  }
0x378: {  	s0 =	sadd.s32 $0x80, s0  }
0x379: {  	[tilespmem:s0+$0xFFFFFFC0] =	vst v37  }
0x37a: {  	s3 =	sadd.s32 $0xFFFFFFFB, s1;
	v37 =	vld.idx.msk [tilespmem:v50+s17+$0x0], $0xffff  }
0x37b: {  	v51 =	vmov s3;
	_ =	sdelay $0x3  }
0x37c: {  	[tilespmem:s0+$0xFFFFFFD0] =	vst v37  }
0x37d: {  	s4 =	sadd.s32 $0xFFFFFFFC, s1;
	v37 =	vld.idx.msk [tilespmem:v51+s17+$0x0], $0xffff  }
0x37e: {  	v52 =	vmov s4;
	_ =	sdelay $0x3  }
0x37f: {  	[tilespmem:s0+$0xFFFFFFE0] =	vst v37  }
0x380: {  	s9 =	sadd.s32 $0xFFFFFFFD, s1;
	v37 =	vld.idx.msk [tilespmem:v52+s17+$0x0], $0xffff  }
0x381: {  	v53 =	vmov s9;
	_ =	sdelay $0x3  }
0x382: {  	[tilespmem:s0+$0xFFFFFFF0] =	vst v37  }
0x383: {  	s11 =	sadd.s32 $0xFFFFFFFE, s1;
	v37 =	vld.idx.msk [tilespmem:v53+s17+$0x0], $0xffff  }
0x384: {  	v54 =	vmov s11;
	_ =	sdelay $0x3  }
0x385: {  	[tilespmem:s0+$0x0] =	vst v37  }
0x386: {  	s18 =	sadd.s32 $0xFFFFFFFF, s1;
	v37 =	vld.idx.msk [tilespmem:v54+s17+$0x0], $0xffff  }
0x387: {  	v55 =	vmov s18;
	_ =	sdelay $0x3  }
0x388: {  	[tilespmem:s0+$0x10] =	vst v37  }
0x389: {  	v37 =	vld.idx.msk [tilespmem:v55+s17+$0x0], $0xffff  }
0x38a: {  	v56 =	vmov s1;
	_ =	sdelay $0x3  }
0x38b: {  	[tilespmem:s0+$0x20] =	vst v37  }
0x38c: {  	v37 =	vld.idx.msk [tilespmem:v56+s17+$0x0], $0xffff  }
0x38d: {  	s31 =	simm.s32 $0x300  }
0x38e: {  	s1 =	sand.u32 $0xFFFFFF80, s31  }
0x38f: {  	s2 =	sadd.s32 $0x7, s1  }
0x390: {  	s1 =	sadd.s32 $0xFFFFFFF9, s2  }
0x391: {  	v57 =	vmov s1;
	s1 =	rddreg [dreg:$0xd];
	[tilespmem:s0+$0x30] =	vst v37  }
0x392: {  	[hbm4b:s1+s5] =	stream.linear.scatter [tilespmem:s30], [sflag:$0x3], $0x800, $0x38;
	[tilespmem:$0x1F600] =	vst v63  }
0x393: {  	_ =	swait.ge [sflag:s14], $0x800  }
0x394: {  	[sflag:s14] =	ssyncset.done $0x0  }
0x395: {  	[sflag:s14] =	ssyncadd.s32 $0xFFFFF800  }
0x396: {  	s3 =	sadd.s32 $0xFFFFFFFA, s2;
	v37 =	vld.idx.msk [tilespmem:v57+s17+$0x0], $0xffff  }
0x397: {  	v58 =	vmov s3;
	_ =	sdelay $0x2  }
0x398: {  	s0 =	simm.s32 $0x61C0  }
0x399: {  	[tilespmem:s0+$0xFFFFFFC0] =	vst v37  }
0x39a: {  	s4 =	sadd.s32 $0xFFFFFFFB, s2;
	v37 =	vld.idx.msk [tilespmem:v58+s17+$0x0], $0xffff  }
0x39b: {  	v59 =	vmov s4;
	_ =	sdelay $0x3  }
0x39c: {  	[tilespmem:s0+$0xFFFFFFD0] =	vst v37  }
0x39d: {  	s9 =	sadd.s32 $0xFFFFFFFC, s2;
	v37 =	vld.idx.msk [tilespmem:v59+s17+$0x0], $0xffff  }
0x39e: {  	v60 =	vmov s9;
	_ =	sdelay $0x3  }
0x39f: {  	[tilespmem:s0+$0xFFFFFFE0] =	vst v37  }
0x3a0: {  	s11 =	sadd.s32 $0xFFFFFFFD, s2;
	v37 =	vld.idx.msk [tilespmem:v60+s17+$0x0], $0xffff  }
0x3a1: {  	v61 =	vmov s11;
	_ =	sdelay $0x3  }
0x3a2: {  	[tilespmem:s0+$0xFFFFFFF0] =	vst v37  }
0x3a3: {  	s18 =	sadd.s32 $0xFFFFFFFE, s2;
	v37 =	vld.idx.msk [tilespmem:v61+s17+$0x0], $0xffff  }
0x3a4: {  	v62 =	vmov s18;
	_ =	sdelay $0x3  }
0x3a5: {  	[tilespmem:s0+$0x0] =	vst v37  }
0x3a6: {  	s31 =	sadd.s32 $0xFFFFFFFF, s2;
	v37 =	vld.idx.msk [tilespmem:v62+s17+$0x0], $0xffff  }
0x3a7: {  	v63 =	vmov s31;
	_ =	sdelay $0x3  }
0x3a8: {  	[tilespmem:s0+$0x10] =	vst v37  }
0x3a9: {  	v38 =	vld.idx.msk [tilespmem:v63+s17+$0x0], $0xffff  }
0x3aa: {  	v37 =	vmov s2;
	_ =	sdelay $0x1  }
0x3ab: {  	s3 =	simm.s32 $0x61  }
0x3ac: {  	s9 =	simm.s32 $0x308;
	s4 =	simm.s32 $0x17;
	s1 =	simm.s32 $0xF  }
.LBB2_20:
0x3ad: {  	p0 =	sne.s32 s4, $0x7F;
	s2 =	sand.u32 $0xFFFFFF80, s9;
	[tilespmem:s0+$0x20] =	vst v38  }
0x3ae: {  	s9 =	sadd.s32 s2, s1;
	v37 =	vld.idx.msk [tilespmem:v37+s17+$0x0], $0xffff;
	s1 =	smov.u32 s4  }
0x3af: {  	s2 =	sadd.s32 $0xFFFFFFF9, s9  }
0x3b0: {  	v38 =	vmov s2;
	_ =	sdelay $0x3  }
0x3b1: {  	[tilespmem:s0+$0x30] =	vst v37  }
0x3b2: {  	v37 =	vld.idx.msk [tilespmem:v38+s17+$0x0], $0xffff  }
0x3b3: {  	s2 =	sadd.s32 $0xFFFFFFFA, s9  }
0x3b4: {  	v38 =	vmov s2;
	_ =	sdelay $0x2  }
0x3b5: {  	s0 =	sadd.s32 $0x80, s0  }
0x3b6: {  	[tilespmem:s0+$0xFFFFFFC0] =	vst v37  }
0x3b7: {  	v37 =	vld.idx.msk [tilespmem:v38+s17+$0x0], $0xffff  }
0x3b8: {  	s2 =	sadd.s32 $0xFFFFFFFB, s9  }
0x3b9: {  	v38 =	vmov s2;
	_ =	sdelay $0x3  }
0x3ba: {  	[tilespmem:s0+$0xFFFFFFD0] =	vst v37  }
0x3bb: {  	v37 =	vld.idx.msk [tilespmem:v38+s17+$0x0], $0xffff  }
0x3bc: {  	s2 =	sadd.s32 $0xFFFFFFFC, s9  }
0x3bd: {  	v38 =	vmov s2;
	_ =	sdelay $0x3  }
0x3be: {  	[tilespmem:s0+$0xFFFFFFE0] =	vst v37  }
0x3bf: {  	v37 =	vld.idx.msk [tilespmem:v38+s17+$0x0], $0xffff  }
0x3c0: {  	s2 =	sadd.s32 $0xFFFFFFFD, s9  }
0x3c1: {  	v38 =	vmov s2;
	_ =	sdelay $0x3  }
0x3c2: {  	[tilespmem:s0+$0xFFFFFFF0] =	vst v37  }
0x3c3: {  	v37 =	vld.idx.msk [tilespmem:v38+s17+$0x0], $0xffff  }
0x3c4: {  	s2 =	sadd.s32 $0xFFFFFFFE, s9  }
0x3c5: {  	v38 =	vmov s2;
	_ =	sdelay $0x3  }
0x3c6: {  	[tilespmem:s0+$0x0] =	vst v37  }
0x3c7: {  	v37 =	vld.idx.msk [tilespmem:v38+s17+$0x0], $0xffff  }
0x3c8: {  	s2 =	sadd.s32 $0xFFFFFFFF, s9  }
0x3c9: {  	v38 =	vmov s2;
	_ =	sdelay $0x3  }
0x3ca: {  	[tilespmem:s0+$0x10] =	vst v37  }
0x3cb: {  	v38 =	vld.idx.msk [tilespmem:v38+s17+$0x0], $0xffff  }
.Ltmp9:
0x3cc: {  	(pc) =	sbr.rel @p0 .LBB2_20-.Ltmp9, $3  }
0x3cd: {  	v37 =	vmov s9;
	_ =	sdelay $0x1  }
0x3ce: {  	s3 =	sadd.s32 $0x1, s3  }
0x3cf: {  	s4 =	sadd.s32 $0x8, s4;
	s9 =	sshll.u32 s3, $0x3  }
0x3d0: {  	_ =	sdelay $0x1  }
0x3d1: {  	s2 =	sand.u32 $0xFFFFFF80, s9  }
0x3d2: {  	[tilespmem:s0+$0x20] =	vst v38;
	s1 =	sadd.s32 s2, s1  }
0x3d3: {  	v37 =	vld.idx.msk [tilespmem:v37+s17+$0x0], $0xffff;
	s2 =	sadd.s32 $0xFFFFFFF9, s1  }
0x3d4: {  	v49 =	vmov s2;
	_ =	sdelay $0x3  }
0x3d5: {  	[tilespmem:s0+$0x30] =	vst v37  }
0x3d6: {  	s31 =	sadd.s32 $0xFFFFFFFA, s1;
	v37 =	vld.idx.msk [tilespmem:v49+s17+$0x0], $0xffff  }
0x3d7: {  	v50 =	vmov s31;
	_ =	sdelay $0x2  }
0x3d8: {  	s0 =	sadd.s32 $0x80, s0  }
0x3d9: {  	[tilespmem:s0+$0xFFFFFFC0] =	vst v37  }
0x3da: {  	s3 =	sadd.s32 $0xFFFFFFFB, s1;
	v37 =	vld.idx.msk [tilespmem:v50+s17+$0x0], $0xffff  }
0x3db: {  	v51 =	vmov s3;
	_ =	sdelay $0x3  }
0x3dc: {  	[tilespmem:s0+$0xFFFFFFD0] =	vst v37  }
0x3dd: {  	s4 =	sadd.s32 $0xFFFFFFFC, s1;
	v37 =	vld.idx.msk [tilespmem:v51+s17+$0x0], $0xffff  }
0x3de: {  	v52 =	vmov s4;
	_ =	sdelay $0x3  }
0x3df: {  	[tilespmem:s0+$0xFFFFFFE0] =	vst v37  }
0x3e0: {  	s9 =	sadd.s32 $0xFFFFFFFD, s1;
	v37 =	vld.idx.msk [tilespmem:v52+s17+$0x0], $0xffff  }
0x3e1: {  	v53 =	vmov s9;
	_ =	sdelay $0x3  }
0x3e2: {  	[tilespmem:s0+$0xFFFFFFF0] =	vst v37  }
0x3e3: {  	s11 =	sadd.s32 $0xFFFFFFFE, s1;
	v37 =	vld.idx.msk [tilespmem:v53+s17+$0x0], $0xffff  }
0x3e4: {  	v54 =	vmov s11;
	_ =	sdelay $0x3  }
0x3e5: {  	[tilespmem:s0+$0x0] =	vst v37  }
0x3e6: {  	s18 =	sadd.s32 $0xFFFFFFFF, s1;
	v37 =	vld.idx.msk [tilespmem:v54+s17+$0x0], $0xffff  }
0x3e7: {  	v55 =	vmov s18;
	_ =	sdelay $0x3  }
0x3e8: {  	[tilespmem:s0+$0x10] =	vst v37  }
0x3e9: {  	v37 =	vld.idx.msk [tilespmem:v55+s17+$0x0], $0xffff  }
0x3ea: {  	v56 =	vmov s1;
	_ =	sdelay $0x3  }
0x3eb: {  	[tilespmem:s0+$0x20] =	vst v37  }
0x3ec: {  	v37 =	vld.idx.msk [tilespmem:v56+s17+$0x0], $0xffff  }
0x3ed: {  	s31 =	simm.s32 $0x380  }
0x3ee: {  	s1 =	sand.u32 $0xFFFFFF80, s31  }
0x3ef: {  	s2 =	sadd.s32 $0x7, s1  }
0x3f0: {  	s1 =	sadd.s32 $0xFFFFFFF9, s2  }
0x3f1: {  	v57 =	vmov s1;
	s1 =	rddreg [dreg:$0xe];
	[tilespmem:s0+$0x30] =	vst v37  }
0x3f2: {  	[hbm4b:s1+s5] =	stream.linear.scatter [tilespmem:s30], [sflag:$0x3], $0x800, $0x38;
	[tilespmem:$0x1F600] =	vst v63  }
0x3f3: {  	_ =	swait.ge [sflag:s14], $0x800  }
0x3f4: {  	[sflag:s14] =	ssyncset.done $0x0  }
0x3f5: {  	[sflag:s14] =	ssyncadd.s32 $0xFFFFF800  }
0x3f6: {  	s3 =	sadd.s32 $0xFFFFFFFA, s2;
	v37 =	vld.idx.msk [tilespmem:v57+s17+$0x0], $0xffff  }
0x3f7: {  	v58 =	vmov s3;
	_ =	sdelay $0x2  }
0x3f8: {  	s0 =	simm.s32 $0x61C0  }
0x3f9: {  	[tilespmem:s0+$0xFFFFFFC0] =	vst v37  }
0x3fa: {  	s4 =	sadd.s32 $0xFFFFFFFB, s2;
	v37 =	vld.idx.msk [tilespmem:v58+s17+$0x0], $0xffff  }
0x3fb: {  	v59 =	vmov s4;
	_ =	sdelay $0x3  }
0x3fc: {  	[tilespmem:s0+$0xFFFFFFD0] =	vst v37  }
0x3fd: {  	s9 =	sadd.s32 $0xFFFFFFFC, s2;
	v37 =	vld.idx.msk [tilespmem:v59+s17+$0x0], $0xffff  }
0x3fe: {  	v60 =	vmov s9;
	_ =	sdelay $0x3  }
0x3ff: {  	[tilespmem:s0+$0xFFFFFFE0] =	vst v37  }
0x400: {  	s11 =	sadd.s32 $0xFFFFFFFD, s2;
	v37 =	vld.idx.msk [tilespmem:v60+s17+$0x0], $0xffff  }
0x401: {  	v61 =	vmov s11;
	_ =	sdelay $0x3  }
0x402: {  	[tilespmem:s0+$0xFFFFFFF0] =	vst v37  }
0x403: {  	s18 =	sadd.s32 $0xFFFFFFFE, s2;
	v37 =	vld.idx.msk [tilespmem:v61+s17+$0x0], $0xffff  }
0x404: {  	v62 =	vmov s18;
	_ =	sdelay $0x3  }
0x405: {  	[tilespmem:s0+$0x0] =	vst v37  }
0x406: {  	s31 =	sadd.s32 $0xFFFFFFFF, s2;
	v37 =	vld.idx.msk [tilespmem:v62+s17+$0x0], $0xffff  }
0x407: {  	v63 =	vmov s31;
	_ =	sdelay $0x3  }
0x408: {  	[tilespmem:s0+$0x10] =	vst v37  }
0x409: {  	v38 =	vld.idx.msk [tilespmem:v63+s17+$0x0], $0xffff  }
0x40a: {  	v37 =	vmov s2;
	_ =	sdelay $0x1  }
0x40b: {  	s3 =	simm.s32 $0x71  }
0x40c: {  	s9 =	simm.s32 $0x388;
	s4 =	simm.s32 $0x17;
	s1 =	simm.s32 $0xF  }
.LBB2_22:
0x40d: {  	p0 =	sne.s32 s4, $0x7F;
	s2 =	sand.u32 $0xFFFFFF80, s9;
	[tilespmem:s0+$0x20] =	vst v38  }
0x40e: {  	s9 =	sadd.s32 s2, s1;
	v37 =	vld.idx.msk [tilespmem:v37+s17+$0x0], $0xffff;
	s1 =	smov.u32 s4  }
0x40f: {  	s2 =	sadd.s32 $0xFFFFFFF9, s9  }
0x410: {  	v38 =	vmov s2;
	_ =	sdelay $0x3  }
0x411: {  	[tilespmem:s0+$0x30] =	vst v37  }
0x412: {  	v37 =	vld.idx.msk [tilespmem:v38+s17+$0x0], $0xffff  }
0x413: {  	s2 =	sadd.s32 $0xFFFFFFFA, s9  }
0x414: {  	v38 =	vmov s2;
	_ =	sdelay $0x2  }
0x415: {  	s0 =	sadd.s32 $0x80, s0  }
0x416: {  	[tilespmem:s0+$0xFFFFFFC0] =	vst v37  }
0x417: {  	v37 =	vld.idx.msk [tilespmem:v38+s17+$0x0], $0xffff  }
0x418: {  	s2 =	sadd.s32 $0xFFFFFFFB, s9  }
0x419: {  	v38 =	vmov s2;
	_ =	sdelay $0x3  }
0x41a: {  	[tilespmem:s0+$0xFFFFFFD0] =	vst v37  }
0x41b: {  	v37 =	vld.idx.msk [tilespmem:v38+s17+$0x0], $0xffff  }
0x41c: {  	s2 =	sadd.s32 $0xFFFFFFFC, s9  }
0x41d: {  	v38 =	vmov s2;
	_ =	sdelay $0x3  }
0x41e: {  	[tilespmem:s0+$0xFFFFFFE0] =	vst v37  }
0x41f: {  	v37 =	vld.idx.msk [tilespmem:v38+s17+$0x0], $0xffff  }
0x420: {  	s2 =	sadd.s32 $0xFFFFFFFD, s9  }
0x421: {  	v38 =	vmov s2;
	_ =	sdelay $0x3  }
0x422: {  	[tilespmem:s0+$0xFFFFFFF0] =	vst v37  }
0x423: {  	v37 =	vld.idx.msk [tilespmem:v38+s17+$0x0], $0xffff  }
0x424: {  	s2 =	sadd.s32 $0xFFFFFFFE, s9  }
0x425: {  	v38 =	vmov s2;
	_ =	sdelay $0x3  }
0x426: {  	[tilespmem:s0+$0x0] =	vst v37  }
0x427: {  	v37 =	vld.idx.msk [tilespmem:v38+s17+$0x0], $0xffff  }
0x428: {  	s2 =	sadd.s32 $0xFFFFFFFF, s9  }
0x429: {  	v38 =	vmov s2;
	_ =	sdelay $0x3  }
0x42a: {  	[tilespmem:s0+$0x10] =	vst v37  }
0x42b: {  	v38 =	vld.idx.msk [tilespmem:v38+s17+$0x0], $0xffff  }
.Ltmp10:
0x42c: {  	(pc) =	sbr.rel @p0 .LBB2_22-.Ltmp10, $3  }
0x42d: {  	v37 =	vmov s9;
	_ =	sdelay $0x1  }
0x42e: {  	s3 =	sadd.s32 $0x1, s3  }
0x42f: {  	s4 =	sadd.s32 $0x8, s4;
	s9 =	sshll.u32 s3, $0x3  }
0x430: {  	_ =	sdelay $0x1  }
0x431: {  	s2 =	sand.u32 $0xFFFFFF80, s9  }
0x432: {  	[tilespmem:s0+$0x20] =	vst v38;
	s1 =	sadd.s32 s2, s1  }
0x433: {  	v37 =	vld.idx.msk [tilespmem:v37+s17+$0x0], $0xffff;
	s2 =	sadd.s32 $0xFFFFFFF9, s1  }
0x434: {  	v49 =	vmov s2;
	_ =	sdelay $0x3  }
0x435: {  	[tilespmem:s0+$0x30] =	vst v37  }
0x436: {  	s31 =	sadd.s32 $0xFFFFFFFA, s1;
	v37 =	vld.idx.msk [tilespmem:v49+s17+$0x0], $0xffff  }
0x437: {  	v50 =	vmov s31;
	_ =	sdelay $0x2  }
0x438: {  	s0 =	sadd.s32 $0x80, s0  }
0x439: {  	[tilespmem:s0+$0xFFFFFFC0] =	vst v37  }
0x43a: {  	s3 =	sadd.s32 $0xFFFFFFFB, s1;
	v37 =	vld.idx.msk [tilespmem:v50+s17+$0x0], $0xffff  }
0x43b: {  	v51 =	vmov s3;
	_ =	sdelay $0x3  }
0x43c: {  	[tilespmem:s0+$0xFFFFFFD0] =	vst v37  }
0x43d: {  	s4 =	sadd.s32 $0xFFFFFFFC, s1;
	v37 =	vld.idx.msk [tilespmem:v51+s17+$0x0], $0xffff  }
0x43e: {  	v52 =	vmov s4;
	_ =	sdelay $0x3  }
0x43f: {  	[tilespmem:s0+$0xFFFFFFE0] =	vst v37  }
0x440: {  	s9 =	sadd.s32 $0xFFFFFFFD, s1;
	v37 =	vld.idx.msk [tilespmem:v52+s17+$0x0], $0xffff  }
0x441: {  	v53 =	vmov s9;
	_ =	sdelay $0x3  }
0x442: {  	[tilespmem:s0+$0xFFFFFFF0] =	vst v37  }
0x443: {  	s11 =	sadd.s32 $0xFFFFFFFE, s1;
	v37 =	vld.idx.msk [tilespmem:v53+s17+$0x0], $0xffff  }
0x444: {  	v54 =	vmov s11;
	_ =	sdelay $0x3  }
0x445: {  	[tilespmem:s0+$0x0] =	vst v37  }
0x446: {  	s18 =	sadd.s32 $0xFFFFFFFF, s1;
	v37 =	vld.idx.msk [tilespmem:v54+s17+$0x0], $0xffff  }
0x447: {  	v55 =	vmov s18;
	_ =	sdelay $0x3  }
0x448: {  	[tilespmem:s0+$0x10] =	vst v37  }
0x449: {  	v37 =	vld.idx.msk [tilespmem:v55+s17+$0x0], $0xffff  }
0x44a: {  	v56 =	vmov s1;
	_ =	sdelay $0x3  }
0x44b: {  	[tilespmem:s0+$0x20] =	vst v37  }
0x44c: {  	v37 =	vld.idx.msk [tilespmem:v56+s17+$0x0], $0xffff  }
0x44d: {  	s31 =	simm.s32 $0x400  }
0x44e: {  	s1 =	sand.u32 $0xFFFFFF80, s31  }
0x44f: {  	s2 =	sadd.s32 $0x7, s1  }
0x450: {  	s1 =	sadd.s32 $0xFFFFFFF9, s2  }
0x451: {  	v57 =	vmov s1;
	s1 =	rddreg [dreg:$0xf];
	[tilespmem:s0+$0x30] =	vst v37  }
0x452: {  	[hbm4b:s1+s5] =	stream.linear.scatter [tilespmem:s30], [sflag:$0x3], $0x800, $0x38;
	[tilespmem:$0x1F600] =	vst v63  }
0x453: {  	_ =	swait.ge [sflag:s14], $0x800  }
0x454: {  	[sflag:s14] =	ssyncset.done $0x0  }
0x455: {  	[sflag:s14] =	ssyncadd.s32 $0xFFFFF800  }
0x456: {  	s3 =	sadd.s32 $0xFFFFFFFA, s2;
	v37 =	vld.idx.msk [tilespmem:v57+s17+$0x0], $0xffff  }
0x457: {  	v58 =	vmov s3;
	_ =	sdelay $0x2  }
0x458: {  	s0 =	simm.s32 $0x61C0  }
0x459: {  	[tilespmem:s0+$0xFFFFFFC0] =	vst v37  }
0x45a: {  	s4 =	sadd.s32 $0xFFFFFFFB, s2;
	v37 =	vld.idx.msk [tilespmem:v58+s17+$0x0], $0xffff  }
0x45b: {  	v59 =	vmov s4;
	_ =	sdelay $0x3  }
0x45c: {  	[tilespmem:s0+$0xFFFFFFD0] =	vst v37  }
0x45d: {  	s9 =	sadd.s32 $0xFFFFFFFC, s2;
	v37 =	vld.idx.msk [tilespmem:v59+s17+$0x0], $0xffff  }
0x45e: {  	v60 =	vmov s9;
	_ =	sdelay $0x3  }
0x45f: {  	[tilespmem:s0+$0xFFFFFFE0] =	vst v37  }
0x460: {  	s11 =	sadd.s32 $0xFFFFFFFD, s2;
	v37 =	vld.idx.msk [tilespmem:v60+s17+$0x0], $0xffff  }
0x461: {  	v61 =	vmov s11;
	_ =	sdelay $0x3  }
0x462: {  	[tilespmem:s0+$0xFFFFFFF0] =	vst v37  }
0x463: {  	s18 =	sadd.s32 $0xFFFFFFFE, s2;
	v37 =	vld.idx.msk [tilespmem:v61+s17+$0x0], $0xffff  }
0x464: {  	v62 =	vmov s18;
	_ =	sdelay $0x3  }
0x465: {  	[tilespmem:s0+$0x0] =	vst v37  }
0x466: {  	s31 =	sadd.s32 $0xFFFFFFFF, s2;
	v37 =	vld.idx.msk [tilespmem:v62+s17+$0x0], $0xffff  }
0x467: {  	v63 =	vmov s31;
	_ =	sdelay $0x3  }
0x468: {  	[tilespmem:s0+$0x10] =	vst v37  }
0x469: {  	v38 =	vld.idx.msk [tilespmem:v63+s17+$0x0], $0xffff  }
0x46a: {  	v37 =	vmov s2;
	_ =	sdelay $0x1  }
0x46b: {  	s3 =	simm.s32 $0x81  }
0x46c: {  	s9 =	simm.s32 $0x408;
	s4 =	simm.s32 $0x17;
	s1 =	simm.s32 $0xF  }
.LBB2_24:
0x46d: {  	p0 =	sne.s32 s4, $0x7F;
	s2 =	sand.u32 $0xFFFFFF80, s9;
	[tilespmem:s0+$0x20] =	vst v38  }
0x46e: {  	s9 =	sadd.s32 s2, s1;
	v37 =	vld.idx.msk [tilespmem:v37+s17+$0x0], $0xffff;
	s1 =	smov.u32 s4  }
0x46f: {  	s2 =	sadd.s32 $0xFFFFFFF9, s9  }
0x470: {  	v38 =	vmov s2;
	_ =	sdelay $0x3  }
0x471: {  	[tilespmem:s0+$0x30] =	vst v37  }
0x472: {  	v37 =	vld.idx.msk [tilespmem:v38+s17+$0x0], $0xffff  }
0x473: {  	s2 =	sadd.s32 $0xFFFFFFFA, s9  }
0x474: {  	v38 =	vmov s2;
	_ =	sdelay $0x2  }
0x475: {  	s0 =	sadd.s32 $0x80, s0  }
0x476: {  	[tilespmem:s0+$0xFFFFFFC0] =	vst v37  }
0x477: {  	v37 =	vld.idx.msk [tilespmem:v38+s17+$0x0], $0xffff  }
0x478: {  	s2 =	sadd.s32 $0xFFFFFFFB, s9  }
0x479: {  	v38 =	vmov s2;
	_ =	sdelay $0x3  }
0x47a: {  	[tilespmem:s0+$0xFFFFFFD0] =	vst v37  }
0x47b: {  	v37 =	vld.idx.msk [tilespmem:v38+s17+$0x0], $0xffff  }
0x47c: {  	s2 =	sadd.s32 $0xFFFFFFFC, s9  }
0x47d: {  	v38 =	vmov s2;
	_ =	sdelay $0x3  }
0x47e: {  	[tilespmem:s0+$0xFFFFFFE0] =	vst v37  }
0x47f: {  	v37 =	vld.idx.msk [tilespmem:v38+s17+$0x0], $0xffff  }
0x480: {  	s2 =	sadd.s32 $0xFFFFFFFD, s9  }
0x481: {  	v38 =	vmov s2;
	_ =	sdelay $0x3  }
0x482: {  	[tilespmem:s0+$0xFFFFFFF0] =	vst v37  }
0x483: {  	v37 =	vld.idx.msk [tilespmem:v38+s17+$0x0], $0xffff  }
0x484: {  	s2 =	sadd.s32 $0xFFFFFFFE, s9  }
0x485: {  	v38 =	vmov s2;
	_ =	sdelay $0x3  }
0x486: {  	[tilespmem:s0+$0x0] =	vst v37  }
0x487: {  	v37 =	vld.idx.msk [tilespmem:v38+s17+$0x0], $0xffff  }
0x488: {  	s2 =	sadd.s32 $0xFFFFFFFF, s9  }
0x489: {  	v38 =	vmov s2;
	_ =	sdelay $0x3  }
0x48a: {  	[tilespmem:s0+$0x10] =	vst v37  }
0x48b: {  	v38 =	vld.idx.msk [tilespmem:v38+s17+$0x0], $0xffff  }
.Ltmp11:
0x48c: {  	(pc) =	sbr.rel @p0 .LBB2_24-.Ltmp11, $3  }
0x48d: {  	v37 =	vmov s9;
	_ =	sdelay $0x1  }
0x48e: {  	s3 =	sadd.s32 $0x1, s3  }
0x48f: {  	s4 =	sadd.s32 $0x8, s4;
	s9 =	sshll.u32 s3, $0x3  }
0x490: {  	_ =	sdelay $0x1  }
0x491: {  	s2 =	sand.u32 $0xFFFFFF80, s9  }
0x492: {  	[tilespmem:s0+$0x20] =	vst v38;
	s1 =	sadd.s32 s2, s1  }
0x493: {  	v37 =	vld.idx.msk [tilespmem:v37+s17+$0x0], $0xffff;
	s2 =	sadd.s32 $0xFFFFFFF9, s1  }
0x494: {  	v49 =	vmov s2;
	_ =	sdelay $0x3  }
0x495: {  	[tilespmem:s0+$0x30] =	vst v37  }
0x496: {  	s31 =	sadd.s32 $0xFFFFFFFA, s1;
	v37 =	vld.idx.msk [tilespmem:v49+s17+$0x0], $0xffff  }
0x497: {  	v50 =	vmov s31;
	_ =	sdelay $0x2  }
0x498: {  	s0 =	sadd.s32 $0x80, s0  }
0x499: {  	[tilespmem:s0+$0xFFFFFFC0] =	vst v37  }
0x49a: {  	s3 =	sadd.s32 $0xFFFFFFFB, s1;
	v37 =	vld.idx.msk [tilespmem:v50+s17+$0x0], $0xffff  }
0x49b: {  	v51 =	vmov s3;
	_ =	sdelay $0x3  }
0x49c: {  	[tilespmem:s0+$0xFFFFFFD0] =	vst v37  }
0x49d: {  	s4 =	sadd.s32 $0xFFFFFFFC, s1;
	v37 =	vld.idx.msk [tilespmem:v51+s17+$0x0], $0xffff  }
0x49e: {  	v52 =	vmov s4;
	_ =	sdelay $0x3  }
0x49f: {  	[tilespmem:s0+$0xFFFFFFE0] =	vst v37  }
0x4a0: {  	s9 =	sadd.s32 $0xFFFFFFFD, s1;
	v37 =	vld.idx.msk [tilespmem:v52+s17+$0x0], $0xffff  }
0x4a1: {  	v53 =	vmov s9;
	_ =	sdelay $0x3  }
0x4a2: {  	[tilespmem:s0+$0xFFFFFFF0] =	vst v37  }
0x4a3: {  	s11 =	sadd.s32 $0xFFFFFFFE, s1;
	v37 =	vld.idx.msk [tilespmem:v53+s17+$0x0], $0xffff  }
0x4a4: {  	v54 =	vmov s11;
	_ =	sdelay $0x3  }
0x4a5: {  	[tilespmem:s0+$0x0] =	vst v37  }
0x4a6: {  	s18 =	sadd.s32 $0xFFFFFFFF, s1;
	v37 =	vld.idx.msk [tilespmem:v54+s17+$0x0], $0xffff  }
0x4a7: {  	v55 =	vmov s18;
	_ =	sdelay $0x3  }
0x4a8: {  	[tilespmem:s0+$0x10] =	vst v37  }
0x4a9: {  	v37 =	vld.idx.msk [tilespmem:v55+s17+$0x0], $0xffff  }
0x4aa: {  	v56 =	vmov s1;
	_ =	sdelay $0x3  }
0x4ab: {  	[tilespmem:s0+$0x20] =	vst v37  }
0x4ac: {  	v37 =	vld.idx.msk [tilespmem:v56+s17+$0x0], $0xffff  }
0x4ad: {  	s31 =	simm.s32 $0x480  }
0x4ae: {  	s1 =	sand.u32 $0xFFFFFF80, s31  }
0x4af: {  	s2 =	sadd.s32 $0x7, s1  }
0x4b0: {  	s1 =	sadd.s32 $0xFFFFFFF9, s2  }
0x4b1: {  	v57 =	vmov s1;
	s1 =	rddreg [dreg:$0x10];
	[tilespmem:s0+$0x30] =	vst v37  }
0x4b2: {  	[hbm4b:s1+s5] =	stream.linear.scatter [tilespmem:s30], [sflag:$0x3], $0x800, $0x38;
	[tilespmem:$0x1F600] =	vst v63  }
0x4b3: {  	_ =	swait.ge [sflag:s14], $0x800  }
0x4b4: {  	[sflag:s14] =	ssyncset.done $0x0  }
0x4b5: {  	[sflag:s14] =	ssyncadd.s32 $0xFFFFF800  }
0x4b6: {  	s3 =	sadd.s32 $0xFFFFFFFA, s2;
	v37 =	vld.idx.msk [tilespmem:v57+s17+$0x0], $0xffff  }
0x4b7: {  	v58 =	vmov s3;
	_ =	sdelay $0x2  }
0x4b8: {  	s0 =	simm.s32 $0x61C0  }
0x4b9: {  	[tilespmem:s0+$0xFFFFFFC0] =	vst v37  }
0x4ba: {  	s4 =	sadd.s32 $0xFFFFFFFB, s2;
	v37 =	vld.idx.msk [tilespmem:v58+s17+$0x0], $0xffff  }
0x4bb: {  	v59 =	vmov s4;
	_ =	sdelay $0x3  }
0x4bc: {  	[tilespmem:s0+$0xFFFFFFD0] =	vst v37  }
0x4bd: {  	s9 =	sadd.s32 $0xFFFFFFFC, s2;
	v37 =	vld.idx.msk [tilespmem:v59+s17+$0x0], $0xffff  }
0x4be: {  	v60 =	vmov s9;
	_ =	sdelay $0x3  }
0x4bf: {  	[tilespmem:s0+$0xFFFFFFE0] =	vst v37  }
0x4c0: {  	s11 =	sadd.s32 $0xFFFFFFFD, s2;
	v37 =	vld.idx.msk [tilespmem:v60+s17+$0x0], $0xffff  }
0x4c1: {  	v61 =	vmov s11;
	_ =	sdelay $0x3  }
0x4c2: {  	[tilespmem:s0+$0xFFFFFFF0] =	vst v37  }
0x4c3: {  	s18 =	sadd.s32 $0xFFFFFFFE, s2;
	v37 =	vld.idx.msk [tilespmem:v61+s17+$0x0], $0xffff  }
0x4c4: {  	v62 =	vmov s18;
	_ =	sdelay $0x3  }
0x4c5: {  	[tilespmem:s0+$0x0] =	vst v37  }
0x4c6: {  	s31 =	sadd.s32 $0xFFFFFFFF, s2;
	v37 =	vld.idx.msk [tilespmem:v62+s17+$0x0], $0xffff  }
0x4c7: {  	v63 =	vmov s31;
	_ =	sdelay $0x3  }
0x4c8: {  	[tilespmem:s0+$0x10] =	vst v37  }
0x4c9: {  	v38 =	vld.idx.msk [tilespmem:v63+s17+$0x0], $0xffff  }
0x4ca: {  	v37 =	vmov s2;
	_ =	sdelay $0x1  }
0x4cb: {  	s3 =	simm.s32 $0x91  }
0x4cc: {  	s9 =	simm.s32 $0x488;
	s4 =	simm.s32 $0x17;
	s1 =	simm.s32 $0xF  }
.LBB2_26:
0x4cd: {  	p0 =	sne.s32 s4, $0x7F;
	s2 =	sand.u32 $0xFFFFFF80, s9;
	[tilespmem:s0+$0x20] =	vst v38  }
0x4ce: {  	s9 =	sadd.s32 s2, s1;
	v37 =	vld.idx.msk [tilespmem:v37+s17+$0x0], $0xffff;
	s1 =	smov.u32 s4  }
0x4cf: {  	s2 =	sadd.s32 $0xFFFFFFF9, s9  }
0x4d0: {  	v38 =	vmov s2;
	_ =	sdelay $0x3  }
0x4d1: {  	[tilespmem:s0+$0x30] =	vst v37  }
0x4d2: {  	v37 =	vld.idx.msk [tilespmem:v38+s17+$0x0], $0xffff  }
0x4d3: {  	s2 =	sadd.s32 $0xFFFFFFFA, s9  }
0x4d4: {  	v38 =	vmov s2;
	_ =	sdelay $0x2  }
0x4d5: {  	s0 =	sadd.s32 $0x80, s0  }
0x4d6: {  	[tilespmem:s0+$0xFFFFFFC0] =	vst v37  }
0x4d7: {  	v37 =	vld.idx.msk [tilespmem:v38+s17+$0x0], $0xffff  }
0x4d8: {  	s2 =	sadd.s32 $0xFFFFFFFB, s9  }
0x4d9: {  	v38 =	vmov s2;
	_ =	sdelay $0x3  }
0x4da: {  	[tilespmem:s0+$0xFFFFFFD0] =	vst v37  }
0x4db: {  	v37 =	vld.idx.msk [tilespmem:v38+s17+$0x0], $0xffff  }
0x4dc: {  	s2 =	sadd.s32 $0xFFFFFFFC, s9  }
0x4dd: {  	v38 =	vmov s2;
	_ =	sdelay $0x3  }
0x4de: {  	[tilespmem:s0+$0xFFFFFFE0] =	vst v37  }
0x4df: {  	v37 =	vld.idx.msk [tilespmem:v38+s17+$0x0], $0xffff  }
0x4e0: {  	s2 =	sadd.s32 $0xFFFFFFFD, s9  }
0x4e1: {  	v38 =	vmov s2;
	_ =	sdelay $0x3  }
0x4e2: {  	[tilespmem:s0+$0xFFFFFFF0] =	vst v37  }
0x4e3: {  	v37 =	vld.idx.msk [tilespmem:v38+s17+$0x0], $0xffff  }
0x4e4: {  	s2 =	sadd.s32 $0xFFFFFFFE, s9  }
0x4e5: {  	v38 =	vmov s2;
	_ =	sdelay $0x3  }
0x4e6: {  	[tilespmem:s0+$0x0] =	vst v37  }
0x4e7: {  	v37 =	vld.idx.msk [tilespmem:v38+s17+$0x0], $0xffff  }
0x4e8: {  	s2 =	sadd.s32 $0xFFFFFFFF, s9  }
0x4e9: {  	v38 =	vmov s2;
	_ =	sdelay $0x3  }
0x4ea: {  	[tilespmem:s0+$0x10] =	vst v37  }
0x4eb: {  	v38 =	vld.idx.msk [tilespmem:v38+s17+$0x0], $0xffff  }
.Ltmp12:
0x4ec: {  	(pc) =	sbr.rel @p0 .LBB2_26-.Ltmp12, $3  }
0x4ed: {  	v37 =	vmov s9;
	_ =	sdelay $0x1  }
0x4ee: {  	s3 =	sadd.s32 $0x1, s3  }
0x4ef: {  	s4 =	sadd.s32 $0x8, s4;
	s9 =	sshll.u32 s3, $0x3  }
0x4f0: {  	_ =	sdelay $0x1  }
0x4f1: {  	s2 =	sand.u32 $0xFFFFFF80, s9  }
0x4f2: {  	[tilespmem:s0+$0x20] =	vst v38;
	s1 =	sadd.s32 s2, s1  }
0x4f3: {  	v37 =	vld.idx.msk [tilespmem:v37+s17+$0x0], $0xffff;
	s2 =	sadd.s32 $0xFFFFFFF9, s1  }
0x4f4: {  	v49 =	vmov s2;
	_ =	sdelay $0x3  }
0x4f5: {  	[tilespmem:s0+$0x30] =	vst v37  }
0x4f6: {  	s31 =	sadd.s32 $0xFFFFFFFA, s1;
	v37 =	vld.idx.msk [tilespmem:v49+s17+$0x0], $0xffff  }
0x4f7: {  	v50 =	vmov s31;
	_ =	sdelay $0x2  }
0x4f8: {  	s0 =	sadd.s32 $0x80, s0  }
0x4f9: {  	[tilespmem:s0+$0xFFFFFFC0] =	vst v37  }
0x4fa: {  	s3 =	sadd.s32 $0xFFFFFFFB, s1;
	v37 =	vld.idx.msk [tilespmem:v50+s17+$0x0], $0xffff  }
0x4fb: {  	v51 =	vmov s3;
	_ =	sdelay $0x3  }
0x4fc: {  	[tilespmem:s0+$0xFFFFFFD0] =	vst v37  }
0x4fd: {  	s4 =	sadd.s32 $0xFFFFFFFC, s1;
	v37 =	vld.idx.msk [tilespmem:v51+s17+$0x0], $0xffff  }
0x4fe: {  	v52 =	vmov s4;
	_ =	sdelay $0x3  }
0x4ff: {  	[tilespmem:s0+$0xFFFFFFE0] =	vst v37  }
0x500: {  	s9 =	sadd.s32 $0xFFFFFFFD, s1;
	v37 =	vld.idx.msk [tilespmem:v52+s17+$0x0], $0xffff  }
0x501: {  	v53 =	vmov s9;
	_ =	sdelay $0x3  }
0x502: {  	[tilespmem:s0+$0xFFFFFFF0] =	vst v37  }
0x503: {  	s11 =	sadd.s32 $0xFFFFFFFE, s1;
	v37 =	vld.idx.msk [tilespmem:v53+s17+$0x0], $0xffff  }
0x504: {  	v54 =	vmov s11;
	_ =	sdelay $0x3  }
0x505: {  	[tilespmem:s0+$0x0] =	vst v37  }
0x506: {  	s18 =	sadd.s32 $0xFFFFFFFF, s1;
	v37 =	vld.idx.msk [tilespmem:v54+s17+$0x0], $0xffff  }
0x507: {  	v55 =	vmov s18;
	_ =	sdelay $0x3  }
0x508: {  	[tilespmem:s0+$0x10] =	vst v37  }
0x509: {  	v37 =	vld.idx.msk [tilespmem:v55+s17+$0x0], $0xffff  }
0x50a: {  	v56 =	vmov s1;
	_ =	sdelay $0x3  }
0x50b: {  	[tilespmem:s0+$0x20] =	vst v37  }
0x50c: {  	v37 =	vld.idx.msk [tilespmem:v56+s17+$0x0], $0xffff  }
0x50d: {  	s31 =	simm.s32 $0x500  }
0x50e: {  	s1 =	sand.u32 $0xFFFFFF80, s31  }
0x50f: {  	s2 =	sadd.s32 $0x7, s1  }
0x510: {  	s1 =	sadd.s32 $0xFFFFFFF9, s2  }
0x511: {  	v57 =	vmov s1;
	s1 =	rddreg [dreg:$0x11];
	[tilespmem:s0+$0x30] =	vst v37  }
0x512: {  	[hbm4b:s1+s5] =	stream.linear.scatter [tilespmem:s30], [sflag:$0x3], $0x800, $0x38;
	[tilespmem:$0x1F600] =	vst v63  }
0x513: {  	_ =	swait.ge [sflag:s14], $0x800  }
0x514: {  	[sflag:s14] =	ssyncset.done $0x0  }
0x515: {  	[sflag:s14] =	ssyncadd.s32 $0xFFFFF800  }
0x516: {  	s3 =	sadd.s32 $0xFFFFFFFA, s2;
	v37 =	vld.idx.msk [tilespmem:v57+s17+$0x0], $0xffff  }
0x517: {  	v58 =	vmov s3;
	_ =	sdelay $0x2  }
0x518: {  	s0 =	simm.s32 $0x61C0  }
0x519: {  	[tilespmem:s0+$0xFFFFFFC0] =	vst v37  }
0x51a: {  	s4 =	sadd.s32 $0xFFFFFFFB, s2;
	v37 =	vld.idx.msk [tilespmem:v58+s17+$0x0], $0xffff  }
0x51b: {  	v59 =	vmov s4;
	_ =	sdelay $0x3  }
0x51c: {  	[tilespmem:s0+$0xFFFFFFD0] =	vst v37  }
0x51d: {  	s9 =	sadd.s32 $0xFFFFFFFC, s2;
	v37 =	vld.idx.msk [tilespmem:v59+s17+$0x0], $0xffff  }
0x51e: {  	v60 =	vmov s9;
	_ =	sdelay $0x3  }
0x51f: {  	[tilespmem:s0+$0xFFFFFFE0] =	vst v37  }
0x520: {  	s11 =	sadd.s32 $0xFFFFFFFD, s2;
	v37 =	vld.idx.msk [tilespmem:v60+s17+$0x0], $0xffff  }
0x521: {  	v61 =	vmov s11;
	_ =	sdelay $0x3  }
0x522: {  	[tilespmem:s0+$0xFFFFFFF0] =	vst v37  }
0x523: {  	s18 =	sadd.s32 $0xFFFFFFFE, s2;
	v37 =	vld.idx.msk [tilespmem:v61+s17+$0x0], $0xffff  }
0x524: {  	v62 =	vmov s18;
	_ =	sdelay $0x3  }
0x525: {  	[tilespmem:s0+$0x0] =	vst v37  }
0x526: {  	s31 =	sadd.s32 $0xFFFFFFFF, s2;
	v37 =	vld.idx.msk [tilespmem:v62+s17+$0x0], $0xffff  }
0x527: {  	v63 =	vmov s31;
	_ =	sdelay $0x3  }
0x528: {  	[tilespmem:s0+$0x10] =	vst v37  }
0x529: {  	v38 =	vld.idx.msk [tilespmem:v63+s17+$0x0], $0xffff  }
0x52a: {  	v37 =	vmov s2;
	_ =	sdelay $0x1  }
0x52b: {  	s3 =	simm.s32 $0xA1  }
0x52c: {  	s9 =	simm.s32 $0x508;
	s4 =	simm.s32 $0x17;
	s1 =	simm.s32 $0xF  }
.LBB2_28:
0x52d: {  	p0 =	sne.s32 s4, $0x7F;
	s2 =	sand.u32 $0xFFFFFF80, s9;
	[tilespmem:s0+$0x20] =	vst v38  }
0x52e: {  	s9 =	sadd.s32 s2, s1;
	v37 =	vld.idx.msk [tilespmem:v37+s17+$0x0], $0xffff;
	s1 =	smov.u32 s4  }
0x52f: {  	s2 =	sadd.s32 $0xFFFFFFF9, s9  }
0x530: {  	v38 =	vmov s2;
	_ =	sdelay $0x3  }
0x531: {  	[tilespmem:s0+$0x30] =	vst v37  }
0x532: {  	v37 =	vld.idx.msk [tilespmem:v38+s17+$0x0], $0xffff  }
0x533: {  	s2 =	sadd.s32 $0xFFFFFFFA, s9  }
0x534: {  	v38 =	vmov s2;
	_ =	sdelay $0x2  }
0x535: {  	s0 =	sadd.s32 $0x80, s0  }
0x536: {  	[tilespmem:s0+$0xFFFFFFC0] =	vst v37  }
0x537: {  	v37 =	vld.idx.msk [tilespmem:v38+s17+$0x0], $0xffff  }
0x538: {  	s2 =	sadd.s32 $0xFFFFFFFB, s9  }
0x539: {  	v38 =	vmov s2;
	_ =	sdelay $0x3  }
0x53a: {  	[tilespmem:s0+$0xFFFFFFD0] =	vst v37  }
0x53b: {  	v37 =	vld.idx.msk [tilespmem:v38+s17+$0x0], $0xffff  }
0x53c: {  	s2 =	sadd.s32 $0xFFFFFFFC, s9  }
0x53d: {  	v38 =	vmov s2;
	_ =	sdelay $0x3  }
0x53e: {  	[tilespmem:s0+$0xFFFFFFE0] =	vst v37  }
0x53f: {  	v37 =	vld.idx.msk [tilespmem:v38+s17+$0x0], $0xffff  }
0x540: {  	s2 =	sadd.s32 $0xFFFFFFFD, s9  }
0x541: {  	v38 =	vmov s2;
	_ =	sdelay $0x3  }
0x542: {  	[tilespmem:s0+$0xFFFFFFF0] =	vst v37  }
0x543: {  	v37 =	vld.idx.msk [tilespmem:v38+s17+$0x0], $0xffff  }
0x544: {  	s2 =	sadd.s32 $0xFFFFFFFE, s9  }
0x545: {  	v38 =	vmov s2;
	_ =	sdelay $0x3  }
0x546: {  	[tilespmem:s0+$0x0] =	vst v37  }
0x547: {  	v37 =	vld.idx.msk [tilespmem:v38+s17+$0x0], $0xffff  }
0x548: {  	s2 =	sadd.s32 $0xFFFFFFFF, s9  }
0x549: {  	v38 =	vmov s2;
	_ =	sdelay $0x3  }
0x54a: {  	[tilespmem:s0+$0x10] =	vst v37  }
0x54b: {  	v38 =	vld.idx.msk [tilespmem:v38+s17+$0x0], $0xffff  }
.Ltmp13:
0x54c: {  	(pc) =	sbr.rel @p0 .LBB2_28-.Ltmp13, $3  }
0x54d: {  	v37 =	vmov s9;
	_ =	sdelay $0x1  }
0x54e: {  	s3 =	sadd.s32 $0x1, s3  }
0x54f: {  	s4 =	sadd.s32 $0x8, s4;
	s9 =	sshll.u32 s3, $0x3  }
0x550: {  	_ =	sdelay $0x1  }
0x551: {  	s2 =	sand.u32 $0xFFFFFF80, s9  }
0x552: {  	[tilespmem:s0+$0x20] =	vst v38;
	s1 =	sadd.s32 s2, s1  }
0x553: {  	v37 =	vld.idx.msk [tilespmem:v37+s17+$0x0], $0xffff;
	s2 =	sadd.s32 $0xFFFFFFF9, s1  }
0x554: {  	v49 =	vmov s2;
	_ =	sdelay $0x3  }
0x555: {  	[tilespmem:s0+$0x30] =	vst v37  }
0x556: {  	s31 =	sadd.s32 $0xFFFFFFFA, s1;
	v37 =	vld.idx.msk [tilespmem:v49+s17+$0x0], $0xffff  }
0x557: {  	v50 =	vmov s31;
	_ =	sdelay $0x2  }
0x558: {  	s0 =	sadd.s32 $0x80, s0  }
0x559: {  	[tilespmem:s0+$0xFFFFFFC0] =	vst v37  }
0x55a: {  	s3 =	sadd.s32 $0xFFFFFFFB, s1;
	v37 =	vld.idx.msk [tilespmem:v50+s17+$0x0], $0xffff  }
0x55b: {  	v51 =	vmov s3;
	_ =	sdelay $0x3  }
0x55c: {  	[tilespmem:s0+$0xFFFFFFD0] =	vst v37  }
0x55d: {  	s4 =	sadd.s32 $0xFFFFFFFC, s1;
	v37 =	vld.idx.msk [tilespmem:v51+s17+$0x0], $0xffff  }
0x55e: {  	v52 =	vmov s4;
	_ =	sdelay $0x3  }
0x55f: {  	[tilespmem:s0+$0xFFFFFFE0] =	vst v37  }
0x560: {  	s9 =	sadd.s32 $0xFFFFFFFD, s1;
	v37 =	vld.idx.msk [tilespmem:v52+s17+$0x0], $0xffff  }
0x561: {  	v53 =	vmov s9;
	_ =	sdelay $0x3  }
0x562: {  	[tilespmem:s0+$0xFFFFFFF0] =	vst v37  }
0x563: {  	s11 =	sadd.s32 $0xFFFFFFFE, s1;
	v37 =	vld.idx.msk [tilespmem:v53+s17+$0x0], $0xffff  }
0x564: {  	v54 =	vmov s11;
	_ =	sdelay $0x3  }
0x565: {  	[tilespmem:s0+$0x0] =	vst v37  }
0x566: {  	s18 =	sadd.s32 $0xFFFFFFFF, s1;
	v37 =	vld.idx.msk [tilespmem:v54+s17+$0x0], $0xffff  }
0x567: {  	v55 =	vmov s18;
	_ =	sdelay $0x3  }
0x568: {  	[tilespmem:s0+$0x10] =	vst v37  }
0x569: {  	v37 =	vld.idx.msk [tilespmem:v55+s17+$0x0], $0xffff  }
0x56a: {  	v56 =	vmov s1;
	_ =	sdelay $0x3  }
0x56b: {  	[tilespmem:s0+$0x20] =	vst v37  }
0x56c: {  	v37 =	vld.idx.msk [tilespmem:v56+s17+$0x0], $0xffff  }
0x56d: {  	s31 =	simm.s32 $0x580  }
0x56e: {  	s1 =	sand.u32 $0xFFFFFF80, s31  }
0x56f: {  	s2 =	sadd.s32 $0x7, s1  }
0x570: {  	s1 =	sadd.s32 $0xFFFFFFF9, s2  }
0x571: {  	v57 =	vmov s1;
	s1 =	rddreg [dreg:$0x12];
	[tilespmem:s0+$0x30] =	vst v37  }
0x572: {  	[hbm4b:s1+s5] =	stream.linear.scatter [tilespmem:s30], [sflag:$0x3], $0x800, $0x38;
	[tilespmem:$0x1F600] =	vst v63  }
0x573: {  	_ =	swait.ge [sflag:s14], $0x800  }
0x574: {  	[sflag:s14] =	ssyncset.done $0x0  }
0x575: {  	[sflag:s14] =	ssyncadd.s32 $0xFFFFF800  }
0x576: {  	s3 =	sadd.s32 $0xFFFFFFFA, s2;
	v37 =	vld.idx.msk [tilespmem:v57+s17+$0x0], $0xffff  }
0x577: {  	v58 =	vmov s3;
	_ =	sdelay $0x2  }
0x578: {  	s0 =	simm.s32 $0x61C0  }
0x579: {  	[tilespmem:s0+$0xFFFFFFC0] =	vst v37  }
0x57a: {  	s4 =	sadd.s32 $0xFFFFFFFB, s2;
	v37 =	vld.idx.msk [tilespmem:v58+s17+$0x0], $0xffff  }
0x57b: {  	v59 =	vmov s4;
	_ =	sdelay $0x3  }
0x57c: {  	[tilespmem:s0+$0xFFFFFFD0] =	vst v37  }
0x57d: {  	s9 =	sadd.s32 $0xFFFFFFFC, s2;
	v37 =	vld.idx.msk [tilespmem:v59+s17+$0x0], $0xffff  }
0x57e: {  	v60 =	vmov s9;
	_ =	sdelay $0x3  }
0x57f: {  	[tilespmem:s0+$0xFFFFFFE0] =	vst v37  }
0x580: {  	s11 =	sadd.s32 $0xFFFFFFFD, s2;
	v37 =	vld.idx.msk [tilespmem:v60+s17+$0x0], $0xffff  }
0x581: {  	v61 =	vmov s11;
	_ =	sdelay $0x3  }
0x582: {  	[tilespmem:s0+$0xFFFFFFF0] =	vst v37  }
0x583: {  	s18 =	sadd.s32 $0xFFFFFFFE, s2;
	v37 =	vld.idx.msk [tilespmem:v61+s17+$0x0], $0xffff  }
0x584: {  	v62 =	vmov s18;
	_ =	sdelay $0x3  }
0x585: {  	[tilespmem:s0+$0x0] =	vst v37  }
0x586: {  	s31 =	sadd.s32 $0xFFFFFFFF, s2;
	v37 =	vld.idx.msk [tilespmem:v62+s17+$0x0], $0xffff  }
0x587: {  	v63 =	vmov s31;
	_ =	sdelay $0x3  }
0x588: {  	[tilespmem:s0+$0x10] =	vst v37  }
0x589: {  	v38 =	vld.idx.msk [tilespmem:v63+s17+$0x0], $0xffff  }
0x58a: {  	v37 =	vmov s2;
	_ =	sdelay $0x1  }
0x58b: {  	s3 =	simm.s32 $0xB1  }
0x58c: {  	s9 =	simm.s32 $0x588;
	s4 =	simm.s32 $0x17;
	s1 =	simm.s32 $0xF  }
.LBB2_30:
0x58d: {  	p0 =	sne.s32 s4, $0x7F;
	s2 =	sand.u32 $0xFFFFFF80, s9;
	[tilespmem:s0+$0x20] =	vst v38  }
0x58e: {  	s9 =	sadd.s32 s2, s1;
	v37 =	vld.idx.msk [tilespmem:v37+s17+$0x0], $0xffff;
	s1 =	smov.u32 s4  }
0x58f: {  	s2 =	sadd.s32 $0xFFFFFFF9, s9  }
0x590: {  	v38 =	vmov s2;
	_ =	sdelay $0x3  }
0x591: {  	[tilespmem:s0+$0x30] =	vst v37  }
0x592: {  	v37 =	vld.idx.msk [tilespmem:v38+s17+$0x0], $0xffff  }
0x593: {  	s2 =	sadd.s32 $0xFFFFFFFA, s9  }
0x594: {  	v38 =	vmov s2;
	_ =	sdelay $0x2  }
0x595: {  	s0 =	sadd.s32 $0x80, s0  }
0x596: {  	[tilespmem:s0+$0xFFFFFFC0] =	vst v37  }
0x597: {  	v37 =	vld.idx.msk [tilespmem:v38+s17+$0x0], $0xffff  }
0x598: {  	s2 =	sadd.s32 $0xFFFFFFFB, s9  }
0x599: {  	v38 =	vmov s2;
	_ =	sdelay $0x3  }
0x59a: {  	[tilespmem:s0+$0xFFFFFFD0] =	vst v37  }
0x59b: {  	v37 =	vld.idx.msk [tilespmem:v38+s17+$0x0], $0xffff  }
0x59c: {  	s2 =	sadd.s32 $0xFFFFFFFC, s9  }
0x59d: {  	v38 =	vmov s2;
	_ =	sdelay $0x3  }
0x59e: {  	[tilespmem:s0+$0xFFFFFFE0] =	vst v37  }
0x59f: {  	v37 =	vld.idx.msk [tilespmem:v38+s17+$0x0], $0xffff  }
0x5a0: {  	s2 =	sadd.s32 $0xFFFFFFFD, s9  }
0x5a1: {  	v38 =	vmov s2;
	_ =	sdelay $0x3  }
0x5a2: {  	[tilespmem:s0+$0xFFFFFFF0] =	vst v37  }
0x5a3: {  	v37 =	vld.idx.msk [tilespmem:v38+s17+$0x0], $0xffff  }
0x5a4: {  	s2 =	sadd.s32 $0xFFFFFFFE, s9  }
0x5a5: {  	v38 =	vmov s2;
	_ =	sdelay $0x3  }
0x5a6: {  	[tilespmem:s0+$0x0] =	vst v37  }
0x5a7: {  	v37 =	vld.idx.msk [tilespmem:v38+s17+$0x0], $0xffff  }
0x5a8: {  	s2 =	sadd.s32 $0xFFFFFFFF, s9  }
0x5a9: {  	v38 =	vmov s2;
	_ =	sdelay $0x3  }
0x5aa: {  	[tilespmem:s0+$0x10] =	vst v37  }
0x5ab: {  	v38 =	vld.idx.msk [tilespmem:v38+s17+$0x0], $0xffff  }
.Ltmp14:
0x5ac: {  	(pc) =	sbr.rel @p0 .LBB2_30-.Ltmp14, $3  }
0x5ad: {  	v37 =	vmov s9;
	_ =	sdelay $0x1  }
0x5ae: {  	s3 =	sadd.s32 $0x1, s3  }
0x5af: {  	s4 =	sadd.s32 $0x8, s4;
	s9 =	sshll.u32 s3, $0x3  }
0x5b0: {  	_ =	sdelay $0x1  }
0x5b1: {  	s2 =	sand.u32 $0xFFFFFF80, s9  }
0x5b2: {  	[tilespmem:s0+$0x20] =	vst v38;
	s1 =	sadd.s32 s2, s1  }
0x5b3: {  	v37 =	vld.idx.msk [tilespmem:v37+s17+$0x0], $0xffff;
	s2 =	sadd.s32 $0xFFFFFFF9, s1  }
0x5b4: {  	v49 =	vmov s2;
	_ =	sdelay $0x3  }
0x5b5: {  	[tilespmem:s0+$0x30] =	vst v37  }
0x5b6: {  	s31 =	sadd.s32 $0xFFFFFFFA, s1;
	v37 =	vld.idx.msk [tilespmem:v49+s17+$0x0], $0xffff  }
0x5b7: {  	v50 =	vmov s31;
	_ =	sdelay $0x2  }
0x5b8: {  	s0 =	sadd.s32 $0x80, s0  }
0x5b9: {  	[tilespmem:s0+$0xFFFFFFC0] =	vst v37  }
0x5ba: {  	s3 =	sadd.s32 $0xFFFFFFFB, s1;
	v37 =	vld.idx.msk [tilespmem:v50+s17+$0x0], $0xffff  }
0x5bb: {  	v51 =	vmov s3;
	_ =	sdelay $0x3  }
0x5bc: {  	[tilespmem:s0+$0xFFFFFFD0] =	vst v37  }
0x5bd: {  	s4 =	sadd.s32 $0xFFFFFFFC, s1;
	v37 =	vld.idx.msk [tilespmem:v51+s17+$0x0], $0xffff  }
0x5be: {  	v52 =	vmov s4;
	_ =	sdelay $0x3  }
0x5bf: {  	[tilespmem:s0+$0xFFFFFFE0] =	vst v37  }
0x5c0: {  	s9 =	sadd.s32 $0xFFFFFFFD, s1;
	v37 =	vld.idx.msk [tilespmem:v52+s17+$0x0], $0xffff  }
0x5c1: {  	v53 =	vmov s9;
	_ =	sdelay $0x3  }
0x5c2: {  	[tilespmem:s0+$0xFFFFFFF0] =	vst v37  }
0x5c3: {  	s11 =	sadd.s32 $0xFFFFFFFE, s1;
	v37 =	vld.idx.msk [tilespmem:v53+s17+$0x0], $0xffff  }
0x5c4: {  	v54 =	vmov s11;
	_ =	sdelay $0x3  }
0x5c5: {  	[tilespmem:s0+$0x0] =	vst v37  }
0x5c6: {  	s18 =	sadd.s32 $0xFFFFFFFF, s1;
	v37 =	vld.idx.msk [tilespmem:v54+s17+$0x0], $0xffff  }
0x5c7: {  	v55 =	vmov s18;
	_ =	sdelay $0x3  }
0x5c8: {  	[tilespmem:s0+$0x10] =	vst v37  }
0x5c9: {  	v37 =	vld.idx.msk [tilespmem:v55+s17+$0x0], $0xffff  }
0x5ca: {  	v56 =	vmov s1;
	_ =	sdelay $0x3  }
0x5cb: {  	[tilespmem:s0+$0x20] =	vst v37  }
0x5cc: {  	v37 =	vld.idx.msk [tilespmem:v56+s17+$0x0], $0xffff  }
0x5cd: {  	s31 =	simm.s32 $0x600  }
0x5ce: {  	s1 =	sand.u32 $0xFFFFFF80, s31  }
0x5cf: {  	s2 =	sadd.s32 $0x7, s1  }
0x5d0: {  	s1 =	sadd.s32 $0xFFFFFFF9, s2  }
0x5d1: {  	v57 =	vmov s1;
	s1 =	rddreg [dreg:$0x13];
	[tilespmem:s0+$0x30] =	vst v37  }
0x5d2: {  	[hbm4b:s1+s5] =	stream.linear.scatter [tilespmem:s30], [sflag:$0x3], $0x800, $0x38;
	[tilespmem:$0x1F600] =	vst v63  }
0x5d3: {  	_ =	swait.ge [sflag:s14], $0x800  }
0x5d4: {  	[sflag:s14] =	ssyncset.done $0x0  }
0x5d5: {  	[sflag:s14] =	ssyncadd.s32 $0xFFFFF800  }
0x5d6: {  	s3 =	sadd.s32 $0xFFFFFFFA, s2;
	v37 =	vld.idx.msk [tilespmem:v57+s17+$0x0], $0xffff  }
0x5d7: {  	v58 =	vmov s3;
	_ =	sdelay $0x2  }
0x5d8: {  	s0 =	simm.s32 $0x61C0  }
0x5d9: {  	[tilespmem:s0+$0xFFFFFFC0] =	vst v37  }
0x5da: {  	s4 =	sadd.s32 $0xFFFFFFFB, s2;
	v37 =	vld.idx.msk [tilespmem:v58+s17+$0x0], $0xffff  }
0x5db: {  	v59 =	vmov s4;
	_ =	sdelay $0x3  }
0x5dc: {  	[tilespmem:s0+$0xFFFFFFD0] =	vst v37  }
0x5dd: {  	s9 =	sadd.s32 $0xFFFFFFFC, s2;
	v37 =	vld.idx.msk [tilespmem:v59+s17+$0x0], $0xffff  }
0x5de: {  	v60 =	vmov s9;
	_ =	sdelay $0x3  }
0x5df: {  	[tilespmem:s0+$0xFFFFFFE0] =	vst v37  }
0x5e0: {  	s11 =	sadd.s32 $0xFFFFFFFD, s2;
	v37 =	vld.idx.msk [tilespmem:v60+s17+$0x0], $0xffff  }
0x5e1: {  	v61 =	vmov s11;
	_ =	sdelay $0x3  }
0x5e2: {  	[tilespmem:s0+$0xFFFFFFF0] =	vst v37  }
0x5e3: {  	s18 =	sadd.s32 $0xFFFFFFFE, s2;
	v37 =	vld.idx.msk [tilespmem:v61+s17+$0x0], $0xffff  }
0x5e4: {  	v62 =	vmov s18;
	_ =	sdelay $0x3  }
0x5e5: {  	[tilespmem:s0+$0x0] =	vst v37  }
0x5e6: {  	s31 =	sadd.s32 $0xFFFFFFFF, s2;
	v37 =	vld.idx.msk [tilespmem:v62+s17+$0x0], $0xffff  }
0x5e7: {  	v63 =	vmov s31;
	_ =	sdelay $0x3  }
0x5e8: {  	[tilespmem:s0+$0x10] =	vst v37  }
0x5e9: {  	v38 =	vld.idx.msk [tilespmem:v63+s17+$0x0], $0xffff  }
0x5ea: {  	v37 =	vmov s2;
	_ =	sdelay $0x1  }
0x5eb: {  	s3 =	simm.s32 $0xC1  }
0x5ec: {  	s9 =	simm.s32 $0x608;
	s4 =	simm.s32 $0x17;
	s1 =	simm.s32 $0xF  }
.LBB2_32:
0x5ed: {  	p0 =	sne.s32 s4, $0x7F;
	s2 =	sand.u32 $0xFFFFFF80, s9;
	[tilespmem:s0+$0x20] =	vst v38  }
0x5ee: {  	s9 =	sadd.s32 s2, s1;
	v37 =	vld.idx.msk [tilespmem:v37+s17+$0x0], $0xffff;
	s1 =	smov.u32 s4  }
0x5ef: {  	s2 =	sadd.s32 $0xFFFFFFF9, s9  }
0x5f0: {  	v38 =	vmov s2;
	_ =	sdelay $0x3  }
0x5f1: {  	[tilespmem:s0+$0x30] =	vst v37  }
0x5f2: {  	v37 =	vld.idx.msk [tilespmem:v38+s17+$0x0], $0xffff  }
0x5f3: {  	s2 =	sadd.s32 $0xFFFFFFFA, s9  }
0x5f4: {  	v38 =	vmov s2;
	_ =	sdelay $0x2  }
0x5f5: {  	s0 =	sadd.s32 $0x80, s0  }
0x5f6: {  	[tilespmem:s0+$0xFFFFFFC0] =	vst v37  }
0x5f7: {  	v37 =	vld.idx.msk [tilespmem:v38+s17+$0x0], $0xffff  }
0x5f8: {  	s2 =	sadd.s32 $0xFFFFFFFB, s9  }
0x5f9: {  	v38 =	vmov s2;
	_ =	sdelay $0x3  }
0x5fa: {  	[tilespmem:s0+$0xFFFFFFD0] =	vst v37  }
0x5fb: {  	v37 =	vld.idx.msk [tilespmem:v38+s17+$0x0], $0xffff  }
0x5fc: {  	s2 =	sadd.s32 $0xFFFFFFFC, s9  }
0x5fd: {  	v38 =	vmov s2;
	_ =	sdelay $0x3  }
0x5fe: {  	[tilespmem:s0+$0xFFFFFFE0] =	vst v37  }
0x5ff: {  	v37 =	vld.idx.msk [tilespmem:v38+s17+$0x0], $0xffff  }
0x600: {  	s2 =	sadd.s32 $0xFFFFFFFD, s9  }
0x601: {  	v38 =	vmov s2;
	_ =	sdelay $0x3  }
0x602: {  	[tilespmem:s0+$0xFFFFFFF0] =	vst v37  }
0x603: {  	v37 =	vld.idx.msk [tilespmem:v38+s17+$0x0], $0xffff  }
0x604: {  	s2 =	sadd.s32 $0xFFFFFFFE, s9  }
0x605: {  	v38 =	vmov s2;
	_ =	sdelay $0x3  }
0x606: {  	[tilespmem:s0+$0x0] =	vst v37  }
0x607: {  	v37 =	vld.idx.msk [tilespmem:v38+s17+$0x0], $0xffff  }
0x608: {  	s2 =	sadd.s32 $0xFFFFFFFF, s9  }
0x609: {  	v38 =	vmov s2;
	_ =	sdelay $0x3  }
0x60a: {  	[tilespmem:s0+$0x10] =	vst v37  }
0x60b: {  	v38 =	vld.idx.msk [tilespmem:v38+s17+$0x0], $0xffff  }
.Ltmp15:
0x60c: {  	(pc) =	sbr.rel @p0 .LBB2_32-.Ltmp15, $3  }
0x60d: {  	v37 =	vmov s9;
	_ =	sdelay $0x1  }
0x60e: {  	s3 =	sadd.s32 $0x1, s3  }
0x60f: {  	s4 =	sadd.s32 $0x8, s4;
	s9 =	sshll.u32 s3, $0x3  }
0x610: {  	_ =	sdelay $0x1  }
0x611: {  	s2 =	sand.u32 $0xFFFFFF80, s9  }
0x612: {  	[tilespmem:s0+$0x20] =	vst v38;
	s1 =	sadd.s32 s2, s1  }
0x613: {  	v37 =	vld.idx.msk [tilespmem:v37+s17+$0x0], $0xffff;
	s2 =	sadd.s32 $0xFFFFFFF9, s1  }
0x614: {  	v49 =	vmov s2;
	_ =	sdelay $0x3  }
0x615: {  	[tilespmem:s0+$0x30] =	vst v37  }
0x616: {  	s31 =	sadd.s32 $0xFFFFFFFA, s1;
	v37 =	vld.idx.msk [tilespmem:v49+s17+$0x0], $0xffff  }
0x617: {  	v50 =	vmov s31;
	_ =	sdelay $0x2  }
0x618: {  	s0 =	sadd.s32 $0x80, s0  }
0x619: {  	[tilespmem:s0+$0xFFFFFFC0] =	vst v37  }
0x61a: {  	s3 =	sadd.s32 $0xFFFFFFFB, s1;
	v37 =	vld.idx.msk [tilespmem:v50+s17+$0x0], $0xffff  }
0x61b: {  	v51 =	vmov s3;
	_ =	sdelay $0x3  }
0x61c: {  	[tilespmem:s0+$0xFFFFFFD0] =	vst v37  }
0x61d: {  	s4 =	sadd.s32 $0xFFFFFFFC, s1;
	v37 =	vld.idx.msk [tilespmem:v51+s17+$0x0], $0xffff  }
0x61e: {  	v52 =	vmov s4;
	_ =	sdelay $0x3  }
0x61f: {  	[tilespmem:s0+$0xFFFFFFE0] =	vst v37  }
0x620: {  	s9 =	sadd.s32 $0xFFFFFFFD, s1;
	v37 =	vld.idx.msk [tilespmem:v52+s17+$0x0], $0xffff  }
0x621: {  	v53 =	vmov s9;
	_ =	sdelay $0x3  }
0x622: {  	[tilespmem:s0+$0xFFFFFFF0] =	vst v37  }
0x623: {  	s11 =	sadd.s32 $0xFFFFFFFE, s1;
	v37 =	vld.idx.msk [tilespmem:v53+s17+$0x0], $0xffff  }
0x624: {  	v54 =	vmov s11;
	_ =	sdelay $0x3  }
0x625: {  	[tilespmem:s0+$0x0] =	vst v37  }
0x626: {  	s18 =	sadd.s32 $0xFFFFFFFF, s1;
	v37 =	vld.idx.msk [tilespmem:v54+s17+$0x0], $0xffff  }
0x627: {  	v55 =	vmov s18;
	_ =	sdelay $0x3  }
0x628: {  	[tilespmem:s0+$0x10] =	vst v37  }
0x629: {  	v37 =	vld.idx.msk [tilespmem:v55+s17+$0x0], $0xffff  }
0x62a: {  	v56 =	vmov s1;
	_ =	sdelay $0x3  }
0x62b: {  	[tilespmem:s0+$0x20] =	vst v37  }
0x62c: {  	v37 =	vld.idx.msk [tilespmem:v56+s17+$0x0], $0xffff  }
0x62d: {  	s31 =	simm.s32 $0x680  }
0x62e: {  	s1 =	sand.u32 $0xFFFFFF80, s31  }
0x62f: {  	s2 =	sadd.s32 $0x7, s1  }
0x630: {  	s1 =	sadd.s32 $0xFFFFFFF9, s2  }
0x631: {  	v57 =	vmov s1;
	s1 =	rddreg [dreg:$0x14];
	[tilespmem:s0+$0x30] =	vst v37  }
0x632: {  	[hbm4b:s1+s5] =	stream.linear.scatter [tilespmem:s30], [sflag:$0x3], $0x800, $0x38;
	[tilespmem:$0x1F600] =	vst v63  }
0x633: {  	_ =	swait.ge [sflag:s14], $0x800  }
0x634: {  	[sflag:s14] =	ssyncset.done $0x0  }
0x635: {  	[sflag:s14] =	ssyncadd.s32 $0xFFFFF800  }
0x636: {  	s3 =	sadd.s32 $0xFFFFFFFA, s2;
	v37 =	vld.idx.msk [tilespmem:v57+s17+$0x0], $0xffff  }
0x637: {  	v58 =	vmov s3;
	_ =	sdelay $0x2  }
0x638: {  	s0 =	simm.s32 $0x61C0  }
0x639: {  	[tilespmem:s0+$0xFFFFFFC0] =	vst v37  }
0x63a: {  	s4 =	sadd.s32 $0xFFFFFFFB, s2;
	v37 =	vld.idx.msk [tilespmem:v58+s17+$0x0], $0xffff  }
0x63b: {  	v59 =	vmov s4;
	_ =	sdelay $0x3  }
0x63c: {  	[tilespmem:s0+$0xFFFFFFD0] =	vst v37  }
0x63d: {  	s9 =	sadd.s32 $0xFFFFFFFC, s2;
	v37 =	vld.idx.msk [tilespmem:v59+s17+$0x0], $0xffff  }
0x63e: {  	v60 =	vmov s9;
	_ =	sdelay $0x3  }
0x63f: {  	[tilespmem:s0+$0xFFFFFFE0] =	vst v37  }
0x640: {  	s11 =	sadd.s32 $0xFFFFFFFD, s2;
	v37 =	vld.idx.msk [tilespmem:v60+s17+$0x0], $0xffff  }
0x641: {  	v61 =	vmov s11;
	_ =	sdelay $0x3  }
0x642: {  	[tilespmem:s0+$0xFFFFFFF0] =	vst v37  }
0x643: {  	s18 =	sadd.s32 $0xFFFFFFFE, s2;
	v37 =	vld.idx.msk [tilespmem:v61+s17+$0x0], $0xffff  }
0x644: {  	v62 =	vmov s18;
	_ =	sdelay $0x3  }
0x645: {  	[tilespmem:s0+$0x0] =	vst v37  }
0x646: {  	s31 =	sadd.s32 $0xFFFFFFFF, s2;
	v37 =	vld.idx.msk [tilespmem:v62+s17+$0x0], $0xffff  }
0x647: {  	v63 =	vmov s31;
	_ =	sdelay $0x3  }
0x648: {  	[tilespmem:s0+$0x10] =	vst v37  }
0x649: {  	v38 =	vld.idx.msk [tilespmem:v63+s17+$0x0], $0xffff  }
0x64a: {  	v37 =	vmov s2;
	_ =	sdelay $0x1  }
0x64b: {  	s3 =	simm.s32 $0xD1  }
0x64c: {  	s9 =	simm.s32 $0x688;
	s4 =	simm.s32 $0x17;
	s1 =	simm.s32 $0xF  }
.LBB2_34:
0x64d: {  	p0 =	sne.s32 s4, $0x7F;
	s2 =	sand.u32 $0xFFFFFF80, s9;
	[tilespmem:s0+$0x20] =	vst v38  }
0x64e: {  	s9 =	sadd.s32 s2, s1;
	v37 =	vld.idx.msk [tilespmem:v37+s17+$0x0], $0xffff;
	s1 =	smov.u32 s4  }
0x64f: {  	s2 =	sadd.s32 $0xFFFFFFF9, s9  }
0x650: {  	v38 =	vmov s2;
	_ =	sdelay $0x3  }
0x651: {  	[tilespmem:s0+$0x30] =	vst v37  }
0x652: {  	v37 =	vld.idx.msk [tilespmem:v38+s17+$0x0], $0xffff  }
0x653: {  	s2 =	sadd.s32 $0xFFFFFFFA, s9  }
0x654: {  	v38 =	vmov s2;
	_ =	sdelay $0x2  }
0x655: {  	s0 =	sadd.s32 $0x80, s0  }
0x656: {  	[tilespmem:s0+$0xFFFFFFC0] =	vst v37  }
0x657: {  	v37 =	vld.idx.msk [tilespmem:v38+s17+$0x0], $0xffff  }
0x658: {  	s2 =	sadd.s32 $0xFFFFFFFB, s9  }
0x659: {  	v38 =	vmov s2;
	_ =	sdelay $0x3  }
0x65a: {  	[tilespmem:s0+$0xFFFFFFD0] =	vst v37  }
0x65b: {  	v37 =	vld.idx.msk [tilespmem:v38+s17+$0x0], $0xffff  }
0x65c: {  	s2 =	sadd.s32 $0xFFFFFFFC, s9  }
0x65d: {  	v38 =	vmov s2;
	_ =	sdelay $0x3  }
0x65e: {  	[tilespmem:s0+$0xFFFFFFE0] =	vst v37  }
0x65f: {  	v37 =	vld.idx.msk [tilespmem:v38+s17+$0x0], $0xffff  }
0x660: {  	s2 =	sadd.s32 $0xFFFFFFFD, s9  }
0x661: {  	v38 =	vmov s2;
	_ =	sdelay $0x3  }
0x662: {  	[tilespmem:s0+$0xFFFFFFF0] =	vst v37  }
0x663: {  	v37 =	vld.idx.msk [tilespmem:v38+s17+$0x0], $0xffff  }
0x664: {  	s2 =	sadd.s32 $0xFFFFFFFE, s9  }
0x665: {  	v38 =	vmov s2;
	_ =	sdelay $0x3  }
0x666: {  	[tilespmem:s0+$0x0] =	vst v37  }
0x667: {  	v37 =	vld.idx.msk [tilespmem:v38+s17+$0x0], $0xffff  }
0x668: {  	s2 =	sadd.s32 $0xFFFFFFFF, s9  }
0x669: {  	v38 =	vmov s2;
	_ =	sdelay $0x3  }
0x66a: {  	[tilespmem:s0+$0x10] =	vst v37  }
0x66b: {  	v38 =	vld.idx.msk [tilespmem:v38+s17+$0x0], $0xffff  }
.Ltmp16:
0x66c: {  	(pc) =	sbr.rel @p0 .LBB2_34-.Ltmp16, $3  }
0x66d: {  	v37 =	vmov s9;
	_ =	sdelay $0x1  }
0x66e: {  	s3 =	sadd.s32 $0x1, s3  }
0x66f: {  	s4 =	sadd.s32 $0x8, s4;
	s9 =	sshll.u32 s3, $0x3  }
0x670: {  	_ =	sdelay $0x1  }
0x671: {  	s2 =	sand.u32 $0xFFFFFF80, s9  }
0x672: {  	[tilespmem:s0+$0x20] =	vst v38;
	s1 =	sadd.s32 s2, s1  }
0x673: {  	v37 =	vld.idx.msk [tilespmem:v37+s17+$0x0], $0xffff;
	s2 =	sadd.s32 $0xFFFFFFF9, s1  }
0x674: {  	v49 =	vmov s2;
	_ =	sdelay $0x3  }
0x675: {  	[tilespmem:s0+$0x30] =	vst v37  }
0x676: {  	s31 =	sadd.s32 $0xFFFFFFFA, s1;
	v37 =	vld.idx.msk [tilespmem:v49+s17+$0x0], $0xffff  }
0x677: {  	v50 =	vmov s31;
	_ =	sdelay $0x2  }
0x678: {  	s0 =	sadd.s32 $0x80, s0  }
0x679: {  	[tilespmem:s0+$0xFFFFFFC0] =	vst v37  }
0x67a: {  	s3 =	sadd.s32 $0xFFFFFFFB, s1;
	v37 =	vld.idx.msk [tilespmem:v50+s17+$0x0], $0xffff  }
0x67b: {  	v51 =	vmov s3;
	_ =	sdelay $0x3  }
0x67c: {  	[tilespmem:s0+$0xFFFFFFD0] =	vst v37  }
0x67d: {  	s4 =	sadd.s32 $0xFFFFFFFC, s1;
	v37 =	vld.idx.msk [tilespmem:v51+s17+$0x0], $0xffff  }
0x67e: {  	v52 =	vmov s4;
	_ =	sdelay $0x3  }
0x67f: {  	[tilespmem:s0+$0xFFFFFFE0] =	vst v37  }
0x680: {  	s9 =	sadd.s32 $0xFFFFFFFD, s1;
	v37 =	vld.idx.msk [tilespmem:v52+s17+$0x0], $0xffff  }
0x681: {  	v53 =	vmov s9;
	_ =	sdelay $0x3  }
0x682: {  	[tilespmem:s0+$0xFFFFFFF0] =	vst v37  }
0x683: {  	s11 =	sadd.s32 $0xFFFFFFFE, s1;
	v37 =	vld.idx.msk [tilespmem:v53+s17+$0x0], $0xffff  }
0x684: {  	v54 =	vmov s11;
	_ =	sdelay $0x3  }
0x685: {  	[tilespmem:s0+$0x0] =	vst v37  }
0x686: {  	s18 =	sadd.s32 $0xFFFFFFFF, s1;
	v37 =	vld.idx.msk [tilespmem:v54+s17+$0x0], $0xffff  }
0x687: {  	v55 =	vmov s18;
	_ =	sdelay $0x3  }
0x688: {  	[tilespmem:s0+$0x10] =	vst v37  }
0x689: {  	v37 =	vld.idx.msk [tilespmem:v55+s17+$0x0], $0xffff  }
0x68a: {  	v56 =	vmov s1;
	_ =	sdelay $0x3  }
0x68b: {  	[tilespmem:s0+$0x20] =	vst v37  }
0x68c: {  	v37 =	vld.idx.msk [tilespmem:v56+s17+$0x0], $0xffff  }
0x68d: {  	s31 =	simm.s32 $0x700  }
0x68e: {  	s1 =	sand.u32 $0xFFFFFF80, s31  }
0x68f: {  	s2 =	sadd.s32 $0x7, s1  }
0x690: {  	s1 =	sadd.s32 $0xFFFFFFF9, s2  }
0x691: {  	v57 =	vmov s1;
	s1 =	rddreg [dreg:$0x15];
	[tilespmem:s0+$0x30] =	vst v37  }
0x692: {  	[hbm4b:s1+s5] =	stream.linear.scatter [tilespmem:s30], [sflag:$0x3], $0x800, $0x38;
	[tilespmem:$0x1F600] =	vst v63  }
0x693: {  	_ =	swait.ge [sflag:s14], $0x800  }
0x694: {  	[sflag:s14] =	ssyncset.done $0x0  }
0x695: {  	[sflag:s14] =	ssyncadd.s32 $0xFFFFF800  }
0x696: {  	s3 =	sadd.s32 $0xFFFFFFFA, s2;
	v37 =	vld.idx.msk [tilespmem:v57+s17+$0x0], $0xffff  }
0x697: {  	v58 =	vmov s3;
	_ =	sdelay $0x2  }
0x698: {  	s0 =	simm.s32 $0x61C0  }
0x699: {  	[tilespmem:s0+$0xFFFFFFC0] =	vst v37  }
0x69a: {  	s4 =	sadd.s32 $0xFFFFFFFB, s2;
	v37 =	vld.idx.msk [tilespmem:v58+s17+$0x0], $0xffff  }
0x69b: {  	v59 =	vmov s4;
	_ =	sdelay $0x3  }
0x69c: {  	[tilespmem:s0+$0xFFFFFFD0] =	vst v37  }
0x69d: {  	s9 =	sadd.s32 $0xFFFFFFFC, s2;
	v37 =	vld.idx.msk [tilespmem:v59+s17+$0x0], $0xffff  }
0x69e: {  	v60 =	vmov s9;
	_ =	sdelay $0x3  }
0x69f: {  	[tilespmem:s0+$0xFFFFFFE0] =	vst v37  }
0x6a0: {  	s11 =	sadd.s32 $0xFFFFFFFD, s2;
	v37 =	vld.idx.msk [tilespmem:v60+s17+$0x0], $0xffff  }
0x6a1: {  	v61 =	vmov s11;
	_ =	sdelay $0x3  }
0x6a2: {  	[tilespmem:s0+$0xFFFFFFF0] =	vst v37  }
0x6a3: {  	s18 =	sadd.s32 $0xFFFFFFFE, s2;
	v37 =	vld.idx.msk [tilespmem:v61+s17+$0x0], $0xffff  }
0x6a4: {  	v62 =	vmov s18;
	_ =	sdelay $0x3  }
0x6a5: {  	[tilespmem:s0+$0x0] =	vst v37  }
0x6a6: {  	s31 =	sadd.s32 $0xFFFFFFFF, s2;
	v37 =	vld.idx.msk [tilespmem:v62+s17+$0x0], $0xffff  }
0x6a7: {  	v63 =	vmov s31;
	_ =	sdelay $0x3  }
0x6a8: {  	[tilespmem:s0+$0x10] =	vst v37  }
0x6a9: {  	v38 =	vld.idx.msk [tilespmem:v63+s17+$0x0], $0xffff  }
0x6aa: {  	v37 =	vmov s2;
	_ =	sdelay $0x1  }
0x6ab: {  	s3 =	simm.s32 $0xE1  }
0x6ac: {  	s9 =	simm.s32 $0x708;
	s4 =	simm.s32 $0x17;
	s1 =	simm.s32 $0xF  }
.LBB2_36:
0x6ad: {  	p0 =	sne.s32 s4, $0x7F;
	s2 =	sand.u32 $0xFFFFFF80, s9;
	[tilespmem:s0+$0x20] =	vst v38  }
0x6ae: {  	s9 =	sadd.s32 s2, s1;
	v37 =	vld.idx.msk [tilespmem:v37+s17+$0x0], $0xffff;
	s1 =	smov.u32 s4  }
0x6af: {  	s2 =	sadd.s32 $0xFFFFFFF9, s9  }
0x6b0: {  	v38 =	vmov s2;
	_ =	sdelay $0x3  }
0x6b1: {  	[tilespmem:s0+$0x30] =	vst v37  }
0x6b2: {  	v37 =	vld.idx.msk [tilespmem:v38+s17+$0x0], $0xffff  }
0x6b3: {  	s2 =	sadd.s32 $0xFFFFFFFA, s9  }
0x6b4: {  	v38 =	vmov s2;
	_ =	sdelay $0x2  }
0x6b5: {  	s0 =	sadd.s32 $0x80, s0  }
0x6b6: {  	[tilespmem:s0+$0xFFFFFFC0] =	vst v37  }
0x6b7: {  	v37 =	vld.idx.msk [tilespmem:v38+s17+$0x0], $0xffff  }
0x6b8: {  	s2 =	sadd.s32 $0xFFFFFFFB, s9  }
0x6b9: {  	v38 =	vmov s2;
	_ =	sdelay $0x3  }
0x6ba: {  	[tilespmem:s0+$0xFFFFFFD0] =	vst v37  }
0x6bb: {  	v37 =	vld.idx.msk [tilespmem:v38+s17+$0x0], $0xffff  }
0x6bc: {  	s2 =	sadd.s32 $0xFFFFFFFC, s9  }
0x6bd: {  	v38 =	vmov s2;
	_ =	sdelay $0x3  }
0x6be: {  	[tilespmem:s0+$0xFFFFFFE0] =	vst v37  }
0x6bf: {  	v37 =	vld.idx.msk [tilespmem:v38+s17+$0x0], $0xffff  }
0x6c0: {  	s2 =	sadd.s32 $0xFFFFFFFD, s9  }
0x6c1: {  	v38 =	vmov s2;
	_ =	sdelay $0x3  }
0x6c2: {  	[tilespmem:s0+$0xFFFFFFF0] =	vst v37  }
0x6c3: {  	v37 =	vld.idx.msk [tilespmem:v38+s17+$0x0], $0xffff  }
0x6c4: {  	s2 =	sadd.s32 $0xFFFFFFFE, s9  }
0x6c5: {  	v38 =	vmov s2;
	_ =	sdelay $0x3  }
0x6c6: {  	[tilespmem:s0+$0x0] =	vst v37  }
0x6c7: {  	v37 =	vld.idx.msk [tilespmem:v38+s17+$0x0], $0xffff  }
0x6c8: {  	s2 =	sadd.s32 $0xFFFFFFFF, s9  }
0x6c9: {  	v38 =	vmov s2;
	_ =	sdelay $0x3  }
0x6ca: {  	[tilespmem:s0+$0x10] =	vst v37  }
0x6cb: {  	v38 =	vld.idx.msk [tilespmem:v38+s17+$0x0], $0xffff  }
.Ltmp17:
0x6cc: {  	(pc) =	sbr.rel @p0 .LBB2_36-.Ltmp17, $3  }
0x6cd: {  	v37 =	vmov s9;
	_ =	sdelay $0x1  }
0x6ce: {  	s3 =	sadd.s32 $0x1, s3  }
0x6cf: {  	s4 =	sadd.s32 $0x8, s4;
	s9 =	sshll.u32 s3, $0x3  }
0x6d0: {  	_ =	sdelay $0x1  }
0x6d1: {  	s2 =	sand.u32 $0xFFFFFF80, s9  }
0x6d2: {  	[tilespmem:s0+$0x20] =	vst v38;
	s1 =	sadd.s32 s2, s1  }
0x6d3: {  	v37 =	vld.idx.msk [tilespmem:v37+s17+$0x0], $0xffff;
	s2 =	sadd.s32 $0xFFFFFFF9, s1  }
0x6d4: {  	v49 =	vmov s2;
	_ =	sdelay $0x3  }
0x6d5: {  	[tilespmem:s0+$0x30] =	vst v37  }
0x6d6: {  	s31 =	sadd.s32 $0xFFFFFFFA, s1;
	v37 =	vld.idx.msk [tilespmem:v49+s17+$0x0], $0xffff  }
0x6d7: {  	v50 =	vmov s31;
	_ =	sdelay $0x2  }
0x6d8: {  	s0 =	sadd.s32 $0x80, s0  }
0x6d9: {  	[tilespmem:s0+$0xFFFFFFC0] =	vst v37  }
0x6da: {  	s3 =	sadd.s32 $0xFFFFFFFB, s1;
	v37 =	vld.idx.msk [tilespmem:v50+s17+$0x0], $0xffff  }
0x6db: {  	v51 =	vmov s3;
	_ =	sdelay $0x3  }
0x6dc: {  	[tilespmem:s0+$0xFFFFFFD0] =	vst v37  }
0x6dd: {  	s4 =	sadd.s32 $0xFFFFFFFC, s1;
	v37 =	vld.idx.msk [tilespmem:v51+s17+$0x0], $0xffff  }
0x6de: {  	v52 =	vmov s4;
	_ =	sdelay $0x3  }
0x6df: {  	[tilespmem:s0+$0xFFFFFFE0] =	vst v37  }
0x6e0: {  	s9 =	sadd.s32 $0xFFFFFFFD, s1;
	v37 =	vld.idx.msk [tilespmem:v52+s17+$0x0], $0xffff  }
0x6e1: {  	v53 =	vmov s9;
	_ =	sdelay $0x3  }
0x6e2: {  	[tilespmem:s0+$0xFFFFFFF0] =	vst v37  }
0x6e3: {  	s11 =	sadd.s32 $0xFFFFFFFE, s1;
	v37 =	vld.idx.msk [tilespmem:v53+s17+$0x0], $0xffff  }
0x6e4: {  	v54 =	vmov s11;
	_ =	sdelay $0x3  }
0x6e5: {  	[tilespmem:s0+$0x0] =	vst v37  }
0x6e6: {  	s18 =	sadd.s32 $0xFFFFFFFF, s1;
	v37 =	vld.idx.msk [tilespmem:v54+s17+$0x0], $0xffff  }
0x6e7: {  	v55 =	vmov s18;
	_ =	sdelay $0x3  }
0x6e8: {  	[tilespmem:s0+$0x10] =	vst v37  }
0x6e9: {  	v37 =	vld.idx.msk [tilespmem:v55+s17+$0x0], $0xffff  }
0x6ea: {  	v56 =	vmov s1;
	_ =	sdelay $0x3  }
0x6eb: {  	[tilespmem:s0+$0x20] =	vst v37  }
0x6ec: {  	v37 =	vld.idx.msk [tilespmem:v56+s17+$0x0], $0xffff  }
0x6ed: {  	s31 =	simm.s32 $0x780  }
0x6ee: {  	s1 =	sand.u32 $0xFFFFFF80, s31  }
0x6ef: {  	s2 =	sadd.s32 $0x7, s1  }
0x6f0: {  	s1 =	sadd.s32 $0xFFFFFFF9, s2  }
0x6f1: {  	v57 =	vmov s1;
	s1 =	rddreg [dreg:$0x16];
	[tilespmem:s0+$0x30] =	vst v37  }
0x6f2: {  	[hbm4b:s1+s5] =	stream.linear.scatter [tilespmem:s30], [sflag:$0x3], $0x800, $0x38;
	[tilespmem:$0x1F600] =	vst v63  }
0x6f3: {  	_ =	swait.ge [sflag:s14], $0x800  }
0x6f4: {  	[sflag:s14] =	ssyncset.done $0x0  }
0x6f5: {  	[sflag:s14] =	ssyncadd.s32 $0xFFFFF800  }
0x6f6: {  	s3 =	sadd.s32 $0xFFFFFFFA, s2;
	v37 =	vld.idx.msk [tilespmem:v57+s17+$0x0], $0xffff  }
0x6f7: {  	v58 =	vmov s3;
	_ =	sdelay $0x2  }
0x6f8: {  	s0 =	simm.s32 $0x61C0  }
0x6f9: {  	[tilespmem:s0+$0xFFFFFFC0] =	vst v37  }
0x6fa: {  	s4 =	sadd.s32 $0xFFFFFFFB, s2;
	v37 =	vld.idx.msk [tilespmem:v58+s17+$0x0], $0xffff  }
0x6fb: {  	v59 =	vmov s4;
	_ =	sdelay $0x3  }
0x6fc: {  	[tilespmem:s0+$0xFFFFFFD0] =	vst v37  }
0x6fd: {  	s9 =	sadd.s32 $0xFFFFFFFC, s2;
	v37 =	vld.idx.msk [tilespmem:v59+s17+$0x0], $0xffff  }
0x6fe: {  	v60 =	vmov s9;
	_ =	sdelay $0x3  }
0x6ff: {  	[tilespmem:s0+$0xFFFFFFE0] =	vst v37  }
0x700: {  	s11 =	sadd.s32 $0xFFFFFFFD, s2;
	v37 =	vld.idx.msk [tilespmem:v60+s17+$0x0], $0xffff  }
0x701: {  	v61 =	vmov s11;
	_ =	sdelay $0x3  }
0x702: {  	[tilespmem:s0+$0xFFFFFFF0] =	vst v37  }
0x703: {  	s18 =	sadd.s32 $0xFFFFFFFE, s2;
	v37 =	vld.idx.msk [tilespmem:v61+s17+$0x0], $0xffff  }
0x704: {  	v62 =	vmov s18;
	_ =	sdelay $0x3  }
0x705: {  	[tilespmem:s0+$0x0] =	vst v37  }
0x706: {  	s31 =	sadd.s32 $0xFFFFFFFF, s2;
	v37 =	vld.idx.msk [tilespmem:v62+s17+$0x0], $0xffff  }
0x707: {  	v63 =	vmov s31;
	_ =	sdelay $0x3  }
0x708: {  	[tilespmem:s0+$0x10] =	vst v37  }
0x709: {  	v38 =	vld.idx.msk [tilespmem:v63+s17+$0x0], $0xffff  }
0x70a: {  	v37 =	vmov s2;
	_ =	sdelay $0x1  }
0x70b: {  	s3 =	simm.s32 $0xF1  }
0x70c: {  	s9 =	simm.s32 $0x788;
	s4 =	simm.s32 $0x17;
	s1 =	simm.s32 $0xF  }
.LBB2_38:
0x70d: {  	p0 =	sne.s32 s4, $0x7F;
	s2 =	sand.u32 $0xFFFFFF80, s9;
	[tilespmem:s0+$0x20] =	vst v38  }
0x70e: {  	s9 =	sadd.s32 s2, s1;
	v37 =	vld.idx.msk [tilespmem:v37+s17+$0x0], $0xffff;
	s1 =	smov.u32 s4  }
0x70f: {  	s2 =	sadd.s32 $0xFFFFFFF9, s9  }
0x710: {  	v38 =	vmov s2;
	_ =	sdelay $0x3  }
0x711: {  	[tilespmem:s0+$0x30] =	vst v37  }
0x712: {  	v37 =	vld.idx.msk [tilespmem:v38+s17+$0x0], $0xffff  }
0x713: {  	s2 =	sadd.s32 $0xFFFFFFFA, s9  }
0x714: {  	v38 =	vmov s2;
	_ =	sdelay $0x2  }
0x715: {  	s0 =	sadd.s32 $0x80, s0  }
0x716: {  	[tilespmem:s0+$0xFFFFFFC0] =	vst v37  }
0x717: {  	v37 =	vld.idx.msk [tilespmem:v38+s17+$0x0], $0xffff  }
0x718: {  	s2 =	sadd.s32 $0xFFFFFFFB, s9  }
0x719: {  	v38 =	vmov s2;
	_ =	sdelay $0x3  }
0x71a: {  	[tilespmem:s0+$0xFFFFFFD0] =	vst v37  }
0x71b: {  	v37 =	vld.idx.msk [tilespmem:v38+s17+$0x0], $0xffff  }
0x71c: {  	s2 =	sadd.s32 $0xFFFFFFFC, s9  }
0x71d: {  	v38 =	vmov s2;
	_ =	sdelay $0x3  }
0x71e: {  	[tilespmem:s0+$0xFFFFFFE0] =	vst v37  }
0x71f: {  	v37 =	vld.idx.msk [tilespmem:v38+s17+$0x0], $0xffff  }
0x720: {  	s2 =	sadd.s32 $0xFFFFFFFD, s9  }
0x721: {  	v38 =	vmov s2;
	_ =	sdelay $0x3  }
0x722: {  	[tilespmem:s0+$0xFFFFFFF0] =	vst v37  }
0x723: {  	v37 =	vld.idx.msk [tilespmem:v38+s17+$0x0], $0xffff  }
0x724: {  	s2 =	sadd.s32 $0xFFFFFFFE, s9  }
0x725: {  	v38 =	vmov s2;
	_ =	sdelay $0x3  }
0x726: {  	[tilespmem:s0+$0x0] =	vst v37  }
0x727: {  	v37 =	vld.idx.msk [tilespmem:v38+s17+$0x0], $0xffff  }
0x728: {  	s2 =	sadd.s32 $0xFFFFFFFF, s9  }
0x729: {  	v38 =	vmov s2;
	_ =	sdelay $0x3  }
0x72a: {  	[tilespmem:s0+$0x10] =	vst v37  }
0x72b: {  	v38 =	vld.idx.msk [tilespmem:v38+s17+$0x0], $0xffff  }
.Ltmp18:
0x72c: {  	(pc) =	sbr.rel @p0 .LBB2_38-.Ltmp18, $3  }
0x72d: {  	v37 =	vmov s9;
	_ =	sdelay $0x1  }
0x72e: {  	s3 =	sadd.s32 $0x1, s3  }
0x72f: {  	s4 =	sadd.s32 $0x8, s4;
	s9 =	sshll.u32 s3, $0x3  }
0x730: {  	_ =	sdelay $0x1  }
0x731: {  	s2 =	sand.u32 $0xFFFFFF80, s9  }
0x732: {  	[tilespmem:s0+$0x20] =	vst v38;
	s1 =	sadd.s32 s2, s1  }
0x733: {  	v37 =	vld.idx.msk [tilespmem:v37+s17+$0x0], $0xffff;
	s2 =	sadd.s32 $0xFFFFFFF9, s1  }
0x734: {  	v49 =	vmov s2;
	_ =	sdelay $0x3  }
0x735: {  	[tilespmem:s0+$0x30] =	vst v37  }
0x736: {  	s31 =	sadd.s32 $0xFFFFFFFA, s1;
	v37 =	vld.idx.msk [tilespmem:v49+s17+$0x0], $0xffff  }
0x737: {  	v50 =	vmov s31;
	_ =	sdelay $0x2  }
0x738: {  	s0 =	sadd.s32 $0x80, s0  }
0x739: {  	[tilespmem:s0+$0xFFFFFFC0] =	vst v37  }
0x73a: {  	s3 =	sadd.s32 $0xFFFFFFFB, s1;
	v37 =	vld.idx.msk [tilespmem:v50+s17+$0x0], $0xffff  }
0x73b: {  	v51 =	vmov s3;
	_ =	sdelay $0x3  }
0x73c: {  	[tilespmem:s0+$0xFFFFFFD0] =	vst v37  }
0x73d: {  	s4 =	sadd.s32 $0xFFFFFFFC, s1;
	v37 =	vld.idx.msk [tilespmem:v51+s17+$0x0], $0xffff  }
0x73e: {  	v52 =	vmov s4;
	_ =	sdelay $0x3  }
0x73f: {  	[tilespmem:s0+$0xFFFFFFE0] =	vst v37  }
0x740: {  	s9 =	sadd.s32 $0xFFFFFFFD, s1;
	v37 =	vld.idx.msk [tilespmem:v52+s17+$0x0], $0xffff  }
0x741: {  	v53 =	vmov s9;
	_ =	sdelay $0x3  }
0x742: {  	[tilespmem:s0+$0xFFFFFFF0] =	vst v37  }
0x743: {  	s11 =	sadd.s32 $0xFFFFFFFE, s1;
	v37 =	vld.idx.msk [tilespmem:v53+s17+$0x0], $0xffff  }
0x744: {  	v54 =	vmov s11;
	_ =	sdelay $0x3  }
0x745: {  	[tilespmem:s0+$0x0] =	vst v37  }
0x746: {  	s18 =	sadd.s32 $0xFFFFFFFF, s1;
	v37 =	vld.idx.msk [tilespmem:v54+s17+$0x0], $0xffff  }
0x747: {  	v55 =	vmov s18;
	_ =	sdelay $0x3  }
0x748: {  	[tilespmem:s0+$0x10] =	vst v37  }
0x749: {  	v37 =	vld.idx.msk [tilespmem:v55+s17+$0x0], $0xffff  }
0x74a: {  	v56 =	vmov s1;
	_ =	sdelay $0x3  }
0x74b: {  	[tilespmem:s0+$0x20] =	vst v37  }
0x74c: {  	v37 =	vld.idx.msk [tilespmem:v56+s17+$0x0], $0xffff  }
0x74d: {  	s31 =	simm.s32 $0x800  }
0x74e: {  	s1 =	sand.u32 $0xFFFFFF80, s31  }
0x74f: {  	s2 =	sadd.s32 $0x7, s1  }
0x750: {  	s1 =	sadd.s32 $0xFFFFFFF9, s2  }
0x751: {  	v57 =	vmov s1;
	s1 =	rddreg [dreg:$0x17];
	[tilespmem:s0+$0x30] =	vst v37  }
0x752: {  	[hbm4b:s1+s5] =	stream.linear.scatter [tilespmem:s30], [sflag:$0x3], $0x800, $0x38;
	[tilespmem:$0x1F600] =	vst v63  }
0x753: {  	_ =	swait.ge [sflag:s14], $0x800  }
0x754: {  	[sflag:s14] =	ssyncset.done $0x0  }
0x755: {  	[sflag:s14] =	ssyncadd.s32 $0xFFFFF800  }
0x756: {  	s3 =	sadd.s32 $0xFFFFFFFA, s2;
	v37 =	vld.idx.msk [tilespmem:v57+s17+$0x0], $0xffff  }
0x757: {  	v58 =	vmov s3;
	_ =	sdelay $0x2  }
0x758: {  	s0 =	simm.s32 $0x61C0  }
0x759: {  	[tilespmem:s0+$0xFFFFFFC0] =	vst v37  }
0x75a: {  	s4 =	sadd.s32 $0xFFFFFFFB, s2;
	v37 =	vld.idx.msk [tilespmem:v58+s17+$0x0], $0xffff  }
0x75b: {  	v59 =	vmov s4;
	_ =	sdelay $0x3  }
0x75c: {  	[tilespmem:s0+$0xFFFFFFD0] =	vst v37  }
0x75d: {  	s9 =	sadd.s32 $0xFFFFFFFC, s2;
	v37 =	vld.idx.msk [tilespmem:v59+s17+$0x0], $0xffff  }
0x75e: {  	v60 =	vmov s9;
	_ =	sdelay $0x3  }
0x75f: {  	[tilespmem:s0+$0xFFFFFFE0] =	vst v37  }
0x760: {  	s11 =	sadd.s32 $0xFFFFFFFD, s2;
	v37 =	vld.idx.msk [tilespmem:v60+s17+$0x0], $0xffff  }
0x761: {  	v61 =	vmov s11;
	_ =	sdelay $0x3  }
0x762: {  	[tilespmem:s0+$0xFFFFFFF0] =	vst v37  }
0x763: {  	s18 =	sadd.s32 $0xFFFFFFFE, s2;
	v37 =	vld.idx.msk [tilespmem:v61+s17+$0x0], $0xffff  }
0x764: {  	v62 =	vmov s18;
	_ =	sdelay $0x3  }
0x765: {  	[tilespmem:s0+$0x0] =	vst v37  }
0x766: {  	s31 =	sadd.s32 $0xFFFFFFFF, s2;
	v37 =	vld.idx.msk [tilespmem:v62+s17+$0x0], $0xffff  }
0x767: {  	v63 =	vmov s31;
	_ =	sdelay $0x3  }
0x768: {  	[tilespmem:s0+$0x10] =	vst v37  }
0x769: {  	v38 =	vld.idx.msk [tilespmem:v63+s17+$0x0], $0xffff  }
0x76a: {  	v37 =	vmov s2;
	_ =	sdelay $0x1  }
0x76b: {  	s3 =	simm.s32 $0x101  }
0x76c: {  	s9 =	simm.s32 $0x808;
	s4 =	simm.s32 $0x17;
	s1 =	simm.s32 $0xF  }
.LBB2_40:
0x76d: {  	p0 =	sne.s32 s4, $0x7F;
	s2 =	sand.u32 $0xFFFFFF80, s9;
	[tilespmem:s0+$0x20] =	vst v38  }
0x76e: {  	s9 =	sadd.s32 s2, s1;
	v37 =	vld.idx.msk [tilespmem:v37+s17+$0x0], $0xffff;
	s1 =	smov.u32 s4  }
0x76f: {  	s2 =	sadd.s32 $0xFFFFFFF9, s9  }
0x770: {  	v38 =	vmov s2;
	_ =	sdelay $0x3  }
0x771: {  	[tilespmem:s0+$0x30] =	vst v37  }
0x772: {  	v37 =	vld.idx.msk [tilespmem:v38+s17+$0x0], $0xffff  }
0x773: {  	s2 =	sadd.s32 $0xFFFFFFFA, s9  }
0x774: {  	v38 =	vmov s2;
	_ =	sdelay $0x2  }
0x775: {  	s0 =	sadd.s32 $0x80, s0  }
0x776: {  	[tilespmem:s0+$0xFFFFFFC0] =	vst v37  }
0x777: {  	v37 =	vld.idx.msk [tilespmem:v38+s17+$0x0], $0xffff  }
0x778: {  	s2 =	sadd.s32 $0xFFFFFFFB, s9  }
0x779: {  	v38 =	vmov s2;
	_ =	sdelay $0x3  }
0x77a: {  	[tilespmem:s0+$0xFFFFFFD0] =	vst v37  }
0x77b: {  	v37 =	vld.idx.msk [tilespmem:v38+s17+$0x0], $0xffff  }
0x77c: {  	s2 =	sadd.s32 $0xFFFFFFFC, s9  }
0x77d: {  	v38 =	vmov s2;
	_ =	sdelay $0x3  }
0x77e: {  	[tilespmem:s0+$0xFFFFFFE0] =	vst v37  }
0x77f: {  	v37 =	vld.idx.msk [tilespmem:v38+s17+$0x0], $0xffff  }
0x780: {  	s2 =	sadd.s32 $0xFFFFFFFD, s9  }
0x781: {  	v38 =	vmov s2;
	_ =	sdelay $0x3  }
0x782: {  	[tilespmem:s0+$0xFFFFFFF0] =	vst v37  }
0x783: {  	v37 =	vld.idx.msk [tilespmem:v38+s17+$0x0], $0xffff  }
0x784: {  	s2 =	sadd.s32 $0xFFFFFFFE, s9  }
0x785: {  	v38 =	vmov s2;
	_ =	sdelay $0x3  }
0x786: {  	[tilespmem:s0+$0x0] =	vst v37  }
0x787: {  	v37 =	vld.idx.msk [tilespmem:v38+s17+$0x0], $0xffff  }
0x788: {  	s2 =	sadd.s32 $0xFFFFFFFF, s9  }
0x789: {  	v38 =	vmov s2;
	_ =	sdelay $0x3  }
0x78a: {  	[tilespmem:s0+$0x10] =	vst v37  }
0x78b: {  	v38 =	vld.idx.msk [tilespmem:v38+s17+$0x0], $0xffff  }
.Ltmp19:
0x78c: {  	(pc) =	sbr.rel @p0 .LBB2_40-.Ltmp19, $3  }
0x78d: {  	v37 =	vmov s9;
	_ =	sdelay $0x1  }
0x78e: {  	s3 =	sadd.s32 $0x1, s3  }
0x78f: {  	s4 =	sadd.s32 $0x8, s4;
	s9 =	sshll.u32 s3, $0x3  }
0x790: {  	_ =	sdelay $0x1  }
0x791: {  	s2 =	sand.u32 $0xFFFFFF80, s9  }
0x792: {  	[tilespmem:s0+$0x20] =	vst v38;
	s1 =	sadd.s32 s2, s1  }
0x793: {  	v37 =	vld.idx.msk [tilespmem:v37+s17+$0x0], $0xffff;
	s2 =	sadd.s32 $0xFFFFFFF9, s1  }
0x794: {  	v49 =	vmov s2;
	_ =	sdelay $0x3  }
0x795: {  	[tilespmem:s0+$0x30] =	vst v37  }
0x796: {  	s31 =	sadd.s32 $0xFFFFFFFA, s1;
	v37 =	vld.idx.msk [tilespmem:v49+s17+$0x0], $0xffff  }
0x797: {  	v50 =	vmov s31;
	_ =	sdelay $0x2  }
0x798: {  	s0 =	sadd.s32 $0x80, s0  }
0x799: {  	[tilespmem:s0+$0xFFFFFFC0] =	vst v37  }
0x79a: {  	s3 =	sadd.s32 $0xFFFFFFFB, s1;
	v37 =	vld.idx.msk [tilespmem:v50+s17+$0x0], $0xffff  }
0x79b: {  	v51 =	vmov s3;
	_ =	sdelay $0x3  }
0x79c: {  	[tilespmem:s0+$0xFFFFFFD0] =	vst v37  }
0x79d: {  	s4 =	sadd.s32 $0xFFFFFFFC, s1;
	v37 =	vld.idx.msk [tilespmem:v51+s17+$0x0], $0xffff  }
0x79e: {  	v52 =	vmov s4;
	_ =	sdelay $0x3  }
0x79f: {  	[tilespmem:s0+$0xFFFFFFE0] =	vst v37  }
0x7a0: {  	s9 =	sadd.s32 $0xFFFFFFFD, s1;
	v37 =	vld.idx.msk [tilespmem:v52+s17+$0x0], $0xffff  }
0x7a1: {  	v53 =	vmov s9;
	_ =	sdelay $0x3  }
0x7a2: {  	[tilespmem:s0+$0xFFFFFFF0] =	vst v37  }
0x7a3: {  	s11 =	sadd.s32 $0xFFFFFFFE, s1;
	v37 =	vld.idx.msk [tilespmem:v53+s17+$0x0], $0xffff  }
0x7a4: {  	v54 =	vmov s11;
	_ =	sdelay $0x3  }
0x7a5: {  	[tilespmem:s0+$0x0] =	vst v37  }
0x7a6: {  	s18 =	sadd.s32 $0xFFFFFFFF, s1;
	v37 =	vld.idx.msk [tilespmem:v54+s17+$0x0], $0xffff  }
0x7a7: {  	v55 =	vmov s18;
	_ =	sdelay $0x3  }
0x7a8: {  	[tilespmem:s0+$0x10] =	vst v37  }
0x7a9: {  	v37 =	vld.idx.msk [tilespmem:v55+s17+$0x0], $0xffff  }
0x7aa: {  	v56 =	vmov s1;
	_ =	sdelay $0x3  }
0x7ab: {  	[tilespmem:s0+$0x20] =	vst v37  }
0x7ac: {  	v37 =	vld.idx.msk [tilespmem:v56+s17+$0x0], $0xffff  }
0x7ad: {  	s31 =	simm.s32 $0x880  }
0x7ae: {  	s1 =	sand.u32 $0xFFFFFF80, s31  }
0x7af: {  	s2 =	sadd.s32 $0x7, s1  }
0x7b0: {  	s1 =	sadd.s32 $0xFFFFFFF9, s2  }
0x7b1: {  	v57 =	vmov s1;
	s1 =	rddreg [dreg:$0x18];
	[tilespmem:s0+$0x30] =	vst v37  }
0x7b2: {  	[hbm4b:s1+s5] =	stream.linear.scatter [tilespmem:s30], [sflag:$0x3], $0x800, $0x38;
	[tilespmem:$0x1F600] =	vst v63  }
0x7b3: {  	_ =	swait.ge [sflag:s14], $0x800  }
0x7b4: {  	[sflag:s14] =	ssyncset.done $0x0  }
0x7b5: {  	[sflag:s14] =	ssyncadd.s32 $0xFFFFF800  }
0x7b6: {  	s3 =	sadd.s32 $0xFFFFFFFA, s2;
	v37 =	vld.idx.msk [tilespmem:v57+s17+$0x0], $0xffff  }
0x7b7: {  	v58 =	vmov s3;
	_ =	sdelay $0x2  }
0x7b8: {  	s0 =	simm.s32 $0x61C0  }
0x7b9: {  	[tilespmem:s0+$0xFFFFFFC0] =	vst v37  }
0x7ba: {  	s4 =	sadd.s32 $0xFFFFFFFB, s2;
	v37 =	vld.idx.msk [tilespmem:v58+s17+$0x0], $0xffff  }
0x7bb: {  	v59 =	vmov s4;
	_ =	sdelay $0x3  }
0x7bc: {  	[tilespmem:s0+$0xFFFFFFD0] =	vst v37  }
0x7bd: {  	s9 =	sadd.s32 $0xFFFFFFFC, s2;
	v37 =	vld.idx.msk [tilespmem:v59+s17+$0x0], $0xffff  }
0x7be: {  	v60 =	vmov s9;
	_ =	sdelay $0x3  }
0x7bf: {  	[tilespmem:s0+$0xFFFFFFE0] =	vst v37  }
0x7c0: {  	s11 =	sadd.s32 $0xFFFFFFFD, s2;
	v37 =	vld.idx.msk [tilespmem:v60+s17+$0x0], $0xffff  }
0x7c1: {  	v61 =	vmov s11;
	_ =	sdelay $0x3  }
0x7c2: {  	[tilespmem:s0+$0xFFFFFFF0] =	vst v37  }
0x7c3: {  	s18 =	sadd.s32 $0xFFFFFFFE, s2;
	v37 =	vld.idx.msk [tilespmem:v61+s17+$0x0], $0xffff  }
0x7c4: {  	v62 =	vmov s18;
	_ =	sdelay $0x3  }
0x7c5: {  	[tilespmem:s0+$0x0] =	vst v37  }
0x7c6: {  	s31 =	sadd.s32 $0xFFFFFFFF, s2;
	v37 =	vld.idx.msk [tilespmem:v62+s17+$0x0], $0xffff  }
0x7c7: {  	v63 =	vmov s31;
	_ =	sdelay $0x3  }
0x7c8: {  	[tilespmem:s0+$0x10] =	vst v37  }
0x7c9: {  	v38 =	vld.idx.msk [tilespmem:v63+s17+$0x0], $0xffff  }
0x7ca: {  	v37 =	vmov s2;
	_ =	sdelay $0x1  }
0x7cb: {  	s3 =	simm.s32 $0x111  }
0x7cc: {  	s9 =	simm.s32 $0x888;
	s4 =	simm.s32 $0x17;
	s1 =	simm.s32 $0xF  }
.LBB2_42:
0x7cd: {  	p0 =	sne.s32 s4, $0x7F;
	s2 =	sand.u32 $0xFFFFFF80, s9;
	[tilespmem:s0+$0x20] =	vst v38  }
0x7ce: {  	s9 =	sadd.s32 s2, s1;
	v37 =	vld.idx.msk [tilespmem:v37+s17+$0x0], $0xffff;
	s1 =	smov.u32 s4  }
0x7cf: {  	s2 =	sadd.s32 $0xFFFFFFF9, s9  }
0x7d0: {  	v38 =	vmov s2;
	_ =	sdelay $0x3  }
0x7d1: {  	[tilespmem:s0+$0x30] =	vst v37  }
0x7d2: {  	v37 =	vld.idx.msk [tilespmem:v38+s17+$0x0], $0xffff  }
0x7d3: {  	s2 =	sadd.s32 $0xFFFFFFFA, s9  }
0x7d4: {  	v38 =	vmov s2;
	_ =	sdelay $0x2  }
0x7d5: {  	s0 =	sadd.s32 $0x80, s0  }
0x7d6: {  	[tilespmem:s0+$0xFFFFFFC0] =	vst v37  }
0x7d7: {  	v37 =	vld.idx.msk [tilespmem:v38+s17+$0x0], $0xffff  }
0x7d8: {  	s2 =	sadd.s32 $0xFFFFFFFB, s9  }
0x7d9: {  	v38 =	vmov s2;
	_ =	sdelay $0x3  }
0x7da: {  	[tilespmem:s0+$0xFFFFFFD0] =	vst v37  }
0x7db: {  	v37 =	vld.idx.msk [tilespmem:v38+s17+$0x0], $0xffff  }
0x7dc: {  	s2 =	sadd.s32 $0xFFFFFFFC, s9  }
0x7dd: {  	v38 =	vmov s2;
	_ =	sdelay $0x3  }
0x7de: {  	[tilespmem:s0+$0xFFFFFFE0] =	vst v37  }
0x7df: {  	v37 =	vld.idx.msk [tilespmem:v38+s17+$0x0], $0xffff  }
0x7e0: {  	s2 =	sadd.s32 $0xFFFFFFFD, s9  }
0x7e1: {  	v38 =	vmov s2;
	_ =	sdelay $0x3  }
0x7e2: {  	[tilespmem:s0+$0xFFFFFFF0] =	vst v37  }
0x7e3: {  	v37 =	vld.idx.msk [tilespmem:v38+s17+$0x0], $0xffff  }
0x7e4: {  	s2 =	sadd.s32 $0xFFFFFFFE, s9  }
0x7e5: {  	v38 =	vmov s2;
	_ =	sdelay $0x3  }
0x7e6: {  	[tilespmem:s0+$0x0] =	vst v37  }
0x7e7: {  	v37 =	vld.idx.msk [tilespmem:v38+s17+$0x0], $0xffff  }
0x7e8: {  	s2 =	sadd.s32 $0xFFFFFFFF, s9  }
0x7e9: {  	v38 =	vmov s2;
	_ =	sdelay $0x3  }
0x7ea: {  	[tilespmem:s0+$0x10] =	vst v37  }
0x7eb: {  	v38 =	vld.idx.msk [tilespmem:v38+s17+$0x0], $0xffff  }
.Ltmp20:
0x7ec: {  	(pc) =	sbr.rel @p0 .LBB2_42-.Ltmp20, $3  }
0x7ed: {  	v37 =	vmov s9;
	_ =	sdelay $0x1  }
0x7ee: {  	s3 =	sadd.s32 $0x1, s3  }
0x7ef: {  	s4 =	sadd.s32 $0x8, s4;
	s9 =	sshll.u32 s3, $0x3  }
0x7f0: {  	_ =	sdelay $0x1  }
0x7f1: {  	s2 =	sand.u32 $0xFFFFFF80, s9  }
0x7f2: {  	[tilespmem:s0+$0x20] =	vst v38;
	s1 =	sadd.s32 s2, s1  }
0x7f3: {  	v37 =	vld.idx.msk [tilespmem:v37+s17+$0x0], $0xffff;
	s2 =	sadd.s32 $0xFFFFFFF9, s1  }
0x7f4: {  	v49 =	vmov s2;
	_ =	sdelay $0x3  }
0x7f5: {  	[tilespmem:s0+$0x30] =	vst v37  }
0x7f6: {  	s31 =	sadd.s32 $0xFFFFFFFA, s1;
	v37 =	vld.idx.msk [tilespmem:v49+s17+$0x0], $0xffff  }
0x7f7: {  	v50 =	vmov s31;
	_ =	sdelay $0x2  }
0x7f8: {  	s0 =	sadd.s32 $0x80, s0  }
0x7f9: {  	[tilespmem:s0+$0xFFFFFFC0] =	vst v37  }
0x7fa: {  	s3 =	sadd.s32 $0xFFFFFFFB, s1;
	v37 =	vld.idx.msk [tilespmem:v50+s17+$0x0], $0xffff  }
0x7fb: {  	v51 =	vmov s3;
	_ =	sdelay $0x3  }
0x7fc: {  	[tilespmem:s0+$0xFFFFFFD0] =	vst v37  }
0x7fd: {  	s4 =	sadd.s32 $0xFFFFFFFC, s1;
	v37 =	vld.idx.msk [tilespmem:v51+s17+$0x0], $0xffff  }
0x7fe: {  	v52 =	vmov s4;
	_ =	sdelay $0x3  }
0x7ff: {  	[tilespmem:s0+$0xFFFFFFE0] =	vst v37  }
0x800: {  	s9 =	sadd.s32 $0xFFFFFFFD, s1;
	v37 =	vld.idx.msk [tilespmem:v52+s17+$0x0], $0xffff  }
0x801: {  	v53 =	vmov s9;
	_ =	sdelay $0x3  }
0x802: {  	[tilespmem:s0+$0xFFFFFFF0] =	vst v37  }
0x803: {  	s11 =	sadd.s32 $0xFFFFFFFE, s1;
	v37 =	vld.idx.msk [tilespmem:v53+s17+$0x0], $0xffff  }
0x804: {  	v54 =	vmov s11;
	_ =	sdelay $0x3  }
0x805: {  	[tilespmem:s0+$0x0] =	vst v37  }
0x806: {  	s18 =	sadd.s32 $0xFFFFFFFF, s1;
	v37 =	vld.idx.msk [tilespmem:v54+s17+$0x0], $0xffff  }
0x807: {  	v55 =	vmov s18;
	_ =	sdelay $0x3  }
0x808: {  	[tilespmem:s0+$0x10] =	vst v37  }
0x809: {  	v37 =	vld.idx.msk [tilespmem:v55+s17+$0x0], $0xffff  }
0x80a: {  	v56 =	vmov s1;
	_ =	sdelay $0x3  }
0x80b: {  	[tilespmem:s0+$0x20] =	vst v37  }
0x80c: {  	v37 =	vld.idx.msk [tilespmem:v56+s17+$0x0], $0xffff  }
0x80d: {  	s31 =	simm.s32 $0x900  }
0x80e: {  	s1 =	sand.u32 $0xFFFFFF80, s31  }
0x80f: {  	s2 =	sadd.s32 $0x7, s1  }
0x810: {  	s1 =	sadd.s32 $0xFFFFFFF9, s2  }
0x811: {  	v57 =	vmov s1;
	s1 =	rddreg [dreg:$0x19];
	[tilespmem:s0+$0x30] =	vst v37  }
0x812: {  	[hbm4b:s1+s5] =	stream.linear.scatter [tilespmem:s30], [sflag:$0x3], $0x800, $0x38;
	[tilespmem:$0x1F600] =	vst v63  }
0x813: {  	_ =	swait.ge [sflag:s14], $0x800  }
0x814: {  	[sflag:s14] =	ssyncset.done $0x0  }
0x815: {  	[sflag:s14] =	ssyncadd.s32 $0xFFFFF800  }
0x816: {  	s3 =	sadd.s32 $0xFFFFFFFA, s2;
	v37 =	vld.idx.msk [tilespmem:v57+s17+$0x0], $0xffff  }
0x817: {  	v58 =	vmov s3;
	_ =	sdelay $0x2  }
0x818: {  	s0 =	simm.s32 $0x61C0  }
0x819: {  	[tilespmem:s0+$0xFFFFFFC0] =	vst v37  }
0x81a: {  	s4 =	sadd.s32 $0xFFFFFFFB, s2;
	v37 =	vld.idx.msk [tilespmem:v58+s17+$0x0], $0xffff  }
0x81b: {  	v59 =	vmov s4;
	_ =	sdelay $0x3  }
0x81c: {  	[tilespmem:s0+$0xFFFFFFD0] =	vst v37  }
0x81d: {  	s9 =	sadd.s32 $0xFFFFFFFC, s2;
	v37 =	vld.idx.msk [tilespmem:v59+s17+$0x0], $0xffff  }
0x81e: {  	v60 =	vmov s9;
	_ =	sdelay $0x3  }
0x81f: {  	[tilespmem:s0+$0xFFFFFFE0] =	vst v37  }
0x820: {  	s11 =	sadd.s32 $0xFFFFFFFD, s2;
	v37 =	vld.idx.msk [tilespmem:v60+s17+$0x0], $0xffff  }
0x821: {  	v61 =	vmov s11;
	_ =	sdelay $0x3  }
0x822: {  	[tilespmem:s0+$0xFFFFFFF0] =	vst v37  }
0x823: {  	s18 =	sadd.s32 $0xFFFFFFFE, s2;
	v37 =	vld.idx.msk [tilespmem:v61+s17+$0x0], $0xffff  }
0x824: {  	v62 =	vmov s18;
	_ =	sdelay $0x3  }
0x825: {  	[tilespmem:s0+$0x0] =	vst v37  }
0x826: {  	s31 =	sadd.s32 $0xFFFFFFFF, s2;
	v37 =	vld.idx.msk [tilespmem:v62+s17+$0x0], $0xffff  }
0x827: {  	v63 =	vmov s31;
	_ =	sdelay $0x3  }
0x828: {  	[tilespmem:s0+$0x10] =	vst v37  }
0x829: {  	v38 =	vld.idx.msk [tilespmem:v63+s17+$0x0], $0xffff  }
0x82a: {  	v37 =	vmov s2;
	_ =	sdelay $0x1  }
0x82b: {  	s3 =	simm.s32 $0x121  }
0x82c: {  	s9 =	simm.s32 $0x908;
	s4 =	simm.s32 $0x17;
	s1 =	simm.s32 $0xF  }
.LBB2_44:
0x82d: {  	p0 =	sne.s32 s4, $0x7F;
	s2 =	sand.u32 $0xFFFFFF80, s9;
	[tilespmem:s0+$0x20] =	vst v38  }
0x82e: {  	s9 =	sadd.s32 s2, s1;
	v37 =	vld.idx.msk [tilespmem:v37+s17+$0x0], $0xffff;
	s1 =	smov.u32 s4  }
0x82f: {  	s2 =	sadd.s32 $0xFFFFFFF9, s9  }
0x830: {  	v38 =	vmov s2;
	_ =	sdelay $0x3  }
0x831: {  	[tilespmem:s0+$0x30] =	vst v37  }
0x832: {  	v37 =	vld.idx.msk [tilespmem:v38+s17+$0x0], $0xffff  }
0x833: {  	s2 =	sadd.s32 $0xFFFFFFFA, s9  }
0x834: {  	v38 =	vmov s2;
	_ =	sdelay $0x2  }
0x835: {  	s0 =	sadd.s32 $0x80, s0  }
0x836: {  	[tilespmem:s0+$0xFFFFFFC0] =	vst v37  }
0x837: {  	v37 =	vld.idx.msk [tilespmem:v38+s17+$0x0], $0xffff  }
0x838: {  	s2 =	sadd.s32 $0xFFFFFFFB, s9  }
0x839: {  	v38 =	vmov s2;
	_ =	sdelay $0x3  }
0x83a: {  	[tilespmem:s0+$0xFFFFFFD0] =	vst v37  }
0x83b: {  	v37 =	vld.idx.msk [tilespmem:v38+s17+$0x0], $0xffff  }
0x83c: {  	s2 =	sadd.s32 $0xFFFFFFFC, s9  }
0x83d: {  	v38 =	vmov s2;
	_ =	sdelay $0x3  }
0x83e: {  	[tilespmem:s0+$0xFFFFFFE0] =	vst v37  }
0x83f: {  	v37 =	vld.idx.msk [tilespmem:v38+s17+$0x0], $0xffff  }
0x840: {  	s2 =	sadd.s32 $0xFFFFFFFD, s9  }
0x841: {  	v38 =	vmov s2;
	_ =	sdelay $0x3  }
0x842: {  	[tilespmem:s0+$0xFFFFFFF0] =	vst v37  }
0x843: {  	v37 =	vld.idx.msk [tilespmem:v38+s17+$0x0], $0xffff  }
0x844: {  	s2 =	sadd.s32 $0xFFFFFFFE, s9  }
0x845: {  	v38 =	vmov s2;
	_ =	sdelay $0x3  }
0x846: {  	[tilespmem:s0+$0x0] =	vst v37  }
0x847: {  	v37 =	vld.idx.msk [tilespmem:v38+s17+$0x0], $0xffff  }
0x848: {  	s2 =	sadd.s32 $0xFFFFFFFF, s9  }
0x849: {  	v38 =	vmov s2;
	_ =	sdelay $0x3  }
0x84a: {  	[tilespmem:s0+$0x10] =	vst v37  }
0x84b: {  	v38 =	vld.idx.msk [tilespmem:v38+s17+$0x0], $0xffff  }
.Ltmp21:
0x84c: {  	(pc) =	sbr.rel @p0 .LBB2_44-.Ltmp21, $3  }
0x84d: {  	v37 =	vmov s9;
	_ =	sdelay $0x1  }
0x84e: {  	s3 =	sadd.s32 $0x1, s3  }
0x84f: {  	s4 =	sadd.s32 $0x8, s4;
	s9 =	sshll.u32 s3, $0x3  }
0x850: {  	_ =	sdelay $0x1  }
0x851: {  	s2 =	sand.u32 $0xFFFFFF80, s9  }
0x852: {  	[tilespmem:s0+$0x20] =	vst v38;
	s1 =	sadd.s32 s2, s1  }
0x853: {  	v37 =	vld.idx.msk [tilespmem:v37+s17+$0x0], $0xffff;
	s2 =	sadd.s32 $0xFFFFFFF9, s1  }
0x854: {  	v49 =	vmov s2;
	_ =	sdelay $0x3  }
0x855: {  	[tilespmem:s0+$0x30] =	vst v37  }
0x856: {  	s31 =	sadd.s32 $0xFFFFFFFA, s1;
	v37 =	vld.idx.msk [tilespmem:v49+s17+$0x0], $0xffff  }
0x857: {  	v50 =	vmov s31;
	_ =	sdelay $0x2  }
0x858: {  	s0 =	sadd.s32 $0x80, s0  }
0x859: {  	[tilespmem:s0+$0xFFFFFFC0] =	vst v37  }
0x85a: {  	s3 =	sadd.s32 $0xFFFFFFFB, s1;
	v37 =	vld.idx.msk [tilespmem:v50+s17+$0x0], $0xffff  }
0x85b: {  	v51 =	vmov s3;
	_ =	sdelay $0x3  }
0x85c: {  	[tilespmem:s0+$0xFFFFFFD0] =	vst v37  }
0x85d: {  	s4 =	sadd.s32 $0xFFFFFFFC, s1;
	v37 =	vld.idx.msk [tilespmem:v51+s17+$0x0], $0xffff  }
0x85e: {  	v52 =	vmov s4;
	_ =	sdelay $0x3  }
0x85f: {  	[tilespmem:s0+$0xFFFFFFE0] =	vst v37  }
0x860: {  	s9 =	sadd.s32 $0xFFFFFFFD, s1;
	v37 =	vld.idx.msk [tilespmem:v52+s17+$0x0], $0xffff  }
0x861: {  	v53 =	vmov s9;
	_ =	sdelay $0x3  }
0x862: {  	[tilespmem:s0+$0xFFFFFFF0] =	vst v37  }
0x863: {  	s11 =	sadd.s32 $0xFFFFFFFE, s1;
	v37 =	vld.idx.msk [tilespmem:v53+s17+$0x0], $0xffff  }
0x864: {  	v54 =	vmov s11;
	_ =	sdelay $0x3  }
0x865: {  	[tilespmem:s0+$0x0] =	vst v37  }
0x866: {  	s18 =	sadd.s32 $0xFFFFFFFF, s1;
	v37 =	vld.idx.msk [tilespmem:v54+s17+$0x0], $0xffff  }
0x867: {  	v55 =	vmov s18;
	_ =	sdelay $0x3  }
0x868: {  	[tilespmem:s0+$0x10] =	vst v37  }
0x869: {  	v37 =	vld.idx.msk [tilespmem:v55+s17+$0x0], $0xffff  }
0x86a: {  	v56 =	vmov s1;
	_ =	sdelay $0x3  }
0x86b: {  	[tilespmem:s0+$0x20] =	vst v37  }
0x86c: {  	v37 =	vld.idx.msk [tilespmem:v56+s17+$0x0], $0xffff  }
0x86d: {  	s31 =	simm.s32 $0x980  }
0x86e: {  	s1 =	sand.u32 $0xFFFFFF80, s31  }
0x86f: {  	s2 =	sadd.s32 $0x7, s1  }
0x870: {  	s1 =	sadd.s32 $0xFFFFFFF9, s2  }
0x871: {  	v57 =	vmov s1;
	s1 =	rddreg [dreg:$0x1a];
	[tilespmem:s0+$0x30] =	vst v37  }
0x872: {  	[hbm4b:s1+s5] =	stream.linear.scatter [tilespmem:s30], [sflag:$0x3], $0x800, $0x38;
	[tilespmem:$0x1F600] =	vst v63  }
0x873: {  	_ =	swait.ge [sflag:s14], $0x800  }
0x874: {  	[sflag:s14] =	ssyncset.done $0x0  }
0x875: {  	[sflag:s14] =	ssyncadd.s32 $0xFFFFF800  }
0x876: {  	s3 =	sadd.s32 $0xFFFFFFFA, s2;
	v37 =	vld.idx.msk [tilespmem:v57+s17+$0x0], $0xffff  }
0x877: {  	v58 =	vmov s3;
	_ =	sdelay $0x2  }
0x878: {  	s0 =	simm.s32 $0x61C0  }
0x879: {  	[tilespmem:s0+$0xFFFFFFC0] =	vst v37  }
0x87a: {  	s4 =	sadd.s32 $0xFFFFFFFB, s2;
	v37 =	vld.idx.msk [tilespmem:v58+s17+$0x0], $0xffff  }
0x87b: {  	v59 =	vmov s4;
	_ =	sdelay $0x3  }
0x87c: {  	[tilespmem:s0+$0xFFFFFFD0] =	vst v37  }
0x87d: {  	s9 =	sadd.s32 $0xFFFFFFFC, s2;
	v37 =	vld.idx.msk [tilespmem:v59+s17+$0x0], $0xffff  }
0x87e: {  	v60 =	vmov s9;
	_ =	sdelay $0x3  }
0x87f: {  	[tilespmem:s0+$0xFFFFFFE0] =	vst v37  }
0x880: {  	s11 =	sadd.s32 $0xFFFFFFFD, s2;
	v37 =	vld.idx.msk [tilespmem:v60+s17+$0x0], $0xffff  }
0x881: {  	v61 =	vmov s11;
	_ =	sdelay $0x3  }
0x882: {  	[tilespmem:s0+$0xFFFFFFF0] =	vst v37  }
0x883: {  	s18 =	sadd.s32 $0xFFFFFFFE, s2;
	v37 =	vld.idx.msk [tilespmem:v61+s17+$0x0], $0xffff  }
0x884: {  	v62 =	vmov s18;
	_ =	sdelay $0x3  }
0x885: {  	[tilespmem:s0+$0x0] =	vst v37  }
0x886: {  	s31 =	sadd.s32 $0xFFFFFFFF, s2;
	v37 =	vld.idx.msk [tilespmem:v62+s17+$0x0], $0xffff  }
0x887: {  	v63 =	vmov s31;
	_ =	sdelay $0x3  }
0x888: {  	[tilespmem:s0+$0x10] =	vst v37  }
0x889: {  	v38 =	vld.idx.msk [tilespmem:v63+s17+$0x0], $0xffff  }
0x88a: {  	v37 =	vmov s2;
	_ =	sdelay $0x1  }
0x88b: {  	s3 =	simm.s32 $0x131  }
0x88c: {  	s9 =	simm.s32 $0x988;
	s4 =	simm.s32 $0x17;
	s1 =	simm.s32 $0xF  }
.LBB2_46:
0x88d: {  	p0 =	sne.s32 s4, $0x7F;
	s2 =	sand.u32 $0xFFFFFF80, s9;
	[tilespmem:s0+$0x20] =	vst v38  }
0x88e: {  	s9 =	sadd.s32 s2, s1;
	v37 =	vld.idx.msk [tilespmem:v37+s17+$0x0], $0xffff;
	s1 =	smov.u32 s4  }
0x88f: {  	s2 =	sadd.s32 $0xFFFFFFF9, s9  }
0x890: {  	v38 =	vmov s2;
	_ =	sdelay $0x3  }
0x891: {  	[tilespmem:s0+$0x30] =	vst v37  }
0x892: {  	v37 =	vld.idx.msk [tilespmem:v38+s17+$0x0], $0xffff  }
0x893: {  	s2 =	sadd.s32 $0xFFFFFFFA, s9  }
0x894: {  	v38 =	vmov s2;
	_ =	sdelay $0x2  }
0x895: {  	s0 =	sadd.s32 $0x80, s0  }
0x896: {  	[tilespmem:s0+$0xFFFFFFC0] =	vst v37  }
0x897: {  	v37 =	vld.idx.msk [tilespmem:v38+s17+$0x0], $0xffff  }
0x898: {  	s2 =	sadd.s32 $0xFFFFFFFB, s9  }
0x899: {  	v38 =	vmov s2;
	_ =	sdelay $0x3  }
0x89a: {  	[tilespmem:s0+$0xFFFFFFD0] =	vst v37  }
0x89b: {  	v37 =	vld.idx.msk [tilespmem:v38+s17+$0x0], $0xffff  }
0x89c: {  	s2 =	sadd.s32 $0xFFFFFFFC, s9  }
0x89d: {  	v38 =	vmov s2;
	_ =	sdelay $0x3  }
0x89e: {  	[tilespmem:s0+$0xFFFFFFE0] =	vst v37  }
0x89f: {  	v37 =	vld.idx.msk [tilespmem:v38+s17+$0x0], $0xffff  }
0x8a0: {  	s2 =	sadd.s32 $0xFFFFFFFD, s9  }
0x8a1: {  	v38 =	vmov s2;
	_ =	sdelay $0x3  }
0x8a2: {  	[tilespmem:s0+$0xFFFFFFF0] =	vst v37  }
0x8a3: {  	v37 =	vld.idx.msk [tilespmem:v38+s17+$0x0], $0xffff  }
0x8a4: {  	s2 =	sadd.s32 $0xFFFFFFFE, s9  }
0x8a5: {  	v38 =	vmov s2;
	_ =	sdelay $0x3  }
0x8a6: {  	[tilespmem:s0+$0x0] =	vst v37  }
0x8a7: {  	v37 =	vld.idx.msk [tilespmem:v38+s17+$0x0], $0xffff  }
0x8a8: {  	s2 =	sadd.s32 $0xFFFFFFFF, s9  }
0x8a9: {  	v38 =	vmov s2;
	_ =	sdelay $0x3  }
0x8aa: {  	[tilespmem:s0+$0x10] =	vst v37  }
0x8ab: {  	v38 =	vld.idx.msk [tilespmem:v38+s17+$0x0], $0xffff  }
.Ltmp22:
0x8ac: {  	(pc) =	sbr.rel @p0 .LBB2_46-.Ltmp22, $3  }
0x8ad: {  	v37 =	vmov s9;
	_ =	sdelay $0x1  }
0x8ae: {  	s3 =	sadd.s32 $0x1, s3  }
0x8af: {  	s4 =	sadd.s32 $0x8, s4;
	s9 =	sshll.u32 s3, $0x3  }
0x8b0: {  	_ =	sdelay $0x1  }
0x8b1: {  	s2 =	sand.u32 $0xFFFFFF80, s9  }
0x8b2: {  	[tilespmem:s0+$0x20] =	vst v38;
	s1 =	sadd.s32 s2, s1  }
0x8b3: {  	v37 =	vld.idx.msk [tilespmem:v37+s17+$0x0], $0xffff;
	s2 =	sadd.s32 $0xFFFFFFF9, s1  }
0x8b4: {  	v49 =	vmov s2;
	_ =	sdelay $0x3  }
0x8b5: {  	[tilespmem:s0+$0x30] =	vst v37  }
0x8b6: {  	s31 =	sadd.s32 $0xFFFFFFFA, s1;
	v37 =	vld.idx.msk [tilespmem:v49+s17+$0x0], $0xffff  }
0x8b7: {  	v50 =	vmov s31;
	_ =	sdelay $0x2  }
0x8b8: {  	s0 =	sadd.s32 $0x80, s0  }
0x8b9: {  	[tilespmem:s0+$0xFFFFFFC0] =	vst v37  }
0x8ba: {  	s3 =	sadd.s32 $0xFFFFFFFB, s1;
	v37 =	vld.idx.msk [tilespmem:v50+s17+$0x0], $0xffff  }
0x8bb: {  	v51 =	vmov s3;
	_ =	sdelay $0x3  }
0x8bc: {  	[tilespmem:s0+$0xFFFFFFD0] =	vst v37  }
0x8bd: {  	s4 =	sadd.s32 $0xFFFFFFFC, s1;
	v37 =	vld.idx.msk [tilespmem:v51+s17+$0x0], $0xffff  }
0x8be: {  	v52 =	vmov s4;
	_ =	sdelay $0x3  }
0x8bf: {  	[tilespmem:s0+$0xFFFFFFE0] =	vst v37  }
0x8c0: {  	s9 =	sadd.s32 $0xFFFFFFFD, s1;
	v37 =	vld.idx.msk [tilespmem:v52+s17+$0x0], $0xffff  }
0x8c1: {  	v53 =	vmov s9;
	_ =	sdelay $0x3  }
0x8c2: {  	[tilespmem:s0+$0xFFFFFFF0] =	vst v37  }
0x8c3: {  	s11 =	sadd.s32 $0xFFFFFFFE, s1;
	v37 =	vld.idx.msk [tilespmem:v53+s17+$0x0], $0xffff  }
0x8c4: {  	v54 =	vmov s11;
	_ =	sdelay $0x3  }
0x8c5: {  	[tilespmem:s0+$0x0] =	vst v37  }
0x8c6: {  	s18 =	sadd.s32 $0xFFFFFFFF, s1;
	v37 =	vld.idx.msk [tilespmem:v54+s17+$0x0], $0xffff  }
0x8c7: {  	v55 =	vmov s18;
	_ =	sdelay $0x3  }
0x8c8: {  	[tilespmem:s0+$0x10] =	vst v37  }
0x8c9: {  	v37 =	vld.idx.msk [tilespmem:v55+s17+$0x0], $0xffff  }
0x8ca: {  	v56 =	vmov s1;
	_ =	sdelay $0x3  }
0x8cb: {  	[tilespmem:s0+$0x20] =	vst v37  }
0x8cc: {  	v37 =	vld.idx.msk [tilespmem:v56+s17+$0x0], $0xffff  }
0x8cd: {  	s31 =	simm.s32 $0xA00  }
0x8ce: {  	s1 =	sand.u32 $0xFFFFFF80, s31  }
0x8cf: {  	s2 =	sadd.s32 $0x7, s1  }
0x8d0: {  	s1 =	sadd.s32 $0xFFFFFFF9, s2  }
0x8d1: {  	v57 =	vmov s1;
	s1 =	rddreg [dreg:$0x1b];
	[tilespmem:s0+$0x30] =	vst v37  }
0x8d2: {  	[hbm4b:s1+s5] =	stream.linear.scatter [tilespmem:s30], [sflag:$0x3], $0x800, $0x38;
	[tilespmem:$0x1F600] =	vst v63  }
0x8d3: {  	_ =	swait.ge [sflag:s14], $0x800  }
0x8d4: {  	[sflag:s14] =	ssyncset.done $0x0  }
0x8d5: {  	[sflag:s14] =	ssyncadd.s32 $0xFFFFF800  }
0x8d6: {  	s3 =	sadd.s32 $0xFFFFFFFA, s2;
	v37 =	vld.idx.msk [tilespmem:v57+s17+$0x0], $0xffff  }
0x8d7: {  	v58 =	vmov s3;
	_ =	sdelay $0x2  }
0x8d8: {  	s0 =	simm.s32 $0x61C0  }
0x8d9: {  	[tilespmem:s0+$0xFFFFFFC0] =	vst v37  }
0x8da: {  	s4 =	sadd.s32 $0xFFFFFFFB, s2;
	v37 =	vld.idx.msk [tilespmem:v58+s17+$0x0], $0xffff  }
0x8db: {  	v59 =	vmov s4;
	_ =	sdelay $0x3  }
0x8dc: {  	[tilespmem:s0+$0xFFFFFFD0] =	vst v37  }
0x8dd: {  	s9 =	sadd.s32 $0xFFFFFFFC, s2;
	v37 =	vld.idx.msk [tilespmem:v59+s17+$0x0], $0xffff  }
0x8de: {  	v60 =	vmov s9;
	_ =	sdelay $0x3  }
0x8df: {  	[tilespmem:s0+$0xFFFFFFE0] =	vst v37  }
0x8e0: {  	s11 =	sadd.s32 $0xFFFFFFFD, s2;
	v37 =	vld.idx.msk [tilespmem:v60+s17+$0x0], $0xffff  }
0x8e1: {  	v61 =	vmov s11;
	_ =	sdelay $0x3  }
0x8e2: {  	[tilespmem:s0+$0xFFFFFFF0] =	vst v37  }
0x8e3: {  	s18 =	sadd.s32 $0xFFFFFFFE, s2;
	v37 =	vld.idx.msk [tilespmem:v61+s17+$0x0], $0xffff  }
0x8e4: {  	v62 =	vmov s18;
	_ =	sdelay $0x3  }
0x8e5: {  	[tilespmem:s0+$0x0] =	vst v37  }
0x8e6: {  	s31 =	sadd.s32 $0xFFFFFFFF, s2;
	v37 =	vld.idx.msk [tilespmem:v62+s17+$0x0], $0xffff  }
0x8e7: {  	v63 =	vmov s31;
	_ =	sdelay $0x3  }
0x8e8: {  	[tilespmem:s0+$0x10] =	vst v37  }
0x8e9: {  	v38 =	vld.idx.msk [tilespmem:v63+s17+$0x0], $0xffff  }
0x8ea: {  	v37 =	vmov s2;
	_ =	sdelay $0x1  }
0x8eb: {  	s3 =	simm.s32 $0x141  }
0x8ec: {  	s9 =	simm.s32 $0xA08;
	s4 =	simm.s32 $0x17;
	s1 =	simm.s32 $0xF  }
.LBB2_48:
0x8ed: {  	p0 =	sne.s32 s4, $0x7F;
	s2 =	sand.u32 $0xFFFFFF80, s9;
	[tilespmem:s0+$0x20] =	vst v38  }
0x8ee: {  	s9 =	sadd.s32 s2, s1;
	v37 =	vld.idx.msk [tilespmem:v37+s17+$0x0], $0xffff;
	s1 =	smov.u32 s4  }
0x8ef: {  	s2 =	sadd.s32 $0xFFFFFFF9, s9  }
0x8f0: {  	v38 =	vmov s2;
	_ =	sdelay $0x3  }
0x8f1: {  	[tilespmem:s0+$0x30] =	vst v37  }
0x8f2: {  	v37 =	vld.idx.msk [tilespmem:v38+s17+$0x0], $0xffff  }
0x8f3: {  	s2 =	sadd.s32 $0xFFFFFFFA, s9  }
0x8f4: {  	v38 =	vmov s2;
	_ =	sdelay $0x2  }
0x8f5: {  	s0 =	sadd.s32 $0x80, s0  }
0x8f6: {  	[tilespmem:s0+$0xFFFFFFC0] =	vst v37  }
0x8f7: {  	v37 =	vld.idx.msk [tilespmem:v38+s17+$0x0], $0xffff  }
0x8f8: {  	s2 =	sadd.s32 $0xFFFFFFFB, s9  }
0x8f9: {  	v38 =	vmov s2;
	_ =	sdelay $0x3  }
0x8fa: {  	[tilespmem:s0+$0xFFFFFFD0] =	vst v37  }
0x8fb: {  	v37 =	vld.idx.msk [tilespmem:v38+s17+$0x0], $0xffff  }
0x8fc: {  	s2 =	sadd.s32 $0xFFFFFFFC, s9  }
0x8fd: {  	v38 =	vmov s2;
	_ =	sdelay $0x3  }
0x8fe: {  	[tilespmem:s0+$0xFFFFFFE0] =	vst v37  }
0x8ff: {  	v37 =	vld.idx.msk [tilespmem:v38+s17+$0x0], $0xffff  }
0x900: {  	s2 =	sadd.s32 $0xFFFFFFFD, s9  }
0x901: {  	v38 =	vmov s2;
	_ =	sdelay $0x3  }
0x902: {  	[tilespmem:s0+$0xFFFFFFF0] =	vst v37  }
0x903: {  	v37 =	vld.idx.msk [tilespmem:v38+s17+$0x0], $0xffff  }
0x904: {  	s2 =	sadd.s32 $0xFFFFFFFE, s9  }
0x905: {  	v38 =	vmov s2;
	_ =	sdelay $0x3  }
0x906: {  	[tilespmem:s0+$0x0] =	vst v37  }
0x907: {  	v37 =	vld.idx.msk [tilespmem:v38+s17+$0x0], $0xffff  }
0x908: {  	s2 =	sadd.s32 $0xFFFFFFFF, s9  }
0x909: {  	v38 =	vmov s2;
	_ =	sdelay $0x3  }
0x90a: {  	[tilespmem:s0+$0x10] =	vst v37  }
0x90b: {  	v38 =	vld.idx.msk [tilespmem:v38+s17+$0x0], $0xffff  }
.Ltmp23:
0x90c: {  	(pc) =	sbr.rel @p0 .LBB2_48-.Ltmp23, $3  }
0x90d: {  	v37 =	vmov s9;
	_ =	sdelay $0x1  }
0x90e: {  	s3 =	sadd.s32 $0x1, s3  }
0x90f: {  	s4 =	sadd.s32 $0x8, s4;
	s9 =	sshll.u32 s3, $0x3  }
0x910: {  	_ =	sdelay $0x1  }
0x911: {  	s2 =	sand.u32 $0xFFFFFF80, s9  }
0x912: {  	[tilespmem:s0+$0x20] =	vst v38;
	s1 =	sadd.s32 s2, s1  }
0x913: {  	v37 =	vld.idx.msk [tilespmem:v37+s17+$0x0], $0xffff;
	s2 =	sadd.s32 $0xFFFFFFF9, s1  }
0x914: {  	v56 =	vmov s2;
	_ =	sdelay $0x3  }
0x915: {  	[tilespmem:s0+$0x30] =	vst v37  }
0x916: {  	s9 =	sadd.s32 $0xFFFFFFFA, s1;
	v37 =	vld.idx.msk [tilespmem:v56+s17+$0x0], $0xffff  }
0x917: {  	v57 =	vmov s9;
	_ =	sdelay $0x2  }
0x918: {  	s11 =	sadd.s32 $0x80, s0  }
0x919: {  	[tilespmem:s11+$0xFFFFFFC0] =	vst v37  }
0x91a: {  	s18 =	sadd.s32 $0xFFFFFFFB, s1;
	v37 =	vld.idx.msk [tilespmem:v57+s17+$0x0], $0xffff  }
0x91b: {  	v58 =	vmov s18;
	_ =	sdelay $0x3  }
0x91c: {  	[tilespmem:s11+$0xFFFFFFD0] =	vst v37  }
0x91d: {  	s31 =	sadd.s32 $0xFFFFFFFC, s1;
	v37 =	vld.idx.msk [tilespmem:v58+s17+$0x0], $0xffff  }
0x91e: {  	v59 =	vmov s31;
	_ =	sdelay $0x3  }
0x91f: {  	[tilespmem:s11+$0xFFFFFFE0] =	vst v37  }
0x920: {  	s3 =	sadd.s32 $0xFFFFFFFD, s1;
	v37 =	vld.idx.msk [tilespmem:v59+s17+$0x0], $0xffff  }
0x921: {  	v60 =	vmov s3;
	_ =	sdelay $0x3  }
0x922: {  	[tilespmem:s11+$0xFFFFFFF0] =	vst v37  }
0x923: {  	s4 =	sadd.s32 $0xFFFFFFFE, s1;
	v37 =	vld.idx.msk [tilespmem:v60+s17+$0x0], $0xffff  }
0x924: {  	v61 =	vmov s4;
	_ =	sdelay $0x3  }
0x925: {  	[tilespmem:s11+$0x0] =	vst v37  }
0x926: {  	s9 =	sadd.s32 $0xFFFFFFFF, s1;
	v37 =	vld.idx.msk [tilespmem:v61+s17+$0x0], $0xffff  }
0x927: {  	v62 =	vmov s9;
	_ =	sdelay $0x3  }
0x928: {  	[tilespmem:s11+$0x10] =	vst v37  }
0x929: {  	v37 =	vld.idx.msk [tilespmem:v62+s17+$0x0], $0xffff  }
0x92a: {  	v63 =	vmov s1;
	_ =	sdelay $0x3  }
0x92b: {  	[tilespmem:s11+$0x20] =	vst v37  }
0x92c: {  	v37 =	vld.idx.msk [tilespmem:v63+s17+$0x0], $0xffff;
	_ =	sdelay $0x4  }
0x92d: {  	[tilespmem:s11+$0x30] =	vst v37;
	s11 =	rddreg [dreg:$0x1c]  }
0x92e: {  	[hbm4b:s11+s5] =	stream.linear.scatter [tilespmem:s30], [sflag:$0x3], $0x800, $0x38;
	[tilespmem:$0x1F600] =	vst v63  }
0x92f: {  	_ =	swait.ge [sflag:s14], $0x800  }
0x930: {  	s18 =	rddreg [dreg:$0x1e]  }
0x931: {  	s31 =	rddreg [dreg:$0x1d];
	s1 =	sadd.s32 $0x1, s18  }
0x932: {  	p0 =	sne.s32 s1, s31  }
.Ltmp24:
0x933: {  	_ = 	snop;
	(pc) =	sbr.rel @p0 .LBB2_1-.Ltmp24, $3  }
0x934: {  	_ =	sdelay $0x1  }
0x935: {  	[sflag:s14] =	ssyncset.done $0x0  }
0x936: {  	[sflag:s14] =	ssyncadd.s32 $0xFFFFF800  }
0x937: {  	_ =	sfence.sel $0x180000  }
0x938: {  	[bflag:$0x0] =	sbarrier.arrive $0xFFFF  }
0x939: {  	_ =	strace $0x90000047  }
0x93a: {  	s0 =	stileid.u32;
	[bflag:$0x2] =	sbarrier.arrive $0xFFFF  }
0x93b: {  	p0 =	sne.s32 s0, $0x0;
	s0 =	rddreg [dreg:$0x4]  }
0x93c: {  	s0 =	sadd.s32 @!p0 $0x100000, s0  }
0x93d: {  	[sflag:s0] =	ssyncadd.tile.s32 @!p0 $0x1;
	_ =	shalt  }
.Lfunc_end2:
_tile_overlayer_lowered:
.L_overlay_start_2:
0x93e: {  	(tag) =	ssettag $0x2  }
0x93f: {  	s0 =	rddreg [dreg:$0x0];
	s2 =	stileid.u32  }
0x940: {  	s1 =	rddreg [dreg:$0x1];
	p0 =	sne.s32 s2, $0x0  }
0x941: {  	s3 =	rddreg [dreg:$0x2];
	[bflag:$0x3] =	sbarrier.arrive $0xFFFF;
	s2 =	simm.s32 @!p0 $0x1C03  }
0x942: {  	[timem:s3], [sflag:s2] =	dma.local @!p0 [hbm:s0], s1  }
0x943: {  	s0 =	simm.s32 @!p0 $0x3  }
0x944: {  	_ =	swait.ge @!p0 [sflag:s0], s1  }
0x945: {  	s1 =	ssub.s32 @!p0 $0x0, s1;
	[sflag:s0] =	ssyncset.done @!p0 $0x0  }
0x946: {  	[sflag:s0] =	ssyncadd.s32 @!p0 s1  }
0x947: {  	[bflag:$0x3] =	sbarrier.arrive $0xFFFF  }
0x948: {  	_ =	shalt  }

</sc_bundles>
